<compile_context>
chip_gen: v7x
topology: tpu7x:2x2x1
jax: 0.10.2.dev20260603
libtpu: 0.0.44.dev20260713+nightly
codegen_flags: <defaults>
</compile_context>

<pallas_src>
import jax
import jax.numpy as jnp
from jax import lax
from jax.experimental import pallas as pl
from jax.experimental.pallas import tpu as pltpu
from jax.experimental.pallas import tpu_sc as plsc

_P = 8192
_INT_MIN = -2147483648
_CHUNK = 2048
_NSTEPS = 8
_PPS = 16384 // _NSTEPS
_RPS = 128 // _NSTEPS


def _key_body(coarse_ref, skey_ref):
    cb = coarse_ref[0]
    m1 = cb[0]
    m2 = jnp.full((128, 128), -jnp.inf, dtype=jnp.float32)
    for c in range(1, 19):
        v = cb[c]
        m2 = jnp.maximum(m2, jnp.minimum(v, m1))
        m1 = jnp.maximum(m1, v)
    unc = m2 - m1
    bits = lax.bitcast_convert_type(unc, jnp.int32)
    skey_ref[0] = jnp.where(bits >= 0, bits, jnp.int32(2147483647) - bits)


def _sc_mask_body(skey_hbm, mask_hbm, key_v, mask_v, hist_v, row_v, slab_v,
                  shared):
    cid = lax.axis_index("c")
    sid = lax.axis_index("s")
    img_local = sid // 8
    w = sid % 8
    img = cid * 2 + img_local

    lane = lax.iota(jnp.int32, 16)
    zeros16 = jnp.zeros((16,), jnp.float32)
    ones16 = jnp.ones((16,), jnp.float32)
    int_min_v = jnp.full((16,), _INT_MIN, jnp.int32)

    pltpu.sync_copy(skey_hbm.at[img, pl.ds(w * _CHUNK, _CHUNK)], key_v)

    prefix = jnp.int32(0)
    above = jnp.float32(0.0)
    pf = jnp.float32(_P)

    for r in range(8):
        shift = 28 - 4 * r
        for j in range(16):
            hist_v[pl.ds(j * 16, 16)] = zeros16

        def scan_body(i, carry, _r=r, _shift=shift, _prefix=prefix):
            kv = key_v[pl.ds(pl.multiple_of(i * 16, 16), 16)]
            uk = kv ^ int_min_v
            digit = lax.shift_right_logical(uk, jnp.int32(_shift)) & 15
            if _r == 0:
                act = digit >= 0
            else:
                act = lax.shift_right_logical(uk, jnp.int32(_shift + 4)) == _prefix
            plsc.addupdate_scatter(hist_v, [digit * 16 + lane], ones16,
                                   mask=act)
            return carry

        lax.fori_loop(0, _CHUNK // 16, scan_body, jnp.int32(0))

        tot = zeros16
        for l in range(16):
            tot = tot + plsc.load_gather(hist_v, [lane * 16 + l])
        row_v[...] = tot
        base = 32 + img_local * 16 + (r % 2) * 8
        pltpu.sync_copy(row_v, shared.at[base + w])
        plsc.subcore_barrier()
        pltpu.sync_copy(shared.at[pl.ds(base, 8)], slab_v)
        g = zeros16
        for j in range(8):
            g = g + slab_v[j]

        sfx_incl = lax.rev(plsc.cumsum(lax.rev(g, (0,))), (0,))
        strict = sfx_incl - g
        cond = ((above + strict) < pf) & ((above + strict + g) >= pf)
        condf = jnp.where(cond, 1.0, 0.0)
        dsel = jnp.sum(lane.astype(jnp.float32) * condf, axis=0)
        above = above + jnp.sum(strict * condf, axis=0)
        prefix = prefix * 16 + dsel.astype(jnp.int32)

    vstar = prefix ^ jnp.int32(_INT_MIN)
    vstar_v = jnp.zeros((16,), jnp.int32) + vstar
    r_slots = pf - above

    def tie_body(i, acc):
        kv = key_v[pl.ds(pl.multiple_of(i * 16, 16), 16)]
        return acc + jnp.sum(jnp.where(kv == vstar_v, 1.0, 0.0), axis=0)

    tcnt = lax.fori_loop(0, _CHUNK // 16, tie_body, jnp.float32(0.0))
    row_v[...] = zeros16 + tcnt
    tbase = 32 + img_local * 16
    pltpu.sync_copy(row_v, shared.at[tbase + w])
    plsc.subcore_barrier()
    pltpu.sync_copy(shared.at[pl.ds(tbase, 8)], slab_v)
    my_off_v = zeros16
    for j in range(8):
        my_off_v = my_off_v + slab_v[j] * jnp.where(jnp.int32(j) < w, 1.0, 0.0)
    my_off = jnp.max(my_off_v, axis=0)

    def mask_body(i, off):
        kv = key_v[pl.ds(pl.multiple_of(i * 16, 16), 16)]
        tie = kv == vstar_v
        tf = jnp.where(tie, 1.0, 0.0)
        excl = plsc.cumsum(tf) - tf
        sel = tie & ((excl + off) < r_slots)
        m = (kv > vstar_v) | sel
        mask_v[pl.ds(pl.multiple_of(i * 16, 16), 16)] = jnp.where(m, 1.0, 0.0)
        return off + jnp.sum(tf, axis=0)

    lax.fori_loop(0, _CHUNK // 16, mask_body, my_off)
    pltpu.sync_copy(mask_v, mask_hbm.at[img, pl.ds(w * _CHUNK, _CHUNK)])


def _mlp_body(fine_ref, coarse_ref, mask_ref, w1f_ref, w1c_ref, b1_ref,
              w2_ref, b2_ref, w3_ref, b3_ref, out_ref, pooled_s):
    f = fine_ref[0]
    w_i = lax.broadcasted_iota(jnp.int32, (256, 128), 0)
    x_i = lax.broadcasted_iota(jnp.int32, (256, 128), 1)
    pool = ((lax.shift_right_logical(w_i, 1) == x_i)
            .astype(jnp.float32) * 0.25).astype(jnp.bfloat16)
    for j in range(_RPS):
        s = f[:, 2 * j, :] + f[:, 2 * j + 1, :]
        p = jnp.dot(s.astype(jnp.bfloat16), pool,
                    preferred_element_type=jnp.float32)
        pooled_s[:, j * 128:(j + 1) * 128] = p.astype(jnp.bfloat16)
    pooled = pooled_s[...]
    call = coarse_ref[0]
    h1 = jnp.dot(w1f_ref[...], pooled, preferred_element_type=jnp.float32)
    h1 = h1 + jnp.dot(w1c_ref[...], call.astype(jnp.bfloat16),
                      preferred_element_type=jnp.float32) + b1_ref[...]
    h1 = jnp.maximum(h1, 0.0).astype(jnp.bfloat16)
    h2 = jnp.dot(w2_ref[...], h1, preferred_element_type=jnp.float32)
    h2 = jnp.maximum(h2 + b2_ref[...], 0.0).astype(jnp.bfloat16)
    o = jnp.dot(w3_ref[...], h2, preferred_element_type=jnp.float32)
    o = o + b3_ref[...]
    mrow = mask_ref[0, 0, 0]
    out_ref[0] = jnp.where(mrow[None, :] > 0.5, o, call)


@jax.jit
def kernel(coarse_logits, fine_features, w1, b1, w2, b2, w3, b3):
    N, C, H, W = coarse_logits.shape
    skey = pl.pallas_call(
        _key_body,
        grid=(N,),
        in_specs=[pl.BlockSpec((1, C, H, W), lambda n: (n, 0, 0, 0))],
        out_specs=pl.BlockSpec((1, H, W), lambda n: (n, 0, 0)),
        out_shape=jax.ShapeDtypeStruct((N, H, W), jnp.int32),
    )(coarse_logits)

    mesh = plsc.VectorSubcoreMesh(core_axis_name="c", subcore_axis_name="s")
    mask_flat = pl.kernel(
        _sc_mask_body,
        out_type=jax.ShapeDtypeStruct((N, H * W), jnp.float32),
        mesh=mesh,
        compiler_params=pltpu.CompilerParams(needs_layout_passes=False),
        scratch_types=[
            pltpu.VMEM((_CHUNK,), jnp.int32),
            pltpu.VMEM((_CHUNK,), jnp.float32),
            pltpu.VMEM((256,), jnp.float32),
            pltpu.VMEM((16,), jnp.float32),
            pltpu.VMEM((8, 16), jnp.float32),
            pltpu.VMEM_SHARED((64, 16), jnp.float32),
        ],
    )(skey.reshape(N, H * W))

    w1f = w1[:, :256].astype(jnp.bfloat16)
    w1c = w1[:, 256:].astype(jnp.bfloat16)
    b1c = b1[:, None]
    b2c = b2[:, None]
    b3c = b3[:, None]
    w2b = w2.astype(jnp.bfloat16)
    w3b = w3.astype(jnp.bfloat16)

    coarse2 = coarse_logits.reshape(N, C, H * W)
    mask4 = mask_flat.reshape(N, _NSTEPS, 1, _PPS)
    const = lambda n, i: (0, 0)
    refined = pl.pallas_call(
        _mlp_body,
        grid=(N, _NSTEPS),
        in_specs=[
            pl.BlockSpec((1, 256, 2 * _RPS, 256), lambda n, i: (n, 0, i, 0)),
            pl.BlockSpec((1, C, _PPS), lambda n, i: (n, 0, i)),
            pl.BlockSpec((1, 1, 1, _PPS), lambda n, i: (n, i, 0, 0)),
            pl.BlockSpec((512, 256), const),
            pl.BlockSpec((512, 19), const),
            pl.BlockSpec((512, 1), const),
            pl.BlockSpec((512, 512), const),
            pl.BlockSpec((512, 1), const),
            pl.BlockSpec((19, 512), const),
            pl.BlockSpec((19, 1), const),
        ],
        out_specs=pl.BlockSpec((1, C, _PPS), lambda n, i: (n, 0, i)),
        out_shape=jax.ShapeDtypeStruct((N, C, H * W), jnp.float32),
        scratch_shapes=[pltpu.VMEM((256, _PPS), jnp.bfloat16)],
    )(fine_features, coarse2, mask4, w1f, w1c, b1c, w2b, b2c, w3b, b3c)
    return refined.reshape(N, C, H, W)

# --- scband reference (transcript-rebuilt; emitter-appended) ---
"""Pipeline reference for scband-point-rend-sem-seg-head-1726576857673 (READ-ONLY COPY).

The authoritative reference and input builder live on the scoring server;
editing this copy changes nothing except your own understanding.
"""

import jax, jax.numpy as jnp
import numpy as np

NUM_POINTS = 8192


def _point_sample(inp, coords):
    # inp: (N, C, H, W); coords: (N, P, 2) in [0,1]x[0,1].
    # Faithful to F.grid_sample(..., align_corners=False, padding_mode='zeros') bilinear.
    N, C, H, W = inp.shape
    x = coords[..., 0] * W - 0.5
    y = coords[..., 1] * H - 0.5
    x0f = jnp.floor(x)
    y0f = jnp.floor(y)
    wx1 = x - x0f
    wy1 = y - y0f
    wx0 = 1.0 - wx1
    wy0 = 1.0 - wy1
    flat = inp.reshape(N, C, H * W)

    def gather(yf, xf):
        yi = yf.astype(jnp.int32)
        xi = xf.astype(jnp.int32)
        valid = ((yi >= 0) & (yi < H) & (xi >= 0) & (xi < W)).astype(inp.dtype)
        yc = jnp.clip(yi, 0, H - 1)
        xc = jnp.clip(xi, 0, W - 1)
        idx = (yc * W + xc)[:, None, :]
        idx = jnp.broadcast_to(idx, (N, C, idx.shape[-1]))
        vals = jnp.take_along_axis(flat, idx, axis=2)
        return vals * valid[:, None, :]

    v00 = gather(y0f, x0f)
    v01 = gather(y0f, x0f + 1.0)
    v10 = gather(y0f + 1.0, x0f)
    v11 = gather(y0f + 1.0, x0f + 1.0)
    out = (v00 * (wy0 * wx0)[:, None, :] + v01 * (wy0 * wx1)[:, None, :]
           + v10 * (wy1 * wx0)[:, None, :] + v11 * (wy1 * wx1)[:, None, :])
    return out


def _forward(coarse_logits, fine_features, w1, b1, w2, b2, w3, b3):
    N, C, H, W = coarse_logits.shape
    # calculate_uncertainty: top-2 over class dim, (second - first)
    top2, _ = jax.lax.top_k(jnp.transpose(coarse_logits, (0, 2, 3, 1)), 2)
    uncertainty = top2[..., 1] - top2[..., 0]  # (N, H, W)
    unc_flat = uncertainty.reshape(N, H * W)
    P = min(H * W, NUM_POINTS)
    _, point_indices = jax.lax.top_k(unc_flat, P)  # (N, P)
    w_step = 1.0 / float(W)
    h_step = 1.0 / float(H)
    px = w_step / 2.0 + (point_indices % W).astype(jnp.float32) * w_step
    py = h_step / 2.0 + (point_indices // W).astype(jnp.float32) * h_step
    point_coords = jnp.stack([px, py], axis=-1)  # (N, P, 2)
    coarse_pts = _point_sample(coarse_logits, point_coords)   # (N, C, P)
    fine_pts = _point_sample(fine_features, point_coords)     # (N, Cf, P)
    feats = jnp.concatenate([fine_pts, coarse_pts], axis=1)   # (N, Cf+C, P)
    h1 = jax.nn.relu(jnp.einsum('oc,ncp->nop', w1, feats) + b1[None, :, None])
    h2 = jax.nn.relu(jnp.einsum('oc,ncp->nop', w2, h1) + b2[None, :, None])
    point_logits = jnp.einsum('oc,ncp->nop', w3, h2) + b3[None, :, None]  # (N, C, P)
    # scatter refined point logits back into the coarse prediction grid
    flat = coarse_logits.reshape(N, C, H * W)

    def _scatter(f, i, v):
        return f.at[:, i].set(v)

    refined = jax.vmap(_scatter)(flat, point_indices, point_logits)
    return refined.reshape(N, C, H, W)


def setup_inputs(seed: int = 0) -> dict:
    key = jax.random.key(seed)
    ks = jax.random.split(key, 8)
    N, C, H, W = 4, 19, 128, 128
    Cf, Hf, Wf = 256, 256, 256
    hidden = 512
    coarse_logits = jax.random.normal(ks[0], (N, C, H, W), dtype=jnp.float32)
    fine_features = jax.random.normal(ks[1], (N, Cf, Hf, Wf), dtype=jnp.float32)
    w1 = jax.random.normal(ks[2], (hidden, Cf + C), dtype=jnp.float32) * 0.05
    b1 = jnp.zeros((hidden,), dtype=jnp.float32)
    w2 = jax.random.normal(ks[3], (hidden, hidden), dtype=jnp.float32) * 0.05
    b2 = jnp.zeros((hidden,), dtype=jnp.float32)
    w3 = jax.random.normal(ks[4], (C, hidden), dtype=jnp.float32) * 0.05
    b3 = jnp.zeros((C,), dtype=jnp.float32)
    return {"coarse_logits": coarse_logits, "fine_features": fine_features,
            "w1": w1, "b1": b1, "w2": w2, "b2": b2, "w3": w3, "b3": b3}


def reference(coarse_logits, fine_features, w1, b1, w2, b2, w3, b3):
    return _forward(coarse_logits, fine_features, w1, b1, w2, b2, w3, b3)

if __name__ == "__main__":
    import jax
    _d = setup_inputs()
    print(jax.jit(kernel)(*tuple(_d.values())))

</pallas_src>

<mosaic_0001>
#map = affine_map<(d0, d1) -> (0, 0)>
module attributes {stable_mosaic.version = 14 : i64} {
  func.func @_sc_mask_body(%arg0: i32, %arg1: i32, %arg2: memref<4x16384xi32, #tpu.memory_space<hbm>>, %arg3: memref<4x16384xf32, #tpu.memory_space<hbm>>, %arg4: memref<2048xi32, #tpu.memory_space<vmem>>, %arg5: memref<2048xf32, #tpu.memory_space<vmem>>, %arg6: memref<256xf32, #tpu.memory_space<vmem>>, %arg7: memref<16xf32, #tpu.memory_space<vmem>>, %arg8: memref<8x16xf32, #tpu.memory_space<vmem>>, %arg9: memref<64x16xf32, #tpu.memory_space<vmem_shared>>) attributes {dimension_semantics = [#tpu.dimension_semantics<core_parallel>, #tpu.dimension_semantics<subcore_parallel>], iteration_bounds = array<i64: 2, 16>, scalar_prefetch = 0 : i64, scratch_operands = 6 : i64, tpu.core_type = #tpu.core_type<sc_vector_subcore>, window_params = [{transform_indices = #map}, {transform_indices = #map}]} {
    %jit3A = arith.constant 8 : i32
    %div3A = arith.divsi %arg1, %jit3A : i32
    %sign3A = arith.constant 0 : i32
    %sign3A_0 = arith.cmpi sgt, %arg1, %sign3A : i32
    %sign3A_1 = arith.extui %sign3A_0 : i1 to i32
    %sign3A_2 = arith.constant 0 : i32
    %sign3A_3 = arith.cmpi slt, %arg1, %sign3A_2 : i32
    %sign3A_4 = arith.extui %sign3A_3 : i1 to i32
    %sign3A_5 = arith.subi %sign3A_1, %sign3A_4 : i32
    %sign3A_6 = arith.constant 0 : i32
    %sign3A_7 = arith.cmpi sgt, %jit3A, %sign3A_6 : i32
    %sign3A_8 = arith.extui %sign3A_7 : i1 to i32
    %sign3A_9 = arith.constant 0 : i32
    %sign3A_10 = arith.cmpi slt, %jit3A, %sign3A_9 : i32
    %sign3A_11 = arith.extui %sign3A_10 : i1 to i32
    %sign3A_12 = arith.subi %sign3A_8, %sign3A_11 : i32
    %ne3A = arith.cmpi ne, %sign3A_5, %sign3A_12 : i32
    %rem3A = arith.remsi %arg1, %jit3A : i32
    %ne3A_13 = arith.constant 0 : i32
    %ne3A_14 = arith.cmpi ne, %rem3A, %ne3A_13 : i32
    %and3A = arith.andi %ne3A, %ne3A_14 : i1
    %sub3A = arith.constant 1 : i32
    %sub3A_15 = arith.subi %div3A, %sub3A : i32
    %select_n3A = arith.select %and3A, %sub3A_15, %div3A : i32
    %jit3A_16 = arith.constant 8 : i32
    %eq3A = arith.constant 0 : i32
    %eq3A_17 = arith.cmpi eq, %jit3A_16, %eq3A : i32
    %jit3A_18 = arith.constant 1 : i32
    %select_n3A_19 = arith.select %eq3A_17, %jit3A_18, %jit3A_16 : i32
    %rem3A_20 = arith.remsi %arg1, %select_n3A_19 : i32
    %ne3A_21 = arith.constant 0 : i32
    %ne3A_22 = arith.cmpi ne, %rem3A_20, %ne3A_21 : i32
    %lt3A = arith.constant 0 : i32
    %lt3A_23 = arith.cmpi slt, %rem3A_20, %lt3A : i32
    %lt3A_24 = arith.constant 0 : i32
    %lt3A_25 = arith.cmpi slt, %select_n3A_19, %lt3A_24 : i32
    %ne3A_26 = arith.xori %lt3A_23, %lt3A_25 : i1
    %and3A_27 = arith.andi %ne3A_26, %ne3A_22 : i1
    %add3A = arith.addi %rem3A_20, %select_n3A_19 : i32
    %select_n3A_28 = arith.select %and3A_27, %add3A, %rem3A_20 : i32
    %mul3A = arith.constant 2 : i32
    %mul3A_29 = arith.muli %arg0, %mul3A : i32
    %add3A_30 = arith.addi %mul3A_29, %select_n3A : i32
    %iota3A = tpu.iota {dimensions = array<i32: 0>} : vector<16xi32>
    %broadcast_in_dim3A = arith.constant 0.000000e+00 : f32
    %broadcast_in_dim3A_31 = vector.broadcast %broadcast_in_dim3A : f32 to vector<16xf32>
    %broadcast_in_dim3A_32 = arith.constant 1.000000e+00 : f32
    %broadcast_in_dim3A_33 = vector.broadcast %broadcast_in_dim3A_32 : f32 to vector<16xf32>
    %broadcast_in_dim3A_34 = arith.constant -2147483648 : i32
    %broadcast_in_dim3A_35 = vector.broadcast %broadcast_in_dim3A_34 : i32 to vector<16xi32>
    %mul3A_36 = arith.constant 2048 : i32
    %mul3A_37 = arith.muli %select_n3A_28, %mul3A_36 : i32
    "tpu.region"() ({
      %run_scoped3A = tpu.sem_alloc : memref<!tpu.dma_semaphore, #tpu.memory_space<semaphore_mem>>
      %dma_start3A = tpu.memref_slice %arg2[%add3A_30, %mul3A_37] : memref<4x16384xi32, #tpu.memory_space<hbm>> -> memref<1x2048xi32, #tpu.memory_space<hbm>>
      %dma_start3A_2267 = tpu.memref_squeeze %dma_start3A : memref<1x2048xi32, #tpu.memory_space<hbm>> -> memref<2048xi32, #tpu.memory_space<hbm>>
      %dma_start3A_2268 = tpu.memref_slice %arg2[%add3A_30, %mul3A_37] : memref<4x16384xi32, #tpu.memory_space<hbm>> -> memref<1x2048xi32, #tpu.memory_space<hbm>>
      %dma_start3A_2269 = tpu.memref_squeeze %dma_start3A_2268 : memref<1x2048xi32, #tpu.memory_space<hbm>> -> memref<2048xi32, #tpu.memory_space<hbm>>
      tpu.enqueue_dma source(%dma_start3A_2269 : memref<2048xi32, #tpu.memory_space<hbm>>) target(%arg4 : memref<2048xi32, #tpu.memory_space<vmem>>) target_semaphore(%run_scoped3A : memref<!tpu.dma_semaphore, #tpu.memory_space<semaphore_mem>>)
      %dma_wait3A = tpu.memref_slice %arg2[%add3A_30, %mul3A_37] : memref<4x16384xi32, #tpu.memory_space<hbm>> -> memref<1x2048xi32, #tpu.memory_space<hbm>>
      %dma_wait3A_2270 = tpu.memref_squeeze %dma_wait3A : memref<1x2048xi32, #tpu.memory_space<hbm>> -> memref<2048xi32, #tpu.memory_space<hbm>>
      %dma_wait3A_2271 = tpu.memref_slice %arg2[%add3A_30, %mul3A_37] : memref<4x16384xi32, #tpu.memory_space<hbm>> -> memref<1x2048xi32, #tpu.memory_space<hbm>>
      %dma_wait3A_2272 = tpu.memref_squeeze %dma_wait3A_2271 : memref<1x2048xi32, #tpu.memory_space<hbm>> -> memref<2048xi32, #tpu.memory_space<hbm>>
      tpu.wait_dma2 semaphore(%run_scoped3A : memref<!tpu.dma_semaphore, #tpu.memory_space<semaphore_mem>>) src(%dma_wait3A_2272 : memref<2048xi32, #tpu.memory_space<hbm>>) dst(%arg4 : memref<2048xi32, #tpu.memory_space<vmem>>)
      tpu.yield
    }) : () -> ()
    %swap3A = arith.constant 0 : index
    %swap3A_38 = tpu.vector_load %arg6[%swap3A] {strides = array<i32>} : memref<256xf32, #tpu.memory_space<vmem>>, vector<16xf32>,
    tpu.vector_store %arg6[%swap3A], %broadcast_in_dim3A_31 {strides = array<i32>} : memref<256xf32, #tpu.memory_space<vmem>>, vector<16xf32>,
    %swap3A_39 = arith.constant 16 : index
    %swap3A_40 = tpu.vector_load %arg6[%swap3A_39] {strides = array<i32>} : memref<256xf32, #tpu.memory_space<vmem>>, vector<16xf32>,
    tpu.vector_store %arg6[%swap3A_39], %broadcast_in_dim3A_31 {strides = array<i32>} : memref<256xf32, #tpu.memory_space<vmem>>, vector<16xf32>,
    %swap3A_41 = arith.constant 32 : index
    %swap3A_42 = tpu.vector_load %arg6[%swap3A_41] {strides = array<i32>} : memref<256xf32, #tpu.memory_space<vmem>>, vector<16xf32>,
    tpu.vector_store %arg6[%swap3A_41], %broadcast_in_dim3A_31 {strides = array<i32>} : memref<256xf32, #tpu.memory_space<vmem>>, vector<16xf32>,
    %swap3A_43 = arith.constant 48 : index
    %swap3A_44 = tpu.vector_load %arg6[%swap3A_43] {strides = array<i32>} : memref<256xf32, #tpu.memory_space<vmem>>, vector<16xf32>,
    tpu.vector_store %arg6[%swap3A_43], %broadcast_in_dim3A_31 {strides = array<i32>} : memref<256xf32, #tpu.memory_space<vmem>>, vector<16xf32>,
    %swap3A_45 = arith.constant 64 : index
    %swap3A_46 = tpu.vector_load %arg6[%swap3A_45] {strides = array<i32>} : memref<256xf32, #tpu.memory_space<vmem>>, vector<16xf32>,
    tpu.vector_store %arg6[%swap3A_45], %broadcast_in_dim3A_31 {strides = array<i32>} : memref<256xf32, #tpu.memory_space<vmem>>, vector<16xf32>,
    %swap3A_47 = arith.constant 80 : index
    %swap3A_48 = tpu.vector_load %arg6[%swap3A_47] {strides = array<i32>} : memref<256xf32, #tpu.memory_space<vmem>>, vector<16xf32>,
    tpu.vector_store %arg6[%swap3A_47], %broadcast_in_dim3A_31 {strides = array<i32>} : memref<256xf32, #tpu.memory_space<vmem>>, vector<16xf32>,
    %swap3A_49 = arith.constant 96 : index
    %swap3A_50 = tpu.vector_load %arg6[%swap3A_49] {strides = array<i32>} : memref<256xf32, #tpu.memory_space<vmem>>, vector<16xf32>,
    tpu.vector_store %arg6[%swap3A_49], %broadcast_in_dim3A_31 {strides = array<i32>} : memref<256xf32, #tpu.memory_space<vmem>>, vector<16xf32>,
    %swap3A_51 = arith.constant 112 : index
    %swap3A_52 = tpu.vector_load %arg6[%swap3A_51] {strides = array<i32>} : memref<256xf32, #tpu.memory_space<vmem>>, vector<16xf32>,
    tpu.vector_store %arg6[%swap3A_51], %broadcast_in_dim3A_31 {strides = array<i32>} : memref<256xf32, #tpu.memory_space<vmem>>, vector<16xf32>,
    %swap3A_53 = arith.constant 128 : index
    %swap3A_54 = tpu.vector_load %arg6[%swap3A_53] {strides = array<i32>} : memref<256xf32, #tpu.memory_space<vmem>>, vector<16xf32>,
    tpu.vector_store %arg6[%swap3A_53], %broadcast_in_dim3A_31 {strides = array<i32>} : memref<256xf32, #tpu.memory_space<vmem>>, vector<16xf32>,
    %swap3A_55 = arith.constant 144 : index
    %swap3A_56 = tpu.vector_load %arg6[%swap3A_55] {strides = array<i32>} : memref<256xf32, #tpu.memory_space<vmem>>, vector<16xf32>,
    tpu.vector_store %arg6[%swap3A_55], %broadcast_in_dim3A_31 {strides = array<i32>} : memref<256xf32, #tpu.memory_space<vmem>>, vector<16xf32>,
    %swap3A_57 = arith.constant 160 : index
    %swap3A_58 = tpu.vector_load %arg6[%swap3A_57] {strides = array<i32>} : memref<256xf32, #tpu.memory_space<vmem>>, vector<16xf32>,
    tpu.vector_store %arg6[%swap3A_57], %broadcast_in_dim3A_31 {strides = array<i32>} : memref<256xf32, #tpu.memory_space<vmem>>, vector<16xf32>,
    %swap3A_59 = arith.constant 176 : index
    %swap3A_60 = tpu.vector_load %arg6[%swap3A_59] {strides = array<i32>} : memref<256xf32, #tpu.memory_space<vmem>>, vector<16xf32>,
    tpu.vector_store %arg6[%swap3A_59], %broadcast_in_dim3A_31 {strides = array<i32>} : memref<256xf32, #tpu.memory_space<vmem>>, vector<16xf32>,
    %swap3A_61 = arith.constant 192 : index
    %swap3A_62 = tpu.vector_load %arg6[%swap3A_61] {strides = array<i32>} : memref<256xf32, #tpu.memory_space<vmem>>, vector<16xf32>,
    tpu.vector_store %arg6[%swap3A_61], %broadcast_in_dim3A_31 {strides = array<i32>} : memref<256xf32, #tpu.memory_space<vmem>>, vector<16xf32>,
    %swap3A_63 = arith.constant 208 : index
    %swap3A_64 = tpu.vector_load %arg6[%swap3A_63] {strides = array<i32>} : memref<256xf32, #tpu.memory_space<vmem>>, vector<16xf32>,
    tpu.vector_store %arg6[%swap3A_63], %broadcast_in_dim3A_31 {strides = array<i32>} : memref<256xf32, #tpu.memory_space<vmem>>, vector<16xf32>,
    %swap3A_65 = arith.constant 224 : index
    %swap3A_66 = tpu.vector_load %arg6[%swap3A_65] {strides = array<i32>} : memref<256xf32, #tpu.memory_space<vmem>>, vector<16xf32>,
    tpu.vector_store %arg6[%swap3A_65], %broadcast_in_dim3A_31 {strides = array<i32>} : memref<256xf32, #tpu.memory_space<vmem>>, vector<16xf32>,
    %swap3A_67 = arith.constant 240 : index
    %swap3A_68 = tpu.vector_load %arg6[%swap3A_67] {strides = array<i32>} : memref<256xf32, #tpu.memory_space<vmem>>, vector<16xf32>,
    tpu.vector_store %arg6[%swap3A_67], %broadcast_in_dim3A_31 {strides = array<i32>} : memref<256xf32, #tpu.memory_space<vmem>>, vector<16xf32>,
    %scan3A = arith.constant 0 : i32
    %scan3A_69 = arith.constant 0 : i32
    %scan3A_70 = arith.constant 128 : i32
    %scan3A_71 = arith.addi %scan3A_69, %scan3A_70 : i32
    %scan3A_72 = arith.constant 1 : i32
    scf.for %scan3A_2267 = %scan3A_69 to %scan3A_71 step %scan3A_72  : i32 {
      %mul3A_2268 = arith.constant 16 : i32
      %mul3A_2269 = arith.muli %scan3A_2267, %mul3A_2268 : i32
      %multiple_of3A = tpu.assume_multiple %mul3A_2269, 16 : i32
      %get3A_2270 = arith.index_cast %multiple_of3A : i32 to index
      %get3A_2271 = tpu.vector_load %arg4[%get3A_2270] {strides = array<i32>} : memref<2048xi32, #tpu.memory_space<vmem>>, vector<16xi32>,
      %xor3A_2272 = arith.xori %get3A_2271, %broadcast_in_dim3A_35 : vector<16xi32>
      %shift_right_logical3A = arith.constant 28 : i32
      %shift_right_logical3A_2273 = vector.broadcast %shift_right_logical3A : i32 to vector<16xi32>
      %shift_right_logical3A_2274 = arith.shrui %xor3A_2272, %shift_right_logical3A_2273 : vector<16xi32>
      %and3A_2275 = arith.constant 15 : i32
      %and3A_2276 = vector.broadcast %and3A_2275 : i32 to vector<16xi32>
      %and3A_2277 = arith.andi %shift_right_logical3A_2274, %and3A_2276 : vector<16xi32>
      %ge3A_2278 = arith.constant 0 : i32
      %ge3A_2279 = vector.broadcast %ge3A_2278 : i32 to vector<16xi32>
      %ge3A_2280 = arith.cmpi sge, %and3A_2277, %ge3A_2279 : vector<16xi32>
      %mul3A_2281 = arith.constant 16 : i32
      %mul3A_2282 = vector.broadcast %mul3A_2281 : i32 to vector<16xi32>
      %mul3A_2283 = arith.muli %and3A_2277, %mul3A_2282 : vector<16xi32>
      %add3A_2284 = arith.addi %mul3A_2283, %iota3A : vector<16xi32>
      tpu.vector_store_idx %arg6[%add3A_2284], %broadcast_in_dim3A_33 masked %ge3A_2280 {add = true} : memref<256xf32, #tpu.memory_space<vmem>>[vector<16xi32>], vector<16xf32>, vector<16xi1>
    }
    %scan3A_73 = arith.constant 128 : i32
    %mul3A_74 = arith.constant 16 : i32
    %mul3A_75 = vector.broadcast %mul3A_74 : i32 to vector<16xi32>
    %mul3A_76 = arith.muli %iota3A, %mul3A_75 : vector<16xi32>
    %add3A_77 = arith.constant 0 : i32
    %add3A_78 = vector.broadcast %add3A_77 : i32 to vector<16xi32>
    %add3A_79 = arith.addi %mul3A_76, %add3A_78 : vector<16xi32>
    %gather3A = tpu.vector_load_idx %arg6[%add3A_79] : memref<256xf32, #tpu.memory_space<vmem>>[vector<16xi32>], vector<16xf32>,
    %add3A_80 = arith.addf %broadcast_in_dim3A_31, %gather3A : vector<16xf32>
    %mul3A_81 = arith.constant 16 : i32
    %mul3A_82 = vector.broadcast %mul3A_81 : i32 to vector<16xi32>
    %mul3A_83 = arith.muli %iota3A, %mul3A_82 : vector<16xi32>
    %add3A_84 = arith.constant 1 : i32
    %add3A_85 = vector.broadcast %add3A_84 : i32 to vector<16xi32>
    %add3A_86 = arith.addi %mul3A_83, %add3A_85 : vector<16xi32>
    %gather3A_87 = tpu.vector_load_idx %arg6[%add3A_86] : memref<256xf32, #tpu.memory_space<vmem>>[vector<16xi32>], vector<16xf32>,
    %add3A_88 = arith.addf %add3A_80, %gather3A_87 : vector<16xf32>
    %mul3A_89 = arith.constant 16 : i32
    %mul3A_90 = vector.broadcast %mul3A_89 : i32 to vector<16xi32>
    %mul3A_91 = arith.muli %iota3A, %mul3A_90 : vector<16xi32>
    %add3A_92 = arith.constant 2 : i32
    %add3A_93 = vector.broadcast %add3A_92 : i32 to vector<16xi32>
    %add3A_94 = arith.addi %mul3A_91, %add3A_93 : vector<16xi32>
    %gather3A_95 = tpu.vector_load_idx %arg6[%add3A_94] : memref<256xf32, #tpu.memory_space<vmem>>[vector<16xi32>], vector<16xf32>,
    %add3A_96 = arith.addf %add3A_88, %gather3A_95 : vector<16xf32>
    %mul3A_97 = arith.constant 16 : i32
    %mul3A_98 = vector.broadcast %mul3A_97 : i32 to vector<16xi32>
    %mul3A_99 = arith.muli %iota3A, %mul3A_98 : vector<16xi32>
    %add3A_100 = arith.constant 3 : i32
    %add3A_101 = vector.broadcast %add3A_100 : i32 to vector<16xi32>
    %add3A_102 = arith.addi %mul3A_99, %add3A_101 : vector<16xi32>
    %gather3A_103 = tpu.vector_load_idx %arg6[%add3A_102] : memref<256xf32, #tpu.memory_space<vmem>>[vector<16xi32>], vector<16xf32>,
    %add3A_104 = arith.addf %add3A_96, %gather3A_103 : vector<16xf32>
    %mul3A_105 = arith.constant 16 : i32
    %mul3A_106 = vector.broadcast %mul3A_105 : i32 to vector<16xi32>
    %mul3A_107 = arith.muli %iota3A, %mul3A_106 : vector<16xi32>
    %add3A_108 = arith.constant 4 : i32
    %add3A_109 = vector.broadcast %add3A_108 : i32 to vector<16xi32>
    %add3A_110 = arith.addi %mul3A_107, %add3A_109 : vector<16xi32>
    %gather3A_111 = tpu.vector_load_idx %arg6[%add3A_110] : memref<256xf32, #tpu.memory_space<vmem>>[vector<16xi32>], vector<16xf32>,
    %add3A_112 = arith.addf %add3A_104, %gather3A_111 : vector<16xf32>
    %mul3A_113 = arith.constant 16 : i32
    %mul3A_114 = vector.broadcast %mul3A_113 : i32 to vector<16xi32>
    %mul3A_115 = arith.muli %iota3A, %mul3A_114 : vector<16xi32>
    %add3A_116 = arith.constant 5 : i32
    %add3A_117 = vector.broadcast %add3A_116 : i32 to vector<16xi32>
    %add3A_118 = arith.addi %mul3A_115, %add3A_117 : vector<16xi32>
    %gather3A_119 = tpu.vector_load_idx %arg6[%add3A_118] : memref<256xf32, #tpu.memory_space<vmem>>[vector<16xi32>], vector<16xf32>,
    %add3A_120 = arith.addf %add3A_112, %gather3A_119 : vector<16xf32>
    %mul3A_121 = arith.constant 16 : i32
    %mul3A_122 = vector.broadcast %mul3A_121 : i32 to vector<16xi32>
    %mul3A_123 = arith.muli %iota3A, %mul3A_122 : vector<16xi32>
    %add3A_124 = arith.constant 6 : i32
    %add3A_125 = vector.broadcast %add3A_124 : i32 to vector<16xi32>
    %add3A_126 = arith.addi %mul3A_123, %add3A_125 : vector<16xi32>
    %gather3A_127 = tpu.vector_load_idx %arg6[%add3A_126] : memref<256xf32, #tpu.memory_space<vmem>>[vector<16xi32>], vector<16xf32>,
    %add3A_128 = arith.addf %add3A_120, %gather3A_127 : vector<16xf32>
    %mul3A_129 = arith.constant 16 : i32
    %mul3A_130 = vector.broadcast %mul3A_129 : i32 to vector<16xi32>
    %mul3A_131 = arith.muli %iota3A, %mul3A_130 : vector<16xi32>
    %add3A_132 = arith.constant 7 : i32
    %add3A_133 = vector.broadcast %add3A_132 : i32 to vector<16xi32>
    %add3A_134 = arith.addi %mul3A_131, %add3A_133 : vector<16xi32>
    %gather3A_135 = tpu.vector_load_idx %arg6[%add3A_134] : memref<256xf32, #tpu.memory_space<vmem>>[vector<16xi32>], vector<16xf32>,
    %add3A_136 = arith.addf %add3A_128, %gather3A_135 : vector<16xf32>
    %mul3A_137 = arith.constant 16 : i32
    %mul3A_138 = vector.broadcast %mul3A_137 : i32 to vector<16xi32>
    %mul3A_139 = arith.muli %iota3A, %mul3A_138 : vector<16xi32>
    %add3A_140 = arith.constant 8 : i32
    %add3A_141 = vector.broadcast %add3A_140 : i32 to vector<16xi32>
    %add3A_142 = arith.addi %mul3A_139, %add3A_141 : vector<16xi32>
    %gather3A_143 = tpu.vector_load_idx %arg6[%add3A_142] : memref<256xf32, #tpu.memory_space<vmem>>[vector<16xi32>], vector<16xf32>,
    %add3A_144 = arith.addf %add3A_136, %gather3A_143 : vector<16xf32>
    %mul3A_145 = arith.constant 16 : i32
    %mul3A_146 = vector.broadcast %mul3A_145 : i32 to vector<16xi32>
    %mul3A_147 = arith.muli %iota3A, %mul3A_146 : vector<16xi32>
    %add3A_148 = arith.constant 9 : i32
    %add3A_149 = vector.broadcast %add3A_148 : i32 to vector<16xi32>
    %add3A_150 = arith.addi %mul3A_147, %add3A_149 : vector<16xi32>
    %gather3A_151 = tpu.vector_load_idx %arg6[%add3A_150] : memref<256xf32, #tpu.memory_space<vmem>>[vector<16xi32>], vector<16xf32>,
    %add3A_152 = arith.addf %add3A_144, %gather3A_151 : vector<16xf32>
    %mul3A_153 = arith.constant 16 : i32
    %mul3A_154 = vector.broadcast %mul3A_153 : i32 to vector<16xi32>
    %mul3A_155 = arith.muli %iota3A, %mul3A_154 : vector<16xi32>
    %add3A_156 = arith.constant 10 : i32
    %add3A_157 = vector.broadcast %add3A_156 : i32 to vector<16xi32>
    %add3A_158 = arith.addi %mul3A_155, %add3A_157 : vector<16xi32>
    %gather3A_159 = tpu.vector_load_idx %arg6[%add3A_158] : memref<256xf32, #tpu.memory_space<vmem>>[vector<16xi32>], vector<16xf32>,
    %add3A_160 = arith.addf %add3A_152, %gather3A_159 : vector<16xf32>
    %mul3A_161 = arith.constant 16 : i32
    %mul3A_162 = vector.broadcast %mul3A_161 : i32 to vector<16xi32>
    %mul3A_163 = arith.muli %iota3A, %mul3A_162 : vector<16xi32>
    %add3A_164 = arith.constant 11 : i32
    %add3A_165 = vector.broadcast %add3A_164 : i32 to vector<16xi32>
    %add3A_166 = arith.addi %mul3A_163, %add3A_165 : vector<16xi32>
    %gather3A_167 = tpu.vector_load_idx %arg6[%add3A_166] : memref<256xf32, #tpu.memory_space<vmem>>[vector<16xi32>], vector<16xf32>,
    %add3A_168 = arith.addf %add3A_160, %gather3A_167 : vector<16xf32>
    %mul3A_169 = arith.constant 16 : i32
    %mul3A_170 = vector.broadcast %mul3A_169 : i32 to vector<16xi32>
    %mul3A_171 = arith.muli %iota3A, %mul3A_170 : vector<16xi32>
    %add3A_172 = arith.constant 12 : i32
    %add3A_173 = vector.broadcast %add3A_172 : i32 to vector<16xi32>
    %add3A_174 = arith.addi %mul3A_171, %add3A_173 : vector<16xi32>
    %gather3A_175 = tpu.vector_load_idx %arg6[%add3A_174] : memref<256xf32, #tpu.memory_space<vmem>>[vector<16xi32>], vector<16xf32>,
    %add3A_176 = arith.addf %add3A_168, %gather3A_175 : vector<16xf32>
    %mul3A_177 = arith.constant 16 : i32
    %mul3A_178 = vector.broadcast %mul3A_177 : i32 to vector<16xi32>
    %mul3A_179 = arith.muli %iota3A, %mul3A_178 : vector<16xi32>
    %add3A_180 = arith.constant 13 : i32
    %add3A_181 = vector.broadcast %add3A_180 : i32 to vector<16xi32>
    %add3A_182 = arith.addi %mul3A_179, %add3A_181 : vector<16xi32>
    %gather3A_183 = tpu.vector_load_idx %arg6[%add3A_182] : memref<256xf32, #tpu.memory_space<vmem>>[vector<16xi32>], vector<16xf32>,
    %add3A_184 = arith.addf %add3A_176, %gather3A_183 : vector<16xf32>
    %mul3A_185 = arith.constant 16 : i32
    %mul3A_186 = vector.broadcast %mul3A_185 : i32 to vector<16xi32>
    %mul3A_187 = arith.muli %iota3A, %mul3A_186 : vector<16xi32>
    %add3A_188 = arith.constant 14 : i32
    %add3A_189 = vector.broadcast %add3A_188 : i32 to vector<16xi32>
    %add3A_190 = arith.addi %mul3A_187, %add3A_189 : vector<16xi32>
    %gather3A_191 = tpu.vector_load_idx %arg6[%add3A_190] : memref<256xf32, #tpu.memory_space<vmem>>[vector<16xi32>], vector<16xf32>,
    %add3A_192 = arith.addf %add3A_184, %gather3A_191 : vector<16xf32>
    %mul3A_193 = arith.constant 16 : i32
    %mul3A_194 = vector.broadcast %mul3A_193 : i32 to vector<16xi32>
    %mul3A_195 = arith.muli %iota3A, %mul3A_194 : vector<16xi32>
    %add3A_196 = arith.constant 15 : i32
    %add3A_197 = vector.broadcast %add3A_196 : i32 to vector<16xi32>
    %add3A_198 = arith.addi %mul3A_195, %add3A_197 : vector<16xi32>
    %gather3A_199 = tpu.vector_load_idx %arg6[%add3A_198] : memref<256xf32, #tpu.memory_space<vmem>>[vector<16xi32>], vector<16xf32>,
    %add3A_200 = arith.addf %add3A_192, %gather3A_199 : vector<16xf32>
    %swap3A_201 = arith.constant 0 : index
    %swap3A_202 = tpu.vector_load %arg7[%swap3A_201] {strides = array<i32>} : memref<16xf32, #tpu.memory_space<vmem>>, vector<16xf32>,
    tpu.vector_store %arg7[%swap3A_201], %add3A_200 {strides = array<i32>} : memref<16xf32, #tpu.memory_space<vmem>>, vector<16xf32>,
    %mul3A_203 = arith.constant 16 : i32
    %mul3A_204 = arith.muli %select_n3A, %mul3A_203 : i32
    %add3A_205 = arith.constant 32 : i32
    %add3A_206 = arith.addi %add3A_205, %mul3A_204 : i32
    %add3A_207 = arith.constant 0 : i32
    %add3A_208 = arith.addi %add3A_206, %add3A_207 : i32
    %add3A_209 = arith.addi %add3A_208, %select_n3A_28 : i32
    "tpu.region"() ({
      %run_scoped3A = tpu.sem_alloc : memref<!tpu.dma_semaphore, #tpu.memory_space<semaphore_mem>>
      %dma_start3A = arith.constant 0 : i32
      %dma_start3A_2267 = tpu.memref_slice %arg9[%add3A_209, %dma_start3A] : memref<64x16xf32, #tpu.memory_space<vmem_shared>> -> memref<1x16xf32, #tpu.memory_space<vmem_shared>>
      %dma_start3A_2268 = tpu.memref_squeeze %dma_start3A_2267 : memref<1x16xf32, #tpu.memory_space<vmem_shared>> -> memref<16xf32, #tpu.memory_space<vmem_shared>>
      %dma_start3A_2269 = arith.constant 0 : i32
      %dma_start3A_2270 = tpu.memref_slice %arg9[%add3A_209, %dma_start3A_2269] : memref<64x16xf32, #tpu.memory_space<vmem_shared>> -> memref<1x16xf32, #tpu.memory_space<vmem_shared>>
      %dma_start3A_2271 = tpu.memref_squeeze %dma_start3A_2270 : memref<1x16xf32, #tpu.memory_space<vmem_shared>> -> memref<16xf32, #tpu.memory_space<vmem_shared>>
      tpu.enqueue_dma source(%arg7 : memref<16xf32, #tpu.memory_space<vmem>>) target(%dma_start3A_2271 : memref<16xf32, #tpu.memory_space<vmem_shared>>) target_semaphore(%run_scoped3A : memref<!tpu.dma_semaphore, #tpu.memory_space<semaphore_mem>>)
      %dma_wait3A = arith.constant 0 : i32
      %dma_wait3A_2272 = tpu.memref_slice %arg9[%add3A_209, %dma_wait3A] : memref<64x16xf32, #tpu.memory_space<vmem_shared>> -> memref<1x16xf32, #tpu.memory_space<vmem_shared>>
      %dma_wait3A_2273 = tpu.memref_squeeze %dma_wait3A_2272 : memref<1x16xf32, #tpu.memory_space<vmem_shared>> -> memref<16xf32, #tpu.memory_space<vmem_shared>>
      %dma_wait3A_2274 = arith.constant 0 : i32
      %dma_wait3A_2275 = tpu.memref_slice %arg9[%add3A_209, %dma_wait3A_2274] : memref<64x16xf32, #tpu.memory_space<vmem_shared>> -> memref<1x16xf32, #tpu.memory_space<vmem_shared>>
      %dma_wait3A_2276 = tpu.memref_squeeze %dma_wait3A_2275 : memref<1x16xf32, #tpu.memory_space<vmem_shared>> -> memref<16xf32, #tpu.memory_space<vmem_shared>>
      tpu.wait_dma2 semaphore(%run_scoped3A : memref<!tpu.dma_semaphore, #tpu.memory_space<semaphore_mem>>) src(%arg7 : memref<16xf32, #tpu.memory_space<vmem>>) dst(%dma_wait3A_2276 : memref<16xf32, #tpu.memory_space<vmem_shared>>)
      tpu.yield
    }) : () -> ()
    %barrier3A = arith.constant 0 : index
    tpu.barrier barrier_id(%barrier3A)
    "tpu.region"() ({
      %run_scoped3A = tpu.sem_alloc : memref<!tpu.dma_semaphore, #tpu.memory_space<semaphore_mem>>
      %dma_start3A = arith.constant 0 : i32
      %dma_start3A_2267 = tpu.memref_slice %arg9[%add3A_208, %dma_start3A] : memref<64x16xf32, #tpu.memory_space<vmem_shared>> -> memref<8x16xf32, #tpu.memory_space<vmem_shared>>
      %dma_start3A_2268 = arith.constant 0 : i32
      %dma_start3A_2269 = tpu.memref_slice %arg9[%add3A_208, %dma_start3A_2268] : memref<64x16xf32, #tpu.memory_space<vmem_shared>> -> memref<8x16xf32, #tpu.memory_space<vmem_shared>>
      tpu.enqueue_dma source(%dma_start3A_2269 : memref<8x16xf32, #tpu.memory_space<vmem_shared>>) target(%arg8 : memref<8x16xf32, #tpu.memory_space<vmem>>) target_semaphore(%run_scoped3A : memref<!tpu.dma_semaphore, #tpu.memory_space<semaphore_mem>>)
      %dma_wait3A = arith.constant 0 : i32
      %dma_wait3A_2270 = tpu.memref_slice %arg9[%add3A_208, %dma_wait3A] : memref<64x16xf32, #tpu.memory_space<vmem_shared>> -> memref<8x16xf32, #tpu.memory_space<vmem_shared>>
      %dma_wait3A_2271 = arith.constant 0 : i32
      %dma_wait3A_2272 = tpu.memref_slice %arg9[%add3A_208, %dma_wait3A_2271] : memref<64x16xf32, #tpu.memory_space<vmem_shared>> -> memref<8x16xf32, #tpu.memory_space<vmem_shared>>
      tpu.wait_dma2 semaphore(%run_scoped3A : memref<!tpu.dma_semaphore, #tpu.memory_space<semaphore_mem>>) src(%dma_wait3A_2272 : memref<8x16xf32, #tpu.memory_space<vmem_shared>>) dst(%arg8 : memref<8x16xf32, #tpu.memory_space<vmem>>)
      tpu.yield
    }) : () -> ()
    %get3A = arith.constant 0 : i32
    %get3A_210 = arith.index_cast %get3A : i32 to index
    %get3A_211 = arith.constant 0 : index
    %get3A_212 = tpu.vector_load %arg8[%get3A_210, %get3A_211] {strides = array<i32>} : memref<8x16xf32, #tpu.memory_space<vmem>>, vector<16xf32>,
    %add3A_213 = arith.addf %broadcast_in_dim3A_31, %get3A_212 : vector<16xf32>
    %get3A_214 = arith.constant 1 : i32
    %get3A_215 = arith.index_cast %get3A_214 : i32 to index
    %get3A_216 = arith.constant 0 : index
    %get3A_217 = tpu.vector_load %arg8[%get3A_215, %get3A_216] {strides = array<i32>} : memref<8x16xf32, #tpu.memory_space<vmem>>, vector<16xf32>,
    %add3A_218 = arith.addf %add3A_213, %get3A_217 : vector<16xf32>
    %get3A_219 = arith.constant 2 : i32
    %get3A_220 = arith.index_cast %get3A_219 : i32 to index
    %get3A_221 = arith.constant 0 : index
    %get3A_222 = tpu.vector_load %arg8[%get3A_220, %get3A_221] {strides = array<i32>} : memref<8x16xf32, #tpu.memory_space<vmem>>, vector<16xf32>,
    %add3A_223 = arith.addf %add3A_218, %get3A_222 : vector<16xf32>
    %get3A_224 = arith.constant 3 : i32
    %get3A_225 = arith.index_cast %get3A_224 : i32 to index
    %get3A_226 = arith.constant 0 : index
    %get3A_227 = tpu.vector_load %arg8[%get3A_225, %get3A_226] {strides = array<i32>} : memref<8x16xf32, #tpu.memory_space<vmem>>, vector<16xf32>,
    %add3A_228 = arith.addf %add3A_223, %get3A_227 : vector<16xf32>
    %get3A_229 = arith.constant 4 : i32
    %get3A_230 = arith.index_cast %get3A_229 : i32 to index
    %get3A_231 = arith.constant 0 : index
    %get3A_232 = tpu.vector_load %arg8[%get3A_230, %get3A_231] {strides = array<i32>} : memref<8x16xf32, #tpu.memory_space<vmem>>, vector<16xf32>,
    %add3A_233 = arith.addf %add3A_228, %get3A_232 : vector<16xf32>
    %get3A_234 = arith.constant 5 : i32
    %get3A_235 = arith.index_cast %get3A_234 : i32 to index
    %get3A_236 = arith.constant 0 : index
    %get3A_237 = tpu.vector_load %arg8[%get3A_235, %get3A_236] {strides = array<i32>} : memref<8x16xf32, #tpu.memory_space<vmem>>, vector<16xf32>,
    %add3A_238 = arith.addf %add3A_233, %get3A_237 : vector<16xf32>
    %get3A_239 = arith.constant 6 : i32
    %get3A_240 = arith.index_cast %get3A_239 : i32 to index
    %get3A_241 = arith.constant 0 : index
    %get3A_242 = tpu.vector_load %arg8[%get3A_240, %get3A_241] {strides = array<i32>} : memref<8x16xf32, #tpu.memory_space<vmem>>, vector<16xf32>,
    %add3A_243 = arith.addf %add3A_238, %get3A_242 : vector<16xf32>
    %get3A_244 = arith.constant 7 : i32
    %get3A_245 = arith.index_cast %get3A_244 : i32 to index
    %get3A_246 = arith.constant 0 : index
    %get3A_247 = tpu.vector_load %arg8[%get3A_245, %get3A_246] {strides = array<i32>} : memref<8x16xf32, #tpu.memory_space<vmem>>, vector<16xf32>,
    %add3A_248 = arith.addf %add3A_243, %get3A_247 : vector<16xf32>
    %rev3A = arith.constant 15 : i32
    %rev3A_249 = vector.broadcast %rev3A : i32 to vector<16xi32>
    %rev3A_250 = tpu.iota {dimensions = array<i32: 0>} : vector<16xi32>
    %rev3A_251 = arith.subi %rev3A_249, %rev3A_250 : vector<16xi32>
    %rev3A_252 = tpu.dynamic_gather %add3A_248[%rev3A_251] in [0] : vector<16xf32>, vector<16xi32> -> vector<16xf32>
    %broadcast_in_dim3A_253 = arith.constant true
    %broadcast_in_dim3A_254 = vector.broadcast %broadcast_in_dim3A_253 : i1 to vector<16xi1>
    %masked_cumsum3A = tpu.scan <sum>, %rev3A_252 masked %broadcast_in_dim3A_254 : vector<16xf32>, vector<16xi1> -> vector<16xf32>
    %rev3A_255 = arith.constant 15 : i32
    %rev3A_256 = vector.broadcast %rev3A_255 : i32 to vector<16xi32>
    %rev3A_257 = tpu.iota {dimensions = array<i32: 0>} : vector<16xi32>
    %rev3A_258 = arith.subi %rev3A_256, %rev3A_257 : vector<16xi32>
    %rev3A_259 = tpu.dynamic_gather %masked_cumsum3A[%rev3A_258] in [0] : vector<16xf32>, vector<16xi32> -> vector<16xf32>
    %sub3A_260 = arith.subf %rev3A_259, %add3A_248 : vector<16xf32>
    %add3A_261 = arith.constant 0.000000e+00 : f32
    %add3A_262 = vector.broadcast %add3A_261 : f32 to vector<16xf32>
    %add3A_263 = arith.addf %add3A_262, %sub3A_260 : vector<16xf32>
    %lt3A_264 = arith.constant 8.192000e+03 : f32
    %lt3A_265 = vector.broadcast %lt3A_264 : f32 to vector<16xf32>
    %lt3A_266 = arith.cmpf olt, %add3A_263, %lt3A_265 : vector<16xf32>
    %add3A_267 = arith.constant 0.000000e+00 : f32
    %add3A_268 = vector.broadcast %add3A_267 : f32 to vector<16xf32>
    %add3A_269 = arith.addf %add3A_268, %sub3A_260 : vector<16xf32>
    %add3A_270 = arith.addf %add3A_269, %add3A_248 : vector<16xf32>
    %ge3A = arith.constant 8.192000e+03 : f32
    %ge3A_271 = vector.broadcast %ge3A : f32 to vector<16xf32>
    %ge3A_272 = arith.cmpf oge, %add3A_270, %ge3A_271 : vector<16xf32>
    %and3A_273 = arith.andi %lt3A_266, %ge3A_272 : vector<16xi1>
    %jit3A_274 = arith.constant 1.000000e+00 : f32
    %jit3A_275 = arith.constant 0.000000e+00 : f32
    %broadcast_in_dim3A_276 = vector.broadcast %jit3A_274 : f32 to vector<16xf32>
    %broadcast_in_dim3A_277 = vector.broadcast %jit3A_275 : f32 to vector<16xf32>
    %select_n3A_278 = arith.select %and3A_273, %broadcast_in_dim3A_276, %broadcast_in_dim3A_277 : vector<16xi1>, vector<16xf32>
    %convert_element_type3A = arith.sitofp %iota3A : vector<16xi32> to vector<16xf32>
    %mul3A_279 = arith.mulf %convert_element_type3A, %select_n3A_278 : vector<16xf32>
    %reduce_sum3A = arith.constant true
    %reduce_sum3A_280 = vector.broadcast %reduce_sum3A : i1 to vector<16xi1>
    %reduce_sum3A_281 = tpu.scan <sum>, %mul3A_279 masked %reduce_sum3A_280 : vector<16xf32>, vector<16xi1> -> vector<16xf32>
    %reduce_sum3A_282 = vector.extract %reduce_sum3A_281[15] : f32 from vector<16xf32>
    %mul3A_283 = arith.mulf %sub3A_260, %select_n3A_278 : vector<16xf32>
    %reduce_sum3A_284 = arith.constant true
    %reduce_sum3A_285 = vector.broadcast %reduce_sum3A_284 : i1 to vector<16xi1>
    %reduce_sum3A_286 = tpu.scan <sum>, %mul3A_283 masked %reduce_sum3A_285 : vector<16xf32>, vector<16xi1> -> vector<16xf32>
    %reduce_sum3A_287 = vector.extract %reduce_sum3A_286[15] : f32 from vector<16xf32>
    %add3A_288 = arith.constant 0.000000e+00 : f32
    %add3A_289 = arith.addf %add3A_288, %reduce_sum3A_287 : f32
    %mul3A_290 = arith.constant 0 : i32
    %mul3A_291 = arith.constant 16 : i32
    %mul3A_292 = arith.muli %mul3A_290, %mul3A_291 : i32
    %convert_element_type3A_293 = arith.fptosi %reduce_sum3A_282 : f32 to i32
    %add3A_294 = arith.addi %mul3A_292, %convert_element_type3A_293 : i32
    %swap3A_295 = arith.constant 0 : index
    %swap3A_296 = tpu.vector_load %arg6[%swap3A_295] {strides = array<i32>} : memref<256xf32, #tpu.memory_space<vmem>>, vector<16xf32>,
    tpu.vector_store %arg6[%swap3A_295], %broadcast_in_dim3A_31 {strides = array<i32>} : memref<256xf32, #tpu.memory_space<vmem>>, vector<16xf32>,
    %swap3A_297 = arith.constant 16 : index
    %swap3A_298 = tpu.vector_load %arg6[%swap3A_297] {strides = array<i32>} : memref<256xf32, #tpu.memory_space<vmem>>, vector<16xf32>,
    tpu.vector_store %arg6[%swap3A_297], %broadcast_in_dim3A_31 {strides = array<i32>} : memref<256xf32, #tpu.memory_space<vmem>>, vector<16xf32>,
    %swap3A_299 = arith.constant 32 : index
    %swap3A_300 = tpu.vector_load %arg6[%swap3A_299] {strides = array<i32>} : memref<256xf32, #tpu.memory_space<vmem>>, vector<16xf32>,
    tpu.vector_store %arg6[%swap3A_299], %broadcast_in_dim3A_31 {strides = array<i32>} : memref<256xf32, #tpu.memory_space<vmem>>, vector<16xf32>,
    %swap3A_301 = arith.constant 48 : index
    %swap3A_302 = tpu.vector_load %arg6[%swap3A_301] {strides = array<i32>} : memref<256xf32, #tpu.memory_space<vmem>>, vector<16xf32>,
    tpu.vector_store %arg6[%swap3A_301], %broadcast_in_dim3A_31 {strides = array<i32>} : memref<256xf32, #tpu.memory_space<vmem>>, vector<16xf32>,
    %swap3A_303 = arith.constant 64 : index
    %swap3A_304 = tpu.vector_load %arg6[%swap3A_303] {strides = array<i32>} : memref<256xf32, #tpu.memory_space<vmem>>, vector<16xf32>,
    tpu.vector_store %arg6[%swap3A_303], %broadcast_in_dim3A_31 {strides = array<i32>} : memref<256xf32, #tpu.memory_space<vmem>>, vector<16xf32>,
    %swap3A_305 = arith.constant 80 : index
    %swap3A_306 = tpu.vector_load %arg6[%swap3A_305] {strides = array<i32>} : memref<256xf32, #tpu.memory_space<vmem>>, vector<16xf32>,
    tpu.vector_store %arg6[%swap3A_305], %broadcast_in_dim3A_31 {strides = array<i32>} : memref<256xf32, #tpu.memory_space<vmem>>, vector<16xf32>,
    %swap3A_307 = arith.constant 96 : index
    %swap3A_308 = tpu.vector_load %arg6[%swap3A_307] {strides = array<i32>} : memref<256xf32, #tpu.memory_space<vmem>>, vector<16xf32>,
    tpu.vector_store %arg6[%swap3A_307], %broadcast_in_dim3A_31 {strides = array<i32>} : memref<256xf32, #tpu.memory_space<vmem>>, vector<16xf32>,
    %swap3A_309 = arith.constant 112 : index
    %swap3A_310 = tpu.vector_load %arg6[%swap3A_309] {strides = array<i32>} : memref<256xf32, #tpu.memory_space<vmem>>, vector<16xf32>,
    tpu.vector_store %arg6[%swap3A_309], %broadcast_in_dim3A_31 {strides = array<i32>} : memref<256xf32, #tpu.memory_space<vmem>>, vector<16xf32>,
    %swap3A_311 = arith.constant 128 : index
    %swap3A_312 = tpu.vector_load %arg6[%swap3A_311] {strides = array<i32>} : memref<256xf32, #tpu.memory_space<vmem>>, vector<16xf32>,
    tpu.vector_store %arg6[%swap3A_311], %broadcast_in_dim3A_31 {strides = array<i32>} : memref<256xf32, #tpu.memory_space<vmem>>, vector<16xf32>,
    %swap3A_313 = arith.constant 144 : index
    %swap3A_314 = tpu.vector_load %arg6[%swap3A_313] {strides = array<i32>} : memref<256xf32, #tpu.memory_space<vmem>>, vector<16xf32>,
    tpu.vector_store %arg6[%swap3A_313], %broadcast_in_dim3A_31 {strides = array<i32>} : memref<256xf32, #tpu.memory_space<vmem>>, vector<16xf32>,
    %swap3A_315 = arith.constant 160 : index
    %swap3A_316 = tpu.vector_load %arg6[%swap3A_315] {strides = array<i32>} : memref<256xf32, #tpu.memory_space<vmem>>, vector<16xf32>,
    tpu.vector_store %arg6[%swap3A_315], %broadcast_in_dim3A_31 {strides = array<i32>} : memref<256xf32, #tpu.memory_space<vmem>>, vector<16xf32>,
    %swap3A_317 = arith.constant 176 : index
    %swap3A_318 = tpu.vector_load %arg6[%swap3A_317] {strides = array<i32>} : memref<256xf32, #tpu.memory_space<vmem>>, vector<16xf32>,
    tpu.vector_store %arg6[%swap3A_317], %broadcast_in_dim3A_31 {strides = array<i32>} : memref<256xf32, #tpu.memory_space<vmem>>, vector<16xf32>,
    %swap3A_319 = arith.constant 192 : index
    %swap3A_320 = tpu.vector_load %arg6[%swap3A_319] {strides = array<i32>} : memref<256xf32, #tpu.memory_space<vmem>>, vector<16xf32>,
    tpu.vector_store %arg6[%swap3A_319], %broadcast_in_dim3A_31 {strides = array<i32>} : memref<256xf32, #tpu.memory_space<vmem>>, vector<16xf32>,
    %swap3A_321 = arith.constant 208 : index
    %swap3A_322 = tpu.vector_load %arg6[%swap3A_321] {strides = array<i32>} : memref<256xf32, #tpu.memory_space<vmem>>, vector<16xf32>,
    tpu.vector_store %arg6[%swap3A_321], %broadcast_in_dim3A_31 {strides = array<i32>} : memref<256xf32, #tpu.memory_space<vmem>>, vector<16xf32>,
    %swap3A_323 = arith.constant 224 : index
    %swap3A_324 = tpu.vector_load %arg6[%swap3A_323] {strides = array<i32>} : memref<256xf32, #tpu.memory_space<vmem>>, vector<16xf32>,
    tpu.vector_store %arg6[%swap3A_323], %broadcast_in_dim3A_31 {strides = array<i32>} : memref<256xf32, #tpu.memory_space<vmem>>, vector<16xf32>,
    %swap3A_325 = arith.constant 240 : index
    %swap3A_326 = tpu.vector_load %arg6[%swap3A_325] {strides = array<i32>} : memref<256xf32, #tpu.memory_space<vmem>>, vector<16xf32>,
    tpu.vector_store %arg6[%swap3A_325], %broadcast_in_dim3A_31 {strides = array<i32>} : memref<256xf32, #tpu.memory_space<vmem>>, vector<16xf32>,
    %scan3A_327 = arith.constant 0 : i32
    %scan3A_328 = arith.constant 0 : i32
    %scan3A_329 = arith.constant 128 : i32
    %scan3A_330 = arith.addi %scan3A_328, %scan3A_329 : i32
    %scan3A_331 = arith.constant 1 : i32
    scf.for %scan3A_2267 = %scan3A_328 to %scan3A_330 step %scan3A_331  : i32 {
      %mul3A_2268 = arith.constant 16 : i32
      %mul3A_2269 = arith.muli %scan3A_2267, %mul3A_2268 : i32
      %multiple_of3A = tpu.assume_multiple %mul3A_2269, 16 : i32
      %get3A_2270 = arith.index_cast %multiple_of3A : i32 to index
      %get3A_2271 = tpu.vector_load %arg4[%get3A_2270] {strides = array<i32>} : memref<2048xi32, #tpu.memory_space<vmem>>, vector<16xi32>,
      %xor3A_2272 = arith.xori %get3A_2271, %broadcast_in_dim3A_35 : vector<16xi32>
      %shift_right_logical3A = arith.constant 24 : i32
      %shift_right_logical3A_2273 = vector.broadcast %shift_right_logical3A : i32 to vector<16xi32>
      %shift_right_logical3A_2274 = arith.shrui %xor3A_2272, %shift_right_logical3A_2273 : vector<16xi32>
      %and3A_2275 = arith.constant 15 : i32
      %and3A_2276 = vector.broadcast %and3A_2275 : i32 to vector<16xi32>
      %and3A_2277 = arith.andi %shift_right_logical3A_2274, %and3A_2276 : vector<16xi32>
      %shift_right_logical3A_2278 = arith.constant 28 : i32
      %shift_right_logical3A_2279 = vector.broadcast %shift_right_logical3A_2278 : i32 to vector<16xi32>
      %shift_right_logical3A_2280 = arith.shrui %xor3A_2272, %shift_right_logical3A_2279 : vector<16xi32>
      %eq3A_2281 = vector.broadcast %add3A_294 : i32 to vector<16xi32>
      %eq3A_2282 = arith.cmpi eq, %shift_right_logical3A_2280, %eq3A_2281 : vector<16xi32>
      %mul3A_2283 = arith.constant 16 : i32
      %mul3A_2284 = vector.broadcast %mul3A_2283 : i32 to vector<16xi32>
      %mul3A_2285 = arith.muli %and3A_2277, %mul3A_2284 : vector<16xi32>
      %add3A_2286 = arith.addi %mul3A_2285, %iota3A : vector<16xi32>
      tpu.vector_store_idx %arg6[%add3A_2286], %broadcast_in_dim3A_33 masked %eq3A_2282 {add = true} : memref<256xf32, #tpu.memory_space<vmem>>[vector<16xi32>], vector<16xf32>, vector<16xi1>
    }
    %scan3A_332 = arith.constant 128 : i32
    %mul3A_333 = arith.constant 16 : i32
    %mul3A_334 = vector.broadcast %mul3A_333 : i32 to vector<16xi32>
    %mul3A_335 = arith.muli %iota3A, %mul3A_334 : vector<16xi32>
    %add3A_336 = arith.constant 0 : i32
    %add3A_337 = vector.broadcast %add3A_336 : i32 to vector<16xi32>
    %add3A_338 = arith.addi %mul3A_335, %add3A_337 : vector<16xi32>
    %gather3A_339 = tpu.vector_load_idx %arg6[%add3A_338] : memref<256xf32, #tpu.memory_space<vmem>>[vector<16xi32>], vector<16xf32>,
    %add3A_340 = arith.addf %broadcast_in_dim3A_31, %gather3A_339 : vector<16xf32>
    %mul3A_341 = arith.constant 16 : i32
    %mul3A_342 = vector.broadcast %mul3A_341 : i32 to vector<16xi32>
    %mul3A_343 = arith.muli %iota3A, %mul3A_342 : vector<16xi32>
    %add3A_344 = arith.constant 1 : i32
    %add3A_345 = vector.broadcast %add3A_344 : i32 to vector<16xi32>
    %add3A_346 = arith.addi %mul3A_343, %add3A_345 : vector<16xi32>
    %gather3A_347 = tpu.vector_load_idx %arg6[%add3A_346] : memref<256xf32, #tpu.memory_space<vmem>>[vector<16xi32>], vector<16xf32>,
    %add3A_348 = arith.addf %add3A_340, %gather3A_347 : vector<16xf32>
    %mul3A_349 = arith.constant 16 : i32
    %mul3A_350 = vector.broadcast %mul3A_349 : i32 to vector<16xi32>
    %mul3A_351 = arith.muli %iota3A, %mul3A_350 : vector<16xi32>
    %add3A_352 = arith.constant 2 : i32
    %add3A_353 = vector.broadcast %add3A_352 : i32 to vector<16xi32>
    %add3A_354 = arith.addi %mul3A_351, %add3A_353 : vector<16xi32>
    %gather3A_355 = tpu.vector_load_idx %arg6[%add3A_354] : memref<256xf32, #tpu.memory_space<vmem>>[vector<16xi32>], vector<16xf32>,
    %add3A_356 = arith.addf %add3A_348, %gather3A_355 : vector<16xf32>
    %mul3A_357 = arith.constant 16 : i32
    %mul3A_358 = vector.broadcast %mul3A_357 : i32 to vector<16xi32>
    %mul3A_359 = arith.muli %iota3A, %mul3A_358 : vector<16xi32>
    %add3A_360 = arith.constant 3 : i32
    %add3A_361 = vector.broadcast %add3A_360 : i32 to vector<16xi32>
    %add3A_362 = arith.addi %mul3A_359, %add3A_361 : vector<16xi32>
    %gather3A_363 = tpu.vector_load_idx %arg6[%add3A_362] : memref<256xf32, #tpu.memory_space<vmem>>[vector<16xi32>], vector<16xf32>,
    %add3A_364 = arith.addf %add3A_356, %gather3A_363 : vector<16xf32>
    %mul3A_365 = arith.constant 16 : i32
    %mul3A_366 = vector.broadcast %mul3A_365 : i32 to vector<16xi32>
    %mul3A_367 = arith.muli %iota3A, %mul3A_366 : vector<16xi32>
    %add3A_368 = arith.constant 4 : i32
    %add3A_369 = vector.broadcast %add3A_368 : i32 to vector<16xi32>
    %add3A_370 = arith.addi %mul3A_367, %add3A_369 : vector<16xi32>
    %gather3A_371 = tpu.vector_load_idx %arg6[%add3A_370] : memref<256xf32, #tpu.memory_space<vmem>>[vector<16xi32>], vector<16xf32>,
    %add3A_372 = arith.addf %add3A_364, %gather3A_371 : vector<16xf32>
    %mul3A_373 = arith.constant 16 : i32
    %mul3A_374 = vector.broadcast %mul3A_373 : i32 to vector<16xi32>
    %mul3A_375 = arith.muli %iota3A, %mul3A_374 : vector<16xi32>
    %add3A_376 = arith.constant 5 : i32
    %add3A_377 = vector.broadcast %add3A_376 : i32 to vector<16xi32>
    %add3A_378 = arith.addi %mul3A_375, %add3A_377 : vector<16xi32>
    %gather3A_379 = tpu.vector_load_idx %arg6[%add3A_378] : memref<256xf32, #tpu.memory_space<vmem>>[vector<16xi32>], vector<16xf32>,
    %add3A_380 = arith.addf %add3A_372, %gather3A_379 : vector<16xf32>
    %mul3A_381 = arith.constant 16 : i32
    %mul3A_382 = vector.broadcast %mul3A_381 : i32 to vector<16xi32>
    %mul3A_383 = arith.muli %iota3A, %mul3A_382 : vector<16xi32>
    %add3A_384 = arith.constant 6 : i32
    %add3A_385 = vector.broadcast %add3A_384 : i32 to vector<16xi32>
    %add3A_386 = arith.addi %mul3A_383, %add3A_385 : vector<16xi32>
    %gather3A_387 = tpu.vector_load_idx %arg6[%add3A_386] : memref<256xf32, #tpu.memory_space<vmem>>[vector<16xi32>], vector<16xf32>,
    %add3A_388 = arith.addf %add3A_380, %gather3A_387 : vector<16xf32>
    %mul3A_389 = arith.constant 16 : i32
    %mul3A_390 = vector.broadcast %mul3A_389 : i32 to vector<16xi32>
    %mul3A_391 = arith.muli %iota3A, %mul3A_390 : vector<16xi32>
    %add3A_392 = arith.constant 7 : i32
    %add3A_393 = vector.broadcast %add3A_392 : i32 to vector<16xi32>
    %add3A_394 = arith.addi %mul3A_391, %add3A_393 : vector<16xi32>
    %gather3A_395 = tpu.vector_load_idx %arg6[%add3A_394] : memref<256xf32, #tpu.memory_space<vmem>>[vector<16xi32>], vector<16xf32>,
    %add3A_396 = arith.addf %add3A_388, %gather3A_395 : vector<16xf32>
    %mul3A_397 = arith.constant 16 : i32
    %mul3A_398 = vector.broadcast %mul3A_397 : i32 to vector<16xi32>
    %mul3A_399 = arith.muli %iota3A, %mul3A_398 : vector<16xi32>
    %add3A_400 = arith.constant 8 : i32
    %add3A_401 = vector.broadcast %add3A_400 : i32 to vector<16xi32>
    %add3A_402 = arith.addi %mul3A_399, %add3A_401 : vector<16xi32>
    %gather3A_403 = tpu.vector_load_idx %arg6[%add3A_402] : memref<256xf32, #tpu.memory_space<vmem>>[vector<16xi32>], vector<16xf32>,
    %add3A_404 = arith.addf %add3A_396, %gather3A_403 : vector<16xf32>
    %mul3A_405 = arith.constant 16 : i32
    %mul3A_406 = vector.broadcast %mul3A_405 : i32 to vector<16xi32>
    %mul3A_407 = arith.muli %iota3A, %mul3A_406 : vector<16xi32>
    %add3A_408 = arith.constant 9 : i32
    %add3A_409 = vector.broadcast %add3A_408 : i32 to vector<16xi32>
    %add3A_410 = arith.addi %mul3A_407, %add3A_409 : vector<16xi32>
    %gather3A_411 = tpu.vector_load_idx %arg6[%add3A_410] : memref<256xf32, #tpu.memory_space<vmem>>[vector<16xi32>], vector<16xf32>,
    %add3A_412 = arith.addf %add3A_404, %gather3A_411 : vector<16xf32>
    %mul3A_413 = arith.constant 16 : i32
    %mul3A_414 = vector.broadcast %mul3A_413 : i32 to vector<16xi32>
    %mul3A_415 = arith.muli %iota3A, %mul3A_414 : vector<16xi32>
    %add3A_416 = arith.constant 10 : i32
    %add3A_417 = vector.broadcast %add3A_416 : i32 to vector<16xi32>
    %add3A_418 = arith.addi %mul3A_415, %add3A_417 : vector<16xi32>
    %gather3A_419 = tpu.vector_load_idx %arg6[%add3A_418] : memref<256xf32, #tpu.memory_space<vmem>>[vector<16xi32>], vector<16xf32>,
    %add3A_420 = arith.addf %add3A_412, %gather3A_419 : vector<16xf32>
    %mul3A_421 = arith.constant 16 : i32
    %mul3A_422 = vector.broadcast %mul3A_421 : i32 to vector<16xi32>
    %mul3A_423 = arith.muli %iota3A, %mul3A_422 : vector<16xi32>
    %add3A_424 = arith.constant 11 : i32
    %add3A_425 = vector.broadcast %add3A_424 : i32 to vector<16xi32>
    %add3A_426 = arith.addi %mul3A_423, %add3A_425 : vector<16xi32>
    %gather3A_427 = tpu.vector_load_idx %arg6[%add3A_426] : memref<256xf32, #tpu.memory_space<vmem>>[vector<16xi32>], vector<16xf32>,
    %add3A_428 = arith.addf %add3A_420, %gather3A_427 : vector<16xf32>
    %mul3A_429 = arith.constant 16 : i32
    %mul3A_430 = vector.broadcast %mul3A_429 : i32 to vector<16xi32>
    %mul3A_431 = arith.muli %iota3A, %mul3A_430 : vector<16xi32>
    %add3A_432 = arith.constant 12 : i32
    %add3A_433 = vector.broadcast %add3A_432 : i32 to vector<16xi32>
    %add3A_434 = arith.addi %mul3A_431, %add3A_433 : vector<16xi32>
    %gather3A_435 = tpu.vector_load_idx %arg6[%add3A_434] : memref<256xf32, #tpu.memory_space<vmem>>[vector<16xi32>], vector<16xf32>,
    %add3A_436 = arith.addf %add3A_428, %gather3A_435 : vector<16xf32>
    %mul3A_437 = arith.constant 16 : i32
    %mul3A_438 = vector.broadcast %mul3A_437 : i32 to vector<16xi32>
    %mul3A_439 = arith.muli %iota3A, %mul3A_438 : vector<16xi32>
    %add3A_440 = arith.constant 13 : i32
    %add3A_441 = vector.broadcast %add3A_440 : i32 to vector<16xi32>
    %add3A_442 = arith.addi %mul3A_439, %add3A_441 : vector<16xi32>
    %gather3A_443 = tpu.vector_load_idx %arg6[%add3A_442] : memref<256xf32, #tpu.memory_space<vmem>>[vector<16xi32>], vector<16xf32>,
    %add3A_444 = arith.addf %add3A_436, %gather3A_443 : vector<16xf32>
    %mul3A_445 = arith.constant 16 : i32
    %mul3A_446 = vector.broadcast %mul3A_445 : i32 to vector<16xi32>
    %mul3A_447 = arith.muli %iota3A, %mul3A_446 : vector<16xi32>
    %add3A_448 = arith.constant 14 : i32
    %add3A_449 = vector.broadcast %add3A_448 : i32 to vector<16xi32>
    %add3A_450 = arith.addi %mul3A_447, %add3A_449 : vector<16xi32>
    %gather3A_451 = tpu.vector_load_idx %arg6[%add3A_450] : memref<256xf32, #tpu.memory_space<vmem>>[vector<16xi32>], vector<16xf32>,
    %add3A_452 = arith.addf %add3A_444, %gather3A_451 : vector<16xf32>
    %mul3A_453 = arith.constant 16 : i32
    %mul3A_454 = vector.broadcast %mul3A_453 : i32 to vector<16xi32>
    %mul3A_455 = arith.muli %iota3A, %mul3A_454 : vector<16xi32>
    %add3A_456 = arith.constant 15 : i32
    %add3A_457 = vector.broadcast %add3A_456 : i32 to vector<16xi32>
    %add3A_458 = arith.addi %mul3A_455, %add3A_457 : vector<16xi32>
    %gather3A_459 = tpu.vector_load_idx %arg6[%add3A_458] : memref<256xf32, #tpu.memory_space<vmem>>[vector<16xi32>], vector<16xf32>,
    %add3A_460 = arith.addf %add3A_452, %gather3A_459 : vector<16xf32>
    %swap3A_461 = arith.constant 0 : index
    %swap3A_462 = tpu.vector_load %arg7[%swap3A_461] {strides = array<i32>} : memref<16xf32, #tpu.memory_space<vmem>>, vector<16xf32>,
    tpu.vector_store %arg7[%swap3A_461], %add3A_460 {strides = array<i32>} : memref<16xf32, #tpu.memory_space<vmem>>, vector<16xf32>,
    %mul3A_463 = arith.constant 16 : i32
    %mul3A_464 = arith.muli %select_n3A, %mul3A_463 : i32
    %add3A_465 = arith.constant 32 : i32
    %add3A_466 = arith.addi %add3A_465, %mul3A_464 : i32
    %add3A_467 = arith.constant 8 : i32
    %add3A_468 = arith.addi %add3A_466, %add3A_467 : i32
    %add3A_469 = arith.addi %add3A_468, %select_n3A_28 : i32
    "tpu.region"() ({
      %run_scoped3A = tpu.sem_alloc : memref<!tpu.dma_semaphore, #tpu.memory_space<semaphore_mem>>
      %dma_start3A = arith.constant 0 : i32
      %dma_start3A_2267 = tpu.memref_slice %arg9[%add3A_469, %dma_start3A] : memref<64x16xf32, #tpu.memory_space<vmem_shared>> -> memref<1x16xf32, #tpu.memory_space<vmem_shared>>
      %dma_start3A_2268 = tpu.memref_squeeze %dma_start3A_2267 : memref<1x16xf32, #tpu.memory_space<vmem_shared>> -> memref<16xf32, #tpu.memory_space<vmem_shared>>
      %dma_start3A_2269 = arith.constant 0 : i32
      %dma_start3A_2270 = tpu.memref_slice %arg9[%add3A_469, %dma_start3A_2269] : memref<64x16xf32, #tpu.memory_space<vmem_shared>> -> memref<1x16xf32, #tpu.memory_space<vmem_shared>>
      %dma_start3A_2271 = tpu.memref_squeeze %dma_start3A_2270 : memref<1x16xf32, #tpu.memory_space<vmem_shared>> -> memref<16xf32, #tpu.memory_space<vmem_shared>>
      tpu.enqueue_dma source(%arg7 : memref<16xf32, #tpu.memory_space<vmem>>) target(%dma_start3A_2271 : memref<16xf32, #tpu.memory_space<vmem_shared>>) target_semaphore(%run_scoped3A : memref<!tpu.dma_semaphore, #tpu.memory_space<semaphore_mem>>)
      %dma_wait3A = arith.constant 0 : i32
      %dma_wait3A_2272 = tpu.memref_slice %arg9[%add3A_469, %dma_wait3A] : memref<64x16xf32, #tpu.memory_space<vmem_shared>> -> memref<1x16xf32, #tpu.memory_space<vmem_shared>>
      %dma_wait3A_2273 = tpu.memref_squeeze %dma_wait3A_2272 : memref<1x16xf32, #tpu.memory_space<vmem_shared>> -> memref<16xf32, #tpu.memory_space<vmem_shared>>
      %dma_wait3A_2274 = arith.constant 0 : i32
      %dma_wait3A_2275 = tpu.memref_slice %arg9[%add3A_469, %dma_wait3A_2274] : memref<64x16xf32, #tpu.memory_space<vmem_shared>> -> memref<1x16xf32, #tpu.memory_space<vmem_shared>>
      %dma_wait3A_2276 = tpu.memref_squeeze %dma_wait3A_2275 : memref<1x16xf32, #tpu.memory_space<vmem_shared>> -> memref<16xf32, #tpu.memory_space<vmem_shared>>
      tpu.wait_dma2 semaphore(%run_scoped3A : memref<!tpu.dma_semaphore, #tpu.memory_space<semaphore_mem>>) src(%arg7 : memref<16xf32, #tpu.memory_space<vmem>>) dst(%dma_wait3A_2276 : memref<16xf32, #tpu.memory_space<vmem_shared>>)
      tpu.yield
    }) : () -> ()
    %barrier3A_470 = arith.constant 0 : index
    tpu.barrier barrier_id(%barrier3A_470)
    "tpu.region"() ({
      %run_scoped3A = tpu.sem_alloc : memref<!tpu.dma_semaphore, #tpu.memory_space<semaphore_mem>>
      %dma_start3A = arith.constant 0 : i32
      %dma_start3A_2267 = tpu.memref_slice %arg9[%add3A_468, %dma_start3A] : memref<64x16xf32, #tpu.memory_space<vmem_shared>> -> memref<8x16xf32, #tpu.memory_space<vmem_shared>>
      %dma_start3A_2268 = arith.constant 0 : i32
      %dma_start3A_2269 = tpu.memref_slice %arg9[%add3A_468, %dma_start3A_2268] : memref<64x16xf32, #tpu.memory_space<vmem_shared>> -> memref<8x16xf32, #tpu.memory_space<vmem_shared>>
      tpu.enqueue_dma source(%dma_start3A_2269 : memref<8x16xf32, #tpu.memory_space<vmem_shared>>) target(%arg8 : memref<8x16xf32, #tpu.memory_space<vmem>>) target_semaphore(%run_scoped3A : memref<!tpu.dma_semaphore, #tpu.memory_space<semaphore_mem>>)
      %dma_wait3A = arith.constant 0 : i32
      %dma_wait3A_2270 = tpu.memref_slice %arg9[%add3A_468, %dma_wait3A] : memref<64x16xf32, #tpu.memory_space<vmem_shared>> -> memref<8x16xf32, #tpu.memory_space<vmem_shared>>
      %dma_wait3A_2271 = arith.constant 0 : i32
      %dma_wait3A_2272 = tpu.memref_slice %arg9[%add3A_468, %dma_wait3A_2271] : memref<64x16xf32, #tpu.memory_space<vmem_shared>> -> memref<8x16xf32, #tpu.memory_space<vmem_shared>>
      tpu.wait_dma2 semaphore(%run_scoped3A : memref<!tpu.dma_semaphore, #tpu.memory_space<semaphore_mem>>) src(%dma_wait3A_2272 : memref<8x16xf32, #tpu.memory_space<vmem_shared>>) dst(%arg8 : memref<8x16xf32, #tpu.memory_space<vmem>>)
      tpu.yield
    }) : () -> ()
    %get3A_471 = arith.constant 0 : i32
    %get3A_472 = arith.index_cast %get3A_471 : i32 to index
    %get3A_473 = arith.constant 0 : index
    %get3A_474 = tpu.vector_load %arg8[%get3A_472, %get3A_473] {strides = array<i32>} : memref<8x16xf32, #tpu.memory_space<vmem>>, vector<16xf32>,
    %add3A_475 = arith.addf %broadcast_in_dim3A_31, %get3A_474 : vector<16xf32>
    %get3A_476 = arith.constant 1 : i32
    %get3A_477 = arith.index_cast %get3A_476 : i32 to index
    %get3A_478 = arith.constant 0 : index
    %get3A_479 = tpu.vector_load %arg8[%get3A_477, %get3A_478] {strides = array<i32>} : memref<8x16xf32, #tpu.memory_space<vmem>>, vector<16xf32>,
    %add3A_480 = arith.addf %add3A_475, %get3A_479 : vector<16xf32>
    %get3A_481 = arith.constant 2 : i32
    %get3A_482 = arith.index_cast %get3A_481 : i32 to index
    %get3A_483 = arith.constant 0 : index
    %get3A_484 = tpu.vector_load %arg8[%get3A_482, %get3A_483] {strides = array<i32>} : memref<8x16xf32, #tpu.memory_space<vmem>>, vector<16xf32>,
    %add3A_485 = arith.addf %add3A_480, %get3A_484 : vector<16xf32>
    %get3A_486 = arith.constant 3 : i32
    %get3A_487 = arith.index_cast %get3A_486 : i32 to index
    %get3A_488 = arith.constant 0 : index
    %get3A_489 = tpu.vector_load %arg8[%get3A_487, %get3A_488] {strides = array<i32>} : memref<8x16xf32, #tpu.memory_space<vmem>>, vector<16xf32>,
    %add3A_490 = arith.addf %add3A_485, %get3A_489 : vector<16xf32>
    %get3A_491 = arith.constant 4 : i32
    %get3A_492 = arith.index_cast %get3A_491 : i32 to index
    %get3A_493 = arith.constant 0 : index
    %get3A_494 = tpu.vector_load %arg8[%get3A_492, %get3A_493] {strides = array<i32>} : memref<8x16xf32, #tpu.memory_space<vmem>>, vector<16xf32>,
    %add3A_495 = arith.addf %add3A_490, %get3A_494 : vector<16xf32>
    %get3A_496 = arith.constant 5 : i32
    %get3A_497 = arith.index_cast %get3A_496 : i32 to index
    %get3A_498 = arith.constant 0 : index
    %get3A_499 = tpu.vector_load %arg8[%get3A_497, %get3A_498] {strides = array<i32>} : memref<8x16xf32, #tpu.memory_space<vmem>>, vector<16xf32>,
    %add3A_500 = arith.addf %add3A_495, %get3A_499 : vector<16xf32>
    %get3A_501 = arith.constant 6 : i32
    %get3A_502 = arith.index_cast %get3A_501 : i32 to index
    %get3A_503 = arith.constant 0 : index
    %get3A_504 = tpu.vector_load %arg8[%get3A_502, %get3A_503] {strides = array<i32>} : memref<8x16xf32, #tpu.memory_space<vmem>>, vector<16xf32>,
    %add3A_505 = arith.addf %add3A_500, %get3A_504 : vector<16xf32>
    %get3A_506 = arith.constant 7 : i32
    %get3A_507 = arith.index_cast %get3A_506 : i32 to index
    %get3A_508 = arith.constant 0 : index
    %get3A_509 = tpu.vector_load %arg8[%get3A_507, %get3A_508] {strides = array<i32>} : memref<8x16xf32, #tpu.memory_space<vmem>>, vector<16xf32>,
    %add3A_510 = arith.addf %add3A_505, %get3A_509 : vector<16xf32>
    %rev3A_511 = arith.constant 15 : i32
    %rev3A_512 = vector.broadcast %rev3A_511 : i32 to vector<16xi32>
    %rev3A_513 = tpu.iota {dimensions = array<i32: 0>} : vector<16xi32>
    %rev3A_514 = arith.subi %rev3A_512, %rev3A_513 : vector<16xi32>
    %rev3A_515 = tpu.dynamic_gather %add3A_510[%rev3A_514] in [0] : vector<16xf32>, vector<16xi32> -> vector<16xf32>
    %broadcast_in_dim3A_516 = arith.constant true
    %broadcast_in_dim3A_517 = vector.broadcast %broadcast_in_dim3A_516 : i1 to vector<16xi1>
    %masked_cumsum3A_518 = tpu.scan <sum>, %rev3A_515 masked %broadcast_in_dim3A_517 : vector<16xf32>, vector<16xi1> -> vector<16xf32>
    %rev3A_519 = arith.constant 15 : i32
    %rev3A_520 = vector.broadcast %rev3A_519 : i32 to vector<16xi32>
    %rev3A_521 = tpu.iota {dimensions = array<i32: 0>} : vector<16xi32>
    %rev3A_522 = arith.subi %rev3A_520, %rev3A_521 : vector<16xi32>
    %rev3A_523 = tpu.dynamic_gather %masked_cumsum3A_518[%rev3A_522] in [0] : vector<16xf32>, vector<16xi32> -> vector<16xf32>
    %sub3A_524 = arith.subf %rev3A_523, %add3A_510 : vector<16xf32>
    %add3A_525 = vector.broadcast %add3A_289 : f32 to vector<16xf32>
    %add3A_526 = arith.addf %add3A_525, %sub3A_524 : vector<16xf32>
    %lt3A_527 = arith.constant 8.192000e+03 : f32
    %lt3A_528 = vector.broadcast %lt3A_527 : f32 to vector<16xf32>
    %lt3A_529 = arith.cmpf olt, %add3A_526, %lt3A_528 : vector<16xf32>
    %add3A_530 = vector.broadcast %add3A_289 : f32 to vector<16xf32>
    %add3A_531 = arith.addf %add3A_530, %sub3A_524 : vector<16xf32>
    %add3A_532 = arith.addf %add3A_531, %add3A_510 : vector<16xf32>
    %ge3A_533 = arith.constant 8.192000e+03 : f32
    %ge3A_534 = vector.broadcast %ge3A_533 : f32 to vector<16xf32>
    %ge3A_535 = arith.cmpf oge, %add3A_532, %ge3A_534 : vector<16xf32>
    %and3A_536 = arith.andi %lt3A_529, %ge3A_535 : vector<16xi1>
    %jit3A_537 = arith.constant 1.000000e+00 : f32
    %jit3A_538 = arith.constant 0.000000e+00 : f32
    %broadcast_in_dim3A_539 = vector.broadcast %jit3A_537 : f32 to vector<16xf32>
    %broadcast_in_dim3A_540 = vector.broadcast %jit3A_538 : f32 to vector<16xf32>
    %select_n3A_541 = arith.select %and3A_536, %broadcast_in_dim3A_539, %broadcast_in_dim3A_540 : vector<16xi1>, vector<16xf32>
    %convert_element_type3A_542 = arith.sitofp %iota3A : vector<16xi32> to vector<16xf32>
    %mul3A_543 = arith.mulf %convert_element_type3A_542, %select_n3A_541 : vector<16xf32>
    %reduce_sum3A_544 = arith.constant true
    %reduce_sum3A_545 = vector.broadcast %reduce_sum3A_544 : i1 to vector<16xi1>
    %reduce_sum3A_546 = tpu.scan <sum>, %mul3A_543 masked %reduce_sum3A_545 : vector<16xf32>, vector<16xi1> -> vector<16xf32>
    %reduce_sum3A_547 = vector.extract %reduce_sum3A_546[15] : f32 from vector<16xf32>
    %mul3A_548 = arith.mulf %sub3A_524, %select_n3A_541 : vector<16xf32>
    %reduce_sum3A_549 = arith.constant true
    %reduce_sum3A_550 = vector.broadcast %reduce_sum3A_549 : i1 to vector<16xi1>
    %reduce_sum3A_551 = tpu.scan <sum>, %mul3A_548 masked %reduce_sum3A_550 : vector<16xf32>, vector<16xi1> -> vector<16xf32>
    %reduce_sum3A_552 = vector.extract %reduce_sum3A_551[15] : f32 from vector<16xf32>
    %add3A_553 = arith.addf %add3A_289, %reduce_sum3A_552 : f32
    %mul3A_554 = arith.constant 16 : i32
    %mul3A_555 = arith.muli %add3A_294, %mul3A_554 : i32
    %convert_element_type3A_556 = arith.fptosi %reduce_sum3A_547 : f32 to i32
    %add3A_557 = arith.addi %mul3A_555, %convert_element_type3A_556 : i32
    %swap3A_558 = arith.constant 0 : index
    %swap3A_559 = tpu.vector_load %arg6[%swap3A_558] {strides = array<i32>} : memref<256xf32, #tpu.memory_space<vmem>>, vector<16xf32>,
    tpu.vector_store %arg6[%swap3A_558], %broadcast_in_dim3A_31 {strides = array<i32>} : memref<256xf32, #tpu.memory_space<vmem>>, vector<16xf32>,
    %swap3A_560 = arith.constant 16 : index
    %swap3A_561 = tpu.vector_load %arg6[%swap3A_560] {strides = array<i32>} : memref<256xf32, #tpu.memory_space<vmem>>, vector<16xf32>,
    tpu.vector_store %arg6[%swap3A_560], %broadcast_in_dim3A_31 {strides = array<i32>} : memref<256xf32, #tpu.memory_space<vmem>>, vector<16xf32>,
    %swap3A_562 = arith.constant 32 : index
    %swap3A_563 = tpu.vector_load %arg6[%swap3A_562] {strides = array<i32>} : memref<256xf32, #tpu.memory_space<vmem>>, vector<16xf32>,
    tpu.vector_store %arg6[%swap3A_562], %broadcast_in_dim3A_31 {strides = array<i32>} : memref<256xf32, #tpu.memory_space<vmem>>, vector<16xf32>,
    %swap3A_564 = arith.constant 48 : index
    %swap3A_565 = tpu.vector_load %arg6[%swap3A_564] {strides = array<i32>} : memref<256xf32, #tpu.memory_space<vmem>>, vector<16xf32>,
    tpu.vector_store %arg6[%swap3A_564], %broadcast_in_dim3A_31 {strides = array<i32>} : memref<256xf32, #tpu.memory_space<vmem>>, vector<16xf32>,
    %swap3A_566 = arith.constant 64 : index
    %swap3A_567 = tpu.vector_load %arg6[%swap3A_566] {strides = array<i32>} : memref<256xf32, #tpu.memory_space<vmem>>, vector<16xf32>,
    tpu.vector_store %arg6[%swap3A_566], %broadcast_in_dim3A_31 {strides = array<i32>} : memref<256xf32, #tpu.memory_space<vmem>>, vector<16xf32>,
    %swap3A_568 = arith.constant 80 : index
    %swap3A_569 = tpu.vector_load %arg6[%swap3A_568] {strides = array<i32>} : memref<256xf32, #tpu.memory_space<vmem>>, vector<16xf32>,
    tpu.vector_store %arg6[%swap3A_568], %broadcast_in_dim3A_31 {strides = array<i32>} : memref<256xf32, #tpu.memory_space<vmem>>, vector<16xf32>,
    %swap3A_570 = arith.constant 96 : index
    %swap3A_571 = tpu.vector_load %arg6[%swap3A_570] {strides = array<i32>} : memref<256xf32, #tpu.memory_space<vmem>>, vector<16xf32>,
    tpu.vector_store %arg6[%swap3A_570], %broadcast_in_dim3A_31 {strides = array<i32>} : memref<256xf32, #tpu.memory_space<vmem>>, vector<16xf32>,
    %swap3A_572 = arith.constant 112 : index
    %swap3A_573 = tpu.vector_load %arg6[%swap3A_572] {strides = array<i32>} : memref<256xf32, #tpu.memory_space<vmem>>, vector<16xf32>,
    tpu.vector_store %arg6[%swap3A_572], %broadcast_in_dim3A_31 {strides = array<i32>} : memref<256xf32, #tpu.memory_space<vmem>>, vector<16xf32>,
    %swap3A_574 = arith.constant 128 : index
    %swap3A_575 = tpu.vector_load %arg6[%swap3A_574] {strides = array<i32>} : memref<256xf32, #tpu.memory_space<vmem>>, vector<16xf32>,
    tpu.vector_store %arg6[%swap3A_574], %broadcast_in_dim3A_31 {strides = array<i32>} : memref<256xf32, #tpu.memory_space<vmem>>, vector<16xf32>,
    %swap3A_576 = arith.constant 144 : index
    %swap3A_577 = tpu.vector_load %arg6[%swap3A_576] {strides = array<i32>} : memref<256xf32, #tpu.memory_space<vmem>>, vector<16xf32>,
    tpu.vector_store %arg6[%swap3A_576], %broadcast_in_dim3A_31 {strides = array<i32>} : memref<256xf32, #tpu.memory_space<vmem>>, vector<16xf32>,
    %swap3A_578 = arith.constant 160 : index
    %swap3A_579 = tpu.vector_load %arg6[%swap3A_578] {strides = array<i32>} : memref<256xf32, #tpu.memory_space<vmem>>, vector<16xf32>,
    tpu.vector_store %arg6[%swap3A_578], %broadcast_in_dim3A_31 {strides = array<i32>} : memref<256xf32, #tpu.memory_space<vmem>>, vector<16xf32>,
    %swap3A_580 = arith.constant 176 : index
    %swap3A_581 = tpu.vector_load %arg6[%swap3A_580] {strides = array<i32>} : memref<256xf32, #tpu.memory_space<vmem>>, vector<16xf32>,
    tpu.vector_store %arg6[%swap3A_580], %broadcast_in_dim3A_31 {strides = array<i32>} : memref<256xf32, #tpu.memory_space<vmem>>, vector<16xf32>,
    %swap3A_582 = arith.constant 192 : index
    %swap3A_583 = tpu.vector_load %arg6[%swap3A_582] {strides = array<i32>} : memref<256xf32, #tpu.memory_space<vmem>>, vector<16xf32>,
    tpu.vector_store %arg6[%swap3A_582], %broadcast_in_dim3A_31 {strides = array<i32>} : memref<256xf32, #tpu.memory_space<vmem>>, vector<16xf32>,
    %swap3A_584 = arith.constant 208 : index
    %swap3A_585 = tpu.vector_load %arg6[%swap3A_584] {strides = array<i32>} : memref<256xf32, #tpu.memory_space<vmem>>, vector<16xf32>,
    tpu.vector_store %arg6[%swap3A_584], %broadcast_in_dim3A_31 {strides = array<i32>} : memref<256xf32, #tpu.memory_space<vmem>>, vector<16xf32>,
    %swap3A_586 = arith.constant 224 : index
    %swap3A_587 = tpu.vector_load %arg6[%swap3A_586] {strides = array<i32>} : memref<256xf32, #tpu.memory_space<vmem>>, vector<16xf32>,
    tpu.vector_store %arg6[%swap3A_586], %broadcast_in_dim3A_31 {strides = array<i32>} : memref<256xf32, #tpu.memory_space<vmem>>, vector<16xf32>,
    %swap3A_588 = arith.constant 240 : index
    %swap3A_589 = tpu.vector_load %arg6[%swap3A_588] {strides = array<i32>} : memref<256xf32, #tpu.memory_space<vmem>>, vector<16xf32>,
    tpu.vector_store %arg6[%swap3A_588], %broadcast_in_dim3A_31 {strides = array<i32>} : memref<256xf32, #tpu.memory_space<vmem>>, vector<16xf32>,
    %scan3A_590 = arith.constant 0 : i32
    %scan3A_591 = arith.constant 0 : i32
    %scan3A_592 = arith.constant 128 : i32
    %scan3A_593 = arith.addi %scan3A_591, %scan3A_592 : i32
    %scan3A_594 = arith.constant 1 : i32
    scf.for %scan3A_2267 = %scan3A_591 to %scan3A_593 step %scan3A_594  : i32 {
      %mul3A_2268 = arith.constant 16 : i32
      %mul3A_2269 = arith.muli %scan3A_2267, %mul3A_2268 : i32
      %multiple_of3A = tpu.assume_multiple %mul3A_2269, 16 : i32
      %get3A_2270 = arith.index_cast %multiple_of3A : i32 to index
      %get3A_2271 = tpu.vector_load %arg4[%get3A_2270] {strides = array<i32>} : memref<2048xi32, #tpu.memory_space<vmem>>, vector<16xi32>,
      %xor3A_2272 = arith.xori %get3A_2271, %broadcast_in_dim3A_35 : vector<16xi32>
      %shift_right_logical3A = arith.constant 20 : i32
      %shift_right_logical3A_2273 = vector.broadcast %shift_right_logical3A : i32 to vector<16xi32>
      %shift_right_logical3A_2274 = arith.shrui %xor3A_2272, %shift_right_logical3A_2273 : vector<16xi32>
      %and3A_2275 = arith.constant 15 : i32
      %and3A_2276 = vector.broadcast %and3A_2275 : i32 to vector<16xi32>
      %and3A_2277 = arith.andi %shift_right_logical3A_2274, %and3A_2276 : vector<16xi32>
      %shift_right_logical3A_2278 = arith.constant 24 : i32
      %shift_right_logical3A_2279 = vector.broadcast %shift_right_logical3A_2278 : i32 to vector<16xi32>
      %shift_right_logical3A_2280 = arith.shrui %xor3A_2272, %shift_right_logical3A_2279 : vector<16xi32>
      %eq3A_2281 = vector.broadcast %add3A_557 : i32 to vector<16xi32>
      %eq3A_2282 = arith.cmpi eq, %shift_right_logical3A_2280, %eq3A_2281 : vector<16xi32>
      %mul3A_2283 = arith.constant 16 : i32
      %mul3A_2284 = vector.broadcast %mul3A_2283 : i32 to vector<16xi32>
      %mul3A_2285 = arith.muli %and3A_2277, %mul3A_2284 : vector<16xi32>
      %add3A_2286 = arith.addi %mul3A_2285, %iota3A : vector<16xi32>
      tpu.vector_store_idx %arg6[%add3A_2286], %broadcast_in_dim3A_33 masked %eq3A_2282 {add = true} : memref<256xf32, #tpu.memory_space<vmem>>[vector<16xi32>], vector<16xf32>, vector<16xi1>
    }
    %scan3A_595 = arith.constant 128 : i32
    %mul3A_596 = arith.constant 16 : i32
    %mul3A_597 = vector.broadcast %mul3A_596 : i32 to vector<16xi32>
    %mul3A_598 = arith.muli %iota3A, %mul3A_597 : vector<16xi32>
    %add3A_599 = arith.constant 0 : i32
    %add3A_600 = vector.broadcast %add3A_599 : i32 to vector<16xi32>
    %add3A_601 = arith.addi %mul3A_598, %add3A_600 : vector<16xi32>
    %gather3A_602 = tpu.vector_load_idx %arg6[%add3A_601] : memref<256xf32, #tpu.memory_space<vmem>>[vector<16xi32>], vector<16xf32>,
    %add3A_603 = arith.addf %broadcast_in_dim3A_31, %gather3A_602 : vector<16xf32>
    %mul3A_604 = arith.constant 16 : i32
    %mul3A_605 = vector.broadcast %mul3A_604 : i32 to vector<16xi32>
    %mul3A_606 = arith.muli %iota3A, %mul3A_605 : vector<16xi32>
    %add3A_607 = arith.constant 1 : i32
    %add3A_608 = vector.broadcast %add3A_607 : i32 to vector<16xi32>
    %add3A_609 = arith.addi %mul3A_606, %add3A_608 : vector<16xi32>
    %gather3A_610 = tpu.vector_load_idx %arg6[%add3A_609] : memref<256xf32, #tpu.memory_space<vmem>>[vector<16xi32>], vector<16xf32>,
    %add3A_611 = arith.addf %add3A_603, %gather3A_610 : vector<16xf32>
    %mul3A_612 = arith.constant 16 : i32
    %mul3A_613 = vector.broadcast %mul3A_612 : i32 to vector<16xi32>
    %mul3A_614 = arith.muli %iota3A, %mul3A_613 : vector<16xi32>
    %add3A_615 = arith.constant 2 : i32
    %add3A_616 = vector.broadcast %add3A_615 : i32 to vector<16xi32>
    %add3A_617 = arith.addi %mul3A_614, %add3A_616 : vector<16xi32>
    %gather3A_618 = tpu.vector_load_idx %arg6[%add3A_617] : memref<256xf32, #tpu.memory_space<vmem>>[vector<16xi32>], vector<16xf32>,
    %add3A_619 = arith.addf %add3A_611, %gather3A_618 : vector<16xf32>
    %mul3A_620 = arith.constant 16 : i32
    %mul3A_621 = vector.broadcast %mul3A_620 : i32 to vector<16xi32>
    %mul3A_622 = arith.muli %iota3A, %mul3A_621 : vector<16xi32>
    %add3A_623 = arith.constant 3 : i32
    %add3A_624 = vector.broadcast %add3A_623 : i32 to vector<16xi32>
    %add3A_625 = arith.addi %mul3A_622, %add3A_624 : vector<16xi32>
    %gather3A_626 = tpu.vector_load_idx %arg6[%add3A_625] : memref<256xf32, #tpu.memory_space<vmem>>[vector<16xi32>], vector<16xf32>,
    %add3A_627 = arith.addf %add3A_619, %gather3A_626 : vector<16xf32>
    %mul3A_628 = arith.constant 16 : i32
    %mul3A_629 = vector.broadcast %mul3A_628 : i32 to vector<16xi32>
    %mul3A_630 = arith.muli %iota3A, %mul3A_629 : vector<16xi32>
    %add3A_631 = arith.constant 4 : i32
    %add3A_632 = vector.broadcast %add3A_631 : i32 to vector<16xi32>
    %add3A_633 = arith.addi %mul3A_630, %add3A_632 : vector<16xi32>
    %gather3A_634 = tpu.vector_load_idx %arg6[%add3A_633] : memref<256xf32, #tpu.memory_space<vmem>>[vector<16xi32>], vector<16xf32>,
    %add3A_635 = arith.addf %add3A_627, %gather3A_634 : vector<16xf32>
    %mul3A_636 = arith.constant 16 : i32
    %mul3A_637 = vector.broadcast %mul3A_636 : i32 to vector<16xi32>
    %mul3A_638 = arith.muli %iota3A, %mul3A_637 : vector<16xi32>
    %add3A_639 = arith.constant 5 : i32
    %add3A_640 = vector.broadcast %add3A_639 : i32 to vector<16xi32>
    %add3A_641 = arith.addi %mul3A_638, %add3A_640 : vector<16xi32>
    %gather3A_642 = tpu.vector_load_idx %arg6[%add3A_641] : memref<256xf32, #tpu.memory_space<vmem>>[vector<16xi32>], vector<16xf32>,
    %add3A_643 = arith.addf %add3A_635, %gather3A_642 : vector<16xf32>
    %mul3A_644 = arith.constant 16 : i32
    %mul3A_645 = vector.broadcast %mul3A_644 : i32 to vector<16xi32>
    %mul3A_646 = arith.muli %iota3A, %mul3A_645 : vector<16xi32>
    %add3A_647 = arith.constant 6 : i32
    %add3A_648 = vector.broadcast %add3A_647 : i32 to vector<16xi32>
    %add3A_649 = arith.addi %mul3A_646, %add3A_648 : vector<16xi32>
    %gather3A_650 = tpu.vector_load_idx %arg6[%add3A_649] : memref<256xf32, #tpu.memory_space<vmem>>[vector<16xi32>], vector<16xf32>,
    %add3A_651 = arith.addf %add3A_643, %gather3A_650 : vector<16xf32>
    %mul3A_652 = arith.constant 16 : i32
    %mul3A_653 = vector.broadcast %mul3A_652 : i32 to vector<16xi32>
    %mul3A_654 = arith.muli %iota3A, %mul3A_653 : vector<16xi32>
    %add3A_655 = arith.constant 7 : i32
    %add3A_656 = vector.broadcast %add3A_655 : i32 to vector<16xi32>
    %add3A_657 = arith.addi %mul3A_654, %add3A_656 : vector<16xi32>
    %gather3A_658 = tpu.vector_load_idx %arg6[%add3A_657] : memref<256xf32, #tpu.memory_space<vmem>>[vector<16xi32>], vector<16xf32>,
    %add3A_659 = arith.addf %add3A_651, %gather3A_658 : vector<16xf32>
    %mul3A_660 = arith.constant 16 : i32
    %mul3A_661 = vector.broadcast %mul3A_660 : i32 to vector<16xi32>
    %mul3A_662 = arith.muli %iota3A, %mul3A_661 : vector<16xi32>
    %add3A_663 = arith.constant 8 : i32
    %add3A_664 = vector.broadcast %add3A_663 : i32 to vector<16xi32>
    %add3A_665 = arith.addi %mul3A_662, %add3A_664 : vector<16xi32>
    %gather3A_666 = tpu.vector_load_idx %arg6[%add3A_665] : memref<256xf32, #tpu.memory_space<vmem>>[vector<16xi32>], vector<16xf32>,
    %add3A_667 = arith.addf %add3A_659, %gather3A_666 : vector<16xf32>
    %mul3A_668 = arith.constant 16 : i32
    %mul3A_669 = vector.broadcast %mul3A_668 : i32 to vector<16xi32>
    %mul3A_670 = arith.muli %iota3A, %mul3A_669 : vector<16xi32>
    %add3A_671 = arith.constant 9 : i32
    %add3A_672 = vector.broadcast %add3A_671 : i32 to vector<16xi32>
    %add3A_673 = arith.addi %mul3A_670, %add3A_672 : vector<16xi32>
    %gather3A_674 = tpu.vector_load_idx %arg6[%add3A_673] : memref<256xf32, #tpu.memory_space<vmem>>[vector<16xi32>], vector<16xf32>,
    %add3A_675 = arith.addf %add3A_667, %gather3A_674 : vector<16xf32>
    %mul3A_676 = arith.constant 16 : i32
    %mul3A_677 = vector.broadcast %mul3A_676 : i32 to vector<16xi32>
    %mul3A_678 = arith.muli %iota3A, %mul3A_677 : vector<16xi32>
    %add3A_679 = arith.constant 10 : i32
    %add3A_680 = vector.broadcast %add3A_679 : i32 to vector<16xi32>
    %add3A_681 = arith.addi %mul3A_678, %add3A_680 : vector<16xi32>
    %gather3A_682 = tpu.vector_load_idx %arg6[%add3A_681] : memref<256xf32, #tpu.memory_space<vmem>>[vector<16xi32>], vector<16xf32>,
    %add3A_683 = arith.addf %add3A_675, %gather3A_682 : vector<16xf32>
    %mul3A_684 = arith.constant 16 : i32
    %mul3A_685 = vector.broadcast %mul3A_684 : i32 to vector<16xi32>
    %mul3A_686 = arith.muli %iota3A, %mul3A_685 : vector<16xi32>
    %add3A_687 = arith.constant 11 : i32
    %add3A_688 = vector.broadcast %add3A_687 : i32 to vector<16xi32>
    %add3A_689 = arith.addi %mul3A_686, %add3A_688 : vector<16xi32>
    %gather3A_690 = tpu.vector_load_idx %arg6[%add3A_689] : memref<256xf32, #tpu.memory_space<vmem>>[vector<16xi32>], vector<16xf32>,
    %add3A_691 = arith.addf %add3A_683, %gather3A_690 : vector<16xf32>
    %mul3A_692 = arith.constant 16 : i32
    %mul3A_693 = vector.broadcast %mul3A_692 : i32 to vector<16xi32>
    %mul3A_694 = arith.muli %iota3A, %mul3A_693 : vector<16xi32>
    %add3A_695 = arith.constant 12 : i32
    %add3A_696 = vector.broadcast %add3A_695 : i32 to vector<16xi32>
    %add3A_697 = arith.addi %mul3A_694, %add3A_696 : vector<16xi32>
    %gather3A_698 = tpu.vector_load_idx %arg6[%add3A_697] : memref<256xf32, #tpu.memory_space<vmem>>[vector<16xi32>], vector<16xf32>,
    %add3A_699 = arith.addf %add3A_691, %gather3A_698 : vector<16xf32>
    %mul3A_700 = arith.constant 16 : i32
    %mul3A_701 = vector.broadcast %mul3A_700 : i32 to vector<16xi32>
    %mul3A_702 = arith.muli %iota3A, %mul3A_701 : vector<16xi32>
    %add3A_703 = arith.constant 13 : i32
    %add3A_704 = vector.broadcast %add3A_703 : i32 to vector<16xi32>
    %add3A_705 = arith.addi %mul3A_702, %add3A_704 : vector<16xi32>
    %gather3A_706 = tpu.vector_load_idx %arg6[%add3A_705] : memref<256xf32, #tpu.memory_space<vmem>>[vector<16xi32>], vector<16xf32>,
    %add3A_707 = arith.addf %add3A_699, %gather3A_706 : vector<16xf32>
    %mul3A_708 = arith.constant 16 : i32
    %mul3A_709 = vector.broadcast %mul3A_708 : i32 to vector<16xi32>
    %mul3A_710 = arith.muli %iota3A, %mul3A_709 : vector<16xi32>
    %add3A_711 = arith.constant 14 : i32
    %add3A_712 = vector.broadcast %add3A_711 : i32 to vector<16xi32>
    %add3A_713 = arith.addi %mul3A_710, %add3A_712 : vector<16xi32>
    %gather3A_714 = tpu.vector_load_idx %arg6[%add3A_713] : memref<256xf32, #tpu.memory_space<vmem>>[vector<16xi32>], vector<16xf32>,
    %add3A_715 = arith.addf %add3A_707, %gather3A_714 : vector<16xf32>
    %mul3A_716 = arith.constant 16 : i32
    %mul3A_717 = vector.broadcast %mul3A_716 : i32 to vector<16xi32>
    %mul3A_718 = arith.muli %iota3A, %mul3A_717 : vector<16xi32>
    %add3A_719 = arith.constant 15 : i32
    %add3A_720 = vector.broadcast %add3A_719 : i32 to vector<16xi32>
    %add3A_721 = arith.addi %mul3A_718, %add3A_720 : vector<16xi32>
    %gather3A_722 = tpu.vector_load_idx %arg6[%add3A_721] : memref<256xf32, #tpu.memory_space<vmem>>[vector<16xi32>], vector<16xf32>,
    %add3A_723 = arith.addf %add3A_715, %gather3A_722 : vector<16xf32>
    %swap3A_724 = arith.constant 0 : index
    %swap3A_725 = tpu.vector_load %arg7[%swap3A_724] {strides = array<i32>} : memref<16xf32, #tpu.memory_space<vmem>>, vector<16xf32>,
    tpu.vector_store %arg7[%swap3A_724], %add3A_723 {strides = array<i32>} : memref<16xf32, #tpu.memory_space<vmem>>, vector<16xf32>,
    %mul3A_726 = arith.constant 16 : i32
    %mul3A_727 = arith.muli %select_n3A, %mul3A_726 : i32
    %add3A_728 = arith.constant 32 : i32
    %add3A_729 = arith.addi %add3A_728, %mul3A_727 : i32
    %add3A_730 = arith.constant 0 : i32
    %add3A_731 = arith.addi %add3A_729, %add3A_730 : i32
    %add3A_732 = arith.addi %add3A_731, %select_n3A_28 : i32
    "tpu.region"() ({
      %run_scoped3A = tpu.sem_alloc : memref<!tpu.dma_semaphore, #tpu.memory_space<semaphore_mem>>
      %dma_start3A = arith.constant 0 : i32
      %dma_start3A_2267 = tpu.memref_slice %arg9[%add3A_732, %dma_start3A] : memref<64x16xf32, #tpu.memory_space<vmem_shared>> -> memref<1x16xf32, #tpu.memory_space<vmem_shared>>
      %dma_start3A_2268 = tpu.memref_squeeze %dma_start3A_2267 : memref<1x16xf32, #tpu.memory_space<vmem_shared>> -> memref<16xf32, #tpu.memory_space<vmem_shared>>
      %dma_start3A_2269 = arith.constant 0 : i32
      %dma_start3A_2270 = tpu.memref_slice %arg9[%add3A_732, %dma_start3A_2269] : memref<64x16xf32, #tpu.memory_space<vmem_shared>> -> memref<1x16xf32, #tpu.memory_space<vmem_shared>>
      %dma_start3A_2271 = tpu.memref_squeeze %dma_start3A_2270 : memref<1x16xf32, #tpu.memory_space<vmem_shared>> -> memref<16xf32, #tpu.memory_space<vmem_shared>>
      tpu.enqueue_dma source(%arg7 : memref<16xf32, #tpu.memory_space<vmem>>) target(%dma_start3A_2271 : memref<16xf32, #tpu.memory_space<vmem_shared>>) target_semaphore(%run_scoped3A : memref<!tpu.dma_semaphore, #tpu.memory_space<semaphore_mem>>)
      %dma_wait3A = arith.constant 0 : i32
      %dma_wait3A_2272 = tpu.memref_slice %arg9[%add3A_732, %dma_wait3A] : memref<64x16xf32, #tpu.memory_space<vmem_shared>> -> memref<1x16xf32, #tpu.memory_space<vmem_shared>>
      %dma_wait3A_2273 = tpu.memref_squeeze %dma_wait3A_2272 : memref<1x16xf32, #tpu.memory_space<vmem_shared>> -> memref<16xf32, #tpu.memory_space<vmem_shared>>
      %dma_wait3A_2274 = arith.constant 0 : i32
      %dma_wait3A_2275 = tpu.memref_slice %arg9[%add3A_732, %dma_wait3A_2274] : memref<64x16xf32, #tpu.memory_space<vmem_shared>> -> memref<1x16xf32, #tpu.memory_space<vmem_shared>>
      %dma_wait3A_2276 = tpu.memref_squeeze %dma_wait3A_2275 : memref<1x16xf32, #tpu.memory_space<vmem_shared>> -> memref<16xf32, #tpu.memory_space<vmem_shared>>
      tpu.wait_dma2 semaphore(%run_scoped3A : memref<!tpu.dma_semaphore, #tpu.memory_space<semaphore_mem>>) src(%arg7 : memref<16xf32, #tpu.memory_space<vmem>>) dst(%dma_wait3A_2276 : memref<16xf32, #tpu.memory_space<vmem_shared>>)
      tpu.yield
    }) : () -> ()
    %barrier3A_733 = arith.constant 0 : index
    tpu.barrier barrier_id(%barrier3A_733)
    "tpu.region"() ({
      %run_scoped3A = tpu.sem_alloc : memref<!tpu.dma_semaphore, #tpu.memory_space<semaphore_mem>>
      %dma_start3A = arith.constant 0 : i32
      %dma_start3A_2267 = tpu.memref_slice %arg9[%add3A_731, %dma_start3A] : memref<64x16xf32, #tpu.memory_space<vmem_shared>> -> memref<8x16xf32, #tpu.memory_space<vmem_shared>>
      %dma_start3A_2268 = arith.constant 0 : i32
      %dma_start3A_2269 = tpu.memref_slice %arg9[%add3A_731, %dma_start3A_2268] : memref<64x16xf32, #tpu.memory_space<vmem_shared>> -> memref<8x16xf32, #tpu.memory_space<vmem_shared>>
      tpu.enqueue_dma source(%dma_start3A_2269 : memref<8x16xf32, #tpu.memory_space<vmem_shared>>) target(%arg8 : memref<8x16xf32, #tpu.memory_space<vmem>>) target_semaphore(%run_scoped3A : memref<!tpu.dma_semaphore, #tpu.memory_space<semaphore_mem>>)
      %dma_wait3A = arith.constant 0 : i32
      %dma_wait3A_2270 = tpu.memref_slice %arg9[%add3A_731, %dma_wait3A] : memref<64x16xf32, #tpu.memory_space<vmem_shared>> -> memref<8x16xf32, #tpu.memory_space<vmem_shared>>
      %dma_wait3A_2271 = arith.constant 0 : i32
      %dma_wait3A_2272 = tpu.memref_slice %arg9[%add3A_731, %dma_wait3A_2271] : memref<64x16xf32, #tpu.memory_space<vmem_shared>> -> memref<8x16xf32, #tpu.memory_space<vmem_shared>>
      tpu.wait_dma2 semaphore(%run_scoped3A : memref<!tpu.dma_semaphore, #tpu.memory_space<semaphore_mem>>) src(%dma_wait3A_2272 : memref<8x16xf32, #tpu.memory_space<vmem_shared>>) dst(%arg8 : memref<8x16xf32, #tpu.memory_space<vmem>>)
      tpu.yield
    }) : () -> ()
    %get3A_734 = arith.constant 0 : i32
    %get3A_735 = arith.index_cast %get3A_734 : i32 to index
    %get3A_736 = arith.constant 0 : index
    %get3A_737 = tpu.vector_load %arg8[%get3A_735, %get3A_736] {strides = array<i32>} : memref<8x16xf32, #tpu.memory_space<vmem>>, vector<16xf32>,
    %add3A_738 = arith.addf %broadcast_in_dim3A_31, %get3A_737 : vector<16xf32>
    %get3A_739 = arith.constant 1 : i32
    %get3A_740 = arith.index_cast %get3A_739 : i32 to index
    %get3A_741 = arith.constant 0 : index
    %get3A_742 = tpu.vector_load %arg8[%get3A_740, %get3A_741] {strides = array<i32>} : memref<8x16xf32, #tpu.memory_space<vmem>>, vector<16xf32>,
    %add3A_743 = arith.addf %add3A_738, %get3A_742 : vector<16xf32>
    %get3A_744 = arith.constant 2 : i32
    %get3A_745 = arith.index_cast %get3A_744 : i32 to index
    %get3A_746 = arith.constant 0 : index
    %get3A_747 = tpu.vector_load %arg8[%get3A_745, %get3A_746] {strides = array<i32>} : memref<8x16xf32, #tpu.memory_space<vmem>>, vector<16xf32>,
    %add3A_748 = arith.addf %add3A_743, %get3A_747 : vector<16xf32>
    %get3A_749 = arith.constant 3 : i32
    %get3A_750 = arith.index_cast %get3A_749 : i32 to index
    %get3A_751 = arith.constant 0 : index
    %get3A_752 = tpu.vector_load %arg8[%get3A_750, %get3A_751] {strides = array<i32>} : memref<8x16xf32, #tpu.memory_space<vmem>>, vector<16xf32>,
    %add3A_753 = arith.addf %add3A_748, %get3A_752 : vector<16xf32>
    %get3A_754 = arith.constant 4 : i32
    %get3A_755 = arith.index_cast %get3A_754 : i32 to index
    %get3A_756 = arith.constant 0 : index
    %get3A_757 = tpu.vector_load %arg8[%get3A_755, %get3A_756] {strides = array<i32>} : memref<8x16xf32, #tpu.memory_space<vmem>>, vector<16xf32>,
    %add3A_758 = arith.addf %add3A_753, %get3A_757 : vector<16xf32>
    %get3A_759 = arith.constant 5 : i32
    %get3A_760 = arith.index_cast %get3A_759 : i32 to index
    %get3A_761 = arith.constant 0 : index
    %get3A_762 = tpu.vector_load %arg8[%get3A_760, %get3A_761] {strides = array<i32>} : memref<8x16xf32, #tpu.memory_space<vmem>>, vector<16xf32>,
    %add3A_763 = arith.addf %add3A_758, %get3A_762 : vector<16xf32>
    %get3A_764 = arith.constant 6 : i32
    %get3A_765 = arith.index_cast %get3A_764 : i32 to index
    %get3A_766 = arith.constant 0 : index
    %get3A_767 = tpu.vector_load %arg8[%get3A_765, %get3A_766] {strides = array<i32>} : memref<8x16xf32, #tpu.memory_space<vmem>>, vector<16xf32>,
    %add3A_768 = arith.addf %add3A_763, %get3A_767 : vector<16xf32>
    %get3A_769 = arith.constant 7 : i32
    %get3A_770 = arith.index_cast %get3A_769 : i32 to index
    %get3A_771 = arith.constant 0 : index
    %get3A_772 = tpu.vector_load %arg8[%get3A_770, %get3A_771] {strides = array<i32>} : memref<8x16xf32, #tpu.memory_space<vmem>>, vector<16xf32>,
    %add3A_773 = arith.addf %add3A_768, %get3A_772 : vector<16xf32>
    %rev3A_774 = arith.constant 15 : i32
    %rev3A_775 = vector.broadcast %rev3A_774 : i32 to vector<16xi32>
    %rev3A_776 = tpu.iota {dimensions = array<i32: 0>} : vector<16xi32>
    %rev3A_777 = arith.subi %rev3A_775, %rev3A_776 : vector<16xi32>
    %rev3A_778 = tpu.dynamic_gather %add3A_773[%rev3A_777] in [0] : vector<16xf32>, vector<16xi32> -> vector<16xf32>
    %broadcast_in_dim3A_779 = arith.constant true
    %broadcast_in_dim3A_780 = vector.broadcast %broadcast_in_dim3A_779 : i1 to vector<16xi1>
    %masked_cumsum3A_781 = tpu.scan <sum>, %rev3A_778 masked %broadcast_in_dim3A_780 : vector<16xf32>, vector<16xi1> -> vector<16xf32>
    %rev3A_782 = arith.constant 15 : i32
    %rev3A_783 = vector.broadcast %rev3A_782 : i32 to vector<16xi32>
    %rev3A_784 = tpu.iota {dimensions = array<i32: 0>} : vector<16xi32>
    %rev3A_785 = arith.subi %rev3A_783, %rev3A_784 : vector<16xi32>
    %rev3A_786 = tpu.dynamic_gather %masked_cumsum3A_781[%rev3A_785] in [0] : vector<16xf32>, vector<16xi32> -> vector<16xf32>
    %sub3A_787 = arith.subf %rev3A_786, %add3A_773 : vector<16xf32>
    %add3A_788 = vector.broadcast %add3A_553 : f32 to vector<16xf32>
    %add3A_789 = arith.addf %add3A_788, %sub3A_787 : vector<16xf32>
    %lt3A_790 = arith.constant 8.192000e+03 : f32
    %lt3A_791 = vector.broadcast %lt3A_790 : f32 to vector<16xf32>
    %lt3A_792 = arith.cmpf olt, %add3A_789, %lt3A_791 : vector<16xf32>
    %add3A_793 = vector.broadcast %add3A_553 : f32 to vector<16xf32>
    %add3A_794 = arith.addf %add3A_793, %sub3A_787 : vector<16xf32>
    %add3A_795 = arith.addf %add3A_794, %add3A_773 : vector<16xf32>
    %ge3A_796 = arith.constant 8.192000e+03 : f32
    %ge3A_797 = vector.broadcast %ge3A_796 : f32 to vector<16xf32>
    %ge3A_798 = arith.cmpf oge, %add3A_795, %ge3A_797 : vector<16xf32>
    %and3A_799 = arith.andi %lt3A_792, %ge3A_798 : vector<16xi1>
    %jit3A_800 = arith.constant 1.000000e+00 : f32
    %jit3A_801 = arith.constant 0.000000e+00 : f32
    %broadcast_in_dim3A_802 = vector.broadcast %jit3A_800 : f32 to vector<16xf32>
    %broadcast_in_dim3A_803 = vector.broadcast %jit3A_801 : f32 to vector<16xf32>
    %select_n3A_804 = arith.select %and3A_799, %broadcast_in_dim3A_802, %broadcast_in_dim3A_803 : vector<16xi1>, vector<16xf32>
    %convert_element_type3A_805 = arith.sitofp %iota3A : vector<16xi32> to vector<16xf32>
    %mul3A_806 = arith.mulf %convert_element_type3A_805, %select_n3A_804 : vector<16xf32>
    %reduce_sum3A_807 = arith.constant true
    %reduce_sum3A_808 = vector.broadcast %reduce_sum3A_807 : i1 to vector<16xi1>
    %reduce_sum3A_809 = tpu.scan <sum>, %mul3A_806 masked %reduce_sum3A_808 : vector<16xf32>, vector<16xi1> -> vector<16xf32>
    %reduce_sum3A_810 = vector.extract %reduce_sum3A_809[15] : f32 from vector<16xf32>
    %mul3A_811 = arith.mulf %sub3A_787, %select_n3A_804 : vector<16xf32>
    %reduce_sum3A_812 = arith.constant true
    %reduce_sum3A_813 = vector.broadcast %reduce_sum3A_812 : i1 to vector<16xi1>
    %reduce_sum3A_814 = tpu.scan <sum>, %mul3A_811 masked %reduce_sum3A_813 : vector<16xf32>, vector<16xi1> -> vector<16xf32>
    %reduce_sum3A_815 = vector.extract %reduce_sum3A_814[15] : f32 from vector<16xf32>
    %add3A_816 = arith.addf %add3A_553, %reduce_sum3A_815 : f32
    %mul3A_817 = arith.constant 16 : i32
    %mul3A_818 = arith.muli %add3A_557, %mul3A_817 : i32
    %convert_element_type3A_819 = arith.fptosi %reduce_sum3A_810 : f32 to i32
    %add3A_820 = arith.addi %mul3A_818, %convert_element_type3A_819 : i32
    %swap3A_821 = arith.constant 0 : index
    %swap3A_822 = tpu.vector_load %arg6[%swap3A_821] {strides = array<i32>} : memref<256xf32, #tpu.memory_space<vmem>>, vector<16xf32>,
    tpu.vector_store %arg6[%swap3A_821], %broadcast_in_dim3A_31 {strides = array<i32>} : memref<256xf32, #tpu.memory_space<vmem>>, vector<16xf32>,
    %swap3A_823 = arith.constant 16 : index
    %swap3A_824 = tpu.vector_load %arg6[%swap3A_823] {strides = array<i32>} : memref<256xf32, #tpu.memory_space<vmem>>, vector<16xf32>,
    tpu.vector_store %arg6[%swap3A_823], %broadcast_in_dim3A_31 {strides = array<i32>} : memref<256xf32, #tpu.memory_space<vmem>>, vector<16xf32>,
    %swap3A_825 = arith.constant 32 : index
    %swap3A_826 = tpu.vector_load %arg6[%swap3A_825] {strides = array<i32>} : memref<256xf32, #tpu.memory_space<vmem>>, vector<16xf32>,
    tpu.vector_store %arg6[%swap3A_825], %broadcast_in_dim3A_31 {strides = array<i32>} : memref<256xf32, #tpu.memory_space<vmem>>, vector<16xf32>,
    %swap3A_827 = arith.constant 48 : index
    %swap3A_828 = tpu.vector_load %arg6[%swap3A_827] {strides = array<i32>} : memref<256xf32, #tpu.memory_space<vmem>>, vector<16xf32>,
    tpu.vector_store %arg6[%swap3A_827], %broadcast_in_dim3A_31 {strides = array<i32>} : memref<256xf32, #tpu.memory_space<vmem>>, vector<16xf32>,
    %swap3A_829 = arith.constant 64 : index
    %swap3A_830 = tpu.vector_load %arg6[%swap3A_829] {strides = array<i32>} : memref<256xf32, #tpu.memory_space<vmem>>, vector<16xf32>,
    tpu.vector_store %arg6[%swap3A_829], %broadcast_in_dim3A_31 {strides = array<i32>} : memref<256xf32, #tpu.memory_space<vmem>>, vector<16xf32>,
    %swap3A_831 = arith.constant 80 : index
    %swap3A_832 = tpu.vector_load %arg6[%swap3A_831] {strides = array<i32>} : memref<256xf32, #tpu.memory_space<vmem>>, vector<16xf32>,
    tpu.vector_store %arg6[%swap3A_831], %broadcast_in_dim3A_31 {strides = array<i32>} : memref<256xf32, #tpu.memory_space<vmem>>, vector<16xf32>,
    %swap3A_833 = arith.constant 96 : index
    %swap3A_834 = tpu.vector_load %arg6[%swap3A_833] {strides = array<i32>} : memref<256xf32, #tpu.memory_space<vmem>>, vector<16xf32>,
    tpu.vector_store %arg6[%swap3A_833], %broadcast_in_dim3A_31 {strides = array<i32>} : memref<256xf32, #tpu.memory_space<vmem>>, vector<16xf32>,
    %swap3A_835 = arith.constant 112 : index
    %swap3A_836 = tpu.vector_load %arg6[%swap3A_835] {strides = array<i32>} : memref<256xf32, #tpu.memory_space<vmem>>, vector<16xf32>,
    tpu.vector_store %arg6[%swap3A_835], %broadcast_in_dim3A_31 {strides = array<i32>} : memref<256xf32, #tpu.memory_space<vmem>>, vector<16xf32>,
    %swap3A_837 = arith.constant 128 : index
    %swap3A_838 = tpu.vector_load %arg6[%swap3A_837] {strides = array<i32>} : memref<256xf32, #tpu.memory_space<vmem>>, vector<16xf32>,
    tpu.vector_store %arg6[%swap3A_837], %broadcast_in_dim3A_31 {strides = array<i32>} : memref<256xf32, #tpu.memory_space<vmem>>, vector<16xf32>,
    %swap3A_839 = arith.constant 144 : index
    %swap3A_840 = tpu.vector_load %arg6[%swap3A_839] {strides = array<i32>} : memref<256xf32, #tpu.memory_space<vmem>>, vector<16xf32>,
    tpu.vector_store %arg6[%swap3A_839], %broadcast_in_dim3A_31 {strides = array<i32>} : memref<256xf32, #tpu.memory_space<vmem>>, vector<16xf32>,
    %swap3A_841 = arith.constant 160 : index
    %swap3A_842 = tpu.vector_load %arg6[%swap3A_841] {strides = array<i32>} : memref<256xf32, #tpu.memory_space<vmem>>, vector<16xf32>,
    tpu.vector_store %arg6[%swap3A_841], %broadcast_in_dim3A_31 {strides = array<i32>} : memref<256xf32, #tpu.memory_space<vmem>>, vector<16xf32>,
    %swap3A_843 = arith.constant 176 : index
    %swap3A_844 = tpu.vector_load %arg6[%swap3A_843] {strides = array<i32>} : memref<256xf32, #tpu.memory_space<vmem>>, vector<16xf32>,
    tpu.vector_store %arg6[%swap3A_843], %broadcast_in_dim3A_31 {strides = array<i32>} : memref<256xf32, #tpu.memory_space<vmem>>, vector<16xf32>,
    %swap3A_845 = arith.constant 192 : index
    %swap3A_846 = tpu.vector_load %arg6[%swap3A_845] {strides = array<i32>} : memref<256xf32, #tpu.memory_space<vmem>>, vector<16xf32>,
    tpu.vector_store %arg6[%swap3A_845], %broadcast_in_dim3A_31 {strides = array<i32>} : memref<256xf32, #tpu.memory_space<vmem>>, vector<16xf32>,
    %swap3A_847 = arith.constant 208 : index
    %swap3A_848 = tpu.vector_load %arg6[%swap3A_847] {strides = array<i32>} : memref<256xf32, #tpu.memory_space<vmem>>, vector<16xf32>,
    tpu.vector_store %arg6[%swap3A_847], %broadcast_in_dim3A_31 {strides = array<i32>} : memref<256xf32, #tpu.memory_space<vmem>>, vector<16xf32>,
    %swap3A_849 = arith.constant 224 : index
    %swap3A_850 = tpu.vector_load %arg6[%swap3A_849] {strides = array<i32>} : memref<256xf32, #tpu.memory_space<vmem>>, vector<16xf32>,
    tpu.vector_store %arg6[%swap3A_849], %broadcast_in_dim3A_31 {strides = array<i32>} : memref<256xf32, #tpu.memory_space<vmem>>, vector<16xf32>,
    %swap3A_851 = arith.constant 240 : index
    %swap3A_852 = tpu.vector_load %arg6[%swap3A_851] {strides = array<i32>} : memref<256xf32, #tpu.memory_space<vmem>>, vector<16xf32>,
    tpu.vector_store %arg6[%swap3A_851], %broadcast_in_dim3A_31 {strides = array<i32>} : memref<256xf32, #tpu.memory_space<vmem>>, vector<16xf32>,
    %scan3A_853 = arith.constant 0 : i32
    %scan3A_854 = arith.constant 0 : i32
    %scan3A_855 = arith.constant 128 : i32
    %scan3A_856 = arith.addi %scan3A_854, %scan3A_855 : i32
    %scan3A_857 = arith.constant 1 : i32
    scf.for %scan3A_2267 = %scan3A_854 to %scan3A_856 step %scan3A_857  : i32 {
      %mul3A_2268 = arith.constant 16 : i32
      %mul3A_2269 = arith.muli %scan3A_2267, %mul3A_2268 : i32
      %multiple_of3A = tpu.assume_multiple %mul3A_2269, 16 : i32
      %get3A_2270 = arith.index_cast %multiple_of3A : i32 to index
      %get3A_2271 = tpu.vector_load %arg4[%get3A_2270] {strides = array<i32>} : memref<2048xi32, #tpu.memory_space<vmem>>, vector<16xi32>,
      %xor3A_2272 = arith.xori %get3A_2271, %broadcast_in_dim3A_35 : vector<16xi32>
      %shift_right_logical3A = arith.constant 16 : i32
      %shift_right_logical3A_2273 = vector.broadcast %shift_right_logical3A : i32 to vector<16xi32>
      %shift_right_logical3A_2274 = arith.shrui %xor3A_2272, %shift_right_logical3A_2273 : vector<16xi32>
      %and3A_2275 = arith.constant 15 : i32
      %and3A_2276 = vector.broadcast %and3A_2275 : i32 to vector<16xi32>
      %and3A_2277 = arith.andi %shift_right_logical3A_2274, %and3A_2276 : vector<16xi32>
      %shift_right_logical3A_2278 = arith.constant 20 : i32
      %shift_right_logical3A_2279 = vector.broadcast %shift_right_logical3A_2278 : i32 to vector<16xi32>
      %shift_right_logical3A_2280 = arith.shrui %xor3A_2272, %shift_right_logical3A_2279 : vector<16xi32>
      %eq3A_2281 = vector.broadcast %add3A_820 : i32 to vector<16xi32>
      %eq3A_2282 = arith.cmpi eq, %shift_right_logical3A_2280, %eq3A_2281 : vector<16xi32>
      %mul3A_2283 = arith.constant 16 : i32
      %mul3A_2284 = vector.broadcast %mul3A_2283 : i32 to vector<16xi32>
      %mul3A_2285 = arith.muli %and3A_2277, %mul3A_2284 : vector<16xi32>
      %add3A_2286 = arith.addi %mul3A_2285, %iota3A : vector<16xi32>
      tpu.vector_store_idx %arg6[%add3A_2286], %broadcast_in_dim3A_33 masked %eq3A_2282 {add = true} : memref<256xf32, #tpu.memory_space<vmem>>[vector<16xi32>], vector<16xf32>, vector<16xi1>
    }
    %scan3A_858 = arith.constant 128 : i32
    %mul3A_859 = arith.constant 16 : i32
    %mul3A_860 = vector.broadcast %mul3A_859 : i32 to vector<16xi32>
    %mul3A_861 = arith.muli %iota3A, %mul3A_860 : vector<16xi32>
    %add3A_862 = arith.constant 0 : i32
    %add3A_863 = vector.broadcast %add3A_862 : i32 to vector<16xi32>
    %add3A_864 = arith.addi %mul3A_861, %add3A_863 : vector<16xi32>
    %gather3A_865 = tpu.vector_load_idx %arg6[%add3A_864] : memref<256xf32, #tpu.memory_space<vmem>>[vector<16xi32>], vector<16xf32>,
    %add3A_866 = arith.addf %broadcast_in_dim3A_31, %gather3A_865 : vector<16xf32>
    %mul3A_867 = arith.constant 16 : i32
    %mul3A_868 = vector.broadcast %mul3A_867 : i32 to vector<16xi32>
    %mul3A_869 = arith.muli %iota3A, %mul3A_868 : vector<16xi32>
    %add3A_870 = arith.constant 1 : i32
    %add3A_871 = vector.broadcast %add3A_870 : i32 to vector<16xi32>
    %add3A_872 = arith.addi %mul3A_869, %add3A_871 : vector<16xi32>
    %gather3A_873 = tpu.vector_load_idx %arg6[%add3A_872] : memref<256xf32, #tpu.memory_space<vmem>>[vector<16xi32>], vector<16xf32>,
    %add3A_874 = arith.addf %add3A_866, %gather3A_873 : vector<16xf32>
    %mul3A_875 = arith.constant 16 : i32
    %mul3A_876 = vector.broadcast %mul3A_875 : i32 to vector<16xi32>
    %mul3A_877 = arith.muli %iota3A, %mul3A_876 : vector<16xi32>
    %add3A_878 = arith.constant 2 : i32
    %add3A_879 = vector.broadcast %add3A_878 : i32 to vector<16xi32>
    %add3A_880 = arith.addi %mul3A_877, %add3A_879 : vector<16xi32>
    %gather3A_881 = tpu.vector_load_idx %arg6[%add3A_880] : memref<256xf32, #tpu.memory_space<vmem>>[vector<16xi32>], vector<16xf32>,
    %add3A_882 = arith.addf %add3A_874, %gather3A_881 : vector<16xf32>
    %mul3A_883 = arith.constant 16 : i32
    %mul3A_884 = vector.broadcast %mul3A_883 : i32 to vector<16xi32>
    %mul3A_885 = arith.muli %iota3A, %mul3A_884 : vector<16xi32>
    %add3A_886 = arith.constant 3 : i32
    %add3A_887 = vector.broadcast %add3A_886 : i32 to vector<16xi32>
    %add3A_888 = arith.addi %mul3A_885, %add3A_887 : vector<16xi32>
    %gather3A_889 = tpu.vector_load_idx %arg6[%add3A_888] : memref<256xf32, #tpu.memory_space<vmem>>[vector<16xi32>], vector<16xf32>,
    %add3A_890 = arith.addf %add3A_882, %gather3A_889 : vector<16xf32>
    %mul3A_891 = arith.constant 16 : i32
    %mul3A_892 = vector.broadcast %mul3A_891 : i32 to vector<16xi32>
    %mul3A_893 = arith.muli %iota3A, %mul3A_892 : vector<16xi32>
    %add3A_894 = arith.constant 4 : i32
    %add3A_895 = vector.broadcast %add3A_894 : i32 to vector<16xi32>
    %add3A_896 = arith.addi %mul3A_893, %add3A_895 : vector<16xi32>
    %gather3A_897 = tpu.vector_load_idx %arg6[%add3A_896] : memref<256xf32, #tpu.memory_space<vmem>>[vector<16xi32>], vector<16xf32>,
    %add3A_898 = arith.addf %add3A_890, %gather3A_897 : vector<16xf32>
    %mul3A_899 = arith.constant 16 : i32
    %mul3A_900 = vector.broadcast %mul3A_899 : i32 to vector<16xi32>
    %mul3A_901 = arith.muli %iota3A, %mul3A_900 : vector<16xi32>
    %add3A_902 = arith.constant 5 : i32
    %add3A_903 = vector.broadcast %add3A_902 : i32 to vector<16xi32>
    %add3A_904 = arith.addi %mul3A_901, %add3A_903 : vector<16xi32>
    %gather3A_905 = tpu.vector_load_idx %arg6[%add3A_904] : memref<256xf32, #tpu.memory_space<vmem>>[vector<16xi32>], vector<16xf32>,
    %add3A_906 = arith.addf %add3A_898, %gather3A_905 : vector<16xf32>
    %mul3A_907 = arith.constant 16 : i32
    %mul3A_908 = vector.broadcast %mul3A_907 : i32 to vector<16xi32>
    %mul3A_909 = arith.muli %iota3A, %mul3A_908 : vector<16xi32>
    %add3A_910 = arith.constant 6 : i32
    %add3A_911 = vector.broadcast %add3A_910 : i32 to vector<16xi32>
    %add3A_912 = arith.addi %mul3A_909, %add3A_911 : vector<16xi32>
    %gather3A_913 = tpu.vector_load_idx %arg6[%add3A_912] : memref<256xf32, #tpu.memory_space<vmem>>[vector<16xi32>], vector<16xf32>,
    %add3A_914 = arith.addf %add3A_906, %gather3A_913 : vector<16xf32>
    %mul3A_915 = arith.constant 16 : i32
    %mul3A_916 = vector.broadcast %mul3A_915 : i32 to vector<16xi32>
    %mul3A_917 = arith.muli %iota3A, %mul3A_916 : vector<16xi32>
    %add3A_918 = arith.constant 7 : i32
    %add3A_919 = vector.broadcast %add3A_918 : i32 to vector<16xi32>
    %add3A_920 = arith.addi %mul3A_917, %add3A_919 : vector<16xi32>
    %gather3A_921 = tpu.vector_load_idx %arg6[%add3A_920] : memref<256xf32, #tpu.memory_space<vmem>>[vector<16xi32>], vector<16xf32>,
    %add3A_922 = arith.addf %add3A_914, %gather3A_921 : vector<16xf32>
    %mul3A_923 = arith.constant 16 : i32
    %mul3A_924 = vector.broadcast %mul3A_923 : i32 to vector<16xi32>
    %mul3A_925 = arith.muli %iota3A, %mul3A_924 : vector<16xi32>
    %add3A_926 = arith.constant 8 : i32
    %add3A_927 = vector.broadcast %add3A_926 : i32 to vector<16xi32>
    %add3A_928 = arith.addi %mul3A_925, %add3A_927 : vector<16xi32>
    %gather3A_929 = tpu.vector_load_idx %arg6[%add3A_928] : memref<256xf32, #tpu.memory_space<vmem>>[vector<16xi32>], vector<16xf32>,
    %add3A_930 = arith.addf %add3A_922, %gather3A_929 : vector<16xf32>
    %mul3A_931 = arith.constant 16 : i32
    %mul3A_932 = vector.broadcast %mul3A_931 : i32 to vector<16xi32>
    %mul3A_933 = arith.muli %iota3A, %mul3A_932 : vector<16xi32>
    %add3A_934 = arith.constant 9 : i32
    %add3A_935 = vector.broadcast %add3A_934 : i32 to vector<16xi32>
    %add3A_936 = arith.addi %mul3A_933, %add3A_935 : vector<16xi32>
    %gather3A_937 = tpu.vector_load_idx %arg6[%add3A_936] : memref<256xf32, #tpu.memory_space<vmem>>[vector<16xi32>], vector<16xf32>,
    %add3A_938 = arith.addf %add3A_930, %gather3A_937 : vector<16xf32>
    %mul3A_939 = arith.constant 16 : i32
    %mul3A_940 = vector.broadcast %mul3A_939 : i32 to vector<16xi32>
    %mul3A_941 = arith.muli %iota3A, %mul3A_940 : vector<16xi32>
    %add3A_942 = arith.constant 10 : i32
    %add3A_943 = vector.broadcast %add3A_942 : i32 to vector<16xi32>
    %add3A_944 = arith.addi %mul3A_941, %add3A_943 : vector<16xi32>
    %gather3A_945 = tpu.vector_load_idx %arg6[%add3A_944] : memref<256xf32, #tpu.memory_space<vmem>>[vector<16xi32>], vector<16xf32>,
    %add3A_946 = arith.addf %add3A_938, %gather3A_945 : vector<16xf32>
    %mul3A_947 = arith.constant 16 : i32
    %mul3A_948 = vector.broadcast %mul3A_947 : i32 to vector<16xi32>
    %mul3A_949 = arith.muli %iota3A, %mul3A_948 : vector<16xi32>
    %add3A_950 = arith.constant 11 : i32
    %add3A_951 = vector.broadcast %add3A_950 : i32 to vector<16xi32>
    %add3A_952 = arith.addi %mul3A_949, %add3A_951 : vector<16xi32>
    %gather3A_953 = tpu.vector_load_idx %arg6[%add3A_952] : memref<256xf32, #tpu.memory_space<vmem>>[vector<16xi32>], vector<16xf32>,
    %add3A_954 = arith.addf %add3A_946, %gather3A_953 : vector<16xf32>
    %mul3A_955 = arith.constant 16 : i32
    %mul3A_956 = vector.broadcast %mul3A_955 : i32 to vector<16xi32>
    %mul3A_957 = arith.muli %iota3A, %mul3A_956 : vector<16xi32>
    %add3A_958 = arith.constant 12 : i32
    %add3A_959 = vector.broadcast %add3A_958 : i32 to vector<16xi32>
    %add3A_960 = arith.addi %mul3A_957, %add3A_959 : vector<16xi32>
    %gather3A_961 = tpu.vector_load_idx %arg6[%add3A_960] : memref<256xf32, #tpu.memory_space<vmem>>[vector<16xi32>], vector<16xf32>,
    %add3A_962 = arith.addf %add3A_954, %gather3A_961 : vector<16xf32>
    %mul3A_963 = arith.constant 16 : i32
    %mul3A_964 = vector.broadcast %mul3A_963 : i32 to vector<16xi32>
    %mul3A_965 = arith.muli %iota3A, %mul3A_964 : vector<16xi32>
    %add3A_966 = arith.constant 13 : i32
    %add3A_967 = vector.broadcast %add3A_966 : i32 to vector<16xi32>
    %add3A_968 = arith.addi %mul3A_965, %add3A_967 : vector<16xi32>
    %gather3A_969 = tpu.vector_load_idx %arg6[%add3A_968] : memref<256xf32, #tpu.memory_space<vmem>>[vector<16xi32>], vector<16xf32>,
    %add3A_970 = arith.addf %add3A_962, %gather3A_969 : vector<16xf32>
    %mul3A_971 = arith.constant 16 : i32
    %mul3A_972 = vector.broadcast %mul3A_971 : i32 to vector<16xi32>
    %mul3A_973 = arith.muli %iota3A, %mul3A_972 : vector<16xi32>
    %add3A_974 = arith.constant 14 : i32
    %add3A_975 = vector.broadcast %add3A_974 : i32 to vector<16xi32>
    %add3A_976 = arith.addi %mul3A_973, %add3A_975 : vector<16xi32>
    %gather3A_977 = tpu.vector_load_idx %arg6[%add3A_976] : memref<256xf32, #tpu.memory_space<vmem>>[vector<16xi32>], vector<16xf32>,
    %add3A_978 = arith.addf %add3A_970, %gather3A_977 : vector<16xf32>
    %mul3A_979 = arith.constant 16 : i32
    %mul3A_980 = vector.broadcast %mul3A_979 : i32 to vector<16xi32>
    %mul3A_981 = arith.muli %iota3A, %mul3A_980 : vector<16xi32>
    %add3A_982 = arith.constant 15 : i32
    %add3A_983 = vector.broadcast %add3A_982 : i32 to vector<16xi32>
    %add3A_984 = arith.addi %mul3A_981, %add3A_983 : vector<16xi32>
    %gather3A_985 = tpu.vector_load_idx %arg6[%add3A_984] : memref<256xf32, #tpu.memory_space<vmem>>[vector<16xi32>], vector<16xf32>,
    %add3A_986 = arith.addf %add3A_978, %gather3A_985 : vector<16xf32>
    %swap3A_987 = arith.constant 0 : index
    %swap3A_988 = tpu.vector_load %arg7[%swap3A_987] {strides = array<i32>} : memref<16xf32, #tpu.memory_space<vmem>>, vector<16xf32>,
    tpu.vector_store %arg7[%swap3A_987], %add3A_986 {strides = array<i32>} : memref<16xf32, #tpu.memory_space<vmem>>, vector<16xf32>,
    %mul3A_989 = arith.constant 16 : i32
    %mul3A_990 = arith.muli %select_n3A, %mul3A_989 : i32
    %add3A_991 = arith.constant 32 : i32
    %add3A_992 = arith.addi %add3A_991, %mul3A_990 : i32
    %add3A_993 = arith.constant 8 : i32
    %add3A_994 = arith.addi %add3A_992, %add3A_993 : i32
    %add3A_995 = arith.addi %add3A_994, %select_n3A_28 : i32
    "tpu.region"() ({
      %run_scoped3A = tpu.sem_alloc : memref<!tpu.dma_semaphore, #tpu.memory_space<semaphore_mem>>
      %dma_start3A = arith.constant 0 : i32
      %dma_start3A_2267 = tpu.memref_slice %arg9[%add3A_995, %dma_start3A] : memref<64x16xf32, #tpu.memory_space<vmem_shared>> -> memref<1x16xf32, #tpu.memory_space<vmem_shared>>
      %dma_start3A_2268 = tpu.memref_squeeze %dma_start3A_2267 : memref<1x16xf32, #tpu.memory_space<vmem_shared>> -> memref<16xf32, #tpu.memory_space<vmem_shared>>
      %dma_start3A_2269 = arith.constant 0 : i32
      %dma_start3A_2270 = tpu.memref_slice %arg9[%add3A_995, %dma_start3A_2269] : memref<64x16xf32, #tpu.memory_space<vmem_shared>> -> memref<1x16xf32, #tpu.memory_space<vmem_shared>>
      %dma_start3A_2271 = tpu.memref_squeeze %dma_start3A_2270 : memref<1x16xf32, #tpu.memory_space<vmem_shared>> -> memref<16xf32, #tpu.memory_space<vmem_shared>>
      tpu.enqueue_dma source(%arg7 : memref<16xf32, #tpu.memory_space<vmem>>) target(%dma_start3A_2271 : memref<16xf32, #tpu.memory_space<vmem_shared>>) target_semaphore(%run_scoped3A : memref<!tpu.dma_semaphore, #tpu.memory_space<semaphore_mem>>)
      %dma_wait3A = arith.constant 0 : i32
      %dma_wait3A_2272 = tpu.memref_slice %arg9[%add3A_995, %dma_wait3A] : memref<64x16xf32, #tpu.memory_space<vmem_shared>> -> memref<1x16xf32, #tpu.memory_space<vmem_shared>>
      %dma_wait3A_2273 = tpu.memref_squeeze %dma_wait3A_2272 : memref<1x16xf32, #tpu.memory_space<vmem_shared>> -> memref<16xf32, #tpu.memory_space<vmem_shared>>
      %dma_wait3A_2274 = arith.constant 0 : i32
      %dma_wait3A_2275 = tpu.memref_slice %arg9[%add3A_995, %dma_wait3A_2274] : memref<64x16xf32, #tpu.memory_space<vmem_shared>> -> memref<1x16xf32, #tpu.memory_space<vmem_shared>>
      %dma_wait3A_2276 = tpu.memref_squeeze %dma_wait3A_2275 : memref<1x16xf32, #tpu.memory_space<vmem_shared>> -> memref<16xf32, #tpu.memory_space<vmem_shared>>
      tpu.wait_dma2 semaphore(%run_scoped3A : memref<!tpu.dma_semaphore, #tpu.memory_space<semaphore_mem>>) src(%arg7 : memref<16xf32, #tpu.memory_space<vmem>>) dst(%dma_wait3A_2276 : memref<16xf32, #tpu.memory_space<vmem_shared>>)
      tpu.yield
    }) : () -> ()
    %barrier3A_996 = arith.constant 0 : index
    tpu.barrier barrier_id(%barrier3A_996)
    "tpu.region"() ({
      %run_scoped3A = tpu.sem_alloc : memref<!tpu.dma_semaphore, #tpu.memory_space<semaphore_mem>>
      %dma_start3A = arith.constant 0 : i32
      %dma_start3A_2267 = tpu.memref_slice %arg9[%add3A_994, %dma_start3A] : memref<64x16xf32, #tpu.memory_space<vmem_shared>> -> memref<8x16xf32, #tpu.memory_space<vmem_shared>>
      %dma_start3A_2268 = arith.constant 0 : i32
      %dma_start3A_2269 = tpu.memref_slice %arg9[%add3A_994, %dma_start3A_2268] : memref<64x16xf32, #tpu.memory_space<vmem_shared>> -> memref<8x16xf32, #tpu.memory_space<vmem_shared>>
      tpu.enqueue_dma source(%dma_start3A_2269 : memref<8x16xf32, #tpu.memory_space<vmem_shared>>) target(%arg8 : memref<8x16xf32, #tpu.memory_space<vmem>>) target_semaphore(%run_scoped3A : memref<!tpu.dma_semaphore, #tpu.memory_space<semaphore_mem>>)
      %dma_wait3A = arith.constant 0 : i32
      %dma_wait3A_2270 = tpu.memref_slice %arg9[%add3A_994, %dma_wait3A] : memref<64x16xf32, #tpu.memory_space<vmem_shared>> -> memref<8x16xf32, #tpu.memory_space<vmem_shared>>
      %dma_wait3A_2271 = arith.constant 0 : i32
      %dma_wait3A_2272 = tpu.memref_slice %arg9[%add3A_994, %dma_wait3A_2271] : memref<64x16xf32, #tpu.memory_space<vmem_shared>> -> memref<8x16xf32, #tpu.memory_space<vmem_shared>>
      tpu.wait_dma2 semaphore(%run_scoped3A : memref<!tpu.dma_semaphore, #tpu.memory_space<semaphore_mem>>) src(%dma_wait3A_2272 : memref<8x16xf32, #tpu.memory_space<vmem_shared>>) dst(%arg8 : memref<8x16xf32, #tpu.memory_space<vmem>>)
      tpu.yield
    }) : () -> ()
    %get3A_997 = arith.constant 0 : i32
    %get3A_998 = arith.index_cast %get3A_997 : i32 to index
    %get3A_999 = arith.constant 0 : index
    %get3A_1000 = tpu.vector_load %arg8[%get3A_998, %get3A_999] {strides = array<i32>} : memref<8x16xf32, #tpu.memory_space<vmem>>, vector<16xf32>,
    %add3A_1001 = arith.addf %broadcast_in_dim3A_31, %get3A_1000 : vector<16xf32>
    %get3A_1002 = arith.constant 1 : i32
    %get3A_1003 = arith.index_cast %get3A_1002 : i32 to index
    %get3A_1004 = arith.constant 0 : index
    %get3A_1005 = tpu.vector_load %arg8[%get3A_1003, %get3A_1004] {strides = array<i32>} : memref<8x16xf32, #tpu.memory_space<vmem>>, vector<16xf32>,
    %add3A_1006 = arith.addf %add3A_1001, %get3A_1005 : vector<16xf32>
    %get3A_1007 = arith.constant 2 : i32
    %get3A_1008 = arith.index_cast %get3A_1007 : i32 to index
    %get3A_1009 = arith.constant 0 : index
    %get3A_1010 = tpu.vector_load %arg8[%get3A_1008, %get3A_1009] {strides = array<i32>} : memref<8x16xf32, #tpu.memory_space<vmem>>, vector<16xf32>,
    %add3A_1011 = arith.addf %add3A_1006, %get3A_1010 : vector<16xf32>
    %get3A_1012 = arith.constant 3 : i32
    %get3A_1013 = arith.index_cast %get3A_1012 : i32 to index
    %get3A_1014 = arith.constant 0 : index
    %get3A_1015 = tpu.vector_load %arg8[%get3A_1013, %get3A_1014] {strides = array<i32>} : memref<8x16xf32, #tpu.memory_space<vmem>>, vector<16xf32>,
    %add3A_1016 = arith.addf %add3A_1011, %get3A_1015 : vector<16xf32>
    %get3A_1017 = arith.constant 4 : i32
    %get3A_1018 = arith.index_cast %get3A_1017 : i32 to index
    %get3A_1019 = arith.constant 0 : index
    %get3A_1020 = tpu.vector_load %arg8[%get3A_1018, %get3A_1019] {strides = array<i32>} : memref<8x16xf32, #tpu.memory_space<vmem>>, vector<16xf32>,
    %add3A_1021 = arith.addf %add3A_1016, %get3A_1020 : vector<16xf32>
    %get3A_1022 = arith.constant 5 : i32
    %get3A_1023 = arith.index_cast %get3A_1022 : i32 to index
    %get3A_1024 = arith.constant 0 : index
    %get3A_1025 = tpu.vector_load %arg8[%get3A_1023, %get3A_1024] {strides = array<i32>} : memref<8x16xf32, #tpu.memory_space<vmem>>, vector<16xf32>,
    %add3A_1026 = arith.addf %add3A_1021, %get3A_1025 : vector<16xf32>
    %get3A_1027 = arith.constant 6 : i32
    %get3A_1028 = arith.index_cast %get3A_1027 : i32 to index
    %get3A_1029 = arith.constant 0 : index
    %get3A_1030 = tpu.vector_load %arg8[%get3A_1028, %get3A_1029] {strides = array<i32>} : memref<8x16xf32, #tpu.memory_space<vmem>>, vector<16xf32>,
    %add3A_1031 = arith.addf %add3A_1026, %get3A_1030 : vector<16xf32>
    %get3A_1032 = arith.constant 7 : i32
    %get3A_1033 = arith.index_cast %get3A_1032 : i32 to index
    %get3A_1034 = arith.constant 0 : index
    %get3A_1035 = tpu.vector_load %arg8[%get3A_1033, %get3A_1034] {strides = array<i32>} : memref<8x16xf32, #tpu.memory_space<vmem>>, vector<16xf32>,
    %add3A_1036 = arith.addf %add3A_1031, %get3A_1035 : vector<16xf32>
    %rev3A_1037 = arith.constant 15 : i32
    %rev3A_1038 = vector.broadcast %rev3A_1037 : i32 to vector<16xi32>
    %rev3A_1039 = tpu.iota {dimensions = array<i32: 0>} : vector<16xi32>
    %rev3A_1040 = arith.subi %rev3A_1038, %rev3A_1039 : vector<16xi32>
    %rev3A_1041 = tpu.dynamic_gather %add3A_1036[%rev3A_1040] in [0] : vector<16xf32>, vector<16xi32> -> vector<16xf32>
    %broadcast_in_dim3A_1042 = arith.constant true
    %broadcast_in_dim3A_1043 = vector.broadcast %broadcast_in_dim3A_1042 : i1 to vector<16xi1>
    %masked_cumsum3A_1044 = tpu.scan <sum>, %rev3A_1041 masked %broadcast_in_dim3A_1043 : vector<16xf32>, vector<16xi1> -> vector<16xf32>
    %rev3A_1045 = arith.constant 15 : i32
    %rev3A_1046 = vector.broadcast %rev3A_1045 : i32 to vector<16xi32>
    %rev3A_1047 = tpu.iota {dimensions = array<i32: 0>} : vector<16xi32>
    %rev3A_1048 = arith.subi %rev3A_1046, %rev3A_1047 : vector<16xi32>
    %rev3A_1049 = tpu.dynamic_gather %masked_cumsum3A_1044[%rev3A_1048] in [0] : vector<16xf32>, vector<16xi32> -> vector<16xf32>
    %sub3A_1050 = arith.subf %rev3A_1049, %add3A_1036 : vector<16xf32>
    %add3A_1051 = vector.broadcast %add3A_816 : f32 to vector<16xf32>
    %add3A_1052 = arith.addf %add3A_1051, %sub3A_1050 : vector<16xf32>
    %lt3A_1053 = arith.constant 8.192000e+03 : f32
    %lt3A_1054 = vector.broadcast %lt3A_1053 : f32 to vector<16xf32>
    %lt3A_1055 = arith.cmpf olt, %add3A_1052, %lt3A_1054 : vector<16xf32>
    %add3A_1056 = vector.broadcast %add3A_816 : f32 to vector<16xf32>
    %add3A_1057 = arith.addf %add3A_1056, %sub3A_1050 : vector<16xf32>
    %add3A_1058 = arith.addf %add3A_1057, %add3A_1036 : vector<16xf32>
    %ge3A_1059 = arith.constant 8.192000e+03 : f32
    %ge3A_1060 = vector.broadcast %ge3A_1059 : f32 to vector<16xf32>
    %ge3A_1061 = arith.cmpf oge, %add3A_1058, %ge3A_1060 : vector<16xf32>
    %and3A_1062 = arith.andi %lt3A_1055, %ge3A_1061 : vector<16xi1>
    %jit3A_1063 = arith.constant 1.000000e+00 : f32
    %jit3A_1064 = arith.constant 0.000000e+00 : f32
    %broadcast_in_dim3A_1065 = vector.broadcast %jit3A_1063 : f32 to vector<16xf32>
    %broadcast_in_dim3A_1066 = vector.broadcast %jit3A_1064 : f32 to vector<16xf32>
    %select_n3A_1067 = arith.select %and3A_1062, %broadcast_in_dim3A_1065, %broadcast_in_dim3A_1066 : vector<16xi1>, vector<16xf32>
    %convert_element_type3A_1068 = arith.sitofp %iota3A : vector<16xi32> to vector<16xf32>
    %mul3A_1069 = arith.mulf %convert_element_type3A_1068, %select_n3A_1067 : vector<16xf32>
    %reduce_sum3A_1070 = arith.constant true
    %reduce_sum3A_1071 = vector.broadcast %reduce_sum3A_1070 : i1 to vector<16xi1>
    %reduce_sum3A_1072 = tpu.scan <sum>, %mul3A_1069 masked %reduce_sum3A_1071 : vector<16xf32>, vector<16xi1> -> vector<16xf32>
    %reduce_sum3A_1073 = vector.extract %reduce_sum3A_1072[15] : f32 from vector<16xf32>
    %mul3A_1074 = arith.mulf %sub3A_1050, %select_n3A_1067 : vector<16xf32>
    %reduce_sum3A_1075 = arith.constant true
    %reduce_sum3A_1076 = vector.broadcast %reduce_sum3A_1075 : i1 to vector<16xi1>
    %reduce_sum3A_1077 = tpu.scan <sum>, %mul3A_1074 masked %reduce_sum3A_1076 : vector<16xf32>, vector<16xi1> -> vector<16xf32>
    %reduce_sum3A_1078 = vector.extract %reduce_sum3A_1077[15] : f32 from vector<16xf32>
    %add3A_1079 = arith.addf %add3A_816, %reduce_sum3A_1078 : f32
    %mul3A_1080 = arith.constant 16 : i32
    %mul3A_1081 = arith.muli %add3A_820, %mul3A_1080 : i32
    %convert_element_type3A_1082 = arith.fptosi %reduce_sum3A_1073 : f32 to i32
    %add3A_1083 = arith.addi %mul3A_1081, %convert_element_type3A_1082 : i32
    %swap3A_1084 = arith.constant 0 : index
    %swap3A_1085 = tpu.vector_load %arg6[%swap3A_1084] {strides = array<i32>} : memref<256xf32, #tpu.memory_space<vmem>>, vector<16xf32>,
    tpu.vector_store %arg6[%swap3A_1084], %broadcast_in_dim3A_31 {strides = array<i32>} : memref<256xf32, #tpu.memory_space<vmem>>, vector<16xf32>,
    %swap3A_1086 = arith.constant 16 : index
    %swap3A_1087 = tpu.vector_load %arg6[%swap3A_1086] {strides = array<i32>} : memref<256xf32, #tpu.memory_space<vmem>>, vector<16xf32>,
    tpu.vector_store %arg6[%swap3A_1086], %broadcast_in_dim3A_31 {strides = array<i32>} : memref<256xf32, #tpu.memory_space<vmem>>, vector<16xf32>,
    %swap3A_1088 = arith.constant 32 : index
    %swap3A_1089 = tpu.vector_load %arg6[%swap3A_1088] {strides = array<i32>} : memref<256xf32, #tpu.memory_space<vmem>>, vector<16xf32>,
    tpu.vector_store %arg6[%swap3A_1088], %broadcast_in_dim3A_31 {strides = array<i32>} : memref<256xf32, #tpu.memory_space<vmem>>, vector<16xf32>,
    %swap3A_1090 = arith.constant 48 : index
    %swap3A_1091 = tpu.vector_load %arg6[%swap3A_1090] {strides = array<i32>} : memref<256xf32, #tpu.memory_space<vmem>>, vector<16xf32>,
    tpu.vector_store %arg6[%swap3A_1090], %broadcast_in_dim3A_31 {strides = array<i32>} : memref<256xf32, #tpu.memory_space<vmem>>, vector<16xf32>,
    %swap3A_1092 = arith.constant 64 : index
    %swap3A_1093 = tpu.vector_load %arg6[%swap3A_1092] {strides = array<i32>} : memref<256xf32, #tpu.memory_space<vmem>>, vector<16xf32>,
    tpu.vector_store %arg6[%swap3A_1092], %broadcast_in_dim3A_31 {strides = array<i32>} : memref<256xf32, #tpu.memory_space<vmem>>, vector<16xf32>,
    %swap3A_1094 = arith.constant 80 : index
    %swap3A_1095 = tpu.vector_load %arg6[%swap3A_1094] {strides = array<i32>} : memref<256xf32, #tpu.memory_space<vmem>>, vector<16xf32>,
    tpu.vector_store %arg6[%swap3A_1094], %broadcast_in_dim3A_31 {strides = array<i32>} : memref<256xf32, #tpu.memory_space<vmem>>, vector<16xf32>,
    %swap3A_1096 = arith.constant 96 : index
    %swap3A_1097 = tpu.vector_load %arg6[%swap3A_1096] {strides = array<i32>} : memref<256xf32, #tpu.memory_space<vmem>>, vector<16xf32>,
    tpu.vector_store %arg6[%swap3A_1096], %broadcast_in_dim3A_31 {strides = array<i32>} : memref<256xf32, #tpu.memory_space<vmem>>, vector<16xf32>,
    %swap3A_1098 = arith.constant 112 : index
    %swap3A_1099 = tpu.vector_load %arg6[%swap3A_1098] {strides = array<i32>} : memref<256xf32, #tpu.memory_space<vmem>>, vector<16xf32>,
    tpu.vector_store %arg6[%swap3A_1098], %broadcast_in_dim3A_31 {strides = array<i32>} : memref<256xf32, #tpu.memory_space<vmem>>, vector<16xf32>,
    %swap3A_1100 = arith.constant 128 : index
    %swap3A_1101 = tpu.vector_load %arg6[%swap3A_1100] {strides = array<i32>} : memref<256xf32, #tpu.memory_space<vmem>>, vector<16xf32>,
    tpu.vector_store %arg6[%swap3A_1100], %broadcast_in_dim3A_31 {strides = array<i32>} : memref<256xf32, #tpu.memory_space<vmem>>, vector<16xf32>,
    %swap3A_1102 = arith.constant 144 : index
    %swap3A_1103 = tpu.vector_load %arg6[%swap3A_1102] {strides = array<i32>} : memref<256xf32, #tpu.memory_space<vmem>>, vector<16xf32>,
    tpu.vector_store %arg6[%swap3A_1102], %broadcast_in_dim3A_31 {strides = array<i32>} : memref<256xf32, #tpu.memory_space<vmem>>, vector<16xf32>,
    %swap3A_1104 = arith.constant 160 : index
    %swap3A_1105 = tpu.vector_load %arg6[%swap3A_1104] {strides = array<i32>} : memref<256xf32, #tpu.memory_space<vmem>>, vector<16xf32>,
    tpu.vector_store %arg6[%swap3A_1104], %broadcast_in_dim3A_31 {strides = array<i32>} : memref<256xf32, #tpu.memory_space<vmem>>, vector<16xf32>,
    %swap3A_1106 = arith.constant 176 : index
    %swap3A_1107 = tpu.vector_load %arg6[%swap3A_1106] {strides = array<i32>} : memref<256xf32, #tpu.memory_space<vmem>>, vector<16xf32>,
    tpu.vector_store %arg6[%swap3A_1106], %broadcast_in_dim3A_31 {strides = array<i32>} : memref<256xf32, #tpu.memory_space<vmem>>, vector<16xf32>,
    %swap3A_1108 = arith.constant 192 : index
    %swap3A_1109 = tpu.vector_load %arg6[%swap3A_1108] {strides = array<i32>} : memref<256xf32, #tpu.memory_space<vmem>>, vector<16xf32>,
    tpu.vector_store %arg6[%swap3A_1108], %broadcast_in_dim3A_31 {strides = array<i32>} : memref<256xf32, #tpu.memory_space<vmem>>, vector<16xf32>,
    %swap3A_1110 = arith.constant 208 : index
    %swap3A_1111 = tpu.vector_load %arg6[%swap3A_1110] {strides = array<i32>} : memref<256xf32, #tpu.memory_space<vmem>>, vector<16xf32>,
    tpu.vector_store %arg6[%swap3A_1110], %broadcast_in_dim3A_31 {strides = array<i32>} : memref<256xf32, #tpu.memory_space<vmem>>, vector<16xf32>,
    %swap3A_1112 = arith.constant 224 : index
    %swap3A_1113 = tpu.vector_load %arg6[%swap3A_1112] {strides = array<i32>} : memref<256xf32, #tpu.memory_space<vmem>>, vector<16xf32>,
    tpu.vector_store %arg6[%swap3A_1112], %broadcast_in_dim3A_31 {strides = array<i32>} : memref<256xf32, #tpu.memory_space<vmem>>, vector<16xf32>,
    %swap3A_1114 = arith.constant 240 : index
    %swap3A_1115 = tpu.vector_load %arg6[%swap3A_1114] {strides = array<i32>} : memref<256xf32, #tpu.memory_space<vmem>>, vector<16xf32>,
    tpu.vector_store %arg6[%swap3A_1114], %broadcast_in_dim3A_31 {strides = array<i32>} : memref<256xf32, #tpu.memory_space<vmem>>, vector<16xf32>,
    %scan3A_1116 = arith.constant 0 : i32
    %scan3A_1117 = arith.constant 0 : i32
    %scan3A_1118 = arith.constant 128 : i32
    %scan3A_1119 = arith.addi %scan3A_1117, %scan3A_1118 : i32
    %scan3A_1120 = arith.constant 1 : i32
    scf.for %scan3A_2267 = %scan3A_1117 to %scan3A_1119 step %scan3A_1120  : i32 {
      %mul3A_2268 = arith.constant 16 : i32
      %mul3A_2269 = arith.muli %scan3A_2267, %mul3A_2268 : i32
      %multiple_of3A = tpu.assume_multiple %mul3A_2269, 16 : i32
      %get3A_2270 = arith.index_cast %multiple_of3A : i32 to index
      %get3A_2271 = tpu.vector_load %arg4[%get3A_2270] {strides = array<i32>} : memref<2048xi32, #tpu.memory_space<vmem>>, vector<16xi32>,
      %xor3A_2272 = arith.xori %get3A_2271, %broadcast_in_dim3A_35 : vector<16xi32>
      %shift_right_logical3A = arith.constant 12 : i32
      %shift_right_logical3A_2273 = vector.broadcast %shift_right_logical3A : i32 to vector<16xi32>
      %shift_right_logical3A_2274 = arith.shrui %xor3A_2272, %shift_right_logical3A_2273 : vector<16xi32>
      %and3A_2275 = arith.constant 15 : i32
      %and3A_2276 = vector.broadcast %and3A_2275 : i32 to vector<16xi32>
      %and3A_2277 = arith.andi %shift_right_logical3A_2274, %and3A_2276 : vector<16xi32>
      %shift_right_logical3A_2278 = arith.constant 16 : i32
      %shift_right_logical3A_2279 = vector.broadcast %shift_right_logical3A_2278 : i32 to vector<16xi32>
      %shift_right_logical3A_2280 = arith.shrui %xor3A_2272, %shift_right_logical3A_2279 : vector<16xi32>
      %eq3A_2281 = vector.broadcast %add3A_1083 : i32 to vector<16xi32>
      %eq3A_2282 = arith.cmpi eq, %shift_right_logical3A_2280, %eq3A_2281 : vector<16xi32>
      %mul3A_2283 = arith.constant 16 : i32
      %mul3A_2284 = vector.broadcast %mul3A_2283 : i32 to vector<16xi32>
      %mul3A_2285 = arith.muli %and3A_2277, %mul3A_2284 : vector<16xi32>
      %add3A_2286 = arith.addi %mul3A_2285, %iota3A : vector<16xi32>
      tpu.vector_store_idx %arg6[%add3A_2286], %broadcast_in_dim3A_33 masked %eq3A_2282 {add = true} : memref<256xf32, #tpu.memory_space<vmem>>[vector<16xi32>], vector<16xf32>, vector<16xi1>
    }
    %scan3A_1121 = arith.constant 128 : i32
    %mul3A_1122 = arith.constant 16 : i32
    %mul3A_1123 = vector.broadcast %mul3A_1122 : i32 to vector<16xi32>
    %mul3A_1124 = arith.muli %iota3A, %mul3A_1123 : vector<16xi32>
    %add3A_1125 = arith.constant 0 : i32
    %add3A_1126 = vector.broadcast %add3A_1125 : i32 to vector<16xi32>
    %add3A_1127 = arith.addi %mul3A_1124, %add3A_1126 : vector<16xi32>
    %gather3A_1128 = tpu.vector_load_idx %arg6[%add3A_1127] : memref<256xf32, #tpu.memory_space<vmem>>[vector<16xi32>], vector<16xf32>,
    %add3A_1129 = arith.addf %broadcast_in_dim3A_31, %gather3A_1128 : vector<16xf32>
    %mul3A_1130 = arith.constant 16 : i32
    %mul3A_1131 = vector.broadcast %mul3A_1130 : i32 to vector<16xi32>
    %mul3A_1132 = arith.muli %iota3A, %mul3A_1131 : vector<16xi32>
    %add3A_1133 = arith.constant 1 : i32
    %add3A_1134 = vector.broadcast %add3A_1133 : i32 to vector<16xi32>
    %add3A_1135 = arith.addi %mul3A_1132, %add3A_1134 : vector<16xi32>
    %gather3A_1136 = tpu.vector_load_idx %arg6[%add3A_1135] : memref<256xf32, #tpu.memory_space<vmem>>[vector<16xi32>], vector<16xf32>,
    %add3A_1137 = arith.addf %add3A_1129, %gather3A_1136 : vector<16xf32>
    %mul3A_1138 = arith.constant 16 : i32
    %mul3A_1139 = vector.broadcast %mul3A_1138 : i32 to vector<16xi32>
    %mul3A_1140 = arith.muli %iota3A, %mul3A_1139 : vector<16xi32>
    %add3A_1141 = arith.constant 2 : i32
    %add3A_1142 = vector.broadcast %add3A_1141 : i32 to vector<16xi32>
    %add3A_1143 = arith.addi %mul3A_1140, %add3A_1142 : vector<16xi32>
    %gather3A_1144 = tpu.vector_load_idx %arg6[%add3A_1143] : memref<256xf32, #tpu.memory_space<vmem>>[vector<16xi32>], vector<16xf32>,
    %add3A_1145 = arith.addf %add3A_1137, %gather3A_1144 : vector<16xf32>
    %mul3A_1146 = arith.constant 16 : i32
    %mul3A_1147 = vector.broadcast %mul3A_1146 : i32 to vector<16xi32>
    %mul3A_1148 = arith.muli %iota3A, %mul3A_1147 : vector<16xi32>
    %add3A_1149 = arith.constant 3 : i32
    %add3A_1150 = vector.broadcast %add3A_1149 : i32 to vector<16xi32>
    %add3A_1151 = arith.addi %mul3A_1148, %add3A_1150 : vector<16xi32>
    %gather3A_1152 = tpu.vector_load_idx %arg6[%add3A_1151] : memref<256xf32, #tpu.memory_space<vmem>>[vector<16xi32>], vector<16xf32>,
    %add3A_1153 = arith.addf %add3A_1145, %gather3A_1152 : vector<16xf32>
    %mul3A_1154 = arith.constant 16 : i32
    %mul3A_1155 = vector.broadcast %mul3A_1154 : i32 to vector<16xi32>
    %mul3A_1156 = arith.muli %iota3A, %mul3A_1155 : vector<16xi32>
    %add3A_1157 = arith.constant 4 : i32
    %add3A_1158 = vector.broadcast %add3A_1157 : i32 to vector<16xi32>
    %add3A_1159 = arith.addi %mul3A_1156, %add3A_1158 : vector<16xi32>
    %gather3A_1160 = tpu.vector_load_idx %arg6[%add3A_1159] : memref<256xf32, #tpu.memory_space<vmem>>[vector<16xi32>], vector<16xf32>,
    %add3A_1161 = arith.addf %add3A_1153, %gather3A_1160 : vector<16xf32>
    %mul3A_1162 = arith.constant 16 : i32
    %mul3A_1163 = vector.broadcast %mul3A_1162 : i32 to vector<16xi32>
    %mul3A_1164 = arith.muli %iota3A, %mul3A_1163 : vector<16xi32>
    %add3A_1165 = arith.constant 5 : i32
    %add3A_1166 = vector.broadcast %add3A_1165 : i32 to vector<16xi32>
    %add3A_1167 = arith.addi %mul3A_1164, %add3A_1166 : vector<16xi32>
    %gather3A_1168 = tpu.vector_load_idx %arg6[%add3A_1167] : memref<256xf32, #tpu.memory_space<vmem>>[vector<16xi32>], vector<16xf32>,
    %add3A_1169 = arith.addf %add3A_1161, %gather3A_1168 : vector<16xf32>
    %mul3A_1170 = arith.constant 16 : i32
    %mul3A_1171 = vector.broadcast %mul3A_1170 : i32 to vector<16xi32>
    %mul3A_1172 = arith.muli %iota3A, %mul3A_1171 : vector<16xi32>
    %add3A_1173 = arith.constant 6 : i32
    %add3A_1174 = vector.broadcast %add3A_1173 : i32 to vector<16xi32>
    %add3A_1175 = arith.addi %mul3A_1172, %add3A_1174 : vector<16xi32>
    %gather3A_1176 = tpu.vector_load_idx %arg6[%add3A_1175] : memref<256xf32, #tpu.memory_space<vmem>>[vector<16xi32>], vector<16xf32>,
    %add3A_1177 = arith.addf %add3A_1169, %gather3A_1176 : vector<16xf32>
    %mul3A_1178 = arith.constant 16 : i32
    %mul3A_1179 = vector.broadcast %mul3A_1178 : i32 to vector<16xi32>
    %mul3A_1180 = arith.muli %iota3A, %mul3A_1179 : vector<16xi32>
    %add3A_1181 = arith.constant 7 : i32
    %add3A_1182 = vector.broadcast %add3A_1181 : i32 to vector<16xi32>
    %add3A_1183 = arith.addi %mul3A_1180, %add3A_1182 : vector<16xi32>
    %gather3A_1184 = tpu.vector_load_idx %arg6[%add3A_1183] : memref<256xf32, #tpu.memory_space<vmem>>[vector<16xi32>], vector<16xf32>,
    %add3A_1185 = arith.addf %add3A_1177, %gather3A_1184 : vector<16xf32>
    %mul3A_1186 = arith.constant 16 : i32
    %mul3A_1187 = vector.broadcast %mul3A_1186 : i32 to vector<16xi32>
    %mul3A_1188 = arith.muli %iota3A, %mul3A_1187 : vector<16xi32>
    %add3A_1189 = arith.constant 8 : i32
    %add3A_1190 = vector.broadcast %add3A_1189 : i32 to vector<16xi32>
    %add3A_1191 = arith.addi %mul3A_1188, %add3A_1190 : vector<16xi32>
    %gather3A_1192 = tpu.vector_load_idx %arg6[%add3A_1191] : memref<256xf32, #tpu.memory_space<vmem>>[vector<16xi32>], vector<16xf32>,
    %add3A_1193 = arith.addf %add3A_1185, %gather3A_1192 : vector<16xf32>
    %mul3A_1194 = arith.constant 16 : i32
    %mul3A_1195 = vector.broadcast %mul3A_1194 : i32 to vector<16xi32>
    %mul3A_1196 = arith.muli %iota3A, %mul3A_1195 : vector<16xi32>
    %add3A_1197 = arith.constant 9 : i32
    %add3A_1198 = vector.broadcast %add3A_1197 : i32 to vector<16xi32>
    %add3A_1199 = arith.addi %mul3A_1196, %add3A_1198 : vector<16xi32>
    %gather3A_1200 = tpu.vector_load_idx %arg6[%add3A_1199] : memref<256xf32, #tpu.memory_space<vmem>>[vector<16xi32>], vector<16xf32>,
    %add3A_1201 = arith.addf %add3A_1193, %gather3A_1200 : vector<16xf32>
    %mul3A_1202 = arith.constant 16 : i32
    %mul3A_1203 = vector.broadcast %mul3A_1202 : i32 to vector<16xi32>
    %mul3A_1204 = arith.muli %iota3A, %mul3A_1203 : vector<16xi32>
    %add3A_1205 = arith.constant 10 : i32
    %add3A_1206 = vector.broadcast %add3A_1205 : i32 to vector<16xi32>
    %add3A_1207 = arith.addi %mul3A_1204, %add3A_1206 : vector<16xi32>
    %gather3A_1208 = tpu.vector_load_idx %arg6[%add3A_1207] : memref<256xf32, #tpu.memory_space<vmem>>[vector<16xi32>], vector<16xf32>,
    %add3A_1209 = arith.addf %add3A_1201, %gather3A_1208 : vector<16xf32>
    %mul3A_1210 = arith.constant 16 : i32
    %mul3A_1211 = vector.broadcast %mul3A_1210 : i32 to vector<16xi32>
    %mul3A_1212 = arith.muli %iota3A, %mul3A_1211 : vector<16xi32>
    %add3A_1213 = arith.constant 11 : i32
    %add3A_1214 = vector.broadcast %add3A_1213 : i32 to vector<16xi32>
    %add3A_1215 = arith.addi %mul3A_1212, %add3A_1214 : vector<16xi32>
    %gather3A_1216 = tpu.vector_load_idx %arg6[%add3A_1215] : memref<256xf32, #tpu.memory_space<vmem>>[vector<16xi32>], vector<16xf32>,
    %add3A_1217 = arith.addf %add3A_1209, %gather3A_1216 : vector<16xf32>
    %mul3A_1218 = arith.constant 16 : i32
    %mul3A_1219 = vector.broadcast %mul3A_1218 : i32 to vector<16xi32>
    %mul3A_1220 = arith.muli %iota3A, %mul3A_1219 : vector<16xi32>
    %add3A_1221 = arith.constant 12 : i32
    %add3A_1222 = vector.broadcast %add3A_1221 : i32 to vector<16xi32>
    %add3A_1223 = arith.addi %mul3A_1220, %add3A_1222 : vector<16xi32>
    %gather3A_1224 = tpu.vector_load_idx %arg6[%add3A_1223] : memref<256xf32, #tpu.memory_space<vmem>>[vector<16xi32>], vector<16xf32>,
    %add3A_1225 = arith.addf %add3A_1217, %gather3A_1224 : vector<16xf32>
    %mul3A_1226 = arith.constant 16 : i32
    %mul3A_1227 = vector.broadcast %mul3A_1226 : i32 to vector<16xi32>
    %mul3A_1228 = arith.muli %iota3A, %mul3A_1227 : vector<16xi32>
    %add3A_1229 = arith.constant 13 : i32
    %add3A_1230 = vector.broadcast %add3A_1229 : i32 to vector<16xi32>
    %add3A_1231 = arith.addi %mul3A_1228, %add3A_1230 : vector<16xi32>
    %gather3A_1232 = tpu.vector_load_idx %arg6[%add3A_1231] : memref<256xf32, #tpu.memory_space<vmem>>[vector<16xi32>], vector<16xf32>,
    %add3A_1233 = arith.addf %add3A_1225, %gather3A_1232 : vector<16xf32>
    %mul3A_1234 = arith.constant 16 : i32
    %mul3A_1235 = vector.broadcast %mul3A_1234 : i32 to vector<16xi32>
    %mul3A_1236 = arith.muli %iota3A, %mul3A_1235 : vector<16xi32>
    %add3A_1237 = arith.constant 14 : i32
    %add3A_1238 = vector.broadcast %add3A_1237 : i32 to vector<16xi32>
    %add3A_1239 = arith.addi %mul3A_1236, %add3A_1238 : vector<16xi32>
    %gather3A_1240 = tpu.vector_load_idx %arg6[%add3A_1239] : memref<256xf32, #tpu.memory_space<vmem>>[vector<16xi32>], vector<16xf32>,
    %add3A_1241 = arith.addf %add3A_1233, %gather3A_1240 : vector<16xf32>
    %mul3A_1242 = arith.constant 16 : i32
    %mul3A_1243 = vector.broadcast %mul3A_1242 : i32 to vector<16xi32>
    %mul3A_1244 = arith.muli %iota3A, %mul3A_1243 : vector<16xi32>
    %add3A_1245 = arith.constant 15 : i32
    %add3A_1246 = vector.broadcast %add3A_1245 : i32 to vector<16xi32>
    %add3A_1247 = arith.addi %mul3A_1244, %add3A_1246 : vector<16xi32>
    %gather3A_1248 = tpu.vector_load_idx %arg6[%add3A_1247] : memref<256xf32, #tpu.memory_space<vmem>>[vector<16xi32>], vector<16xf32>,
    %add3A_1249 = arith.addf %add3A_1241, %gather3A_1248 : vector<16xf32>
    %swap3A_1250 = arith.constant 0 : index
    %swap3A_1251 = tpu.vector_load %arg7[%swap3A_1250] {strides = array<i32>} : memref<16xf32, #tpu.memory_space<vmem>>, vector<16xf32>,
    tpu.vector_store %arg7[%swap3A_1250], %add3A_1249 {strides = array<i32>} : memref<16xf32, #tpu.memory_space<vmem>>, vector<16xf32>,
    %mul3A_1252 = arith.constant 16 : i32
    %mul3A_1253 = arith.muli %select_n3A, %mul3A_1252 : i32
    %add3A_1254 = arith.constant 32 : i32
    %add3A_1255 = arith.addi %add3A_1254, %mul3A_1253 : i32
    %add3A_1256 = arith.constant 0 : i32
    %add3A_1257 = arith.addi %add3A_1255, %add3A_1256 : i32
    %add3A_1258 = arith.addi %add3A_1257, %select_n3A_28 : i32
    "tpu.region"() ({
      %run_scoped3A = tpu.sem_alloc : memref<!tpu.dma_semaphore, #tpu.memory_space<semaphore_mem>>
      %dma_start3A = arith.constant 0 : i32
      %dma_start3A_2267 = tpu.memref_slice %arg9[%add3A_1258, %dma_start3A] : memref<64x16xf32, #tpu.memory_space<vmem_shared>> -> memref<1x16xf32, #tpu.memory_space<vmem_shared>>
      %dma_start3A_2268 = tpu.memref_squeeze %dma_start3A_2267 : memref<1x16xf32, #tpu.memory_space<vmem_shared>> -> memref<16xf32, #tpu.memory_space<vmem_shared>>
      %dma_start3A_2269 = arith.constant 0 : i32
      %dma_start3A_2270 = tpu.memref_slice %arg9[%add3A_1258, %dma_start3A_2269] : memref<64x16xf32, #tpu.memory_space<vmem_shared>> -> memref<1x16xf32, #tpu.memory_space<vmem_shared>>
      %dma_start3A_2271 = tpu.memref_squeeze %dma_start3A_2270 : memref<1x16xf32, #tpu.memory_space<vmem_shared>> -> memref<16xf32, #tpu.memory_space<vmem_shared>>
      tpu.enqueue_dma source(%arg7 : memref<16xf32, #tpu.memory_space<vmem>>) target(%dma_start3A_2271 : memref<16xf32, #tpu.memory_space<vmem_shared>>) target_semaphore(%run_scoped3A : memref<!tpu.dma_semaphore, #tpu.memory_space<semaphore_mem>>)
      %dma_wait3A = arith.constant 0 : i32
      %dma_wait3A_2272 = tpu.memref_slice %arg9[%add3A_1258, %dma_wait3A] : memref<64x16xf32, #tpu.memory_space<vmem_shared>> -> memref<1x16xf32, #tpu.memory_space<vmem_shared>>
      %dma_wait3A_2273 = tpu.memref_squeeze %dma_wait3A_2272 : memref<1x16xf32, #tpu.memory_space<vmem_shared>> -> memref<16xf32, #tpu.memory_space<vmem_shared>>
      %dma_wait3A_2274 = arith.constant 0 : i32
      %dma_wait3A_2275 = tpu.memref_slice %arg9[%add3A_1258, %dma_wait3A_2274] : memref<64x16xf32, #tpu.memory_space<vmem_shared>> -> memref<1x16xf32, #tpu.memory_space<vmem_shared>>
      %dma_wait3A_2276 = tpu.memref_squeeze %dma_wait3A_2275 : memref<1x16xf32, #tpu.memory_space<vmem_shared>> -> memref<16xf32, #tpu.memory_space<vmem_shared>>
      tpu.wait_dma2 semaphore(%run_scoped3A : memref<!tpu.dma_semaphore, #tpu.memory_space<semaphore_mem>>) src(%arg7 : memref<16xf32, #tpu.memory_space<vmem>>) dst(%dma_wait3A_2276 : memref<16xf32, #tpu.memory_space<vmem_shared>>)
      tpu.yield
    }) : () -> ()
    %barrier3A_1259 = arith.constant 0 : index
    tpu.barrier barrier_id(%barrier3A_1259)
    "tpu.region"() ({
      %run_scoped3A = tpu.sem_alloc : memref<!tpu.dma_semaphore, #tpu.memory_space<semaphore_mem>>
      %dma_start3A = arith.constant 0 : i32
      %dma_start3A_2267 = tpu.memref_slice %arg9[%add3A_1257, %dma_start3A] : memref<64x16xf32, #tpu.memory_space<vmem_shared>> -> memref<8x16xf32, #tpu.memory_space<vmem_shared>>
      %dma_start3A_2268 = arith.constant 0 : i32
      %dma_start3A_2269 = tpu.memref_slice %arg9[%add3A_1257, %dma_start3A_2268] : memref<64x16xf32, #tpu.memory_space<vmem_shared>> -> memref<8x16xf32, #tpu.memory_space<vmem_shared>>
      tpu.enqueue_dma source(%dma_start3A_2269 : memref<8x16xf32, #tpu.memory_space<vmem_shared>>) target(%arg8 : memref<8x16xf32, #tpu.memory_space<vmem>>) target_semaphore(%run_scoped3A : memref<!tpu.dma_semaphore, #tpu.memory_space<semaphore_mem>>)
      %dma_wait3A = arith.constant 0 : i32
      %dma_wait3A_2270 = tpu.memref_slice %arg9[%add3A_1257, %dma_wait3A] : memref<64x16xf32, #tpu.memory_space<vmem_shared>> -> memref<8x16xf32, #tpu.memory_space<vmem_shared>>
      %dma_wait3A_2271 = arith.constant 0 : i32
      %dma_wait3A_2272 = tpu.memref_slice %arg9[%add3A_1257, %dma_wait3A_2271] : memref<64x16xf32, #tpu.memory_space<vmem_shared>> -> memref<8x16xf32, #tpu.memory_space<vmem_shared>>
      tpu.wait_dma2 semaphore(%run_scoped3A : memref<!tpu.dma_semaphore, #tpu.memory_space<semaphore_mem>>) src(%dma_wait3A_2272 : memref<8x16xf32, #tpu.memory_space<vmem_shared>>) dst(%arg8 : memref<8x16xf32, #tpu.memory_space<vmem>>)
      tpu.yield
    }) : () -> ()
    %get3A_1260 = arith.constant 0 : i32
    %get3A_1261 = arith.index_cast %get3A_1260 : i32 to index
    %get3A_1262 = arith.constant 0 : index
    %get3A_1263 = tpu.vector_load %arg8[%get3A_1261, %get3A_1262] {strides = array<i32>} : memref<8x16xf32, #tpu.memory_space<vmem>>, vector<16xf32>,
    %add3A_1264 = arith.addf %broadcast_in_dim3A_31, %get3A_1263 : vector<16xf32>
    %get3A_1265 = arith.constant 1 : i32
    %get3A_1266 = arith.index_cast %get3A_1265 : i32 to index
    %get3A_1267 = arith.constant 0 : index
    %get3A_1268 = tpu.vector_load %arg8[%get3A_1266, %get3A_1267] {strides = array<i32>} : memref<8x16xf32, #tpu.memory_space<vmem>>, vector<16xf32>,
    %add3A_1269 = arith.addf %add3A_1264, %get3A_1268 : vector<16xf32>
    %get3A_1270 = arith.constant 2 : i32
    %get3A_1271 = arith.index_cast %get3A_1270 : i32 to index
    %get3A_1272 = arith.constant 0 : index
    %get3A_1273 = tpu.vector_load %arg8[%get3A_1271, %get3A_1272] {strides = array<i32>} : memref<8x16xf32, #tpu.memory_space<vmem>>, vector<16xf32>,
    %add3A_1274 = arith.addf %add3A_1269, %get3A_1273 : vector<16xf32>
    %get3A_1275 = arith.constant 3 : i32
    %get3A_1276 = arith.index_cast %get3A_1275 : i32 to index
    %get3A_1277 = arith.constant 0 : index
    %get3A_1278 = tpu.vector_load %arg8[%get3A_1276, %get3A_1277] {strides = array<i32>} : memref<8x16xf32, #tpu.memory_space<vmem>>, vector<16xf32>,
    %add3A_1279 = arith.addf %add3A_1274, %get3A_1278 : vector<16xf32>
    %get3A_1280 = arith.constant 4 : i32
    %get3A_1281 = arith.index_cast %get3A_1280 : i32 to index
    %get3A_1282 = arith.constant 0 : index
    %get3A_1283 = tpu.vector_load %arg8[%get3A_1281, %get3A_1282] {strides = array<i32>} : memref<8x16xf32, #tpu.memory_space<vmem>>, vector<16xf32>,
    %add3A_1284 = arith.addf %add3A_1279, %get3A_1283 : vector<16xf32>
    %get3A_1285 = arith.constant 5 : i32
    %get3A_1286 = arith.index_cast %get3A_1285 : i32 to index
    %get3A_1287 = arith.constant 0 : index
    %get3A_1288 = tpu.vector_load %arg8[%get3A_1286, %get3A_1287] {strides = array<i32>} : memref<8x16xf32, #tpu.memory_space<vmem>>, vector<16xf32>,
    %add3A_1289 = arith.addf %add3A_1284, %get3A_1288 : vector<16xf32>
    %get3A_1290 = arith.constant 6 : i32
    %get3A_1291 = arith.index_cast %get3A_1290 : i32 to index
    %get3A_1292 = arith.constant 0 : index
    %get3A_1293 = tpu.vector_load %arg8[%get3A_1291, %get3A_1292] {strides = array<i32>} : memref<8x16xf32, #tpu.memory_space<vmem>>, vector<16xf32>,
    %add3A_1294 = arith.addf %add3A_1289, %get3A_1293 : vector<16xf32>
    %get3A_1295 = arith.constant 7 : i32
    %get3A_1296 = arith.index_cast %get3A_1295 : i32 to index
    %get3A_1297 = arith.constant 0 : index
    %get3A_1298 = tpu.vector_load %arg8[%get3A_1296, %get3A_1297] {strides = array<i32>} : memref<8x16xf32, #tpu.memory_space<vmem>>, vector<16xf32>,
    %add3A_1299 = arith.addf %add3A_1294, %get3A_1298 : vector<16xf32>
    %rev3A_1300 = arith.constant 15 : i32
    %rev3A_1301 = vector.broadcast %rev3A_1300 : i32 to vector<16xi32>
    %rev3A_1302 = tpu.iota {dimensions = array<i32: 0>} : vector<16xi32>
    %rev3A_1303 = arith.subi %rev3A_1301, %rev3A_1302 : vector<16xi32>
    %rev3A_1304 = tpu.dynamic_gather %add3A_1299[%rev3A_1303] in [0] : vector<16xf32>, vector<16xi32> -> vector<16xf32>
    %broadcast_in_dim3A_1305 = arith.constant true
    %broadcast_in_dim3A_1306 = vector.broadcast %broadcast_in_dim3A_1305 : i1 to vector<16xi1>
    %masked_cumsum3A_1307 = tpu.scan <sum>, %rev3A_1304 masked %broadcast_in_dim3A_1306 : vector<16xf32>, vector<16xi1> -> vector<16xf32>
    %rev3A_1308 = arith.constant 15 : i32
    %rev3A_1309 = vector.broadcast %rev3A_1308 : i32 to vector<16xi32>
    %rev3A_1310 = tpu.iota {dimensions = array<i32: 0>} : vector<16xi32>
    %rev3A_1311 = arith.subi %rev3A_1309, %rev3A_1310 : vector<16xi32>
    %rev3A_1312 = tpu.dynamic_gather %masked_cumsum3A_1307[%rev3A_1311] in [0] : vector<16xf32>, vector<16xi32> -> vector<16xf32>
    %sub3A_1313 = arith.subf %rev3A_1312, %add3A_1299 : vector<16xf32>
    %add3A_1314 = vector.broadcast %add3A_1079 : f32 to vector<16xf32>
    %add3A_1315 = arith.addf %add3A_1314, %sub3A_1313 : vector<16xf32>
    %lt3A_1316 = arith.constant 8.192000e+03 : f32
    %lt3A_1317 = vector.broadcast %lt3A_1316 : f32 to vector<16xf32>
    %lt3A_1318 = arith.cmpf olt, %add3A_1315, %lt3A_1317 : vector<16xf32>
    %add3A_1319 = vector.broadcast %add3A_1079 : f32 to vector<16xf32>
    %add3A_1320 = arith.addf %add3A_1319, %sub3A_1313 : vector<16xf32>
    %add3A_1321 = arith.addf %add3A_1320, %add3A_1299 : vector<16xf32>
    %ge3A_1322 = arith.constant 8.192000e+03 : f32
    %ge3A_1323 = vector.broadcast %ge3A_1322 : f32 to vector<16xf32>
    %ge3A_1324 = arith.cmpf oge, %add3A_1321, %ge3A_1323 : vector<16xf32>
    %and3A_1325 = arith.andi %lt3A_1318, %ge3A_1324 : vector<16xi1>
    %jit3A_1326 = arith.constant 1.000000e+00 : f32
    %jit3A_1327 = arith.constant 0.000000e+00 : f32
    %broadcast_in_dim3A_1328 = vector.broadcast %jit3A_1326 : f32 to vector<16xf32>
    %broadcast_in_dim3A_1329 = vector.broadcast %jit3A_1327 : f32 to vector<16xf32>
    %select_n3A_1330 = arith.select %and3A_1325, %broadcast_in_dim3A_1328, %broadcast_in_dim3A_1329 : vector<16xi1>, vector<16xf32>
    %convert_element_type3A_1331 = arith.sitofp %iota3A : vector<16xi32> to vector<16xf32>
    %mul3A_1332 = arith.mulf %convert_element_type3A_1331, %select_n3A_1330 : vector<16xf32>
    %reduce_sum3A_1333 = arith.constant true
    %reduce_sum3A_1334 = vector.broadcast %reduce_sum3A_1333 : i1 to vector<16xi1>
    %reduce_sum3A_1335 = tpu.scan <sum>, %mul3A_1332 masked %reduce_sum3A_1334 : vector<16xf32>, vector<16xi1> -> vector<16xf32>
    %reduce_sum3A_1336 = vector.extract %reduce_sum3A_1335[15] : f32 from vector<16xf32>
    %mul3A_1337 = arith.mulf %sub3A_1313, %select_n3A_1330 : vector<16xf32>
    %reduce_sum3A_1338 = arith.constant true
    %reduce_sum3A_1339 = vector.broadcast %reduce_sum3A_1338 : i1 to vector<16xi1>
    %reduce_sum3A_1340 = tpu.scan <sum>, %mul3A_1337 masked %reduce_sum3A_1339 : vector<16xf32>, vector<16xi1> -> vector<16xf32>
    %reduce_sum3A_1341 = vector.extract %reduce_sum3A_1340[15] : f32 from vector<16xf32>
    %add3A_1342 = arith.addf %add3A_1079, %reduce_sum3A_1341 : f32
    %mul3A_1343 = arith.constant 16 : i32
    %mul3A_1344 = arith.muli %add3A_1083, %mul3A_1343 : i32
    %convert_element_type3A_1345 = arith.fptosi %reduce_sum3A_1336 : f32 to i32
    %add3A_1346 = arith.addi %mul3A_1344, %convert_element_type3A_1345 : i32
    %swap3A_1347 = arith.constant 0 : index
    %swap3A_1348 = tpu.vector_load %arg6[%swap3A_1347] {strides = array<i32>} : memref<256xf32, #tpu.memory_space<vmem>>, vector<16xf32>,
    tpu.vector_store %arg6[%swap3A_1347], %broadcast_in_dim3A_31 {strides = array<i32>} : memref<256xf32, #tpu.memory_space<vmem>>, vector<16xf32>,
    %swap3A_1349 = arith.constant 16 : index
    %swap3A_1350 = tpu.vector_load %arg6[%swap3A_1349] {strides = array<i32>} : memref<256xf32, #tpu.memory_space<vmem>>, vector<16xf32>,
    tpu.vector_store %arg6[%swap3A_1349], %broadcast_in_dim3A_31 {strides = array<i32>} : memref<256xf32, #tpu.memory_space<vmem>>, vector<16xf32>,
    %swap3A_1351 = arith.constant 32 : index
    %swap3A_1352 = tpu.vector_load %arg6[%swap3A_1351] {strides = array<i32>} : memref<256xf32, #tpu.memory_space<vmem>>, vector<16xf32>,
    tpu.vector_store %arg6[%swap3A_1351], %broadcast_in_dim3A_31 {strides = array<i32>} : memref<256xf32, #tpu.memory_space<vmem>>, vector<16xf32>,
    %swap3A_1353 = arith.constant 48 : index
    %swap3A_1354 = tpu.vector_load %arg6[%swap3A_1353] {strides = array<i32>} : memref<256xf32, #tpu.memory_space<vmem>>, vector<16xf32>,
    tpu.vector_store %arg6[%swap3A_1353], %broadcast_in_dim3A_31 {strides = array<i32>} : memref<256xf32, #tpu.memory_space<vmem>>, vector<16xf32>,
    %swap3A_1355 = arith.constant 64 : index
    %swap3A_1356 = tpu.vector_load %arg6[%swap3A_1355] {strides = array<i32>} : memref<256xf32, #tpu.memory_space<vmem>>, vector<16xf32>,
    tpu.vector_store %arg6[%swap3A_1355], %broadcast_in_dim3A_31 {strides = array<i32>} : memref<256xf32, #tpu.memory_space<vmem>>, vector<16xf32>,
    %swap3A_1357 = arith.constant 80 : index
    %swap3A_1358 = tpu.vector_load %arg6[%swap3A_1357] {strides = array<i32>} : memref<256xf32, #tpu.memory_space<vmem>>, vector<16xf32>,
    tpu.vector_store %arg6[%swap3A_1357], %broadcast_in_dim3A_31 {strides = array<i32>} : memref<256xf32, #tpu.memory_space<vmem>>, vector<16xf32>,
    %swap3A_1359 = arith.constant 96 : index
    %swap3A_1360 = tpu.vector_load %arg6[%swap3A_1359] {strides = array<i32>} : memref<256xf32, #tpu.memory_space<vmem>>, vector<16xf32>,
    tpu.vector_store %arg6[%swap3A_1359], %broadcast_in_dim3A_31 {strides = array<i32>} : memref<256xf32, #tpu.memory_space<vmem>>, vector<16xf32>,
    %swap3A_1361 = arith.constant 112 : index
    %swap3A_1362 = tpu.vector_load %arg6[%swap3A_1361] {strides = array<i32>} : memref<256xf32, #tpu.memory_space<vmem>>, vector<16xf32>,
    tpu.vector_store %arg6[%swap3A_1361], %broadcast_in_dim3A_31 {strides = array<i32>} : memref<256xf32, #tpu.memory_space<vmem>>, vector<16xf32>,
    %swap3A_1363 = arith.constant 128 : index
    %swap3A_1364 = tpu.vector_load %arg6[%swap3A_1363] {strides = array<i32>} : memref<256xf32, #tpu.memory_space<vmem>>, vector<16xf32>,
    tpu.vector_store %arg6[%swap3A_1363], %broadcast_in_dim3A_31 {strides = array<i32>} : memref<256xf32, #tpu.memory_space<vmem>>, vector<16xf32>,
    %swap3A_1365 = arith.constant 144 : index
    %swap3A_1366 = tpu.vector_load %arg6[%swap3A_1365] {strides = array<i32>} : memref<256xf32, #tpu.memory_space<vmem>>, vector<16xf32>,
    tpu.vector_store %arg6[%swap3A_1365], %broadcast_in_dim3A_31 {strides = array<i32>} : memref<256xf32, #tpu.memory_space<vmem>>, vector<16xf32>,
    %swap3A_1367 = arith.constant 160 : index
    %swap3A_1368 = tpu.vector_load %arg6[%swap3A_1367] {strides = array<i32>} : memref<256xf32, #tpu.memory_space<vmem>>, vector<16xf32>,
    tpu.vector_store %arg6[%swap3A_1367], %broadcast_in_dim3A_31 {strides = array<i32>} : memref<256xf32, #tpu.memory_space<vmem>>, vector<16xf32>,
    %swap3A_1369 = arith.constant 176 : index
    %swap3A_1370 = tpu.vector_load %arg6[%swap3A_1369] {strides = array<i32>} : memref<256xf32, #tpu.memory_space<vmem>>, vector<16xf32>,
    tpu.vector_store %arg6[%swap3A_1369], %broadcast_in_dim3A_31 {strides = array<i32>} : memref<256xf32, #tpu.memory_space<vmem>>, vector<16xf32>,
    %swap3A_1371 = arith.constant 192 : index
    %swap3A_1372 = tpu.vector_load %arg6[%swap3A_1371] {strides = array<i32>} : memref<256xf32, #tpu.memory_space<vmem>>, vector<16xf32>,
    tpu.vector_store %arg6[%swap3A_1371], %broadcast_in_dim3A_31 {strides = array<i32>} : memref<256xf32, #tpu.memory_space<vmem>>, vector<16xf32>,
    %swap3A_1373 = arith.constant 208 : index
    %swap3A_1374 = tpu.vector_load %arg6[%swap3A_1373] {strides = array<i32>} : memref<256xf32, #tpu.memory_space<vmem>>, vector<16xf32>,
    tpu.vector_store %arg6[%swap3A_1373], %broadcast_in_dim3A_31 {strides = array<i32>} : memref<256xf32, #tpu.memory_space<vmem>>, vector<16xf32>,
    %swap3A_1375 = arith.constant 224 : index
    %swap3A_1376 = tpu.vector_load %arg6[%swap3A_1375] {strides = array<i32>} : memref<256xf32, #tpu.memory_space<vmem>>, vector<16xf32>,
    tpu.vector_store %arg6[%swap3A_1375], %broadcast_in_dim3A_31 {strides = array<i32>} : memref<256xf32, #tpu.memory_space<vmem>>, vector<16xf32>,
    %swap3A_1377 = arith.constant 240 : index
    %swap3A_1378 = tpu.vector_load %arg6[%swap3A_1377] {strides = array<i32>} : memref<256xf32, #tpu.memory_space<vmem>>, vector<16xf32>,
    tpu.vector_store %arg6[%swap3A_1377], %broadcast_in_dim3A_31 {strides = array<i32>} : memref<256xf32, #tpu.memory_space<vmem>>, vector<16xf32>,
    %scan3A_1379 = arith.constant 0 : i32
    %scan3A_1380 = arith.constant 0 : i32
    %scan3A_1381 = arith.constant 128 : i32
    %scan3A_1382 = arith.addi %scan3A_1380, %scan3A_1381 : i32
    %scan3A_1383 = arith.constant 1 : i32
    scf.for %scan3A_2267 = %scan3A_1380 to %scan3A_1382 step %scan3A_1383  : i32 {
      %mul3A_2268 = arith.constant 16 : i32
      %mul3A_2269 = arith.muli %scan3A_2267, %mul3A_2268 : i32
      %multiple_of3A = tpu.assume_multiple %mul3A_2269, 16 : i32
      %get3A_2270 = arith.index_cast %multiple_of3A : i32 to index
      %get3A_2271 = tpu.vector_load %arg4[%get3A_2270] {strides = array<i32>} : memref<2048xi32, #tpu.memory_space<vmem>>, vector<16xi32>,
      %xor3A_2272 = arith.xori %get3A_2271, %broadcast_in_dim3A_35 : vector<16xi32>
      %shift_right_logical3A = arith.constant 8 : i32
      %shift_right_logical3A_2273 = vector.broadcast %shift_right_logical3A : i32 to vector<16xi32>
      %shift_right_logical3A_2274 = arith.shrui %xor3A_2272, %shift_right_logical3A_2273 : vector<16xi32>
      %and3A_2275 = arith.constant 15 : i32
      %and3A_2276 = vector.broadcast %and3A_2275 : i32 to vector<16xi32>
      %and3A_2277 = arith.andi %shift_right_logical3A_2274, %and3A_2276 : vector<16xi32>
      %shift_right_logical3A_2278 = arith.constant 12 : i32
      %shift_right_logical3A_2279 = vector.broadcast %shift_right_logical3A_2278 : i32 to vector<16xi32>
      %shift_right_logical3A_2280 = arith.shrui %xor3A_2272, %shift_right_logical3A_2279 : vector<16xi32>
      %eq3A_2281 = vector.broadcast %add3A_1346 : i32 to vector<16xi32>
      %eq3A_2282 = arith.cmpi eq, %shift_right_logical3A_2280, %eq3A_2281 : vector<16xi32>
      %mul3A_2283 = arith.constant 16 : i32
      %mul3A_2284 = vector.broadcast %mul3A_2283 : i32 to vector<16xi32>
      %mul3A_2285 = arith.muli %and3A_2277, %mul3A_2284 : vector<16xi32>
      %add3A_2286 = arith.addi %mul3A_2285, %iota3A : vector<16xi32>
      tpu.vector_store_idx %arg6[%add3A_2286], %broadcast_in_dim3A_33 masked %eq3A_2282 {add = true} : memref<256xf32, #tpu.memory_space<vmem>>[vector<16xi32>], vector<16xf32>, vector<16xi1>
    }
    %scan3A_1384 = arith.constant 128 : i32
    %mul3A_1385 = arith.constant 16 : i32
    %mul3A_1386 = vector.broadcast %mul3A_1385 : i32 to vector<16xi32>
    %mul3A_1387 = arith.muli %iota3A, %mul3A_1386 : vector<16xi32>
    %add3A_1388 = arith.constant 0 : i32
    %add3A_1389 = vector.broadcast %add3A_1388 : i32 to vector<16xi32>
    %add3A_1390 = arith.addi %mul3A_1387, %add3A_1389 : vector<16xi32>
    %gather3A_1391 = tpu.vector_load_idx %arg6[%add3A_1390] : memref<256xf32, #tpu.memory_space<vmem>>[vector<16xi32>], vector<16xf32>,
    %add3A_1392 = arith.addf %broadcast_in_dim3A_31, %gather3A_1391 : vector<16xf32>
    %mul3A_1393 = arith.constant 16 : i32
    %mul3A_1394 = vector.broadcast %mul3A_1393 : i32 to vector<16xi32>
    %mul3A_1395 = arith.muli %iota3A, %mul3A_1394 : vector<16xi32>
    %add3A_1396 = arith.constant 1 : i32
    %add3A_1397 = vector.broadcast %add3A_1396 : i32 to vector<16xi32>
    %add3A_1398 = arith.addi %mul3A_1395, %add3A_1397 : vector<16xi32>
    %gather3A_1399 = tpu.vector_load_idx %arg6[%add3A_1398] : memref<256xf32, #tpu.memory_space<vmem>>[vector<16xi32>], vector<16xf32>,
    %add3A_1400 = arith.addf %add3A_1392, %gather3A_1399 : vector<16xf32>
    %mul3A_1401 = arith.constant 16 : i32
    %mul3A_1402 = vector.broadcast %mul3A_1401 : i32 to vector<16xi32>
    %mul3A_1403 = arith.muli %iota3A, %mul3A_1402 : vector<16xi32>
    %add3A_1404 = arith.constant 2 : i32
    %add3A_1405 = vector.broadcast %add3A_1404 : i32 to vector<16xi32>
    %add3A_1406 = arith.addi %mul3A_1403, %add3A_1405 : vector<16xi32>
    %gather3A_1407 = tpu.vector_load_idx %arg6[%add3A_1406] : memref<256xf32, #tpu.memory_space<vmem>>[vector<16xi32>], vector<16xf32>,
    %add3A_1408 = arith.addf %add3A_1400, %gather3A_1407 : vector<16xf32>
    %mul3A_1409 = arith.constant 16 : i32
    %mul3A_1410 = vector.broadcast %mul3A_1409 : i32 to vector<16xi32>
    %mul3A_1411 = arith.muli %iota3A, %mul3A_1410 : vector<16xi32>
    %add3A_1412 = arith.constant 3 : i32
    %add3A_1413 = vector.broadcast %add3A_1412 : i32 to vector<16xi32>
    %add3A_1414 = arith.addi %mul3A_1411, %add3A_1413 : vector<16xi32>
    %gather3A_1415 = tpu.vector_load_idx %arg6[%add3A_1414] : memref<256xf32, #tpu.memory_space<vmem>>[vector<16xi32>], vector<16xf32>,
    %add3A_1416 = arith.addf %add3A_1408, %gather3A_1415 : vector<16xf32>
    %mul3A_1417 = arith.constant 16 : i32
    %mul3A_1418 = vector.broadcast %mul3A_1417 : i32 to vector<16xi32>
    %mul3A_1419 = arith.muli %iota3A, %mul3A_1418 : vector<16xi32>
    %add3A_1420 = arith.constant 4 : i32
    %add3A_1421 = vector.broadcast %add3A_1420 : i32 to vector<16xi32>
    %add3A_1422 = arith.addi %mul3A_1419, %add3A_1421 : vector<16xi32>
    %gather3A_1423 = tpu.vector_load_idx %arg6[%add3A_1422] : memref<256xf32, #tpu.memory_space<vmem>>[vector<16xi32>], vector<16xf32>,
    %add3A_1424 = arith.addf %add3A_1416, %gather3A_1423 : vector<16xf32>
    %mul3A_1425 = arith.constant 16 : i32
    %mul3A_1426 = vector.broadcast %mul3A_1425 : i32 to vector<16xi32>
    %mul3A_1427 = arith.muli %iota3A, %mul3A_1426 : vector<16xi32>
    %add3A_1428 = arith.constant 5 : i32
    %add3A_1429 = vector.broadcast %add3A_1428 : i32 to vector<16xi32>
    %add3A_1430 = arith.addi %mul3A_1427, %add3A_1429 : vector<16xi32>
    %gather3A_1431 = tpu.vector_load_idx %arg6[%add3A_1430] : memref<256xf32, #tpu.memory_space<vmem>>[vector<16xi32>], vector<16xf32>,
    %add3A_1432 = arith.addf %add3A_1424, %gather3A_1431 : vector<16xf32>
    %mul3A_1433 = arith.constant 16 : i32
    %mul3A_1434 = vector.broadcast %mul3A_1433 : i32 to vector<16xi32>
    %mul3A_1435 = arith.muli %iota3A, %mul3A_1434 : vector<16xi32>
    %add3A_1436 = arith.constant 6 : i32
    %add3A_1437 = vector.broadcast %add3A_1436 : i32 to vector<16xi32>
    %add3A_1438 = arith.addi %mul3A_1435, %add3A_1437 : vector<16xi32>
    %gather3A_1439 = tpu.vector_load_idx %arg6[%add3A_1438] : memref<256xf32, #tpu.memory_space<vmem>>[vector<16xi32>], vector<16xf32>,
    %add3A_1440 = arith.addf %add3A_1432, %gather3A_1439 : vector<16xf32>
    %mul3A_1441 = arith.constant 16 : i32
    %mul3A_1442 = vector.broadcast %mul3A_1441 : i32 to vector<16xi32>
    %mul3A_1443 = arith.muli %iota3A, %mul3A_1442 : vector<16xi32>
    %add3A_1444 = arith.constant 7 : i32
    %add3A_1445 = vector.broadcast %add3A_1444 : i32 to vector<16xi32>
    %add3A_1446 = arith.addi %mul3A_1443, %add3A_1445 : vector<16xi32>
    %gather3A_1447 = tpu.vector_load_idx %arg6[%add3A_1446] : memref<256xf32, #tpu.memory_space<vmem>>[vector<16xi32>], vector<16xf32>,
    %add3A_1448 = arith.addf %add3A_1440, %gather3A_1447 : vector<16xf32>
    %mul3A_1449 = arith.constant 16 : i32
    %mul3A_1450 = vector.broadcast %mul3A_1449 : i32 to vector<16xi32>
    %mul3A_1451 = arith.muli %iota3A, %mul3A_1450 : vector<16xi32>
    %add3A_1452 = arith.constant 8 : i32
    %add3A_1453 = vector.broadcast %add3A_1452 : i32 to vector<16xi32>
    %add3A_1454 = arith.addi %mul3A_1451, %add3A_1453 : vector<16xi32>
    %gather3A_1455 = tpu.vector_load_idx %arg6[%add3A_1454] : memref<256xf32, #tpu.memory_space<vmem>>[vector<16xi32>], vector<16xf32>,
    %add3A_1456 = arith.addf %add3A_1448, %gather3A_1455 : vector<16xf32>
    %mul3A_1457 = arith.constant 16 : i32
    %mul3A_1458 = vector.broadcast %mul3A_1457 : i32 to vector<16xi32>
    %mul3A_1459 = arith.muli %iota3A, %mul3A_1458 : vector<16xi32>
    %add3A_1460 = arith.constant 9 : i32
    %add3A_1461 = vector.broadcast %add3A_1460 : i32 to vector<16xi32>
    %add3A_1462 = arith.addi %mul3A_1459, %add3A_1461 : vector<16xi32>
    %gather3A_1463 = tpu.vector_load_idx %arg6[%add3A_1462] : memref<256xf32, #tpu.memory_space<vmem>>[vector<16xi32>], vector<16xf32>,
    %add3A_1464 = arith.addf %add3A_1456, %gather3A_1463 : vector<16xf32>
    %mul3A_1465 = arith.constant 16 : i32
    %mul3A_1466 = vector.broadcast %mul3A_1465 : i32 to vector<16xi32>
    %mul3A_1467 = arith.muli %iota3A, %mul3A_1466 : vector<16xi32>
    %add3A_1468 = arith.constant 10 : i32
    %add3A_1469 = vector.broadcast %add3A_1468 : i32 to vector<16xi32>
    %add3A_1470 = arith.addi %mul3A_1467, %add3A_1469 : vector<16xi32>
    %gather3A_1471 = tpu.vector_load_idx %arg6[%add3A_1470] : memref<256xf32, #tpu.memory_space<vmem>>[vector<16xi32>], vector<16xf32>,
    %add3A_1472 = arith.addf %add3A_1464, %gather3A_1471 : vector<16xf32>
    %mul3A_1473 = arith.constant 16 : i32
    %mul3A_1474 = vector.broadcast %mul3A_1473 : i32 to vector<16xi32>
    %mul3A_1475 = arith.muli %iota3A, %mul3A_1474 : vector<16xi32>
    %add3A_1476 = arith.constant 11 : i32
    %add3A_1477 = vector.broadcast %add3A_1476 : i32 to vector<16xi32>
    %add3A_1478 = arith.addi %mul3A_1475, %add3A_1477 : vector<16xi32>
    %gather3A_1479 = tpu.vector_load_idx %arg6[%add3A_1478] : memref<256xf32, #tpu.memory_space<vmem>>[vector<16xi32>], vector<16xf32>,
    %add3A_1480 = arith.addf %add3A_1472, %gather3A_1479 : vector<16xf32>
    %mul3A_1481 = arith.constant 16 : i32
    %mul3A_1482 = vector.broadcast %mul3A_1481 : i32 to vector<16xi32>
    %mul3A_1483 = arith.muli %iota3A, %mul3A_1482 : vector<16xi32>
    %add3A_1484 = arith.constant 12 : i32
    %add3A_1485 = vector.broadcast %add3A_1484 : i32 to vector<16xi32>
    %add3A_1486 = arith.addi %mul3A_1483, %add3A_1485 : vector<16xi32>
    %gather3A_1487 = tpu.vector_load_idx %arg6[%add3A_1486] : memref<256xf32, #tpu.memory_space<vmem>>[vector<16xi32>], vector<16xf32>,
    %add3A_1488 = arith.addf %add3A_1480, %gather3A_1487 : vector<16xf32>
    %mul3A_1489 = arith.constant 16 : i32
    %mul3A_1490 = vector.broadcast %mul3A_1489 : i32 to vector<16xi32>
    %mul3A_1491 = arith.muli %iota3A, %mul3A_1490 : vector<16xi32>
    %add3A_1492 = arith.constant 13 : i32
    %add3A_1493 = vector.broadcast %add3A_1492 : i32 to vector<16xi32>
    %add3A_1494 = arith.addi %mul3A_1491, %add3A_1493 : vector<16xi32>
    %gather3A_1495 = tpu.vector_load_idx %arg6[%add3A_1494] : memref<256xf32, #tpu.memory_space<vmem>>[vector<16xi32>], vector<16xf32>,
    %add3A_1496 = arith.addf %add3A_1488, %gather3A_1495 : vector<16xf32>
    %mul3A_1497 = arith.constant 16 : i32
    %mul3A_1498 = vector.broadcast %mul3A_1497 : i32 to vector<16xi32>
    %mul3A_1499 = arith.muli %iota3A, %mul3A_1498 : vector<16xi32>
    %add3A_1500 = arith.constant 14 : i32
    %add3A_1501 = vector.broadcast %add3A_1500 : i32 to vector<16xi32>
    %add3A_1502 = arith.addi %mul3A_1499, %add3A_1501 : vector<16xi32>
    %gather3A_1503 = tpu.vector_load_idx %arg6[%add3A_1502] : memref<256xf32, #tpu.memory_space<vmem>>[vector<16xi32>], vector<16xf32>,
    %add3A_1504 = arith.addf %add3A_1496, %gather3A_1503 : vector<16xf32>
    %mul3A_1505 = arith.constant 16 : i32
    %mul3A_1506 = vector.broadcast %mul3A_1505 : i32 to vector<16xi32>
    %mul3A_1507 = arith.muli %iota3A, %mul3A_1506 : vector<16xi32>
    %add3A_1508 = arith.constant 15 : i32
    %add3A_1509 = vector.broadcast %add3A_1508 : i32 to vector<16xi32>
    %add3A_1510 = arith.addi %mul3A_1507, %add3A_1509 : vector<16xi32>
    %gather3A_1511 = tpu.vector_load_idx %arg6[%add3A_1510] : memref<256xf32, #tpu.memory_space<vmem>>[vector<16xi32>], vector<16xf32>,
    %add3A_1512 = arith.addf %add3A_1504, %gather3A_1511 : vector<16xf32>
    %swap3A_1513 = arith.constant 0 : index
    %swap3A_1514 = tpu.vector_load %arg7[%swap3A_1513] {strides = array<i32>} : memref<16xf32, #tpu.memory_space<vmem>>, vector<16xf32>,
    tpu.vector_store %arg7[%swap3A_1513], %add3A_1512 {strides = array<i32>} : memref<16xf32, #tpu.memory_space<vmem>>, vector<16xf32>,
    %mul3A_1515 = arith.constant 16 : i32
    %mul3A_1516 = arith.muli %select_n3A, %mul3A_1515 : i32
    %add3A_1517 = arith.constant 32 : i32
    %add3A_1518 = arith.addi %add3A_1517, %mul3A_1516 : i32
    %add3A_1519 = arith.constant 8 : i32
    %add3A_1520 = arith.addi %add3A_1518, %add3A_1519 : i32
    %add3A_1521 = arith.addi %add3A_1520, %select_n3A_28 : i32
    "tpu.region"() ({
      %run_scoped3A = tpu.sem_alloc : memref<!tpu.dma_semaphore, #tpu.memory_space<semaphore_mem>>
      %dma_start3A = arith.constant 0 : i32
      %dma_start3A_2267 = tpu.memref_slice %arg9[%add3A_1521, %dma_start3A] : memref<64x16xf32, #tpu.memory_space<vmem_shared>> -> memref<1x16xf32, #tpu.memory_space<vmem_shared>>
      %dma_start3A_2268 = tpu.memref_squeeze %dma_start3A_2267 : memref<1x16xf32, #tpu.memory_space<vmem_shared>> -> memref<16xf32, #tpu.memory_space<vmem_shared>>
      %dma_start3A_2269 = arith.constant 0 : i32
      %dma_start3A_2270 = tpu.memref_slice %arg9[%add3A_1521, %dma_start3A_2269] : memref<64x16xf32, #tpu.memory_space<vmem_shared>> -> memref<1x16xf32, #tpu.memory_space<vmem_shared>>
      %dma_start3A_2271 = tpu.memref_squeeze %dma_start3A_2270 : memref<1x16xf32, #tpu.memory_space<vmem_shared>> -> memref<16xf32, #tpu.memory_space<vmem_shared>>
      tpu.enqueue_dma source(%arg7 : memref<16xf32, #tpu.memory_space<vmem>>) target(%dma_start3A_2271 : memref<16xf32, #tpu.memory_space<vmem_shared>>) target_semaphore(%run_scoped3A : memref<!tpu.dma_semaphore, #tpu.memory_space<semaphore_mem>>)
      %dma_wait3A = arith.constant 0 : i32
      %dma_wait3A_2272 = tpu.memref_slice %arg9[%add3A_1521, %dma_wait3A] : memref<64x16xf32, #tpu.memory_space<vmem_shared>> -> memref<1x16xf32, #tpu.memory_space<vmem_shared>>
      %dma_wait3A_2273 = tpu.memref_squeeze %dma_wait3A_2272 : memref<1x16xf32, #tpu.memory_space<vmem_shared>> -> memref<16xf32, #tpu.memory_space<vmem_shared>>
      %dma_wait3A_2274 = arith.constant 0 : i32
      %dma_wait3A_2275 = tpu.memref_slice %arg9[%add3A_1521, %dma_wait3A_2274] : memref<64x16xf32, #tpu.memory_space<vmem_shared>> -> memref<1x16xf32, #tpu.memory_space<vmem_shared>>
      %dma_wait3A_2276 = tpu.memref_squeeze %dma_wait3A_2275 : memref<1x16xf32, #tpu.memory_space<vmem_shared>> -> memref<16xf32, #tpu.memory_space<vmem_shared>>
      tpu.wait_dma2 semaphore(%run_scoped3A : memref<!tpu.dma_semaphore, #tpu.memory_space<semaphore_mem>>) src(%arg7 : memref<16xf32, #tpu.memory_space<vmem>>) dst(%dma_wait3A_2276 : memref<16xf32, #tpu.memory_space<vmem_shared>>)
      tpu.yield
    }) : () -> ()
    %barrier3A_1522 = arith.constant 0 : index
    tpu.barrier barrier_id(%barrier3A_1522)
    "tpu.region"() ({
      %run_scoped3A = tpu.sem_alloc : memref<!tpu.dma_semaphore, #tpu.memory_space<semaphore_mem>>
      %dma_start3A = arith.constant 0 : i32
      %dma_start3A_2267 = tpu.memref_slice %arg9[%add3A_1520, %dma_start3A] : memref<64x16xf32, #tpu.memory_space<vmem_shared>> -> memref<8x16xf32, #tpu.memory_space<vmem_shared>>
      %dma_start3A_2268 = arith.constant 0 : i32
      %dma_start3A_2269 = tpu.memref_slice %arg9[%add3A_1520, %dma_start3A_2268] : memref<64x16xf32, #tpu.memory_space<vmem_shared>> -> memref<8x16xf32, #tpu.memory_space<vmem_shared>>
      tpu.enqueue_dma source(%dma_start3A_2269 : memref<8x16xf32, #tpu.memory_space<vmem_shared>>) target(%arg8 : memref<8x16xf32, #tpu.memory_space<vmem>>) target_semaphore(%run_scoped3A : memref<!tpu.dma_semaphore, #tpu.memory_space<semaphore_mem>>)
      %dma_wait3A = arith.constant 0 : i32
      %dma_wait3A_2270 = tpu.memref_slice %arg9[%add3A_1520, %dma_wait3A] : memref<64x16xf32, #tpu.memory_space<vmem_shared>> -> memref<8x16xf32, #tpu.memory_space<vmem_shared>>
      %dma_wait3A_2271 = arith.constant 0 : i32
      %dma_wait3A_2272 = tpu.memref_slice %arg9[%add3A_1520, %dma_wait3A_2271] : memref<64x16xf32, #tpu.memory_space<vmem_shared>> -> memref<8x16xf32, #tpu.memory_space<vmem_shared>>
      tpu.wait_dma2 semaphore(%run_scoped3A : memref<!tpu.dma_semaphore, #tpu.memory_space<semaphore_mem>>) src(%dma_wait3A_2272 : memref<8x16xf32, #tpu.memory_space<vmem_shared>>) dst(%arg8 : memref<8x16xf32, #tpu.memory_space<vmem>>)
      tpu.yield
    }) : () -> ()
    %get3A_1523 = arith.constant 0 : i32
    %get3A_1524 = arith.index_cast %get3A_1523 : i32 to index
    %get3A_1525 = arith.constant 0 : index
    %get3A_1526 = tpu.vector_load %arg8[%get3A_1524, %get3A_1525] {strides = array<i32>} : memref<8x16xf32, #tpu.memory_space<vmem>>, vector<16xf32>,
    %add3A_1527 = arith.addf %broadcast_in_dim3A_31, %get3A_1526 : vector<16xf32>
    %get3A_1528 = arith.constant 1 : i32
    %get3A_1529 = arith.index_cast %get3A_1528 : i32 to index
    %get3A_1530 = arith.constant 0 : index
    %get3A_1531 = tpu.vector_load %arg8[%get3A_1529, %get3A_1530] {strides = array<i32>} : memref<8x16xf32, #tpu.memory_space<vmem>>, vector<16xf32>,
    %add3A_1532 = arith.addf %add3A_1527, %get3A_1531 : vector<16xf32>
    %get3A_1533 = arith.constant 2 : i32
    %get3A_1534 = arith.index_cast %get3A_1533 : i32 to index
    %get3A_1535 = arith.constant 0 : index
    %get3A_1536 = tpu.vector_load %arg8[%get3A_1534, %get3A_1535] {strides = array<i32>} : memref<8x16xf32, #tpu.memory_space<vmem>>, vector<16xf32>,
    %add3A_1537 = arith.addf %add3A_1532, %get3A_1536 : vector<16xf32>
    %get3A_1538 = arith.constant 3 : i32
    %get3A_1539 = arith.index_cast %get3A_1538 : i32 to index
    %get3A_1540 = arith.constant 0 : index
    %get3A_1541 = tpu.vector_load %arg8[%get3A_1539, %get3A_1540] {strides = array<i32>} : memref<8x16xf32, #tpu.memory_space<vmem>>, vector<16xf32>,
    %add3A_1542 = arith.addf %add3A_1537, %get3A_1541 : vector<16xf32>
    %get3A_1543 = arith.constant 4 : i32
    %get3A_1544 = arith.index_cast %get3A_1543 : i32 to index
    %get3A_1545 = arith.constant 0 : index
    %get3A_1546 = tpu.vector_load %arg8[%get3A_1544, %get3A_1545] {strides = array<i32>} : memref<8x16xf32, #tpu.memory_space<vmem>>, vector<16xf32>,
    %add3A_1547 = arith.addf %add3A_1542, %get3A_1546 : vector<16xf32>
    %get3A_1548 = arith.constant 5 : i32
    %get3A_1549 = arith.index_cast %get3A_1548 : i32 to index
    %get3A_1550 = arith.constant 0 : index
    %get3A_1551 = tpu.vector_load %arg8[%get3A_1549, %get3A_1550] {strides = array<i32>} : memref<8x16xf32, #tpu.memory_space<vmem>>, vector<16xf32>,
    %add3A_1552 = arith.addf %add3A_1547, %get3A_1551 : vector<16xf32>
    %get3A_1553 = arith.constant 6 : i32
    %get3A_1554 = arith.index_cast %get3A_1553 : i32 to index
    %get3A_1555 = arith.constant 0 : index
    %get3A_1556 = tpu.vector_load %arg8[%get3A_1554, %get3A_1555] {strides = array<i32>} : memref<8x16xf32, #tpu.memory_space<vmem>>, vector<16xf32>,
    %add3A_1557 = arith.addf %add3A_1552, %get3A_1556 : vector<16xf32>
    %get3A_1558 = arith.constant 7 : i32
    %get3A_1559 = arith.index_cast %get3A_1558 : i32 to index
    %get3A_1560 = arith.constant 0 : index
    %get3A_1561 = tpu.vector_load %arg8[%get3A_1559, %get3A_1560] {strides = array<i32>} : memref<8x16xf32, #tpu.memory_space<vmem>>, vector<16xf32>,
    %add3A_1562 = arith.addf %add3A_1557, %get3A_1561 : vector<16xf32>
    %rev3A_1563 = arith.constant 15 : i32
    %rev3A_1564 = vector.broadcast %rev3A_1563 : i32 to vector<16xi32>
    %rev3A_1565 = tpu.iota {dimensions = array<i32: 0>} : vector<16xi32>
    %rev3A_1566 = arith.subi %rev3A_1564, %rev3A_1565 : vector<16xi32>
    %rev3A_1567 = tpu.dynamic_gather %add3A_1562[%rev3A_1566] in [0] : vector<16xf32>, vector<16xi32> -> vector<16xf32>
    %broadcast_in_dim3A_1568 = arith.constant true
    %broadcast_in_dim3A_1569 = vector.broadcast %broadcast_in_dim3A_1568 : i1 to vector<16xi1>
    %masked_cumsum3A_1570 = tpu.scan <sum>, %rev3A_1567 masked %broadcast_in_dim3A_1569 : vector<16xf32>, vector<16xi1> -> vector<16xf32>
    %rev3A_1571 = arith.constant 15 : i32
    %rev3A_1572 = vector.broadcast %rev3A_1571 : i32 to vector<16xi32>
    %rev3A_1573 = tpu.iota {dimensions = array<i32: 0>} : vector<16xi32>
    %rev3A_1574 = arith.subi %rev3A_1572, %rev3A_1573 : vector<16xi32>
    %rev3A_1575 = tpu.dynamic_gather %masked_cumsum3A_1570[%rev3A_1574] in [0] : vector<16xf32>, vector<16xi32> -> vector<16xf32>
    %sub3A_1576 = arith.subf %rev3A_1575, %add3A_1562 : vector<16xf32>
    %add3A_1577 = vector.broadcast %add3A_1342 : f32 to vector<16xf32>
    %add3A_1578 = arith.addf %add3A_1577, %sub3A_1576 : vector<16xf32>
    %lt3A_1579 = arith.constant 8.192000e+03 : f32
    %lt3A_1580 = vector.broadcast %lt3A_1579 : f32 to vector<16xf32>
    %lt3A_1581 = arith.cmpf olt, %add3A_1578, %lt3A_1580 : vector<16xf32>
    %add3A_1582 = vector.broadcast %add3A_1342 : f32 to vector<16xf32>
    %add3A_1583 = arith.addf %add3A_1582, %sub3A_1576 : vector<16xf32>
    %add3A_1584 = arith.addf %add3A_1583, %add3A_1562 : vector<16xf32>
    %ge3A_1585 = arith.constant 8.192000e+03 : f32
    %ge3A_1586 = vector.broadcast %ge3A_1585 : f32 to vector<16xf32>
    %ge3A_1587 = arith.cmpf oge, %add3A_1584, %ge3A_1586 : vector<16xf32>
    %and3A_1588 = arith.andi %lt3A_1581, %ge3A_1587 : vector<16xi1>
    %jit3A_1589 = arith.constant 1.000000e+00 : f32
    %jit3A_1590 = arith.constant 0.000000e+00 : f32
    %broadcast_in_dim3A_1591 = vector.broadcast %jit3A_1589 : f32 to vector<16xf32>
    %broadcast_in_dim3A_1592 = vector.broadcast %jit3A_1590 : f32 to vector<16xf32>
    %select_n3A_1593 = arith.select %and3A_1588, %broadcast_in_dim3A_1591, %broadcast_in_dim3A_1592 : vector<16xi1>, vector<16xf32>
    %convert_element_type3A_1594 = arith.sitofp %iota3A : vector<16xi32> to vector<16xf32>
    %mul3A_1595 = arith.mulf %convert_element_type3A_1594, %select_n3A_1593 : vector<16xf32>
    %reduce_sum3A_1596 = arith.constant true
    %reduce_sum3A_1597 = vector.broadcast %reduce_sum3A_1596 : i1 to vector<16xi1>
    %reduce_sum3A_1598 = tpu.scan <sum>, %mul3A_1595 masked %reduce_sum3A_1597 : vector<16xf32>, vector<16xi1> -> vector<16xf32>
    %reduce_sum3A_1599 = vector.extract %reduce_sum3A_1598[15] : f32 from vector<16xf32>
    %mul3A_1600 = arith.mulf %sub3A_1576, %select_n3A_1593 : vector<16xf32>
    %reduce_sum3A_1601 = arith.constant true
    %reduce_sum3A_1602 = vector.broadcast %reduce_sum3A_1601 : i1 to vector<16xi1>
    %reduce_sum3A_1603 = tpu.scan <sum>, %mul3A_1600 masked %reduce_sum3A_1602 : vector<16xf32>, vector<16xi1> -> vector<16xf32>
    %reduce_sum3A_1604 = vector.extract %reduce_sum3A_1603[15] : f32 from vector<16xf32>
    %add3A_1605 = arith.addf %add3A_1342, %reduce_sum3A_1604 : f32
    %mul3A_1606 = arith.constant 16 : i32
    %mul3A_1607 = arith.muli %add3A_1346, %mul3A_1606 : i32
    %convert_element_type3A_1608 = arith.fptosi %reduce_sum3A_1599 : f32 to i32
    %add3A_1609 = arith.addi %mul3A_1607, %convert_element_type3A_1608 : i32
    %swap3A_1610 = arith.constant 0 : index
    %swap3A_1611 = tpu.vector_load %arg6[%swap3A_1610] {strides = array<i32>} : memref<256xf32, #tpu.memory_space<vmem>>, vector<16xf32>,
    tpu.vector_store %arg6[%swap3A_1610], %broadcast_in_dim3A_31 {strides = array<i32>} : memref<256xf32, #tpu.memory_space<vmem>>, vector<16xf32>,
    %swap3A_1612 = arith.constant 16 : index
    %swap3A_1613 = tpu.vector_load %arg6[%swap3A_1612] {strides = array<i32>} : memref<256xf32, #tpu.memory_space<vmem>>, vector<16xf32>,
    tpu.vector_store %arg6[%swap3A_1612], %broadcast_in_dim3A_31 {strides = array<i32>} : memref<256xf32, #tpu.memory_space<vmem>>, vector<16xf32>,
    %swap3A_1614 = arith.constant 32 : index
    %swap3A_1615 = tpu.vector_load %arg6[%swap3A_1614] {strides = array<i32>} : memref<256xf32, #tpu.memory_space<vmem>>, vector<16xf32>,
    tpu.vector_store %arg6[%swap3A_1614], %broadcast_in_dim3A_31 {strides = array<i32>} : memref<256xf32, #tpu.memory_space<vmem>>, vector<16xf32>,
    %swap3A_1616 = arith.constant 48 : index
    %swap3A_1617 = tpu.vector_load %arg6[%swap3A_1616] {strides = array<i32>} : memref<256xf32, #tpu.memory_space<vmem>>, vector<16xf32>,
    tpu.vector_store %arg6[%swap3A_1616], %broadcast_in_dim3A_31 {strides = array<i32>} : memref<256xf32, #tpu.memory_space<vmem>>, vector<16xf32>,
    %swap3A_1618 = arith.constant 64 : index
    %swap3A_1619 = tpu.vector_load %arg6[%swap3A_1618] {strides = array<i32>} : memref<256xf32, #tpu.memory_space<vmem>>, vector<16xf32>,
    tpu.vector_store %arg6[%swap3A_1618], %broadcast_in_dim3A_31 {strides = array<i32>} : memref<256xf32, #tpu.memory_space<vmem>>, vector<16xf32>,
    %swap3A_1620 = arith.constant 80 : index
    %swap3A_1621 = tpu.vector_load %arg6[%swap3A_1620] {strides = array<i32>} : memref<256xf32, #tpu.memory_space<vmem>>, vector<16xf32>,
    tpu.vector_store %arg6[%swap3A_1620], %broadcast_in_dim3A_31 {strides = array<i32>} : memref<256xf32, #tpu.memory_space<vmem>>, vector<16xf32>,
    %swap3A_1622 = arith.constant 96 : index
    %swap3A_1623 = tpu.vector_load %arg6[%swap3A_1622] {strides = array<i32>} : memref<256xf32, #tpu.memory_space<vmem>>, vector<16xf32>,
    tpu.vector_store %arg6[%swap3A_1622], %broadcast_in_dim3A_31 {strides = array<i32>} : memref<256xf32, #tpu.memory_space<vmem>>, vector<16xf32>,
    %swap3A_1624 = arith.constant 112 : index
    %swap3A_1625 = tpu.vector_load %arg6[%swap3A_1624] {strides = array<i32>} : memref<256xf32, #tpu.memory_space<vmem>>, vector<16xf32>,
    tpu.vector_store %arg6[%swap3A_1624], %broadcast_in_dim3A_31 {strides = array<i32>} : memref<256xf32, #tpu.memory_space<vmem>>, vector<16xf32>,
    %swap3A_1626 = arith.constant 128 : index
    %swap3A_1627 = tpu.vector_load %arg6[%swap3A_1626] {strides = array<i32>} : memref<256xf32, #tpu.memory_space<vmem>>, vector<16xf32>,
    tpu.vector_store %arg6[%swap3A_1626], %broadcast_in_dim3A_31 {strides = array<i32>} : memref<256xf32, #tpu.memory_space<vmem>>, vector<16xf32>,
    %swap3A_1628 = arith.constant 144 : index
    %swap3A_1629 = tpu.vector_load %arg6[%swap3A_1628] {strides = array<i32>} : memref<256xf32, #tpu.memory_space<vmem>>, vector<16xf32>,
    tpu.vector_store %arg6[%swap3A_1628], %broadcast_in_dim3A_31 {strides = array<i32>} : memref<256xf32, #tpu.memory_space<vmem>>, vector<16xf32>,
    %swap3A_1630 = arith.constant 160 : index
    %swap3A_1631 = tpu.vector_load %arg6[%swap3A_1630] {strides = array<i32>} : memref<256xf32, #tpu.memory_space<vmem>>, vector<16xf32>,
    tpu.vector_store %arg6[%swap3A_1630], %broadcast_in_dim3A_31 {strides = array<i32>} : memref<256xf32, #tpu.memory_space<vmem>>, vector<16xf32>,
    %swap3A_1632 = arith.constant 176 : index
    %swap3A_1633 = tpu.vector_load %arg6[%swap3A_1632] {strides = array<i32>} : memref<256xf32, #tpu.memory_space<vmem>>, vector<16xf32>,
    tpu.vector_store %arg6[%swap3A_1632], %broadcast_in_dim3A_31 {strides = array<i32>} : memref<256xf32, #tpu.memory_space<vmem>>, vector<16xf32>,
    %swap3A_1634 = arith.constant 192 : index
    %swap3A_1635 = tpu.vector_load %arg6[%swap3A_1634] {strides = array<i32>} : memref<256xf32, #tpu.memory_space<vmem>>, vector<16xf32>,
    tpu.vector_store %arg6[%swap3A_1634], %broadcast_in_dim3A_31 {strides = array<i32>} : memref<256xf32, #tpu.memory_space<vmem>>, vector<16xf32>,
    %swap3A_1636 = arith.constant 208 : index
    %swap3A_1637 = tpu.vector_load %arg6[%swap3A_1636] {strides = array<i32>} : memref<256xf32, #tpu.memory_space<vmem>>, vector<16xf32>,
    tpu.vector_store %arg6[%swap3A_1636], %broadcast_in_dim3A_31 {strides = array<i32>} : memref<256xf32, #tpu.memory_space<vmem>>, vector<16xf32>,
    %swap3A_1638 = arith.constant 224 : index
    %swap3A_1639 = tpu.vector_load %arg6[%swap3A_1638] {strides = array<i32>} : memref<256xf32, #tpu.memory_space<vmem>>, vector<16xf32>,
    tpu.vector_store %arg6[%swap3A_1638], %broadcast_in_dim3A_31 {strides = array<i32>} : memref<256xf32, #tpu.memory_space<vmem>>, vector<16xf32>,
    %swap3A_1640 = arith.constant 240 : index
    %swap3A_1641 = tpu.vector_load %arg6[%swap3A_1640] {strides = array<i32>} : memref<256xf32, #tpu.memory_space<vmem>>, vector<16xf32>,
    tpu.vector_store %arg6[%swap3A_1640], %broadcast_in_dim3A_31 {strides = array<i32>} : memref<256xf32, #tpu.memory_space<vmem>>, vector<16xf32>,
    %scan3A_1642 = arith.constant 0 : i32
    %scan3A_1643 = arith.constant 0 : i32
    %scan3A_1644 = arith.constant 128 : i32
    %scan3A_1645 = arith.addi %scan3A_1643, %scan3A_1644 : i32
    %scan3A_1646 = arith.constant 1 : i32
    scf.for %scan3A_2267 = %scan3A_1643 to %scan3A_1645 step %scan3A_1646  : i32 {
      %mul3A_2268 = arith.constant 16 : i32
      %mul3A_2269 = arith.muli %scan3A_2267, %mul3A_2268 : i32
      %multiple_of3A = tpu.assume_multiple %mul3A_2269, 16 : i32
      %get3A_2270 = arith.index_cast %multiple_of3A : i32 to index
      %get3A_2271 = tpu.vector_load %arg4[%get3A_2270] {strides = array<i32>} : memref<2048xi32, #tpu.memory_space<vmem>>, vector<16xi32>,
      %xor3A_2272 = arith.xori %get3A_2271, %broadcast_in_dim3A_35 : vector<16xi32>
      %shift_right_logical3A = arith.constant 4 : i32
      %shift_right_logical3A_2273 = vector.broadcast %shift_right_logical3A : i32 to vector<16xi32>
      %shift_right_logical3A_2274 = arith.shrui %xor3A_2272, %shift_right_logical3A_2273 : vector<16xi32>
      %and3A_2275 = arith.constant 15 : i32
      %and3A_2276 = vector.broadcast %and3A_2275 : i32 to vector<16xi32>
      %and3A_2277 = arith.andi %shift_right_logical3A_2274, %and3A_2276 : vector<16xi32>
      %shift_right_logical3A_2278 = arith.constant 8 : i32
      %shift_right_logical3A_2279 = vector.broadcast %shift_right_logical3A_2278 : i32 to vector<16xi32>
      %shift_right_logical3A_2280 = arith.shrui %xor3A_2272, %shift_right_logical3A_2279 : vector<16xi32>
      %eq3A_2281 = vector.broadcast %add3A_1609 : i32 to vector<16xi32>
      %eq3A_2282 = arith.cmpi eq, %shift_right_logical3A_2280, %eq3A_2281 : vector<16xi32>
      %mul3A_2283 = arith.constant 16 : i32
      %mul3A_2284 = vector.broadcast %mul3A_2283 : i32 to vector<16xi32>
      %mul3A_2285 = arith.muli %and3A_2277, %mul3A_2284 : vector<16xi32>
      %add3A_2286 = arith.addi %mul3A_2285, %iota3A : vector<16xi32>
      tpu.vector_store_idx %arg6[%add3A_2286], %broadcast_in_dim3A_33 masked %eq3A_2282 {add = true} : memref<256xf32, #tpu.memory_space<vmem>>[vector<16xi32>], vector<16xf32>, vector<16xi1>
    }
    %scan3A_1647 = arith.constant 128 : i32
    %mul3A_1648 = arith.constant 16 : i32
    %mul3A_1649 = vector.broadcast %mul3A_1648 : i32 to vector<16xi32>
    %mul3A_1650 = arith.muli %iota3A, %mul3A_1649 : vector<16xi32>
    %add3A_1651 = arith.constant 0 : i32
    %add3A_1652 = vector.broadcast %add3A_1651 : i32 to vector<16xi32>
    %add3A_1653 = arith.addi %mul3A_1650, %add3A_1652 : vector<16xi32>
    %gather3A_1654 = tpu.vector_load_idx %arg6[%add3A_1653] : memref<256xf32, #tpu.memory_space<vmem>>[vector<16xi32>], vector<16xf32>,
    %add3A_1655 = arith.addf %broadcast_in_dim3A_31, %gather3A_1654 : vector<16xf32>
    %mul3A_1656 = arith.constant 16 : i32
    %mul3A_1657 = vector.broadcast %mul3A_1656 : i32 to vector<16xi32>
    %mul3A_1658 = arith.muli %iota3A, %mul3A_1657 : vector<16xi32>
    %add3A_1659 = arith.constant 1 : i32
    %add3A_1660 = vector.broadcast %add3A_1659 : i32 to vector<16xi32>
    %add3A_1661 = arith.addi %mul3A_1658, %add3A_1660 : vector<16xi32>
    %gather3A_1662 = tpu.vector_load_idx %arg6[%add3A_1661] : memref<256xf32, #tpu.memory_space<vmem>>[vector<16xi32>], vector<16xf32>,
    %add3A_1663 = arith.addf %add3A_1655, %gather3A_1662 : vector<16xf32>
    %mul3A_1664 = arith.constant 16 : i32
    %mul3A_1665 = vector.broadcast %mul3A_1664 : i32 to vector<16xi32>
    %mul3A_1666 = arith.muli %iota3A, %mul3A_1665 : vector<16xi32>
    %add3A_1667 = arith.constant 2 : i32
    %add3A_1668 = vector.broadcast %add3A_1667 : i32 to vector<16xi32>
    %add3A_1669 = arith.addi %mul3A_1666, %add3A_1668 : vector<16xi32>
    %gather3A_1670 = tpu.vector_load_idx %arg6[%add3A_1669] : memref<256xf32, #tpu.memory_space<vmem>>[vector<16xi32>], vector<16xf32>,
    %add3A_1671 = arith.addf %add3A_1663, %gather3A_1670 : vector<16xf32>
    %mul3A_1672 = arith.constant 16 : i32
    %mul3A_1673 = vector.broadcast %mul3A_1672 : i32 to vector<16xi32>
    %mul3A_1674 = arith.muli %iota3A, %mul3A_1673 : vector<16xi32>
    %add3A_1675 = arith.constant 3 : i32
    %add3A_1676 = vector.broadcast %add3A_1675 : i32 to vector<16xi32>
    %add3A_1677 = arith.addi %mul3A_1674, %add3A_1676 : vector<16xi32>
    %gather3A_1678 = tpu.vector_load_idx %arg6[%add3A_1677] : memref<256xf32, #tpu.memory_space<vmem>>[vector<16xi32>], vector<16xf32>,
    %add3A_1679 = arith.addf %add3A_1671, %gather3A_1678 : vector<16xf32>
    %mul3A_1680 = arith.constant 16 : i32
    %mul3A_1681 = vector.broadcast %mul3A_1680 : i32 to vector<16xi32>
    %mul3A_1682 = arith.muli %iota3A, %mul3A_1681 : vector<16xi32>
    %add3A_1683 = arith.constant 4 : i32
    %add3A_1684 = vector.broadcast %add3A_1683 : i32 to vector<16xi32>
    %add3A_1685 = arith.addi %mul3A_1682, %add3A_1684 : vector<16xi32>
    %gather3A_1686 = tpu.vector_load_idx %arg6[%add3A_1685] : memref<256xf32, #tpu.memory_space<vmem>>[vector<16xi32>], vector<16xf32>,
    %add3A_1687 = arith.addf %add3A_1679, %gather3A_1686 : vector<16xf32>
    %mul3A_1688 = arith.constant 16 : i32
    %mul3A_1689 = vector.broadcast %mul3A_1688 : i32 to vector<16xi32>
    %mul3A_1690 = arith.muli %iota3A, %mul3A_1689 : vector<16xi32>
    %add3A_1691 = arith.constant 5 : i32
    %add3A_1692 = vector.broadcast %add3A_1691 : i32 to vector<16xi32>
    %add3A_1693 = arith.addi %mul3A_1690, %add3A_1692 : vector<16xi32>
    %gather3A_1694 = tpu.vector_load_idx %arg6[%add3A_1693] : memref<256xf32, #tpu.memory_space<vmem>>[vector<16xi32>], vector<16xf32>,
    %add3A_1695 = arith.addf %add3A_1687, %gather3A_1694 : vector<16xf32>
    %mul3A_1696 = arith.constant 16 : i32
    %mul3A_1697 = vector.broadcast %mul3A_1696 : i32 to vector<16xi32>
    %mul3A_1698 = arith.muli %iota3A, %mul3A_1697 : vector<16xi32>
    %add3A_1699 = arith.constant 6 : i32
    %add3A_1700 = vector.broadcast %add3A_1699 : i32 to vector<16xi32>
    %add3A_1701 = arith.addi %mul3A_1698, %add3A_1700 : vector<16xi32>
    %gather3A_1702 = tpu.vector_load_idx %arg6[%add3A_1701] : memref<256xf32, #tpu.memory_space<vmem>>[vector<16xi32>], vector<16xf32>,
    %add3A_1703 = arith.addf %add3A_1695, %gather3A_1702 : vector<16xf32>
    %mul3A_1704 = arith.constant 16 : i32
    %mul3A_1705 = vector.broadcast %mul3A_1704 : i32 to vector<16xi32>
    %mul3A_1706 = arith.muli %iota3A, %mul3A_1705 : vector<16xi32>
    %add3A_1707 = arith.constant 7 : i32
    %add3A_1708 = vector.broadcast %add3A_1707 : i32 to vector<16xi32>
    %add3A_1709 = arith.addi %mul3A_1706, %add3A_1708 : vector<16xi32>
    %gather3A_1710 = tpu.vector_load_idx %arg6[%add3A_1709] : memref<256xf32, #tpu.memory_space<vmem>>[vector<16xi32>], vector<16xf32>,
    %add3A_1711 = arith.addf %add3A_1703, %gather3A_1710 : vector<16xf32>
    %mul3A_1712 = arith.constant 16 : i32
    %mul3A_1713 = vector.broadcast %mul3A_1712 : i32 to vector<16xi32>
    %mul3A_1714 = arith.muli %iota3A, %mul3A_1713 : vector<16xi32>
    %add3A_1715 = arith.constant 8 : i32
    %add3A_1716 = vector.broadcast %add3A_1715 : i32 to vector<16xi32>
    %add3A_1717 = arith.addi %mul3A_1714, %add3A_1716 : vector<16xi32>
    %gather3A_1718 = tpu.vector_load_idx %arg6[%add3A_1717] : memref<256xf32, #tpu.memory_space<vmem>>[vector<16xi32>], vector<16xf32>,
    %add3A_1719 = arith.addf %add3A_1711, %gather3A_1718 : vector<16xf32>
    %mul3A_1720 = arith.constant 16 : i32
    %mul3A_1721 = vector.broadcast %mul3A_1720 : i32 to vector<16xi32>
    %mul3A_1722 = arith.muli %iota3A, %mul3A_1721 : vector<16xi32>
    %add3A_1723 = arith.constant 9 : i32
    %add3A_1724 = vector.broadcast %add3A_1723 : i32 to vector<16xi32>
    %add3A_1725 = arith.addi %mul3A_1722, %add3A_1724 : vector<16xi32>
    %gather3A_1726 = tpu.vector_load_idx %arg6[%add3A_1725] : memref<256xf32, #tpu.memory_space<vmem>>[vector<16xi32>], vector<16xf32>,
    %add3A_1727 = arith.addf %add3A_1719, %gather3A_1726 : vector<16xf32>
    %mul3A_1728 = arith.constant 16 : i32
    %mul3A_1729 = vector.broadcast %mul3A_1728 : i32 to vector<16xi32>
    %mul3A_1730 = arith.muli %iota3A, %mul3A_1729 : vector<16xi32>
    %add3A_1731 = arith.constant 10 : i32
    %add3A_1732 = vector.broadcast %add3A_1731 : i32 to vector<16xi32>
    %add3A_1733 = arith.addi %mul3A_1730, %add3A_1732 : vector<16xi32>
    %gather3A_1734 = tpu.vector_load_idx %arg6[%add3A_1733] : memref<256xf32, #tpu.memory_space<vmem>>[vector<16xi32>], vector<16xf32>,
    %add3A_1735 = arith.addf %add3A_1727, %gather3A_1734 : vector<16xf32>
    %mul3A_1736 = arith.constant 16 : i32
    %mul3A_1737 = vector.broadcast %mul3A_1736 : i32 to vector<16xi32>
    %mul3A_1738 = arith.muli %iota3A, %mul3A_1737 : vector<16xi32>
    %add3A_1739 = arith.constant 11 : i32
    %add3A_1740 = vector.broadcast %add3A_1739 : i32 to vector<16xi32>
    %add3A_1741 = arith.addi %mul3A_1738, %add3A_1740 : vector<16xi32>
    %gather3A_1742 = tpu.vector_load_idx %arg6[%add3A_1741] : memref<256xf32, #tpu.memory_space<vmem>>[vector<16xi32>], vector<16xf32>,
    %add3A_1743 = arith.addf %add3A_1735, %gather3A_1742 : vector<16xf32>
    %mul3A_1744 = arith.constant 16 : i32
    %mul3A_1745 = vector.broadcast %mul3A_1744 : i32 to vector<16xi32>
    %mul3A_1746 = arith.muli %iota3A, %mul3A_1745 : vector<16xi32>
    %add3A_1747 = arith.constant 12 : i32
    %add3A_1748 = vector.broadcast %add3A_1747 : i32 to vector<16xi32>
    %add3A_1749 = arith.addi %mul3A_1746, %add3A_1748 : vector<16xi32>
    %gather3A_1750 = tpu.vector_load_idx %arg6[%add3A_1749] : memref<256xf32, #tpu.memory_space<vmem>>[vector<16xi32>], vector<16xf32>,
    %add3A_1751 = arith.addf %add3A_1743, %gather3A_1750 : vector<16xf32>
    %mul3A_1752 = arith.constant 16 : i32
    %mul3A_1753 = vector.broadcast %mul3A_1752 : i32 to vector<16xi32>
    %mul3A_1754 = arith.muli %iota3A, %mul3A_1753 : vector<16xi32>
    %add3A_1755 = arith.constant 13 : i32
    %add3A_1756 = vector.broadcast %add3A_1755 : i32 to vector<16xi32>
    %add3A_1757 = arith.addi %mul3A_1754, %add3A_1756 : vector<16xi32>
    %gather3A_1758 = tpu.vector_load_idx %arg6[%add3A_1757] : memref<256xf32, #tpu.memory_space<vmem>>[vector<16xi32>], vector<16xf32>,
    %add3A_1759 = arith.addf %add3A_1751, %gather3A_1758 : vector<16xf32>
    %mul3A_1760 = arith.constant 16 : i32
    %mul3A_1761 = vector.broadcast %mul3A_1760 : i32 to vector<16xi32>
    %mul3A_1762 = arith.muli %iota3A, %mul3A_1761 : vector<16xi32>
    %add3A_1763 = arith.constant 14 : i32
    %add3A_1764 = vector.broadcast %add3A_1763 : i32 to vector<16xi32>
    %add3A_1765 = arith.addi %mul3A_1762, %add3A_1764 : vector<16xi32>
    %gather3A_1766 = tpu.vector_load_idx %arg6[%add3A_1765] : memref<256xf32, #tpu.memory_space<vmem>>[vector<16xi32>], vector<16xf32>,
    %add3A_1767 = arith.addf %add3A_1759, %gather3A_1766 : vector<16xf32>
    %mul3A_1768 = arith.constant 16 : i32
    %mul3A_1769 = vector.broadcast %mul3A_1768 : i32 to vector<16xi32>
    %mul3A_1770 = arith.muli %iota3A, %mul3A_1769 : vector<16xi32>
    %add3A_1771 = arith.constant 15 : i32
    %add3A_1772 = vector.broadcast %add3A_1771 : i32 to vector<16xi32>
    %add3A_1773 = arith.addi %mul3A_1770, %add3A_1772 : vector<16xi32>
    %gather3A_1774 = tpu.vector_load_idx %arg6[%add3A_1773] : memref<256xf32, #tpu.memory_space<vmem>>[vector<16xi32>], vector<16xf32>,
    %add3A_1775 = arith.addf %add3A_1767, %gather3A_1774 : vector<16xf32>
    %swap3A_1776 = arith.constant 0 : index
    %swap3A_1777 = tpu.vector_load %arg7[%swap3A_1776] {strides = array<i32>} : memref<16xf32, #tpu.memory_space<vmem>>, vector<16xf32>,
    tpu.vector_store %arg7[%swap3A_1776], %add3A_1775 {strides = array<i32>} : memref<16xf32, #tpu.memory_space<vmem>>, vector<16xf32>,
    %mul3A_1778 = arith.constant 16 : i32
    %mul3A_1779 = arith.muli %select_n3A, %mul3A_1778 : i32
    %add3A_1780 = arith.constant 32 : i32
    %add3A_1781 = arith.addi %add3A_1780, %mul3A_1779 : i32
    %add3A_1782 = arith.constant 0 : i32
    %add3A_1783 = arith.addi %add3A_1781, %add3A_1782 : i32
    %add3A_1784 = arith.addi %add3A_1783, %select_n3A_28 : i32
    "tpu.region"() ({
      %run_scoped3A = tpu.sem_alloc : memref<!tpu.dma_semaphore, #tpu.memory_space<semaphore_mem>>
      %dma_start3A = arith.constant 0 : i32
      %dma_start3A_2267 = tpu.memref_slice %arg9[%add3A_1784, %dma_start3A] : memref<64x16xf32, #tpu.memory_space<vmem_shared>> -> memref<1x16xf32, #tpu.memory_space<vmem_shared>>
      %dma_start3A_2268 = tpu.memref_squeeze %dma_start3A_2267 : memref<1x16xf32, #tpu.memory_space<vmem_shared>> -> memref<16xf32, #tpu.memory_space<vmem_shared>>
      %dma_start3A_2269 = arith.constant 0 : i32
      %dma_start3A_2270 = tpu.memref_slice %arg9[%add3A_1784, %dma_start3A_2269] : memref<64x16xf32, #tpu.memory_space<vmem_shared>> -> memref<1x16xf32, #tpu.memory_space<vmem_shared>>
      %dma_start3A_2271 = tpu.memref_squeeze %dma_start3A_2270 : memref<1x16xf32, #tpu.memory_space<vmem_shared>> -> memref<16xf32, #tpu.memory_space<vmem_shared>>
      tpu.enqueue_dma source(%arg7 : memref<16xf32, #tpu.memory_space<vmem>>) target(%dma_start3A_2271 : memref<16xf32, #tpu.memory_space<vmem_shared>>) target_semaphore(%run_scoped3A : memref<!tpu.dma_semaphore, #tpu.memory_space<semaphore_mem>>)
      %dma_wait3A = arith.constant 0 : i32
      %dma_wait3A_2272 = tpu.memref_slice %arg9[%add3A_1784, %dma_wait3A] : memref<64x16xf32, #tpu.memory_space<vmem_shared>> -> memref<1x16xf32, #tpu.memory_space<vmem_shared>>
      %dma_wait3A_2273 = tpu.memref_squeeze %dma_wait3A_2272 : memref<1x16xf32, #tpu.memory_space<vmem_shared>> -> memref<16xf32, #tpu.memory_space<vmem_shared>>
      %dma_wait3A_2274 = arith.constant 0 : i32
      %dma_wait3A_2275 = tpu.memref_slice %arg9[%add3A_1784, %dma_wait3A_2274] : memref<64x16xf32, #tpu.memory_space<vmem_shared>> -> memref<1x16xf32, #tpu.memory_space<vmem_shared>>
      %dma_wait3A_2276 = tpu.memref_squeeze %dma_wait3A_2275 : memref<1x16xf32, #tpu.memory_space<vmem_shared>> -> memref<16xf32, #tpu.memory_space<vmem_shared>>
      tpu.wait_dma2 semaphore(%run_scoped3A : memref<!tpu.dma_semaphore, #tpu.memory_space<semaphore_mem>>) src(%arg7 : memref<16xf32, #tpu.memory_space<vmem>>) dst(%dma_wait3A_2276 : memref<16xf32, #tpu.memory_space<vmem_shared>>)
      tpu.yield
    }) : () -> ()
    %barrier3A_1785 = arith.constant 0 : index
    tpu.barrier barrier_id(%barrier3A_1785)
    "tpu.region"() ({
      %run_scoped3A = tpu.sem_alloc : memref<!tpu.dma_semaphore, #tpu.memory_space<semaphore_mem>>
      %dma_start3A = arith.constant 0 : i32
      %dma_start3A_2267 = tpu.memref_slice %arg9[%add3A_1783, %dma_start3A] : memref<64x16xf32, #tpu.memory_space<vmem_shared>> -> memref<8x16xf32, #tpu.memory_space<vmem_shared>>
      %dma_start3A_2268 = arith.constant 0 : i32
      %dma_start3A_2269 = tpu.memref_slice %arg9[%add3A_1783, %dma_start3A_2268] : memref<64x16xf32, #tpu.memory_space<vmem_shared>> -> memref<8x16xf32, #tpu.memory_space<vmem_shared>>
      tpu.enqueue_dma source(%dma_start3A_2269 : memref<8x16xf32, #tpu.memory_space<vmem_shared>>) target(%arg8 : memref<8x16xf32, #tpu.memory_space<vmem>>) target_semaphore(%run_scoped3A : memref<!tpu.dma_semaphore, #tpu.memory_space<semaphore_mem>>)
      %dma_wait3A = arith.constant 0 : i32
      %dma_wait3A_2270 = tpu.memref_slice %arg9[%add3A_1783, %dma_wait3A] : memref<64x16xf32, #tpu.memory_space<vmem_shared>> -> memref<8x16xf32, #tpu.memory_space<vmem_shared>>
      %dma_wait3A_2271 = arith.constant 0 : i32
      %dma_wait3A_2272 = tpu.memref_slice %arg9[%add3A_1783, %dma_wait3A_2271] : memref<64x16xf32, #tpu.memory_space<vmem_shared>> -> memref<8x16xf32, #tpu.memory_space<vmem_shared>>
      tpu.wait_dma2 semaphore(%run_scoped3A : memref<!tpu.dma_semaphore, #tpu.memory_space<semaphore_mem>>) src(%dma_wait3A_2272 : memref<8x16xf32, #tpu.memory_space<vmem_shared>>) dst(%arg8 : memref<8x16xf32, #tpu.memory_space<vmem>>)
      tpu.yield
    }) : () -> ()
    %get3A_1786 = arith.constant 0 : i32
    %get3A_1787 = arith.index_cast %get3A_1786 : i32 to index
    %get3A_1788 = arith.constant 0 : index
    %get3A_1789 = tpu.vector_load %arg8[%get3A_1787, %get3A_1788] {strides = array<i32>} : memref<8x16xf32, #tpu.memory_space<vmem>>, vector<16xf32>,
    %add3A_1790 = arith.addf %broadcast_in_dim3A_31, %get3A_1789 : vector<16xf32>
    %get3A_1791 = arith.constant 1 : i32
    %get3A_1792 = arith.index_cast %get3A_1791 : i32 to index
    %get3A_1793 = arith.constant 0 : index
    %get3A_1794 = tpu.vector_load %arg8[%get3A_1792, %get3A_1793] {strides = array<i32>} : memref<8x16xf32, #tpu.memory_space<vmem>>, vector<16xf32>,
    %add3A_1795 = arith.addf %add3A_1790, %get3A_1794 : vector<16xf32>
    %get3A_1796 = arith.constant 2 : i32
    %get3A_1797 = arith.index_cast %get3A_1796 : i32 to index
    %get3A_1798 = arith.constant 0 : index
    %get3A_1799 = tpu.vector_load %arg8[%get3A_1797, %get3A_1798] {strides = array<i32>} : memref<8x16xf32, #tpu.memory_space<vmem>>, vector<16xf32>,
    %add3A_1800 = arith.addf %add3A_1795, %get3A_1799 : vector<16xf32>
    %get3A_1801 = arith.constant 3 : i32
    %get3A_1802 = arith.index_cast %get3A_1801 : i32 to index
    %get3A_1803 = arith.constant 0 : index
    %get3A_1804 = tpu.vector_load %arg8[%get3A_1802, %get3A_1803] {strides = array<i32>} : memref<8x16xf32, #tpu.memory_space<vmem>>, vector<16xf32>,
    %add3A_1805 = arith.addf %add3A_1800, %get3A_1804 : vector<16xf32>
    %get3A_1806 = arith.constant 4 : i32
    %get3A_1807 = arith.index_cast %get3A_1806 : i32 to index
    %get3A_1808 = arith.constant 0 : index
    %get3A_1809 = tpu.vector_load %arg8[%get3A_1807, %get3A_1808] {strides = array<i32>} : memref<8x16xf32, #tpu.memory_space<vmem>>, vector<16xf32>,
    %add3A_1810 = arith.addf %add3A_1805, %get3A_1809 : vector<16xf32>
    %get3A_1811 = arith.constant 5 : i32
    %get3A_1812 = arith.index_cast %get3A_1811 : i32 to index
    %get3A_1813 = arith.constant 0 : index
    %get3A_1814 = tpu.vector_load %arg8[%get3A_1812, %get3A_1813] {strides = array<i32>} : memref<8x16xf32, #tpu.memory_space<vmem>>, vector<16xf32>,
    %add3A_1815 = arith.addf %add3A_1810, %get3A_1814 : vector<16xf32>
    %get3A_1816 = arith.constant 6 : i32
    %get3A_1817 = arith.index_cast %get3A_1816 : i32 to index
    %get3A_1818 = arith.constant 0 : index
    %get3A_1819 = tpu.vector_load %arg8[%get3A_1817, %get3A_1818] {strides = array<i32>} : memref<8x16xf32, #tpu.memory_space<vmem>>, vector<16xf32>,
    %add3A_1820 = arith.addf %add3A_1815, %get3A_1819 : vector<16xf32>
    %get3A_1821 = arith.constant 7 : i32
    %get3A_1822 = arith.index_cast %get3A_1821 : i32 to index
    %get3A_1823 = arith.constant 0 : index
    %get3A_1824 = tpu.vector_load %arg8[%get3A_1822, %get3A_1823] {strides = array<i32>} : memref<8x16xf32, #tpu.memory_space<vmem>>, vector<16xf32>,
    %add3A_1825 = arith.addf %add3A_1820, %get3A_1824 : vector<16xf32>
    %rev3A_1826 = arith.constant 15 : i32
    %rev3A_1827 = vector.broadcast %rev3A_1826 : i32 to vector<16xi32>
    %rev3A_1828 = tpu.iota {dimensions = array<i32: 0>} : vector<16xi32>
    %rev3A_1829 = arith.subi %rev3A_1827, %rev3A_1828 : vector<16xi32>
    %rev3A_1830 = tpu.dynamic_gather %add3A_1825[%rev3A_1829] in [0] : vector<16xf32>, vector<16xi32> -> vector<16xf32>
    %broadcast_in_dim3A_1831 = arith.constant true
    %broadcast_in_dim3A_1832 = vector.broadcast %broadcast_in_dim3A_1831 : i1 to vector<16xi1>
    %masked_cumsum3A_1833 = tpu.scan <sum>, %rev3A_1830 masked %broadcast_in_dim3A_1832 : vector<16xf32>, vector<16xi1> -> vector<16xf32>
    %rev3A_1834 = arith.constant 15 : i32
    %rev3A_1835 = vector.broadcast %rev3A_1834 : i32 to vector<16xi32>
    %rev3A_1836 = tpu.iota {dimensions = array<i32: 0>} : vector<16xi32>
    %rev3A_1837 = arith.subi %rev3A_1835, %rev3A_1836 : vector<16xi32>
    %rev3A_1838 = tpu.dynamic_gather %masked_cumsum3A_1833[%rev3A_1837] in [0] : vector<16xf32>, vector<16xi32> -> vector<16xf32>
    %sub3A_1839 = arith.subf %rev3A_1838, %add3A_1825 : vector<16xf32>
    %add3A_1840 = vector.broadcast %add3A_1605 : f32 to vector<16xf32>
    %add3A_1841 = arith.addf %add3A_1840, %sub3A_1839 : vector<16xf32>
    %lt3A_1842 = arith.constant 8.192000e+03 : f32
    %lt3A_1843 = vector.broadcast %lt3A_1842 : f32 to vector<16xf32>
    %lt3A_1844 = arith.cmpf olt, %add3A_1841, %lt3A_1843 : vector<16xf32>
    %add3A_1845 = vector.broadcast %add3A_1605 : f32 to vector<16xf32>
    %add3A_1846 = arith.addf %add3A_1845, %sub3A_1839 : vector<16xf32>
    %add3A_1847 = arith.addf %add3A_1846, %add3A_1825 : vector<16xf32>
    %ge3A_1848 = arith.constant 8.192000e+03 : f32
    %ge3A_1849 = vector.broadcast %ge3A_1848 : f32 to vector<16xf32>
    %ge3A_1850 = arith.cmpf oge, %add3A_1847, %ge3A_1849 : vector<16xf32>
    %and3A_1851 = arith.andi %lt3A_1844, %ge3A_1850 : vector<16xi1>
    %jit3A_1852 = arith.constant 1.000000e+00 : f32
    %jit3A_1853 = arith.constant 0.000000e+00 : f32
    %broadcast_in_dim3A_1854 = vector.broadcast %jit3A_1852 : f32 to vector<16xf32>
    %broadcast_in_dim3A_1855 = vector.broadcast %jit3A_1853 : f32 to vector<16xf32>
    %select_n3A_1856 = arith.select %and3A_1851, %broadcast_in_dim3A_1854, %broadcast_in_dim3A_1855 : vector<16xi1>, vector<16xf32>
    %convert_element_type3A_1857 = arith.sitofp %iota3A : vector<16xi32> to vector<16xf32>
    %mul3A_1858 = arith.mulf %convert_element_type3A_1857, %select_n3A_1856 : vector<16xf32>
    %reduce_sum3A_1859 = arith.constant true
    %reduce_sum3A_1860 = vector.broadcast %reduce_sum3A_1859 : i1 to vector<16xi1>
    %reduce_sum3A_1861 = tpu.scan <sum>, %mul3A_1858 masked %reduce_sum3A_1860 : vector<16xf32>, vector<16xi1> -> vector<16xf32>
    %reduce_sum3A_1862 = vector.extract %reduce_sum3A_1861[15] : f32 from vector<16xf32>
    %mul3A_1863 = arith.mulf %sub3A_1839, %select_n3A_1856 : vector<16xf32>
    %reduce_sum3A_1864 = arith.constant true
    %reduce_sum3A_1865 = vector.broadcast %reduce_sum3A_1864 : i1 to vector<16xi1>
    %reduce_sum3A_1866 = tpu.scan <sum>, %mul3A_1863 masked %reduce_sum3A_1865 : vector<16xf32>, vector<16xi1> -> vector<16xf32>
    %reduce_sum3A_1867 = vector.extract %reduce_sum3A_1866[15] : f32 from vector<16xf32>
    %add3A_1868 = arith.addf %add3A_1605, %reduce_sum3A_1867 : f32
    %mul3A_1869 = arith.constant 16 : i32
    %mul3A_1870 = arith.muli %add3A_1609, %mul3A_1869 : i32
    %convert_element_type3A_1871 = arith.fptosi %reduce_sum3A_1862 : f32 to i32
    %add3A_1872 = arith.addi %mul3A_1870, %convert_element_type3A_1871 : i32
    %swap3A_1873 = arith.constant 0 : index
    %swap3A_1874 = tpu.vector_load %arg6[%swap3A_1873] {strides = array<i32>} : memref<256xf32, #tpu.memory_space<vmem>>, vector<16xf32>,
    tpu.vector_store %arg6[%swap3A_1873], %broadcast_in_dim3A_31 {strides = array<i32>} : memref<256xf32, #tpu.memory_space<vmem>>, vector<16xf32>,
    %swap3A_1875 = arith.constant 16 : index
    %swap3A_1876 = tpu.vector_load %arg6[%swap3A_1875] {strides = array<i32>} : memref<256xf32, #tpu.memory_space<vmem>>, vector<16xf32>,
    tpu.vector_store %arg6[%swap3A_1875], %broadcast_in_dim3A_31 {strides = array<i32>} : memref<256xf32, #tpu.memory_space<vmem>>, vector<16xf32>,
    %swap3A_1877 = arith.constant 32 : index
    %swap3A_1878 = tpu.vector_load %arg6[%swap3A_1877] {strides = array<i32>} : memref<256xf32, #tpu.memory_space<vmem>>, vector<16xf32>,
    tpu.vector_store %arg6[%swap3A_1877], %broadcast_in_dim3A_31 {strides = array<i32>} : memref<256xf32, #tpu.memory_space<vmem>>, vector<16xf32>,
    %swap3A_1879 = arith.constant 48 : index
    %swap3A_1880 = tpu.vector_load %arg6[%swap3A_1879] {strides = array<i32>} : memref<256xf32, #tpu.memory_space<vmem>>, vector<16xf32>,
    tpu.vector_store %arg6[%swap3A_1879], %broadcast_in_dim3A_31 {strides = array<i32>} : memref<256xf32, #tpu.memory_space<vmem>>, vector<16xf32>,
    %swap3A_1881 = arith.constant 64 : index
    %swap3A_1882 = tpu.vector_load %arg6[%swap3A_1881] {strides = array<i32>} : memref<256xf32, #tpu.memory_space<vmem>>, vector<16xf32>,
    tpu.vector_store %arg6[%swap3A_1881], %broadcast_in_dim3A_31 {strides = array<i32>} : memref<256xf32, #tpu.memory_space<vmem>>, vector<16xf32>,
    %swap3A_1883 = arith.constant 80 : index
    %swap3A_1884 = tpu.vector_load %arg6[%swap3A_1883] {strides = array<i32>} : memref<256xf32, #tpu.memory_space<vmem>>, vector<16xf32>,
    tpu.vector_store %arg6[%swap3A_1883], %broadcast_in_dim3A_31 {strides = array<i32>} : memref<256xf32, #tpu.memory_space<vmem>>, vector<16xf32>,
    %swap3A_1885 = arith.constant 96 : index
    %swap3A_1886 = tpu.vector_load %arg6[%swap3A_1885] {strides = array<i32>} : memref<256xf32, #tpu.memory_space<vmem>>, vector<16xf32>,
    tpu.vector_store %arg6[%swap3A_1885], %broadcast_in_dim3A_31 {strides = array<i32>} : memref<256xf32, #tpu.memory_space<vmem>>, vector<16xf32>,
    %swap3A_1887 = arith.constant 112 : index
    %swap3A_1888 = tpu.vector_load %arg6[%swap3A_1887] {strides = array<i32>} : memref<256xf32, #tpu.memory_space<vmem>>, vector<16xf32>,
    tpu.vector_store %arg6[%swap3A_1887], %broadcast_in_dim3A_31 {strides = array<i32>} : memref<256xf32, #tpu.memory_space<vmem>>, vector<16xf32>,
    %swap3A_1889 = arith.constant 128 : index
    %swap3A_1890 = tpu.vector_load %arg6[%swap3A_1889] {strides = array<i32>} : memref<256xf32, #tpu.memory_space<vmem>>, vector<16xf32>,
    tpu.vector_store %arg6[%swap3A_1889], %broadcast_in_dim3A_31 {strides = array<i32>} : memref<256xf32, #tpu.memory_space<vmem>>, vector<16xf32>,
    %swap3A_1891 = arith.constant 144 : index
    %swap3A_1892 = tpu.vector_load %arg6[%swap3A_1891] {strides = array<i32>} : memref<256xf32, #tpu.memory_space<vmem>>, vector<16xf32>,
    tpu.vector_store %arg6[%swap3A_1891], %broadcast_in_dim3A_31 {strides = array<i32>} : memref<256xf32, #tpu.memory_space<vmem>>, vector<16xf32>,
    %swap3A_1893 = arith.constant 160 : index
    %swap3A_1894 = tpu.vector_load %arg6[%swap3A_1893] {strides = array<i32>} : memref<256xf32, #tpu.memory_space<vmem>>, vector<16xf32>,
    tpu.vector_store %arg6[%swap3A_1893], %broadcast_in_dim3A_31 {strides = array<i32>} : memref<256xf32, #tpu.memory_space<vmem>>, vector<16xf32>,
    %swap3A_1895 = arith.constant 176 : index
    %swap3A_1896 = tpu.vector_load %arg6[%swap3A_1895] {strides = array<i32>} : memref<256xf32, #tpu.memory_space<vmem>>, vector<16xf32>,
    tpu.vector_store %arg6[%swap3A_1895], %broadcast_in_dim3A_31 {strides = array<i32>} : memref<256xf32, #tpu.memory_space<vmem>>, vector<16xf32>,
    %swap3A_1897 = arith.constant 192 : index
    %swap3A_1898 = tpu.vector_load %arg6[%swap3A_1897] {strides = array<i32>} : memref<256xf32, #tpu.memory_space<vmem>>, vector<16xf32>,
    tpu.vector_store %arg6[%swap3A_1897], %broadcast_in_dim3A_31 {strides = array<i32>} : memref<256xf32, #tpu.memory_space<vmem>>, vector<16xf32>,
    %swap3A_1899 = arith.constant 208 : index
    %swap3A_1900 = tpu.vector_load %arg6[%swap3A_1899] {strides = array<i32>} : memref<256xf32, #tpu.memory_space<vmem>>, vector<16xf32>,
    tpu.vector_store %arg6[%swap3A_1899], %broadcast_in_dim3A_31 {strides = array<i32>} : memref<256xf32, #tpu.memory_space<vmem>>, vector<16xf32>,
    %swap3A_1901 = arith.constant 224 : index
    %swap3A_1902 = tpu.vector_load %arg6[%swap3A_1901] {strides = array<i32>} : memref<256xf32, #tpu.memory_space<vmem>>, vector<16xf32>,
    tpu.vector_store %arg6[%swap3A_1901], %broadcast_in_dim3A_31 {strides = array<i32>} : memref<256xf32, #tpu.memory_space<vmem>>, vector<16xf32>,
    %swap3A_1903 = arith.constant 240 : index
    %swap3A_1904 = tpu.vector_load %arg6[%swap3A_1903] {strides = array<i32>} : memref<256xf32, #tpu.memory_space<vmem>>, vector<16xf32>,
    tpu.vector_store %arg6[%swap3A_1903], %broadcast_in_dim3A_31 {strides = array<i32>} : memref<256xf32, #tpu.memory_space<vmem>>, vector<16xf32>,
    %scan3A_1905 = arith.constant 0 : i32
    %scan3A_1906 = arith.constant 0 : i32
    %scan3A_1907 = arith.constant 128 : i32
    %scan3A_1908 = arith.addi %scan3A_1906, %scan3A_1907 : i32
    %scan3A_1909 = arith.constant 1 : i32
    scf.for %scan3A_2267 = %scan3A_1906 to %scan3A_1908 step %scan3A_1909  : i32 {
      %mul3A_2268 = arith.constant 16 : i32
      %mul3A_2269 = arith.muli %scan3A_2267, %mul3A_2268 : i32
      %multiple_of3A = tpu.assume_multiple %mul3A_2269, 16 : i32
      %get3A_2270 = arith.index_cast %multiple_of3A : i32 to index
      %get3A_2271 = tpu.vector_load %arg4[%get3A_2270] {strides = array<i32>} : memref<2048xi32, #tpu.memory_space<vmem>>, vector<16xi32>,
      %xor3A_2272 = arith.xori %get3A_2271, %broadcast_in_dim3A_35 : vector<16xi32>
      %shift_right_logical3A = arith.constant 0 : i32
      %shift_right_logical3A_2273 = vector.broadcast %shift_right_logical3A : i32 to vector<16xi32>
      %shift_right_logical3A_2274 = arith.shrui %xor3A_2272, %shift_right_logical3A_2273 : vector<16xi32>
      %and3A_2275 = arith.constant 15 : i32
      %and3A_2276 = vector.broadcast %and3A_2275 : i32 to vector<16xi32>
      %and3A_2277 = arith.andi %shift_right_logical3A_2274, %and3A_2276 : vector<16xi32>
      %shift_right_logical3A_2278 = arith.constant 4 : i32
      %shift_right_logical3A_2279 = vector.broadcast %shift_right_logical3A_2278 : i32 to vector<16xi32>
      %shift_right_logical3A_2280 = arith.shrui %xor3A_2272, %shift_right_logical3A_2279 : vector<16xi32>
      %eq3A_2281 = vector.broadcast %add3A_1872 : i32 to vector<16xi32>
      %eq3A_2282 = arith.cmpi eq, %shift_right_logical3A_2280, %eq3A_2281 : vector<16xi32>
      %mul3A_2283 = arith.constant 16 : i32
      %mul3A_2284 = vector.broadcast %mul3A_2283 : i32 to vector<16xi32>
      %mul3A_2285 = arith.muli %and3A_2277, %mul3A_2284 : vector<16xi32>
      %add3A_2286 = arith.addi %mul3A_2285, %iota3A : vector<16xi32>
      tpu.vector_store_idx %arg6[%add3A_2286], %broadcast_in_dim3A_33 masked %eq3A_2282 {add = true} : memref<256xf32, #tpu.memory_space<vmem>>[vector<16xi32>], vector<16xf32>, vector<16xi1>
    }
    %scan3A_1910 = arith.constant 128 : i32
    %mul3A_1911 = arith.constant 16 : i32
    %mul3A_1912 = vector.broadcast %mul3A_1911 : i32 to vector<16xi32>
    %mul3A_1913 = arith.muli %iota3A, %mul3A_1912 : vector<16xi32>
    %add3A_1914 = arith.constant 0 : i32
    %add3A_1915 = vector.broadcast %add3A_1914 : i32 to vector<16xi32>
    %add3A_1916 = arith.addi %mul3A_1913, %add3A_1915 : vector<16xi32>
    %gather3A_1917 = tpu.vector_load_idx %arg6[%add3A_1916] : memref<256xf32, #tpu.memory_space<vmem>>[vector<16xi32>], vector<16xf32>,
    %add3A_1918 = arith.addf %broadcast_in_dim3A_31, %gather3A_1917 : vector<16xf32>
    %mul3A_1919 = arith.constant 16 : i32
    %mul3A_1920 = vector.broadcast %mul3A_1919 : i32 to vector<16xi32>
    %mul3A_1921 = arith.muli %iota3A, %mul3A_1920 : vector<16xi32>
    %add3A_1922 = arith.constant 1 : i32
    %add3A_1923 = vector.broadcast %add3A_1922 : i32 to vector<16xi32>
    %add3A_1924 = arith.addi %mul3A_1921, %add3A_1923 : vector<16xi32>
    %gather3A_1925 = tpu.vector_load_idx %arg6[%add3A_1924] : memref<256xf32, #tpu.memory_space<vmem>>[vector<16xi32>], vector<16xf32>,
    %add3A_1926 = arith.addf %add3A_1918, %gather3A_1925 : vector<16xf32>
    %mul3A_1927 = arith.constant 16 : i32
    %mul3A_1928 = vector.broadcast %mul3A_1927 : i32 to vector<16xi32>
    %mul3A_1929 = arith.muli %iota3A, %mul3A_1928 : vector<16xi32>
    %add3A_1930 = arith.constant 2 : i32
    %add3A_1931 = vector.broadcast %add3A_1930 : i32 to vector<16xi32>
    %add3A_1932 = arith.addi %mul3A_1929, %add3A_1931 : vector<16xi32>
    %gather3A_1933 = tpu.vector_load_idx %arg6[%add3A_1932] : memref<256xf32, #tpu.memory_space<vmem>>[vector<16xi32>], vector<16xf32>,
    %add3A_1934 = arith.addf %add3A_1926, %gather3A_1933 : vector<16xf32>
    %mul3A_1935 = arith.constant 16 : i32
    %mul3A_1936 = vector.broadcast %mul3A_1935 : i32 to vector<16xi32>
    %mul3A_1937 = arith.muli %iota3A, %mul3A_1936 : vector<16xi32>
    %add3A_1938 = arith.constant 3 : i32
    %add3A_1939 = vector.broadcast %add3A_1938 : i32 to vector<16xi32>
    %add3A_1940 = arith.addi %mul3A_1937, %add3A_1939 : vector<16xi32>
    %gather3A_1941 = tpu.vector_load_idx %arg6[%add3A_1940] : memref<256xf32, #tpu.memory_space<vmem>>[vector<16xi32>], vector<16xf32>,
    %add3A_1942 = arith.addf %add3A_1934, %gather3A_1941 : vector<16xf32>
    %mul3A_1943 = arith.constant 16 : i32
    %mul3A_1944 = vector.broadcast %mul3A_1943 : i32 to vector<16xi32>
    %mul3A_1945 = arith.muli %iota3A, %mul3A_1944 : vector<16xi32>
    %add3A_1946 = arith.constant 4 : i32
    %add3A_1947 = vector.broadcast %add3A_1946 : i32 to vector<16xi32>
    %add3A_1948 = arith.addi %mul3A_1945, %add3A_1947 : vector<16xi32>
    %gather3A_1949 = tpu.vector_load_idx %arg6[%add3A_1948] : memref<256xf32, #tpu.memory_space<vmem>>[vector<16xi32>], vector<16xf32>,
    %add3A_1950 = arith.addf %add3A_1942, %gather3A_1949 : vector<16xf32>
    %mul3A_1951 = arith.constant 16 : i32
    %mul3A_1952 = vector.broadcast %mul3A_1951 : i32 to vector<16xi32>
    %mul3A_1953 = arith.muli %iota3A, %mul3A_1952 : vector<16xi32>
    %add3A_1954 = arith.constant 5 : i32
    %add3A_1955 = vector.broadcast %add3A_1954 : i32 to vector<16xi32>
    %add3A_1956 = arith.addi %mul3A_1953, %add3A_1955 : vector<16xi32>
    %gather3A_1957 = tpu.vector_load_idx %arg6[%add3A_1956] : memref<256xf32, #tpu.memory_space<vmem>>[vector<16xi32>], vector<16xf32>,
    %add3A_1958 = arith.addf %add3A_1950, %gather3A_1957 : vector<16xf32>
    %mul3A_1959 = arith.constant 16 : i32
    %mul3A_1960 = vector.broadcast %mul3A_1959 : i32 to vector<16xi32>
    %mul3A_1961 = arith.muli %iota3A, %mul3A_1960 : vector<16xi32>
    %add3A_1962 = arith.constant 6 : i32
    %add3A_1963 = vector.broadcast %add3A_1962 : i32 to vector<16xi32>
    %add3A_1964 = arith.addi %mul3A_1961, %add3A_1963 : vector<16xi32>
    %gather3A_1965 = tpu.vector_load_idx %arg6[%add3A_1964] : memref<256xf32, #tpu.memory_space<vmem>>[vector<16xi32>], vector<16xf32>,
    %add3A_1966 = arith.addf %add3A_1958, %gather3A_1965 : vector<16xf32>
    %mul3A_1967 = arith.constant 16 : i32
    %mul3A_1968 = vector.broadcast %mul3A_1967 : i32 to vector<16xi32>
    %mul3A_1969 = arith.muli %iota3A, %mul3A_1968 : vector<16xi32>
    %add3A_1970 = arith.constant 7 : i32
    %add3A_1971 = vector.broadcast %add3A_1970 : i32 to vector<16xi32>
    %add3A_1972 = arith.addi %mul3A_1969, %add3A_1971 : vector<16xi32>
    %gather3A_1973 = tpu.vector_load_idx %arg6[%add3A_1972] : memref<256xf32, #tpu.memory_space<vmem>>[vector<16xi32>], vector<16xf32>,
    %add3A_1974 = arith.addf %add3A_1966, %gather3A_1973 : vector<16xf32>
    %mul3A_1975 = arith.constant 16 : i32
    %mul3A_1976 = vector.broadcast %mul3A_1975 : i32 to vector<16xi32>
    %mul3A_1977 = arith.muli %iota3A, %mul3A_1976 : vector<16xi32>
    %add3A_1978 = arith.constant 8 : i32
    %add3A_1979 = vector.broadcast %add3A_1978 : i32 to vector<16xi32>
    %add3A_1980 = arith.addi %mul3A_1977, %add3A_1979 : vector<16xi32>
    %gather3A_1981 = tpu.vector_load_idx %arg6[%add3A_1980] : memref<256xf32, #tpu.memory_space<vmem>>[vector<16xi32>], vector<16xf32>,
    %add3A_1982 = arith.addf %add3A_1974, %gather3A_1981 : vector<16xf32>
    %mul3A_1983 = arith.constant 16 : i32
    %mul3A_1984 = vector.broadcast %mul3A_1983 : i32 to vector<16xi32>
    %mul3A_1985 = arith.muli %iota3A, %mul3A_1984 : vector<16xi32>
    %add3A_1986 = arith.constant 9 : i32
    %add3A_1987 = vector.broadcast %add3A_1986 : i32 to vector<16xi32>
    %add3A_1988 = arith.addi %mul3A_1985, %add3A_1987 : vector<16xi32>
    %gather3A_1989 = tpu.vector_load_idx %arg6[%add3A_1988] : memref<256xf32, #tpu.memory_space<vmem>>[vector<16xi32>], vector<16xf32>,
    %add3A_1990 = arith.addf %add3A_1982, %gather3A_1989 : vector<16xf32>
    %mul3A_1991 = arith.constant 16 : i32
    %mul3A_1992 = vector.broadcast %mul3A_1991 : i32 to vector<16xi32>
    %mul3A_1993 = arith.muli %iota3A, %mul3A_1992 : vector<16xi32>
    %add3A_1994 = arith.constant 10 : i32
    %add3A_1995 = vector.broadcast %add3A_1994 : i32 to vector<16xi32>
    %add3A_1996 = arith.addi %mul3A_1993, %add3A_1995 : vector<16xi32>
    %gather3A_1997 = tpu.vector_load_idx %arg6[%add3A_1996] : memref<256xf32, #tpu.memory_space<vmem>>[vector<16xi32>], vector<16xf32>,
    %add3A_1998 = arith.addf %add3A_1990, %gather3A_1997 : vector<16xf32>
    %mul3A_1999 = arith.constant 16 : i32
    %mul3A_2000 = vector.broadcast %mul3A_1999 : i32 to vector<16xi32>
    %mul3A_2001 = arith.muli %iota3A, %mul3A_2000 : vector<16xi32>
    %add3A_2002 = arith.constant 11 : i32
    %add3A_2003 = vector.broadcast %add3A_2002 : i32 to vector<16xi32>
    %add3A_2004 = arith.addi %mul3A_2001, %add3A_2003 : vector<16xi32>
    %gather3A_2005 = tpu.vector_load_idx %arg6[%add3A_2004] : memref<256xf32, #tpu.memory_space<vmem>>[vector<16xi32>], vector<16xf32>,
    %add3A_2006 = arith.addf %add3A_1998, %gather3A_2005 : vector<16xf32>
    %mul3A_2007 = arith.constant 16 : i32
    %mul3A_2008 = vector.broadcast %mul3A_2007 : i32 to vector<16xi32>
    %mul3A_2009 = arith.muli %iota3A, %mul3A_2008 : vector<16xi32>
    %add3A_2010 = arith.constant 12 : i32
    %add3A_2011 = vector.broadcast %add3A_2010 : i32 to vector<16xi32>
    %add3A_2012 = arith.addi %mul3A_2009, %add3A_2011 : vector<16xi32>
    %gather3A_2013 = tpu.vector_load_idx %arg6[%add3A_2012] : memref<256xf32, #tpu.memory_space<vmem>>[vector<16xi32>], vector<16xf32>,
    %add3A_2014 = arith.addf %add3A_2006, %gather3A_2013 : vector<16xf32>
    %mul3A_2015 = arith.constant 16 : i32
    %mul3A_2016 = vector.broadcast %mul3A_2015 : i32 to vector<16xi32>
    %mul3A_2017 = arith.muli %iota3A, %mul3A_2016 : vector<16xi32>
    %add3A_2018 = arith.constant 13 : i32
    %add3A_2019 = vector.broadcast %add3A_2018 : i32 to vector<16xi32>
    %add3A_2020 = arith.addi %mul3A_2017, %add3A_2019 : vector<16xi32>
    %gather3A_2021 = tpu.vector_load_idx %arg6[%add3A_2020] : memref<256xf32, #tpu.memory_space<vmem>>[vector<16xi32>], vector<16xf32>,
    %add3A_2022 = arith.addf %add3A_2014, %gather3A_2021 : vector<16xf32>
    %mul3A_2023 = arith.constant 16 : i32
    %mul3A_2024 = vector.broadcast %mul3A_2023 : i32 to vector<16xi32>
    %mul3A_2025 = arith.muli %iota3A, %mul3A_2024 : vector<16xi32>
    %add3A_2026 = arith.constant 14 : i32
    %add3A_2027 = vector.broadcast %add3A_2026 : i32 to vector<16xi32>
    %add3A_2028 = arith.addi %mul3A_2025, %add3A_2027 : vector<16xi32>
    %gather3A_2029 = tpu.vector_load_idx %arg6[%add3A_2028] : memref<256xf32, #tpu.memory_space<vmem>>[vector<16xi32>], vector<16xf32>,
    %add3A_2030 = arith.addf %add3A_2022, %gather3A_2029 : vector<16xf32>
    %mul3A_2031 = arith.constant 16 : i32
    %mul3A_2032 = vector.broadcast %mul3A_2031 : i32 to vector<16xi32>
    %mul3A_2033 = arith.muli %iota3A, %mul3A_2032 : vector<16xi32>
    %add3A_2034 = arith.constant 15 : i32
    %add3A_2035 = vector.broadcast %add3A_2034 : i32 to vector<16xi32>
    %add3A_2036 = arith.addi %mul3A_2033, %add3A_2035 : vector<16xi32>
    %gather3A_2037 = tpu.vector_load_idx %arg6[%add3A_2036] : memref<256xf32, #tpu.memory_space<vmem>>[vector<16xi32>], vector<16xf32>,
    %add3A_2038 = arith.addf %add3A_2030, %gather3A_2037 : vector<16xf32>
    %swap3A_2039 = arith.constant 0 : index
    %swap3A_2040 = tpu.vector_load %arg7[%swap3A_2039] {strides = array<i32>} : memref<16xf32, #tpu.memory_space<vmem>>, vector<16xf32>,
    tpu.vector_store %arg7[%swap3A_2039], %add3A_2038 {strides = array<i32>} : memref<16xf32, #tpu.memory_space<vmem>>, vector<16xf32>,
    %mul3A_2041 = arith.constant 16 : i32
    %mul3A_2042 = arith.muli %select_n3A, %mul3A_2041 : i32
    %add3A_2043 = arith.constant 32 : i32
    %add3A_2044 = arith.addi %add3A_2043, %mul3A_2042 : i32
    %add3A_2045 = arith.constant 8 : i32
    %add3A_2046 = arith.addi %add3A_2044, %add3A_2045 : i32
    %add3A_2047 = arith.addi %add3A_2046, %select_n3A_28 : i32
    "tpu.region"() ({
      %run_scoped3A = tpu.sem_alloc : memref<!tpu.dma_semaphore, #tpu.memory_space<semaphore_mem>>
      %dma_start3A = arith.constant 0 : i32
      %dma_start3A_2267 = tpu.memref_slice %arg9[%add3A_2047, %dma_start3A] : memref<64x16xf32, #tpu.memory_space<vmem_shared>> -> memref<1x16xf32, #tpu.memory_space<vmem_shared>>
      %dma_start3A_2268 = tpu.memref_squeeze %dma_start3A_2267 : memref<1x16xf32, #tpu.memory_space<vmem_shared>> -> memref<16xf32, #tpu.memory_space<vmem_shared>>
      %dma_start3A_2269 = arith.constant 0 : i32
      %dma_start3A_2270 = tpu.memref_slice %arg9[%add3A_2047, %dma_start3A_2269] : memref<64x16xf32, #tpu.memory_space<vmem_shared>> -> memref<1x16xf32, #tpu.memory_space<vmem_shared>>
      %dma_start3A_2271 = tpu.memref_squeeze %dma_start3A_2270 : memref<1x16xf32, #tpu.memory_space<vmem_shared>> -> memref<16xf32, #tpu.memory_space<vmem_shared>>
      tpu.enqueue_dma source(%arg7 : memref<16xf32, #tpu.memory_space<vmem>>) target(%dma_start3A_2271 : memref<16xf32, #tpu.memory_space<vmem_shared>>) target_semaphore(%run_scoped3A : memref<!tpu.dma_semaphore, #tpu.memory_space<semaphore_mem>>)
      %dma_wait3A = arith.constant 0 : i32
      %dma_wait3A_2272 = tpu.memref_slice %arg9[%add3A_2047, %dma_wait3A] : memref<64x16xf32, #tpu.memory_space<vmem_shared>> -> memref<1x16xf32, #tpu.memory_space<vmem_shared>>
      %dma_wait3A_2273 = tpu.memref_squeeze %dma_wait3A_2272 : memref<1x16xf32, #tpu.memory_space<vmem_shared>> -> memref<16xf32, #tpu.memory_space<vmem_shared>>
      %dma_wait3A_2274 = arith.constant 0 : i32
      %dma_wait3A_2275 = tpu.memref_slice %arg9[%add3A_2047, %dma_wait3A_2274] : memref<64x16xf32, #tpu.memory_space<vmem_shared>> -> memref<1x16xf32, #tpu.memory_space<vmem_shared>>
      %dma_wait3A_2276 = tpu.memref_squeeze %dma_wait3A_2275 : memref<1x16xf32, #tpu.memory_space<vmem_shared>> -> memref<16xf32, #tpu.memory_space<vmem_shared>>
      tpu.wait_dma2 semaphore(%run_scoped3A : memref<!tpu.dma_semaphore, #tpu.memory_space<semaphore_mem>>) src(%arg7 : memref<16xf32, #tpu.memory_space<vmem>>) dst(%dma_wait3A_2276 : memref<16xf32, #tpu.memory_space<vmem_shared>>)
      tpu.yield
    }) : () -> ()
    %barrier3A_2048 = arith.constant 0 : index
    tpu.barrier barrier_id(%barrier3A_2048)
    "tpu.region"() ({
      %run_scoped3A = tpu.sem_alloc : memref<!tpu.dma_semaphore, #tpu.memory_space<semaphore_mem>>
      %dma_start3A = arith.constant 0 : i32
      %dma_start3A_2267 = tpu.memref_slice %arg9[%add3A_2046, %dma_start3A] : memref<64x16xf32, #tpu.memory_space<vmem_shared>> -> memref<8x16xf32, #tpu.memory_space<vmem_shared>>
      %dma_start3A_2268 = arith.constant 0 : i32
      %dma_start3A_2269 = tpu.memref_slice %arg9[%add3A_2046, %dma_start3A_2268] : memref<64x16xf32, #tpu.memory_space<vmem_shared>> -> memref<8x16xf32, #tpu.memory_space<vmem_shared>>
      tpu.enqueue_dma source(%dma_start3A_2269 : memref<8x16xf32, #tpu.memory_space<vmem_shared>>) target(%arg8 : memref<8x16xf32, #tpu.memory_space<vmem>>) target_semaphore(%run_scoped3A : memref<!tpu.dma_semaphore, #tpu.memory_space<semaphore_mem>>)
      %dma_wait3A = arith.constant 0 : i32
      %dma_wait3A_2270 = tpu.memref_slice %arg9[%add3A_2046, %dma_wait3A] : memref<64x16xf32, #tpu.memory_space<vmem_shared>> -> memref<8x16xf32, #tpu.memory_space<vmem_shared>>
      %dma_wait3A_2271 = arith.constant 0 : i32
      %dma_wait3A_2272 = tpu.memref_slice %arg9[%add3A_2046, %dma_wait3A_2271] : memref<64x16xf32, #tpu.memory_space<vmem_shared>> -> memref<8x16xf32, #tpu.memory_space<vmem_shared>>
      tpu.wait_dma2 semaphore(%run_scoped3A : memref<!tpu.dma_semaphore, #tpu.memory_space<semaphore_mem>>) src(%dma_wait3A_2272 : memref<8x16xf32, #tpu.memory_space<vmem_shared>>) dst(%arg8 : memref<8x16xf32, #tpu.memory_space<vmem>>)
      tpu.yield
    }) : () -> ()
    %get3A_2049 = arith.constant 0 : i32
    %get3A_2050 = arith.index_cast %get3A_2049 : i32 to index
    %get3A_2051 = arith.constant 0 : index
    %get3A_2052 = tpu.vector_load %arg8[%get3A_2050, %get3A_2051] {strides = array<i32>} : memref<8x16xf32, #tpu.memory_space<vmem>>, vector<16xf32>,
    %add3A_2053 = arith.addf %broadcast_in_dim3A_31, %get3A_2052 : vector<16xf32>
    %get3A_2054 = arith.constant 1 : i32
    %get3A_2055 = arith.index_cast %get3A_2054 : i32 to index
    %get3A_2056 = arith.constant 0 : index
    %get3A_2057 = tpu.vector_load %arg8[%get3A_2055, %get3A_2056] {strides = array<i32>} : memref<8x16xf32, #tpu.memory_space<vmem>>, vector<16xf32>,
    %add3A_2058 = arith.addf %add3A_2053, %get3A_2057 : vector<16xf32>
    %get3A_2059 = arith.constant 2 : i32
    %get3A_2060 = arith.index_cast %get3A_2059 : i32 to index
    %get3A_2061 = arith.constant 0 : index
    %get3A_2062 = tpu.vector_load %arg8[%get3A_2060, %get3A_2061] {strides = array<i32>} : memref<8x16xf32, #tpu.memory_space<vmem>>, vector<16xf32>,
    %add3A_2063 = arith.addf %add3A_2058, %get3A_2062 : vector<16xf32>
    %get3A_2064 = arith.constant 3 : i32
    %get3A_2065 = arith.index_cast %get3A_2064 : i32 to index
    %get3A_2066 = arith.constant 0 : index
    %get3A_2067 = tpu.vector_load %arg8[%get3A_2065, %get3A_2066] {strides = array<i32>} : memref<8x16xf32, #tpu.memory_space<vmem>>, vector<16xf32>,
    %add3A_2068 = arith.addf %add3A_2063, %get3A_2067 : vector<16xf32>
    %get3A_2069 = arith.constant 4 : i32
    %get3A_2070 = arith.index_cast %get3A_2069 : i32 to index
    %get3A_2071 = arith.constant 0 : index
    %get3A_2072 = tpu.vector_load %arg8[%get3A_2070, %get3A_2071] {strides = array<i32>} : memref<8x16xf32, #tpu.memory_space<vmem>>, vector<16xf32>,
    %add3A_2073 = arith.addf %add3A_2068, %get3A_2072 : vector<16xf32>
    %get3A_2074 = arith.constant 5 : i32
    %get3A_2075 = arith.index_cast %get3A_2074 : i32 to index
    %get3A_2076 = arith.constant 0 : index
    %get3A_2077 = tpu.vector_load %arg8[%get3A_2075, %get3A_2076] {strides = array<i32>} : memref<8x16xf32, #tpu.memory_space<vmem>>, vector<16xf32>,
    %add3A_2078 = arith.addf %add3A_2073, %get3A_2077 : vector<16xf32>
    %get3A_2079 = arith.constant 6 : i32
    %get3A_2080 = arith.index_cast %get3A_2079 : i32 to index
    %get3A_2081 = arith.constant 0 : index
    %get3A_2082 = tpu.vector_load %arg8[%get3A_2080, %get3A_2081] {strides = array<i32>} : memref<8x16xf32, #tpu.memory_space<vmem>>, vector<16xf32>,
    %add3A_2083 = arith.addf %add3A_2078, %get3A_2082 : vector<16xf32>
    %get3A_2084 = arith.constant 7 : i32
    %get3A_2085 = arith.index_cast %get3A_2084 : i32 to index
    %get3A_2086 = arith.constant 0 : index
    %get3A_2087 = tpu.vector_load %arg8[%get3A_2085, %get3A_2086] {strides = array<i32>} : memref<8x16xf32, #tpu.memory_space<vmem>>, vector<16xf32>,
    %add3A_2088 = arith.addf %add3A_2083, %get3A_2087 : vector<16xf32>
    %rev3A_2089 = arith.constant 15 : i32
    %rev3A_2090 = vector.broadcast %rev3A_2089 : i32 to vector<16xi32>
    %rev3A_2091 = tpu.iota {dimensions = array<i32: 0>} : vector<16xi32>
    %rev3A_2092 = arith.subi %rev3A_2090, %rev3A_2091 : vector<16xi32>
    %rev3A_2093 = tpu.dynamic_gather %add3A_2088[%rev3A_2092] in [0] : vector<16xf32>, vector<16xi32> -> vector<16xf32>
    %broadcast_in_dim3A_2094 = arith.constant true
    %broadcast_in_dim3A_2095 = vector.broadcast %broadcast_in_dim3A_2094 : i1 to vector<16xi1>
    %masked_cumsum3A_2096 = tpu.scan <sum>, %rev3A_2093 masked %broadcast_in_dim3A_2095 : vector<16xf32>, vector<16xi1> -> vector<16xf32>
    %rev3A_2097 = arith.constant 15 : i32
    %rev3A_2098 = vector.broadcast %rev3A_2097 : i32 to vector<16xi32>
    %rev3A_2099 = tpu.iota {dimensions = array<i32: 0>} : vector<16xi32>
    %rev3A_2100 = arith.subi %rev3A_2098, %rev3A_2099 : vector<16xi32>
    %rev3A_2101 = tpu.dynamic_gather %masked_cumsum3A_2096[%rev3A_2100] in [0] : vector<16xf32>, vector<16xi32> -> vector<16xf32>
    %sub3A_2102 = arith.subf %rev3A_2101, %add3A_2088 : vector<16xf32>
    %add3A_2103 = vector.broadcast %add3A_1868 : f32 to vector<16xf32>
    %add3A_2104 = arith.addf %add3A_2103, %sub3A_2102 : vector<16xf32>
    %lt3A_2105 = arith.constant 8.192000e+03 : f32
    %lt3A_2106 = vector.broadcast %lt3A_2105 : f32 to vector<16xf32>
    %lt3A_2107 = arith.cmpf olt, %add3A_2104, %lt3A_2106 : vector<16xf32>
    %add3A_2108 = vector.broadcast %add3A_1868 : f32 to vector<16xf32>
    %add3A_2109 = arith.addf %add3A_2108, %sub3A_2102 : vector<16xf32>
    %add3A_2110 = arith.addf %add3A_2109, %add3A_2088 : vector<16xf32>
    %ge3A_2111 = arith.constant 8.192000e+03 : f32
    %ge3A_2112 = vector.broadcast %ge3A_2111 : f32 to vector<16xf32>
    %ge3A_2113 = arith.cmpf oge, %add3A_2110, %ge3A_2112 : vector<16xf32>
    %and3A_2114 = arith.andi %lt3A_2107, %ge3A_2113 : vector<16xi1>
    %jit3A_2115 = arith.constant 1.000000e+00 : f32
    %jit3A_2116 = arith.constant 0.000000e+00 : f32
    %broadcast_in_dim3A_2117 = vector.broadcast %jit3A_2115 : f32 to vector<16xf32>
    %broadcast_in_dim3A_2118 = vector.broadcast %jit3A_2116 : f32 to vector<16xf32>
    %select_n3A_2119 = arith.select %and3A_2114, %broadcast_in_dim3A_2117, %broadcast_in_dim3A_2118 : vector<16xi1>, vector<16xf32>
    %convert_element_type3A_2120 = arith.sitofp %iota3A : vector<16xi32> to vector<16xf32>
    %mul3A_2121 = arith.mulf %convert_element_type3A_2120, %select_n3A_2119 : vector<16xf32>
    %reduce_sum3A_2122 = arith.constant true
    %reduce_sum3A_2123 = vector.broadcast %reduce_sum3A_2122 : i1 to vector<16xi1>
    %reduce_sum3A_2124 = tpu.scan <sum>, %mul3A_2121 masked %reduce_sum3A_2123 : vector<16xf32>, vector<16xi1> -> vector<16xf32>
    %reduce_sum3A_2125 = vector.extract %reduce_sum3A_2124[15] : f32 from vector<16xf32>
    %mul3A_2126 = arith.mulf %sub3A_2102, %select_n3A_2119 : vector<16xf32>
    %reduce_sum3A_2127 = arith.constant true
    %reduce_sum3A_2128 = vector.broadcast %reduce_sum3A_2127 : i1 to vector<16xi1>
    %reduce_sum3A_2129 = tpu.scan <sum>, %mul3A_2126 masked %reduce_sum3A_2128 : vector<16xf32>, vector<16xi1> -> vector<16xf32>
    %reduce_sum3A_2130 = vector.extract %reduce_sum3A_2129[15] : f32 from vector<16xf32>
    %add3A_2131 = arith.addf %add3A_1868, %reduce_sum3A_2130 : f32
    %mul3A_2132 = arith.constant 16 : i32
    %mul3A_2133 = arith.muli %add3A_1872, %mul3A_2132 : i32
    %convert_element_type3A_2134 = arith.fptosi %reduce_sum3A_2125 : f32 to i32
    %add3A_2135 = arith.addi %mul3A_2133, %convert_element_type3A_2134 : i32
    %xor3A = arith.constant -2147483648 : i32
    %xor3A_2136 = arith.xori %add3A_2135, %xor3A : i32
    %broadcast_in_dim3A_2137 = arith.constant 0 : i32
    %broadcast_in_dim3A_2138 = vector.broadcast %broadcast_in_dim3A_2137 : i32 to vector<16xi32>
    %add3A_2139 = vector.broadcast %xor3A_2136 : i32 to vector<16xi32>
    %add3A_2140 = arith.addi %broadcast_in_dim3A_2138, %add3A_2139 : vector<16xi32>
    %sub3A_2141 = arith.constant 8.192000e+03 : f32
    %sub3A_2142 = arith.subf %sub3A_2141, %add3A_2131 : f32
    %scan3A_2143 = arith.constant 0.000000e+00 : f32
    %scan3A_2144 = arith.constant 0 : i32
    %scan3A_2145 = arith.constant 128 : i32
    %scan3A_2146 = arith.addi %scan3A_2144, %scan3A_2145 : i32
    %scan3A_2147 = arith.constant 1 : i32
    %scan3A_2148 = scf.for %scan3A_2267 = %scan3A_2144 to %scan3A_2146 step %scan3A_2147 iter_args(%scan3A_2268 = %scan3A_2143) -> (f32)  : i32 {
      %mul3A_2269 = arith.constant 16 : i32
      %mul3A_2270 = arith.muli %scan3A_2267, %mul3A_2269 : i32
      %multiple_of3A = tpu.assume_multiple %mul3A_2270, 16 : i32
      %get3A_2271 = arith.index_cast %multiple_of3A : i32 to index
      %get3A_2272 = tpu.vector_load %arg4[%get3A_2271] {strides = array<i32>} : memref<2048xi32, #tpu.memory_space<vmem>>, vector<16xi32>,
      %eq3A_2273 = arith.cmpi eq, %get3A_2272, %add3A_2140 : vector<16xi32>
      %jit3A_2274 = arith.constant 1.000000e+00 : f32
      %jit3A_2275 = arith.constant 0.000000e+00 : f32
      %broadcast_in_dim3A_2276 = vector.broadcast %jit3A_2274 : f32 to vector<16xf32>
      %broadcast_in_dim3A_2277 = vector.broadcast %jit3A_2275 : f32 to vector<16xf32>
      %select_n3A_2278 = arith.select %eq3A_2273, %broadcast_in_dim3A_2276, %broadcast_in_dim3A_2277 : vector<16xi1>, vector<16xf32>
      %reduce_sum3A_2279 = arith.constant true
      %reduce_sum3A_2280 = vector.broadcast %reduce_sum3A_2279 : i1 to vector<16xi1>
      %reduce_sum3A_2281 = tpu.scan <sum>, %select_n3A_2278 masked %reduce_sum3A_2280 : vector<16xf32>, vector<16xi1> -> vector<16xf32>
      %reduce_sum3A_2282 = vector.extract %reduce_sum3A_2281[15] : f32 from vector<16xf32>
      %add3A_2283 = arith.addf %scan3A_2268, %reduce_sum3A_2282 : f32
      scf.yield %add3A_2283 : f32
    }
    %scan3A_2149 = arith.constant 128 : i32
    %add3A_2150 = vector.broadcast %scan3A_2148 : f32 to vector<16xf32>
    %add3A_2151 = arith.addf %broadcast_in_dim3A_31, %add3A_2150 : vector<16xf32>
    %swap3A_2152 = arith.constant 0 : index
    %swap3A_2153 = tpu.vector_load %arg7[%swap3A_2152] {strides = array<i32>} : memref<16xf32, #tpu.memory_space<vmem>>, vector<16xf32>,
    tpu.vector_store %arg7[%swap3A_2152], %add3A_2151 {strides = array<i32>} : memref<16xf32, #tpu.memory_space<vmem>>, vector<16xf32>,
    %mul3A_2154 = arith.constant 16 : i32
    %mul3A_2155 = arith.muli %select_n3A, %mul3A_2154 : i32
    %add3A_2156 = arith.constant 32 : i32
    %add3A_2157 = arith.addi %add3A_2156, %mul3A_2155 : i32
    %add3A_2158 = arith.addi %add3A_2157, %select_n3A_28 : i32
    "tpu.region"() ({
      %run_scoped3A = tpu.sem_alloc : memref<!tpu.dma_semaphore, #tpu.memory_space<semaphore_mem>>
      %dma_start3A = arith.constant 0 : i32
      %dma_start3A_2267 = tpu.memref_slice %arg9[%add3A_2158, %dma_start3A] : memref<64x16xf32, #tpu.memory_space<vmem_shared>> -> memref<1x16xf32, #tpu.memory_space<vmem_shared>>
      %dma_start3A_2268 = tpu.memref_squeeze %dma_start3A_2267 : memref<1x16xf32, #tpu.memory_space<vmem_shared>> -> memref<16xf32, #tpu.memory_space<vmem_shared>>
      %dma_start3A_2269 = arith.constant 0 : i32
      %dma_start3A_2270 = tpu.memref_slice %arg9[%add3A_2158, %dma_start3A_2269] : memref<64x16xf32, #tpu.memory_space<vmem_shared>> -> memref<1x16xf32, #tpu.memory_space<vmem_shared>>
      %dma_start3A_2271 = tpu.memref_squeeze %dma_start3A_2270 : memref<1x16xf32, #tpu.memory_space<vmem_shared>> -> memref<16xf32, #tpu.memory_space<vmem_shared>>
      tpu.enqueue_dma source(%arg7 : memref<16xf32, #tpu.memory_space<vmem>>) target(%dma_start3A_2271 : memref<16xf32, #tpu.memory_space<vmem_shared>>) target_semaphore(%run_scoped3A : memref<!tpu.dma_semaphore, #tpu.memory_space<semaphore_mem>>)
      %dma_wait3A = arith.constant 0 : i32
      %dma_wait3A_2272 = tpu.memref_slice %arg9[%add3A_2158, %dma_wait3A] : memref<64x16xf32, #tpu.memory_space<vmem_shared>> -> memref<1x16xf32, #tpu.memory_space<vmem_shared>>
      %dma_wait3A_2273 = tpu.memref_squeeze %dma_wait3A_2272 : memref<1x16xf32, #tpu.memory_space<vmem_shared>> -> memref<16xf32, #tpu.memory_space<vmem_shared>>
      %dma_wait3A_2274 = arith.constant 0 : i32
      %dma_wait3A_2275 = tpu.memref_slice %arg9[%add3A_2158, %dma_wait3A_2274] : memref<64x16xf32, #tpu.memory_space<vmem_shared>> -> memref<1x16xf32, #tpu.memory_space<vmem_shared>>
      %dma_wait3A_2276 = tpu.memref_squeeze %dma_wait3A_2275 : memref<1x16xf32, #tpu.memory_space<vmem_shared>> -> memref<16xf32, #tpu.memory_space<vmem_shared>>
      tpu.wait_dma2 semaphore(%run_scoped3A : memref<!tpu.dma_semaphore, #tpu.memory_space<semaphore_mem>>) src(%arg7 : memref<16xf32, #tpu.memory_space<vmem>>) dst(%dma_wait3A_2276 : memref<16xf32, #tpu.memory_space<vmem_shared>>)
      tpu.yield
    }) : () -> ()
    %barrier3A_2159 = arith.constant 0 : index
    tpu.barrier barrier_id(%barrier3A_2159)
    "tpu.region"() ({
      %run_scoped3A = tpu.sem_alloc : memref<!tpu.dma_semaphore, #tpu.memory_space<semaphore_mem>>
      %dma_start3A = arith.constant 0 : i32
      %dma_start3A_2267 = tpu.memref_slice %arg9[%add3A_2157, %dma_start3A] : memref<64x16xf32, #tpu.memory_space<vmem_shared>> -> memref<8x16xf32, #tpu.memory_space<vmem_shared>>
      %dma_start3A_2268 = arith.constant 0 : i32
      %dma_start3A_2269 = tpu.memref_slice %arg9[%add3A_2157, %dma_start3A_2268] : memref<64x16xf32, #tpu.memory_space<vmem_shared>> -> memref<8x16xf32, #tpu.memory_space<vmem_shared>>
      tpu.enqueue_dma source(%dma_start3A_2269 : memref<8x16xf32, #tpu.memory_space<vmem_shared>>) target(%arg8 : memref<8x16xf32, #tpu.memory_space<vmem>>) target_semaphore(%run_scoped3A : memref<!tpu.dma_semaphore, #tpu.memory_space<semaphore_mem>>)
      %dma_wait3A = arith.constant 0 : i32
      %dma_wait3A_2270 = tpu.memref_slice %arg9[%add3A_2157, %dma_wait3A] : memref<64x16xf32, #tpu.memory_space<vmem_shared>> -> memref<8x16xf32, #tpu.memory_space<vmem_shared>>
      %dma_wait3A_2271 = arith.constant 0 : i32
      %dma_wait3A_2272 = tpu.memref_slice %arg9[%add3A_2157, %dma_wait3A_2271] : memref<64x16xf32, #tpu.memory_space<vmem_shared>> -> memref<8x16xf32, #tpu.memory_space<vmem_shared>>
      tpu.wait_dma2 semaphore(%run_scoped3A : memref<!tpu.dma_semaphore, #tpu.memory_space<semaphore_mem>>) src(%dma_wait3A_2272 : memref<8x16xf32, #tpu.memory_space<vmem_shared>>) dst(%arg8 : memref<8x16xf32, #tpu.memory_space<vmem>>)
      tpu.yield
    }) : () -> ()
    %get3A_2160 = arith.constant 0 : i32
    %get3A_2161 = arith.index_cast %get3A_2160 : i32 to index
    %get3A_2162 = arith.constant 0 : index
    %get3A_2163 = tpu.vector_load %arg8[%get3A_2161, %get3A_2162] {strides = array<i32>} : memref<8x16xf32, #tpu.memory_space<vmem>>, vector<16xf32>,
    %lt3A_2164 = arith.constant 0 : i32
    %lt3A_2165 = arith.cmpi slt, %lt3A_2164, %select_n3A_28 : i32
    %jit3A_2166 = arith.constant 1.000000e+00 : f32
    %jit3A_2167 = arith.constant 0.000000e+00 : f32
    %select_n3A_2168 = arith.select %lt3A_2165, %jit3A_2166, %jit3A_2167 : f32
    %mul3A_2169 = vector.broadcast %select_n3A_2168 : f32 to vector<16xf32>
    %mul3A_2170 = arith.mulf %get3A_2163, %mul3A_2169 : vector<16xf32>
    %add3A_2171 = arith.addf %broadcast_in_dim3A_31, %mul3A_2170 : vector<16xf32>
    %get3A_2172 = arith.constant 1 : i32
    %get3A_2173 = arith.index_cast %get3A_2172 : i32 to index
    %get3A_2174 = arith.constant 0 : index
    %get3A_2175 = tpu.vector_load %arg8[%get3A_2173, %get3A_2174] {strides = array<i32>} : memref<8x16xf32, #tpu.memory_space<vmem>>, vector<16xf32>,
    %lt3A_2176 = arith.constant 1 : i32
    %lt3A_2177 = arith.cmpi slt, %lt3A_2176, %select_n3A_28 : i32
    %jit3A_2178 = arith.constant 1.000000e+00 : f32
    %jit3A_2179 = arith.constant 0.000000e+00 : f32
    %select_n3A_2180 = arith.select %lt3A_2177, %jit3A_2178, %jit3A_2179 : f32
    %mul3A_2181 = vector.broadcast %select_n3A_2180 : f32 to vector<16xf32>
    %mul3A_2182 = arith.mulf %get3A_2175, %mul3A_2181 : vector<16xf32>
    %add3A_2183 = arith.addf %add3A_2171, %mul3A_2182 : vector<16xf32>
    %get3A_2184 = arith.constant 2 : i32
    %get3A_2185 = arith.index_cast %get3A_2184 : i32 to index
    %get3A_2186 = arith.constant 0 : index
    %get3A_2187 = tpu.vector_load %arg8[%get3A_2185, %get3A_2186] {strides = array<i32>} : memref<8x16xf32, #tpu.memory_space<vmem>>, vector<16xf32>,
    %lt3A_2188 = arith.constant 2 : i32
    %lt3A_2189 = arith.cmpi slt, %lt3A_2188, %select_n3A_28 : i32
    %jit3A_2190 = arith.constant 1.000000e+00 : f32
    %jit3A_2191 = arith.constant 0.000000e+00 : f32
    %select_n3A_2192 = arith.select %lt3A_2189, %jit3A_2190, %jit3A_2191 : f32
    %mul3A_2193 = vector.broadcast %select_n3A_2192 : f32 to vector<16xf32>
    %mul3A_2194 = arith.mulf %get3A_2187, %mul3A_2193 : vector<16xf32>
    %add3A_2195 = arith.addf %add3A_2183, %mul3A_2194 : vector<16xf32>
    %get3A_2196 = arith.constant 3 : i32
    %get3A_2197 = arith.index_cast %get3A_2196 : i32 to index
    %get3A_2198 = arith.constant 0 : index
    %get3A_2199 = tpu.vector_load %arg8[%get3A_2197, %get3A_2198] {strides = array<i32>} : memref<8x16xf32, #tpu.memory_space<vmem>>, vector<16xf32>,
    %lt3A_2200 = arith.constant 3 : i32
    %lt3A_2201 = arith.cmpi slt, %lt3A_2200, %select_n3A_28 : i32
    %jit3A_2202 = arith.constant 1.000000e+00 : f32
    %jit3A_2203 = arith.constant 0.000000e+00 : f32
    %select_n3A_2204 = arith.select %lt3A_2201, %jit3A_2202, %jit3A_2203 : f32
    %mul3A_2205 = vector.broadcast %select_n3A_2204 : f32 to vector<16xf32>
    %mul3A_2206 = arith.mulf %get3A_2199, %mul3A_2205 : vector<16xf32>
    %add3A_2207 = arith.addf %add3A_2195, %mul3A_2206 : vector<16xf32>
    %get3A_2208 = arith.constant 4 : i32
    %get3A_2209 = arith.index_cast %get3A_2208 : i32 to index
    %get3A_2210 = arith.constant 0 : index
    %get3A_2211 = tpu.vector_load %arg8[%get3A_2209, %get3A_2210] {strides = array<i32>} : memref<8x16xf32, #tpu.memory_space<vmem>>, vector<16xf32>,
    %lt3A_2212 = arith.constant 4 : i32
    %lt3A_2213 = arith.cmpi slt, %lt3A_2212, %select_n3A_28 : i32
    %jit3A_2214 = arith.constant 1.000000e+00 : f32
    %jit3A_2215 = arith.constant 0.000000e+00 : f32
    %select_n3A_2216 = arith.select %lt3A_2213, %jit3A_2214, %jit3A_2215 : f32
    %mul3A_2217 = vector.broadcast %select_n3A_2216 : f32 to vector<16xf32>
    %mul3A_2218 = arith.mulf %get3A_2211, %mul3A_2217 : vector<16xf32>
    %add3A_2219 = arith.addf %add3A_2207, %mul3A_2218 : vector<16xf32>
    %get3A_2220 = arith.constant 5 : i32
    %get3A_2221 = arith.index_cast %get3A_2220 : i32 to index
    %get3A_2222 = arith.constant 0 : index
    %get3A_2223 = tpu.vector_load %arg8[%get3A_2221, %get3A_2222] {strides = array<i32>} : memref<8x16xf32, #tpu.memory_space<vmem>>, vector<16xf32>,
    %lt3A_2224 = arith.constant 5 : i32
    %lt3A_2225 = arith.cmpi slt, %lt3A_2224, %select_n3A_28 : i32
    %jit3A_2226 = arith.constant 1.000000e+00 : f32
    %jit3A_2227 = arith.constant 0.000000e+00 : f32
    %select_n3A_2228 = arith.select %lt3A_2225, %jit3A_2226, %jit3A_2227 : f32
    %mul3A_2229 = vector.broadcast %select_n3A_2228 : f32 to vector<16xf32>
    %mul3A_2230 = arith.mulf %get3A_2223, %mul3A_2229 : vector<16xf32>
    %add3A_2231 = arith.addf %add3A_2219, %mul3A_2230 : vector<16xf32>
    %get3A_2232 = arith.constant 6 : i32
    %get3A_2233 = arith.index_cast %get3A_2232 : i32 to index
    %get3A_2234 = arith.constant 0 : index
    %get3A_2235 = tpu.vector_load %arg8[%get3A_2233, %get3A_2234] {strides = array<i32>} : memref<8x16xf32, #tpu.memory_space<vmem>>, vector<16xf32>,
    %lt3A_2236 = arith.constant 6 : i32
    %lt3A_2237 = arith.cmpi slt, %lt3A_2236, %select_n3A_28 : i32
    %jit3A_2238 = arith.constant 1.000000e+00 : f32
    %jit3A_2239 = arith.constant 0.000000e+00 : f32
    %select_n3A_2240 = arith.select %lt3A_2237, %jit3A_2238, %jit3A_2239 : f32
    %mul3A_2241 = vector.broadcast %select_n3A_2240 : f32 to vector<16xf32>
    %mul3A_2242 = arith.mulf %get3A_2235, %mul3A_2241 : vector<16xf32>
    %add3A_2243 = arith.addf %add3A_2231, %mul3A_2242 : vector<16xf32>
    %get3A_2244 = arith.constant 7 : i32
    %get3A_2245 = arith.index_cast %get3A_2244 : i32 to index
    %get3A_2246 = arith.constant 0 : index
    %get3A_2247 = tpu.vector_load %arg8[%get3A_2245, %get3A_2246] {strides = array<i32>} : memref<8x16xf32, #tpu.memory_space<vmem>>, vector<16xf32>,
    %lt3A_2248 = arith.constant 7 : i32
    %lt3A_2249 = arith.cmpi slt, %lt3A_2248, %select_n3A_28 : i32
    %jit3A_2250 = arith.constant 1.000000e+00 : f32
    %jit3A_2251 = arith.constant 0.000000e+00 : f32
    %select_n3A_2252 = arith.select %lt3A_2249, %jit3A_2250, %jit3A_2251 : f32
    %mul3A_2253 = vector.broadcast %select_n3A_2252 : f32 to vector<16xf32>
    %mul3A_2254 = arith.mulf %get3A_2247, %mul3A_2253 : vector<16xf32>
    %add3A_2255 = arith.addf %add3A_2243, %mul3A_2254 : vector<16xf32>
    %reduce_max3A = arith.constant true
    %reduce_max3A_2256 = vector.broadcast %reduce_max3A : i1 to vector<16xi1>
    %reduce_max3A_2257 = tpu.scan <max>, %add3A_2255 masked %reduce_max3A_2256 : vector<16xf32>, vector<16xi1> -> vector<16xf32>
    %reduce_max3A_2258 = vector.extract %reduce_max3A_2257[15] : f32 from vector<16xf32>
    %scan3A_2259 = arith.constant 0 : i32
    %scan3A_2260 = arith.constant 128 : i32
    %scan3A_2261 = arith.addi %scan3A_2259, %scan3A_2260 : i32
    %scan3A_2262 = arith.constant 1 : i32
    %scan3A_2263 = scf.for %scan3A_2267 = %scan3A_2259 to %scan3A_2261 step %scan3A_2262 iter_args(%scan3A_2268 = %reduce_max3A_2258) -> (f32)  : i32 {
      %mul3A_2269 = arith.constant 16 : i32
      %mul3A_2270 = arith.muli %scan3A_2267, %mul3A_2269 : i32
      %multiple_of3A = tpu.assume_multiple %mul3A_2270, 16 : i32
      %get3A_2271 = arith.index_cast %multiple_of3A : i32 to index
      %get3A_2272 = tpu.vector_load %arg4[%get3A_2271] {strides = array<i32>} : memref<2048xi32, #tpu.memory_space<vmem>>, vector<16xi32>,
      %eq3A_2273 = arith.cmpi eq, %get3A_2272, %add3A_2140 : vector<16xi32>
      %jit3A_2274 = arith.constant 1.000000e+00 : f32
      %jit3A_2275 = arith.constant 0.000000e+00 : f32
      %broadcast_in_dim3A_2276 = vector.broadcast %jit3A_2274 : f32 to vector<16xf32>
      %broadcast_in_dim3A_2277 = vector.broadcast %jit3A_2275 : f32 to vector<16xf32>
      %select_n3A_2278 = arith.select %eq3A_2273, %broadcast_in_dim3A_2276, %broadcast_in_dim3A_2277 : vector<16xi1>, vector<16xf32>
      %broadcast_in_dim3A_2279 = arith.constant true
      %broadcast_in_dim3A_2280 = vector.broadcast %broadcast_in_dim3A_2279 : i1 to vector<16xi1>
      %masked_cumsum3A_2281 = tpu.scan <sum>, %select_n3A_2278 masked %broadcast_in_dim3A_2280 : vector<16xf32>, vector<16xi1> -> vector<16xf32>
      %sub3A_2282 = arith.subf %masked_cumsum3A_2281, %select_n3A_2278 : vector<16xf32>
      %add3A_2283 = vector.broadcast %scan3A_2268 : f32 to vector<16xf32>
      %add3A_2284 = arith.addf %sub3A_2282, %add3A_2283 : vector<16xf32>
      %lt3A_2285 = vector.broadcast %sub3A_2142 : f32 to vector<16xf32>
      %lt3A_2286 = arith.cmpf olt, %add3A_2284, %lt3A_2285 : vector<16xf32>
      %and3A_2287 = arith.andi %eq3A_2273, %lt3A_2286 : vector<16xi1>
      %gt3A = arith.cmpi sgt, %get3A_2272, %add3A_2140 : vector<16xi32>
      %or3A = arith.ori %gt3A, %and3A_2287 : vector<16xi1>
      %jit3A_2288 = arith.constant 1.000000e+00 : f32
      %jit3A_2289 = arith.constant 0.000000e+00 : f32
      %broadcast_in_dim3A_2290 = vector.broadcast %jit3A_2288 : f32 to vector<16xf32>
      %broadcast_in_dim3A_2291 = vector.broadcast %jit3A_2289 : f32 to vector<16xf32>
      %select_n3A_2292 = arith.select %or3A, %broadcast_in_dim3A_2290, %broadcast_in_dim3A_2291 : vector<16xi1>, vector<16xf32>
      %mul3A_2293 = arith.constant 16 : i32
      %mul3A_2294 = arith.muli %scan3A_2267, %mul3A_2293 : i32
      %multiple_of3A_2295 = tpu.assume_multiple %mul3A_2294, 16 : i32
      %swap3A_2296 = arith.index_cast %multiple_of3A_2295 : i32 to index
      %swap3A_2297 = tpu.vector_load %arg5[%swap3A_2296] {strides = array<i32>} : memref<2048xf32, #tpu.memory_space<vmem>>, vector<16xf32>,
      tpu.vector_store %arg5[%swap3A_2296], %select_n3A_2292 {strides = array<i32>} : memref<2048xf32, #tpu.memory_space<vmem>>, vector<16xf32>,
      %reduce_sum3A_2298 = arith.constant true
      %reduce_sum3A_2299 = vector.broadcast %reduce_sum3A_2298 : i1 to vector<16xi1>
      %reduce_sum3A_2300 = tpu.scan <sum>, %select_n3A_2278 masked %reduce_sum3A_2299 : vector<16xf32>, vector<16xi1> -> vector<16xf32>
      %reduce_sum3A_2301 = vector.extract %reduce_sum3A_2300[15] : f32 from vector<16xf32>
      %add3A_2302 = arith.addf %scan3A_2268, %reduce_sum3A_2301 : f32
      scf.yield %add3A_2302 : f32
    }
    %scan3A_2264 = arith.constant 128 : i32
    %mul3A_2265 = arith.constant 2048 : i32
    %mul3A_2266 = arith.muli %select_n3A_28, %mul3A_2265 : i32
    "tpu.region"() ({
      %run_scoped3A = tpu.sem_alloc : memref<!tpu.dma_semaphore, #tpu.memory_space<semaphore_mem>>
      %dma_start3A = tpu.memref_slice %arg3[%add3A_30, %mul3A_2266] : memref<4x16384xf32, #tpu.memory_space<hbm>> -> memref<1x2048xf32, #tpu.memory_space<hbm>>
      %dma_start3A_2267 = tpu.memref_squeeze %dma_start3A : memref<1x2048xf32, #tpu.memory_space<hbm>> -> memref<2048xf32, #tpu.memory_space<hbm>>
      %dma_start3A_2268 = tpu.memref_slice %arg3[%add3A_30, %mul3A_2266] : memref<4x16384xf32, #tpu.memory_space<hbm>> -> memref<1x2048xf32, #tpu.memory_space<hbm>>
      %dma_start3A_2269 = tpu.memref_squeeze %dma_start3A_2268 : memref<1x2048xf32, #tpu.memory_space<hbm>> -> memref<2048xf32, #tpu.memory_space<hbm>>
      tpu.enqueue_dma source(%arg5 : memref<2048xf32, #tpu.memory_space<vmem>>) target(%dma_start3A_2269 : memref<2048xf32, #tpu.memory_space<hbm>>) target_semaphore(%run_scoped3A : memref<!tpu.dma_semaphore, #tpu.memory_space<semaphore_mem>>)
      %dma_wait3A = tpu.memref_slice %arg3[%add3A_30, %mul3A_2266] : memref<4x16384xf32, #tpu.memory_space<hbm>> -> memref<1x2048xf32, #tpu.memory_space<hbm>>
      %dma_wait3A_2270 = tpu.memref_squeeze %dma_wait3A : memref<1x2048xf32, #tpu.memory_space<hbm>> -> memref<2048xf32, #tpu.memory_space<hbm>>
      %dma_wait3A_2271 = tpu.memref_slice %arg3[%add3A_30, %mul3A_2266] : memref<4x16384xf32, #tpu.memory_space<hbm>> -> memref<1x2048xf32, #tpu.memory_space<hbm>>
      %dma_wait3A_2272 = tpu.memref_squeeze %dma_wait3A_2271 : memref<1x2048xf32, #tpu.memory_space<hbm>> -> memref<2048xf32, #tpu.memory_space<hbm>>
      tpu.wait_dma2 semaphore(%run_scoped3A : memref<!tpu.dma_semaphore, #tpu.memory_space<semaphore_mem>>) src(%arg5 : memref<2048xf32, #tpu.memory_space<vmem>>) dst(%dma_wait3A_2272 : memref<2048xf32, #tpu.memory_space<hbm>>)
      tpu.yield
    }) : () -> ()
    return
  }
}

module attributes {stable_mosaic.version = 14 : i64} {
  func.func @_key_body(%arg0: i32, %arg1: memref<1x19x128x128xf32, #tpu.memory_space<vmem>>, %arg2: memref<1x128x128xi32, #tpu.memory_space<vmem>>) attributes {dimension_semantics = [#tpu.dimension_semantics<arbitrary>], iteration_bounds = array<i64: 4>, scalar_prefetch = 0 : i64, scratch_operands = 0 : i64, tpu.core_type = #tpu.core_type<tc>, window_params = [{transform_indices = @transform_0, window_bounds = array<i64: 1, 19, 128, 128>}, {transform_indices = @transform_1, window_bounds = array<i64: 1, 128, 128>}]} {
    %get3A = arith.constant 0 : index
    %get3A_0 = arith.constant 0 : index
    %get3A_1 = arith.constant 0 : index
    %get3A_2 = arith.constant 0 : index
    %get3A_3 = vector.load %arg1[%get3A, %get3A_0, %get3A_1, %get3A_2] : memref<1x19x128x128xf32, #tpu.memory_space<vmem>>, vector<1x19x128x128xf32>
    %get3A_4 = vector.shape_cast %get3A_3 : vector<1x19x128x128xf32> to vector<19x128x128xf32>
    %slice3A = vector.extract_strided_slice %get3A_4 {offsets = [0, 0, 0], sizes = [1, 128, 128], strides = [1, 1, 1]} : vector<19x128x128xf32> to vector<1x128x128xf32>
    %squeeze3A = vector.shape_cast %slice3A : vector<1x128x128xf32> to vector<128x128xf32>
    %broadcast_in_dim3A = arith.constant 0xFF800000 : f32
    %broadcast_in_dim3A_5 = vector.broadcast %broadcast_in_dim3A : f32 to vector<128x128xf32>
    %slice3A_6 = vector.extract_strided_slice %get3A_4 {offsets = [1, 0, 0], sizes = [1, 128, 128], strides = [1, 1, 1]} : vector<19x128x128xf32> to vector<1x128x128xf32>
    %squeeze3A_7 = vector.shape_cast %slice3A_6 : vector<1x128x128xf32> to vector<128x128xf32>
    %min3A = arith.minimumf %squeeze3A_7, %squeeze3A : vector<128x128xf32>
    %max3A = arith.maximumf %broadcast_in_dim3A_5, %min3A : vector<128x128xf32>
    %max3A_8 = arith.maximumf %squeeze3A, %squeeze3A_7 : vector<128x128xf32>
    %slice3A_9 = vector.extract_strided_slice %get3A_4 {offsets = [2, 0, 0], sizes = [1, 128, 128], strides = [1, 1, 1]} : vector<19x128x128xf32> to vector<1x128x128xf32>
    %squeeze3A_10 = vector.shape_cast %slice3A_9 : vector<1x128x128xf32> to vector<128x128xf32>
    %min3A_11 = arith.minimumf %squeeze3A_10, %max3A_8 : vector<128x128xf32>
    %max3A_12 = arith.maximumf %max3A, %min3A_11 : vector<128x128xf32>
    %max3A_13 = arith.maximumf %max3A_8, %squeeze3A_10 : vector<128x128xf32>
    %slice3A_14 = vector.extract_strided_slice %get3A_4 {offsets = [3, 0, 0], sizes = [1, 128, 128], strides = [1, 1, 1]} : vector<19x128x128xf32> to vector<1x128x128xf32>
    %squeeze3A_15 = vector.shape_cast %slice3A_14 : vector<1x128x128xf32> to vector<128x128xf32>
    %min3A_16 = arith.minimumf %squeeze3A_15, %max3A_13 : vector<128x128xf32>
    %max3A_17 = arith.maximumf %max3A_12, %min3A_16 : vector<128x128xf32>
    %max3A_18 = arith.maximumf %max3A_13, %squeeze3A_15 : vector<128x128xf32>
    %slice3A_19 = vector.extract_strided_slice %get3A_4 {offsets = [4, 0, 0], sizes = [1, 128, 128], strides = [1, 1, 1]} : vector<19x128x128xf32> to vector<1x128x128xf32>
    %squeeze3A_20 = vector.shape_cast %slice3A_19 : vector<1x128x128xf32> to vector<128x128xf32>
    %min3A_21 = arith.minimumf %squeeze3A_20, %max3A_18 : vector<128x128xf32>
    %max3A_22 = arith.maximumf %max3A_17, %min3A_21 : vector<128x128xf32>
    %max3A_23 = arith.maximumf %max3A_18, %squeeze3A_20 : vector<128x128xf32>
    %slice3A_24 = vector.extract_strided_slice %get3A_4 {offsets = [5, 0, 0], sizes = [1, 128, 128], strides = [1, 1, 1]} : vector<19x128x128xf32> to vector<1x128x128xf32>
    %squeeze3A_25 = vector.shape_cast %slice3A_24 : vector<1x128x128xf32> to vector<128x128xf32>
    %min3A_26 = arith.minimumf %squeeze3A_25, %max3A_23 : vector<128x128xf32>
    %max3A_27 = arith.maximumf %max3A_22, %min3A_26 : vector<128x128xf32>
    %max3A_28 = arith.maximumf %max3A_23, %squeeze3A_25 : vector<128x128xf32>
    %slice3A_29 = vector.extract_strided_slice %get3A_4 {offsets = [6, 0, 0], sizes = [1, 128, 128], strides = [1, 1, 1]} : vector<19x128x128xf32> to vector<1x128x128xf32>
    %squeeze3A_30 = vector.shape_cast %slice3A_29 : vector<1x128x128xf32> to vector<128x128xf32>
    %min3A_31 = arith.minimumf %squeeze3A_30, %max3A_28 : vector<128x128xf32>
    %max3A_32 = arith.maximumf %max3A_27, %min3A_31 : vector<128x128xf32>
    %max3A_33 = arith.maximumf %max3A_28, %squeeze3A_30 : vector<128x128xf32>
    %slice3A_34 = vector.extract_strided_slice %get3A_4 {offsets = [7, 0, 0], sizes = [1, 128, 128], strides = [1, 1, 1]} : vector<19x128x128xf32> to vector<1x128x128xf32>
    %squeeze3A_35 = vector.shape_cast %slice3A_34 : vector<1x128x128xf32> to vector<128x128xf32>
    %min3A_36 = arith.minimumf %squeeze3A_35, %max3A_33 : vector<128x128xf32>
    %max3A_37 = arith.maximumf %max3A_32, %min3A_36 : vector<128x128xf32>
    %max3A_38 = arith.maximumf %max3A_33, %squeeze3A_35 : vector<128x128xf32>
    %slice3A_39 = vector.extract_strided_slice %get3A_4 {offsets = [8, 0, 0], sizes = [1, 128, 128], strides = [1, 1, 1]} : vector<19x128x128xf32> to vector<1x128x128xf32>
    %squeeze3A_40 = vector.shape_cast %slice3A_39 : vector<1x128x128xf32> to vector<128x128xf32>
    %min3A_41 = arith.minimumf %squeeze3A_40, %max3A_38 : vector<128x128xf32>
    %max3A_42 = arith.maximumf %max3A_37, %min3A_41 : vector<128x128xf32>
    %max3A_43 = arith.maximumf %max3A_38, %squeeze3A_40 : vector<128x128xf32>
    %slice3A_44 = vector.extract_strided_slice %get3A_4 {offsets = [9, 0, 0], sizes = [1, 128, 128], strides = [1, 1, 1]} : vector<19x128x128xf32> to vector<1x128x128xf32>
    %squeeze3A_45 = vector.shape_cast %slice3A_44 : vector<1x128x128xf32> to vector<128x128xf32>
    %min3A_46 = arith.minimumf %squeeze3A_45, %max3A_43 : vector<128x128xf32>
    %max3A_47 = arith.maximumf %max3A_42, %min3A_46 : vector<128x128xf32>
    %max3A_48 = arith.maximumf %max3A_43, %squeeze3A_45 : vector<128x128xf32>
    %slice3A_49 = vector.extract_strided_slice %get3A_4 {offsets = [10, 0, 0], sizes = [1, 128, 128], strides = [1, 1, 1]} : vector<19x128x128xf32> to vector<1x128x128xf32>
    %squeeze3A_50 = vector.shape_cast %slice3A_49 : vector<1x128x128xf32> to vector<128x128xf32>
    %min3A_51 = arith.minimumf %squeeze3A_50, %max3A_48 : vector<128x128xf32>
    %max3A_52 = arith.maximumf %max3A_47, %min3A_51 : vector<128x128xf32>
    %max3A_53 = arith.maximumf %max3A_48, %squeeze3A_50 : vector<128x128xf32>
    %slice3A_54 = vector.extract_strided_slice %get3A_4 {offsets = [11, 0, 0], sizes = [1, 128, 128], strides = [1, 1, 1]} : vector<19x128x128xf32> to vector<1x128x128xf32>
    %squeeze3A_55 = vector.shape_cast %slice3A_54 : vector<1x128x128xf32> to vector<128x128xf32>
    %min3A_56 = arith.minimumf %squeeze3A_55, %max3A_53 : vector<128x128xf32>
    %max3A_57 = arith.maximumf %max3A_52, %min3A_56 : vector<128x128xf32>
    %max3A_58 = arith.maximumf %max3A_53, %squeeze3A_55 : vector<128x128xf32>
    %slice3A_59 = vector.extract_strided_slice %get3A_4 {offsets = [12, 0, 0], sizes = [1, 128, 128], strides = [1, 1, 1]} : vector<19x128x128xf32> to vector<1x128x128xf32>
    %squeeze3A_60 = vector.shape_cast %slice3A_59 : vector<1x128x128xf32> to vector<128x128xf32>
    %min3A_61 = arith.minimumf %squeeze3A_60, %max3A_58 : vector<128x128xf32>
    %max3A_62 = arith.maximumf %max3A_57, %min3A_61 : vector<128x128xf32>
    %max3A_63 = arith.maximumf %max3A_58, %squeeze3A_60 : vector<128x128xf32>
    %slice3A_64 = vector.extract_strided_slice %get3A_4 {offsets = [13, 0, 0], sizes = [1, 128, 128], strides = [1, 1, 1]} : vector<19x128x128xf32> to vector<1x128x128xf32>
    %squeeze3A_65 = vector.shape_cast %slice3A_64 : vector<1x128x128xf32> to vector<128x128xf32>
    %min3A_66 = arith.minimumf %squeeze3A_65, %max3A_63 : vector<128x128xf32>
    %max3A_67 = arith.maximumf %max3A_62, %min3A_66 : vector<128x128xf32>
    %max3A_68 = arith.maximumf %max3A_63, %squeeze3A_65 : vector<128x128xf32>
    %slice3A_69 = vector.extract_strided_slice %get3A_4 {offsets = [14, 0, 0], sizes = [1, 128, 128], strides = [1, 1, 1]} : vector<19x128x128xf32> to vector<1x128x128xf32>
    %squeeze3A_70 = vector.shape_cast %slice3A_69 : vector<1x128x128xf32> to vector<128x128xf32>
    %min3A_71 = arith.minimumf %squeeze3A_70, %max3A_68 : vector<128x128xf32>
    %max3A_72 = arith.maximumf %max3A_67, %min3A_71 : vector<128x128xf32>
    %max3A_73 = arith.maximumf %max3A_68, %squeeze3A_70 : vector<128x128xf32>
    %slice3A_74 = vector.extract_strided_slice %get3A_4 {offsets = [15, 0, 0], sizes = [1, 128, 128], strides = [1, 1, 1]} : vector<19x128x128xf32> to vector<1x128x128xf32>
    %squeeze3A_75 = vector.shape_cast %slice3A_74 : vector<1x128x128xf32> to vector<128x128xf32>
    %min3A_76 = arith.minimumf %squeeze3A_75, %max3A_73 : vector<128x128xf32>
    %max3A_77 = arith.maximumf %max3A_72, %min3A_76 : vector<128x128xf32>
    %max3A_78 = arith.maximumf %max3A_73, %squeeze3A_75 : vector<128x128xf32>
    %slice3A_79 = vector.extract_strided_slice %get3A_4 {offsets = [16, 0, 0], sizes = [1, 128, 128], strides = [1, 1, 1]} : vector<19x128x128xf32> to vector<1x128x128xf32>
    %squeeze3A_80 = vector.shape_cast %slice3A_79 : vector<1x128x128xf32> to vector<128x128xf32>
    %min3A_81 = arith.minimumf %squeeze3A_80, %max3A_78 : vector<128x128xf32>
    %max3A_82 = arith.maximumf %max3A_77, %min3A_81 : vector<128x128xf32>
    %max3A_83 = arith.maximumf %max3A_78, %squeeze3A_80 : vector<128x128xf32>
    %slice3A_84 = vector.extract_strided_slice %get3A_4 {offsets = [17, 0, 0], sizes = [1, 128, 128], strides = [1, 1, 1]} : vector<19x128x128xf32> to vector<1x128x128xf32>
    %squeeze3A_85 = vector.shape_cast %slice3A_84 : vector<1x128x128xf32> to vector<128x128xf32>
    %min3A_86 = arith.minimumf %squeeze3A_85, %max3A_83 : vector<128x128xf32>
    %max3A_87 = arith.maximumf %max3A_82, %min3A_86 : vector<128x128xf32>
    %max3A_88 = arith.maximumf %max3A_83, %squeeze3A_85 : vector<128x128xf32>
    %slice3A_89 = vector.extract_strided_slice %get3A_4 {offsets = [18, 0, 0], sizes = [1, 128, 128], strides = [1, 1, 1]} : vector<19x128x128xf32> to vector<1x128x128xf32>
    %squeeze3A_90 = vector.shape_cast %slice3A_89 : vector<1x128x128xf32> to vector<128x128xf32>
    %min3A_91 = arith.minimumf %squeeze3A_90, %max3A_88 : vector<128x128xf32>
    %max3A_92 = arith.maximumf %max3A_87, %min3A_91 : vector<128x128xf32>
    %max3A_93 = arith.maximumf %max3A_88, %squeeze3A_90 : vector<128x128xf32>
    %sub3A = arith.subf %max3A_92, %max3A_93 : vector<128x128xf32>
    %bitcast_convert_type3A = tpu.bitcast %sub3A : vector<128x128xf32> -> vector<128x128xi32>
    %ge3A = arith.constant 0 : i32
    %ge3A_94 = vector.broadcast %ge3A : i32 to vector<128x128xi32>
    %ge3A_95 = arith.cmpi sge, %bitcast_convert_type3A, %ge3A_94 : vector<128x128xi32>
    %sub3A_96 = arith.constant 2147483647 : i32
    %sub3A_97 = vector.broadcast %sub3A_96 : i32 to vector<128x128xi32>
    %sub3A_98 = arith.subi %sub3A_97, %bitcast_convert_type3A : vector<128x128xi32>
    %select_n3A = arith.select %ge3A_95, %bitcast_convert_type3A, %sub3A_98 : vector<128x128xi1>, vector<128x128xi32>
    %swap3A = arith.constant 0 : index
    %swap3A_99 = arith.constant 0 : index
    %swap3A_100 = arith.constant 0 : index
    %swap3A_101 = vector.load %arg2[%swap3A, %swap3A_99, %swap3A_100] : memref<1x128x128xi32, #tpu.memory_space<vmem>>, vector<1x128x128xi32>
    %swap3A_102 = vector.shape_cast %swap3A_101 : vector<1x128x128xi32> to vector<128x128xi32>
    %swap3A_103 = vector.shape_cast %select_n3A : vector<128x128xi32> to vector<1x128x128xi32>
    tpu.vector_store %arg2[%swap3A, %swap3A_99, %swap3A_100], %swap3A_103 {strides = array<i32>} : memref<1x128x128xi32, #tpu.memory_space<vmem>>, vector<1x128x128xi32>,
    return
  }
  func.func @transform_0(%arg0: i32) -> (i32, i32, i32, i32) {
    %c0_i32 = arith.constant 0 : i32
    %c0_i32_0 = arith.constant 0 : i32
    %c0_i32_1 = arith.constant 0 : i32
    %c0_i32_2 = arith.constant 0 : i32
    return %arg0, %c0_i32, %c0_i32_0, %c0_i32_1 : i32, i32, i32, i32
  }
  func.func @transform_1(%arg0: i32) -> (i32, i32, i32) {
    %c0_i32 = arith.constant 0 : i32
    %c0_i32_0 = arith.constant 0 : i32
    %c0_i32_1 = arith.constant 0 : i32
    return %arg0, %c0_i32, %c0_i32_0 : i32, i32, i32
  }
}

module attributes {stable_mosaic.version = 14 : i64} {
  func.func @_mlp_body(%arg0: i32, %arg1: i32, %arg2: memref<1x256x32x256xf32, #tpu.memory_space<vmem>>, %arg3: memref<1x19x2048xf32, #tpu.memory_space<vmem>>, %arg4: memref<1x1x1x2048xf32, #tpu.memory_space<vmem>>, %arg5: memref<512x256xbf16, #tpu.memory_space<vmem>>, %arg6: memref<512x19xbf16, #tpu.memory_space<vmem>>, %arg7: memref<512x1xf32, #tpu.memory_space<vmem>>, %arg8: memref<512x512xbf16, #tpu.memory_space<vmem>>, %arg9: memref<512x1xf32, #tpu.memory_space<vmem>>, %arg10: memref<19x512xbf16, #tpu.memory_space<vmem>>, %arg11: memref<19x1xf32, #tpu.memory_space<vmem>>, %arg12: memref<1x19x2048xf32, #tpu.memory_space<vmem>>, %arg13: memref<256x2048xbf16, #tpu.memory_space<vmem>>) attributes {dimension_semantics = [#tpu.dimension_semantics<arbitrary>, #tpu.dimension_semantics<arbitrary>], iteration_bounds = array<i64: 4, 8>, scalar_prefetch = 0 : i64, scratch_operands = 1 : i64, tpu.core_type = #tpu.core_type<tc>, window_params = [{transform_indices = @transform_0, window_bounds = array<i64: 1, 256, 32, 256>}, {transform_indices = @transform_1, window_bounds = array<i64: 1, 19, 2048>}, {transform_indices = @transform_2, window_bounds = array<i64: 1, 1, 1, 2048>}, {pipeline_mode = #tpu.pipeline_mode<synchronous>, transform_indices = @transform_3, window_bounds = array<i64: 512, 256>}, {pipeline_mode = #tpu.pipeline_mode<synchronous>, transform_indices = @transform_4, window_bounds = array<i64: 512, 19>}, {pipeline_mode = #tpu.pipeline_mode<synchronous>, transform_indices = @transform_5, window_bounds = array<i64: 512, 1>}, {pipeline_mode = #tpu.pipeline_mode<synchronous>, transform_indices = @transform_6, window_bounds = array<i64: 512, 512>}, {pipeline_mode = #tpu.pipeline_mode<synchronous>, transform_indices = @transform_7, window_bounds = array<i64: 512, 1>}, {pipeline_mode = #tpu.pipeline_mode<synchronous>, transform_indices = @transform_8, window_bounds = array<i64: 19, 512>}, {pipeline_mode = #tpu.pipeline_mode<synchronous>, transform_indices = @transform_9, window_bounds = array<i64: 19, 1>}, {transform_indices = @transform_10, window_bounds = array<i64: 1, 19, 2048>}]} {
    %get3A = arith.constant 0 : index
    %get3A_0 = arith.constant 0 : index
    %get3A_1 = arith.constant 0 : index
    %get3A_2 = arith.constant 0 : index
    %get3A_3 = vector.load %arg2[%get3A, %get3A_0, %get3A_1, %get3A_2] : memref<1x256x32x256xf32, #tpu.memory_space<vmem>>, vector<1x256x32x256xf32>
    %get3A_4 = vector.shape_cast %get3A_3 : vector<1x256x32x256xf32> to vector<256x32x256xf32>
    %iota3A = tpu.iota {dimensions = array<i32: 0>} : vector<256x128xi32>
    %iota3A_5 = tpu.iota {dimensions = array<i32: 1>} : vector<256x128xi32>
    %shift_right_logical3A = arith.constant 1 : i32
    %shift_right_logical3A_6 = vector.broadcast %shift_right_logical3A : i32 to vector<256x128xi32>
    %shift_right_logical3A_7 = arith.shrui %iota3A, %shift_right_logical3A_6 : vector<256x128xi32>
    %eq3A = arith.cmpi eq, %shift_right_logical3A_7, %iota3A_5 : vector<256x128xi32>
    %convert_element_type3A = arith.extui %eq3A : vector<256x128xi1> to vector<256x128xi32>
    %convert_element_type3A_8 = arith.sitofp %convert_element_type3A : vector<256x128xi32> to vector<256x128xf32>
    %mul3A = arith.constant 2.500000e-01 : f32
    %mul3A_9 = vector.broadcast %mul3A : f32 to vector<256x128xf32>
    %mul3A_10 = arith.mulf %convert_element_type3A_8, %mul3A_9 : vector<256x128xf32>
    %convert_element_type3A_11 = arith.truncf %mul3A_10 : vector<256x128xf32> to vector<256x128xbf16>
    %slice3A = vector.extract_strided_slice %get3A_4 {offsets = [0, 0, 0], sizes = [256, 1, 256], strides = [1, 1, 1]} : vector<256x32x256xf32> to vector<256x1x256xf32>
    %squeeze3A = vector.shape_cast %slice3A : vector<256x1x256xf32> to vector<256x256xf32>
    %slice3A_12 = vector.extract_strided_slice %get3A_4 {offsets = [0, 1, 0], sizes = [256, 1, 256], strides = [1, 1, 1]} : vector<256x32x256xf32> to vector<256x1x256xf32>
    %squeeze3A_13 = vector.shape_cast %slice3A_12 : vector<256x1x256xf32> to vector<256x256xf32>
    %add3A = arith.addf %squeeze3A, %squeeze3A_13 : vector<256x256xf32>
    %convert_element_type3A_14 = arith.truncf %add3A : vector<256x256xf32> to vector<256x256xbf16>
    %dot_general3A = arith.constant dense<0.000000e+00> : vector<256x128xf32>
    %dot_general3A_15 = tpu.matmul %convert_element_type3A_14, %convert_element_type3A_11, %dot_general3A {dimension_numbers = #tpu.dot_dimension_numbers<[1], [0], [0], [1], [0, 0, 1, 1], [], []>, transpose_lhs_hint = false} : vector<256x256xbf16>, vector<256x128xbf16>, vector<256x128xf32> -> vector<256x128xf32>
    %convert_element_type3A_16 = arith.truncf %dot_general3A_15 : vector<256x128xf32> to vector<256x128xbf16>
    %swap3A = arith.constant 0 : index
    %swap3A_17 = arith.constant 0 : index
    %swap3A_18 = vector.load %arg13[%swap3A, %swap3A_17] : memref<256x2048xbf16, #tpu.memory_space<vmem>>, vector<256x128xbf16>
    tpu.vector_store %arg13[%swap3A, %swap3A_17], %convert_element_type3A_16 {strides = array<i32>} : memref<256x2048xbf16, #tpu.memory_space<vmem>>, vector<256x128xbf16>,
    %slice3A_19 = vector.extract_strided_slice %get3A_4 {offsets = [0, 2, 0], sizes = [256, 1, 256], strides = [1, 1, 1]} : vector<256x32x256xf32> to vector<256x1x256xf32>
    %squeeze3A_20 = vector.shape_cast %slice3A_19 : vector<256x1x256xf32> to vector<256x256xf32>
    %slice3A_21 = vector.extract_strided_slice %get3A_4 {offsets = [0, 3, 0], sizes = [256, 1, 256], strides = [1, 1, 1]} : vector<256x32x256xf32> to vector<256x1x256xf32>
    %squeeze3A_22 = vector.shape_cast %slice3A_21 : vector<256x1x256xf32> to vector<256x256xf32>
    %add3A_23 = arith.addf %squeeze3A_20, %squeeze3A_22 : vector<256x256xf32>
    %convert_element_type3A_24 = arith.truncf %add3A_23 : vector<256x256xf32> to vector<256x256xbf16>
    %dot_general3A_25 = arith.constant dense<0.000000e+00> : vector<256x128xf32>
    %dot_general3A_26 = tpu.matmul %convert_element_type3A_24, %convert_element_type3A_11, %dot_general3A_25 {dimension_numbers = #tpu.dot_dimension_numbers<[1], [0], [0], [1], [0, 0, 1, 1], [], []>, transpose_lhs_hint = false} : vector<256x256xbf16>, vector<256x128xbf16>, vector<256x128xf32> -> vector<256x128xf32>
    %convert_element_type3A_27 = arith.truncf %dot_general3A_26 : vector<256x128xf32> to vector<256x128xbf16>
    %swap3A_28 = arith.constant 0 : index
    %swap3A_29 = arith.constant 128 : index
    %swap3A_30 = vector.load %arg13[%swap3A_28, %swap3A_29] : memref<256x2048xbf16, #tpu.memory_space<vmem>>, vector<256x128xbf16>
    tpu.vector_store %arg13[%swap3A_28, %swap3A_29], %convert_element_type3A_27 {strides = array<i32>} : memref<256x2048xbf16, #tpu.memory_space<vmem>>, vector<256x128xbf16>,
    %slice3A_31 = vector.extract_strided_slice %get3A_4 {offsets = [0, 4, 0], sizes = [256, 1, 256], strides = [1, 1, 1]} : vector<256x32x256xf32> to vector<256x1x256xf32>
    %squeeze3A_32 = vector.shape_cast %slice3A_31 : vector<256x1x256xf32> to vector<256x256xf32>
    %slice3A_33 = vector.extract_strided_slice %get3A_4 {offsets = [0, 5, 0], sizes = [256, 1, 256], strides = [1, 1, 1]} : vector<256x32x256xf32> to vector<256x1x256xf32>
    %squeeze3A_34 = vector.shape_cast %slice3A_33 : vector<256x1x256xf32> to vector<256x256xf32>
    %add3A_35 = arith.addf %squeeze3A_32, %squeeze3A_34 : vector<256x256xf32>
    %convert_element_type3A_36 = arith.truncf %add3A_35 : vector<256x256xf32> to vector<256x256xbf16>
    %dot_general3A_37 = arith.constant dense<0.000000e+00> : vector<256x128xf32>
    %dot_general3A_38 = tpu.matmul %convert_element_type3A_36, %convert_element_type3A_11, %dot_general3A_37 {dimension_numbers = #tpu.dot_dimension_numbers<[1], [0], [0], [1], [0, 0, 1, 1], [], []>, transpose_lhs_hint = false} : vector<256x256xbf16>, vector<256x128xbf16>, vector<256x128xf32> -> vector<256x128xf32>
    %convert_element_type3A_39 = arith.truncf %dot_general3A_38 : vector<256x128xf32> to vector<256x128xbf16>
    %swap3A_40 = arith.constant 0 : index
    %swap3A_41 = arith.constant 256 : index
    %swap3A_42 = vector.load %arg13[%swap3A_40, %swap3A_41] : memref<256x2048xbf16, #tpu.memory_space<vmem>>, vector<256x128xbf16>
    tpu.vector_store %arg13[%swap3A_40, %swap3A_41], %convert_element_type3A_39 {strides = array<i32>} : memref<256x2048xbf16, #tpu.memory_space<vmem>>, vector<256x128xbf16>,
    %slice3A_43 = vector.extract_strided_slice %get3A_4 {offsets = [0, 6, 0], sizes = [256, 1, 256], strides = [1, 1, 1]} : vector<256x32x256xf32> to vector<256x1x256xf32>
    %squeeze3A_44 = vector.shape_cast %slice3A_43 : vector<256x1x256xf32> to vector<256x256xf32>
    %slice3A_45 = vector.extract_strided_slice %get3A_4 {offsets = [0, 7, 0], sizes = [256, 1, 256], strides = [1, 1, 1]} : vector<256x32x256xf32> to vector<256x1x256xf32>
    %squeeze3A_46 = vector.shape_cast %slice3A_45 : vector<256x1x256xf32> to vector<256x256xf32>
    %add3A_47 = arith.addf %squeeze3A_44, %squeeze3A_46 : vector<256x256xf32>
    %convert_element_type3A_48 = arith.truncf %add3A_47 : vector<256x256xf32> to vector<256x256xbf16>
    %dot_general3A_49 = arith.constant dense<0.000000e+00> : vector<256x128xf32>
    %dot_general3A_50 = tpu.matmul %convert_element_type3A_48, %convert_element_type3A_11, %dot_general3A_49 {dimension_numbers = #tpu.dot_dimension_numbers<[1], [0], [0], [1], [0, 0, 1, 1], [], []>, transpose_lhs_hint = false} : vector<256x256xbf16>, vector<256x128xbf16>, vector<256x128xf32> -> vector<256x128xf32>
    %convert_element_type3A_51 = arith.truncf %dot_general3A_50 : vector<256x128xf32> to vector<256x128xbf16>
    %swap3A_52 = arith.constant 0 : index
    %swap3A_53 = arith.constant 384 : index
    %swap3A_54 = vector.load %arg13[%swap3A_52, %swap3A_53] : memref<256x2048xbf16, #tpu.memory_space<vmem>>, vector<256x128xbf16>
    tpu.vector_store %arg13[%swap3A_52, %swap3A_53], %convert_element_type3A_51 {strides = array<i32>} : memref<256x2048xbf16, #tpu.memory_space<vmem>>, vector<256x128xbf16>,
    %slice3A_55 = vector.extract_strided_slice %get3A_4 {offsets = [0, 8, 0], sizes = [256, 1, 256], strides = [1, 1, 1]} : vector<256x32x256xf32> to vector<256x1x256xf32>
    %squeeze3A_56 = vector.shape_cast %slice3A_55 : vector<256x1x256xf32> to vector<256x256xf32>
    %slice3A_57 = vector.extract_strided_slice %get3A_4 {offsets = [0, 9, 0], sizes = [256, 1, 256], strides = [1, 1, 1]} : vector<256x32x256xf32> to vector<256x1x256xf32>
    %squeeze3A_58 = vector.shape_cast %slice3A_57 : vector<256x1x256xf32> to vector<256x256xf32>
    %add3A_59 = arith.addf %squeeze3A_56, %squeeze3A_58 : vector<256x256xf32>
    %convert_element_type3A_60 = arith.truncf %add3A_59 : vector<256x256xf32> to vector<256x256xbf16>
    %dot_general3A_61 = arith.constant dense<0.000000e+00> : vector<256x128xf32>
    %dot_general3A_62 = tpu.matmul %convert_element_type3A_60, %convert_element_type3A_11, %dot_general3A_61 {dimension_numbers = #tpu.dot_dimension_numbers<[1], [0], [0], [1], [0, 0, 1, 1], [], []>, transpose_lhs_hint = false} : vector<256x256xbf16>, vector<256x128xbf16>, vector<256x128xf32> -> vector<256x128xf32>
    %convert_element_type3A_63 = arith.truncf %dot_general3A_62 : vector<256x128xf32> to vector<256x128xbf16>
    %swap3A_64 = arith.constant 0 : index
    %swap3A_65 = arith.constant 512 : index
    %swap3A_66 = vector.load %arg13[%swap3A_64, %swap3A_65] : memref<256x2048xbf16, #tpu.memory_space<vmem>>, vector<256x128xbf16>
    tpu.vector_store %arg13[%swap3A_64, %swap3A_65], %convert_element_type3A_63 {strides = array<i32>} : memref<256x2048xbf16, #tpu.memory_space<vmem>>, vector<256x128xbf16>,
    %slice3A_67 = vector.extract_strided_slice %get3A_4 {offsets = [0, 10, 0], sizes = [256, 1, 256], strides = [1, 1, 1]} : vector<256x32x256xf32> to vector<256x1x256xf32>
    %squeeze3A_68 = vector.shape_cast %slice3A_67 : vector<256x1x256xf32> to vector<256x256xf32>
    %slice3A_69 = vector.extract_strided_slice %get3A_4 {offsets = [0, 11, 0], sizes = [256, 1, 256], strides = [1, 1, 1]} : vector<256x32x256xf32> to vector<256x1x256xf32>
    %squeeze3A_70 = vector.shape_cast %slice3A_69 : vector<256x1x256xf32> to vector<256x256xf32>
    %add3A_71 = arith.addf %squeeze3A_68, %squeeze3A_70 : vector<256x256xf32>
    %convert_element_type3A_72 = arith.truncf %add3A_71 : vector<256x256xf32> to vector<256x256xbf16>
    %dot_general3A_73 = arith.constant dense<0.000000e+00> : vector<256x128xf32>
    %dot_general3A_74 = tpu.matmul %convert_element_type3A_72, %convert_element_type3A_11, %dot_general3A_73 {dimension_numbers = #tpu.dot_dimension_numbers<[1], [0], [0], [1], [0, 0, 1, 1], [], []>, transpose_lhs_hint = false} : vector<256x256xbf16>, vector<256x128xbf16>, vector<256x128xf32> -> vector<256x128xf32>
    %convert_element_type3A_75 = arith.truncf %dot_general3A_74 : vector<256x128xf32> to vector<256x128xbf16>
    %swap3A_76 = arith.constant 0 : index
    %swap3A_77 = arith.constant 640 : index
    %swap3A_78 = vector.load %arg13[%swap3A_76, %swap3A_77] : memref<256x2048xbf16, #tpu.memory_space<vmem>>, vector<256x128xbf16>
    tpu.vector_store %arg13[%swap3A_76, %swap3A_77], %convert_element_type3A_75 {strides = array<i32>} : memref<256x2048xbf16, #tpu.memory_space<vmem>>, vector<256x128xbf16>,
    %slice3A_79 = vector.extract_strided_slice %get3A_4 {offsets = [0, 12, 0], sizes = [256, 1, 256], strides = [1, 1, 1]} : vector<256x32x256xf32> to vector<256x1x256xf32>
    %squeeze3A_80 = vector.shape_cast %slice3A_79 : vector<256x1x256xf32> to vector<256x256xf32>
    %slice3A_81 = vector.extract_strided_slice %get3A_4 {offsets = [0, 13, 0], sizes = [256, 1, 256], strides = [1, 1, 1]} : vector<256x32x256xf32> to vector<256x1x256xf32>
    %squeeze3A_82 = vector.shape_cast %slice3A_81 : vector<256x1x256xf32> to vector<256x256xf32>
    %add3A_83 = arith.addf %squeeze3A_80, %squeeze3A_82 : vector<256x256xf32>
    %convert_element_type3A_84 = arith.truncf %add3A_83 : vector<256x256xf32> to vector<256x256xbf16>
    %dot_general3A_85 = arith.constant dense<0.000000e+00> : vector<256x128xf32>
    %dot_general3A_86 = tpu.matmul %convert_element_type3A_84, %convert_element_type3A_11, %dot_general3A_85 {dimension_numbers = #tpu.dot_dimension_numbers<[1], [0], [0], [1], [0, 0, 1, 1], [], []>, transpose_lhs_hint = false} : vector<256x256xbf16>, vector<256x128xbf16>, vector<256x128xf32> -> vector<256x128xf32>
    %convert_element_type3A_87 = arith.truncf %dot_general3A_86 : vector<256x128xf32> to vector<256x128xbf16>
    %swap3A_88 = arith.constant 0 : index
    %swap3A_89 = arith.constant 768 : index
    %swap3A_90 = vector.load %arg13[%swap3A_88, %swap3A_89] : memref<256x2048xbf16, #tpu.memory_space<vmem>>, vector<256x128xbf16>
    tpu.vector_store %arg13[%swap3A_88, %swap3A_89], %convert_element_type3A_87 {strides = array<i32>} : memref<256x2048xbf16, #tpu.memory_space<vmem>>, vector<256x128xbf16>,
    %slice3A_91 = vector.extract_strided_slice %get3A_4 {offsets = [0, 14, 0], sizes = [256, 1, 256], strides = [1, 1, 1]} : vector<256x32x256xf32> to vector<256x1x256xf32>
    %squeeze3A_92 = vector.shape_cast %slice3A_91 : vector<256x1x256xf32> to vector<256x256xf32>
    %slice3A_93 = vector.extract_strided_slice %get3A_4 {offsets = [0, 15, 0], sizes = [256, 1, 256], strides = [1, 1, 1]} : vector<256x32x256xf32> to vector<256x1x256xf32>
    %squeeze3A_94 = vector.shape_cast %slice3A_93 : vector<256x1x256xf32> to vector<256x256xf32>
    %add3A_95 = arith.addf %squeeze3A_92, %squeeze3A_94 : vector<256x256xf32>
    %convert_element_type3A_96 = arith.truncf %add3A_95 : vector<256x256xf32> to vector<256x256xbf16>
    %dot_general3A_97 = arith.constant dense<0.000000e+00> : vector<256x128xf32>
    %dot_general3A_98 = tpu.matmul %convert_element_type3A_96, %convert_element_type3A_11, %dot_general3A_97 {dimension_numbers = #tpu.dot_dimension_numbers<[1], [0], [0], [1], [0, 0, 1, 1], [], []>, transpose_lhs_hint = false} : vector<256x256xbf16>, vector<256x128xbf16>, vector<256x128xf32> -> vector<256x128xf32>
    %convert_element_type3A_99 = arith.truncf %dot_general3A_98 : vector<256x128xf32> to vector<256x128xbf16>
    %swap3A_100 = arith.constant 0 : index
    %swap3A_101 = arith.constant 896 : index
    %swap3A_102 = vector.load %arg13[%swap3A_100, %swap3A_101] : memref<256x2048xbf16, #tpu.memory_space<vmem>>, vector<256x128xbf16>
    tpu.vector_store %arg13[%swap3A_100, %swap3A_101], %convert_element_type3A_99 {strides = array<i32>} : memref<256x2048xbf16, #tpu.memory_space<vmem>>, vector<256x128xbf16>,
    %slice3A_103 = vector.extract_strided_slice %get3A_4 {offsets = [0, 16, 0], sizes = [256, 1, 256], strides = [1, 1, 1]} : vector<256x32x256xf32> to vector<256x1x256xf32>
    %squeeze3A_104 = vector.shape_cast %slice3A_103 : vector<256x1x256xf32> to vector<256x256xf32>
    %slice3A_105 = vector.extract_strided_slice %get3A_4 {offsets = [0, 17, 0], sizes = [256, 1, 256], strides = [1, 1, 1]} : vector<256x32x256xf32> to vector<256x1x256xf32>
    %squeeze3A_106 = vector.shape_cast %slice3A_105 : vector<256x1x256xf32> to vector<256x256xf32>
    %add3A_107 = arith.addf %squeeze3A_104, %squeeze3A_106 : vector<256x256xf32>
    %convert_element_type3A_108 = arith.truncf %add3A_107 : vector<256x256xf32> to vector<256x256xbf16>
    %dot_general3A_109 = arith.constant dense<0.000000e+00> : vector<256x128xf32>
    %dot_general3A_110 = tpu.matmul %convert_element_type3A_108, %convert_element_type3A_11, %dot_general3A_109 {dimension_numbers = #tpu.dot_dimension_numbers<[1], [0], [0], [1], [0, 0, 1, 1], [], []>, transpose_lhs_hint = false} : vector<256x256xbf16>, vector<256x128xbf16>, vector<256x128xf32> -> vector<256x128xf32>
    %convert_element_type3A_111 = arith.truncf %dot_general3A_110 : vector<256x128xf32> to vector<256x128xbf16>
    %swap3A_112 = arith.constant 0 : index
    %swap3A_113 = arith.constant 1024 : index
    %swap3A_114 = vector.load %arg13[%swap3A_112, %swap3A_113] : memref<256x2048xbf16, #tpu.memory_space<vmem>>, vector<256x128xbf16>
    tpu.vector_store %arg13[%swap3A_112, %swap3A_113], %convert_element_type3A_111 {strides = array<i32>} : memref<256x2048xbf16, #tpu.memory_space<vmem>>, vector<256x128xbf16>,
    %slice3A_115 = vector.extract_strided_slice %get3A_4 {offsets = [0, 18, 0], sizes = [256, 1, 256], strides = [1, 1, 1]} : vector<256x32x256xf32> to vector<256x1x256xf32>
    %squeeze3A_116 = vector.shape_cast %slice3A_115 : vector<256x1x256xf32> to vector<256x256xf32>
    %slice3A_117 = vector.extract_strided_slice %get3A_4 {offsets = [0, 19, 0], sizes = [256, 1, 256], strides = [1, 1, 1]} : vector<256x32x256xf32> to vector<256x1x256xf32>
    %squeeze3A_118 = vector.shape_cast %slice3A_117 : vector<256x1x256xf32> to vector<256x256xf32>
    %add3A_119 = arith.addf %squeeze3A_116, %squeeze3A_118 : vector<256x256xf32>
    %convert_element_type3A_120 = arith.truncf %add3A_119 : vector<256x256xf32> to vector<256x256xbf16>
    %dot_general3A_121 = arith.constant dense<0.000000e+00> : vector<256x128xf32>
    %dot_general3A_122 = tpu.matmul %convert_element_type3A_120, %convert_element_type3A_11, %dot_general3A_121 {dimension_numbers = #tpu.dot_dimension_numbers<[1], [0], [0], [1], [0, 0, 1, 1], [], []>, transpose_lhs_hint = false} : vector<256x256xbf16>, vector<256x128xbf16>, vector<256x128xf32> -> vector<256x128xf32>
    %convert_element_type3A_123 = arith.truncf %dot_general3A_122 : vector<256x128xf32> to vector<256x128xbf16>
    %swap3A_124 = arith.constant 0 : index
    %swap3A_125 = arith.constant 1152 : index
    %swap3A_126 = vector.load %arg13[%swap3A_124, %swap3A_125] : memref<256x2048xbf16, #tpu.memory_space<vmem>>, vector<256x128xbf16>
    tpu.vector_store %arg13[%swap3A_124, %swap3A_125], %convert_element_type3A_123 {strides = array<i32>} : memref<256x2048xbf16, #tpu.memory_space<vmem>>, vector<256x128xbf16>,
    %slice3A_127 = vector.extract_strided_slice %get3A_4 {offsets = [0, 20, 0], sizes = [256, 1, 256], strides = [1, 1, 1]} : vector<256x32x256xf32> to vector<256x1x256xf32>
    %squeeze3A_128 = vector.shape_cast %slice3A_127 : vector<256x1x256xf32> to vector<256x256xf32>
    %slice3A_129 = vector.extract_strided_slice %get3A_4 {offsets = [0, 21, 0], sizes = [256, 1, 256], strides = [1, 1, 1]} : vector<256x32x256xf32> to vector<256x1x256xf32>
    %squeeze3A_130 = vector.shape_cast %slice3A_129 : vector<256x1x256xf32> to vector<256x256xf32>
    %add3A_131 = arith.addf %squeeze3A_128, %squeeze3A_130 : vector<256x256xf32>
    %convert_element_type3A_132 = arith.truncf %add3A_131 : vector<256x256xf32> to vector<256x256xbf16>
    %dot_general3A_133 = arith.constant dense<0.000000e+00> : vector<256x128xf32>
    %dot_general3A_134 = tpu.matmul %convert_element_type3A_132, %convert_element_type3A_11, %dot_general3A_133 {dimension_numbers = #tpu.dot_dimension_numbers<[1], [0], [0], [1], [0, 0, 1, 1], [], []>, transpose_lhs_hint = false} : vector<256x256xbf16>, vector<256x128xbf16>, vector<256x128xf32> -> vector<256x128xf32>
    %convert_element_type3A_135 = arith.truncf %dot_general3A_134 : vector<256x128xf32> to vector<256x128xbf16>
    %swap3A_136 = arith.constant 0 : index
    %swap3A_137 = arith.constant 1280 : index
    %swap3A_138 = vector.load %arg13[%swap3A_136, %swap3A_137] : memref<256x2048xbf16, #tpu.memory_space<vmem>>, vector<256x128xbf16>
    tpu.vector_store %arg13[%swap3A_136, %swap3A_137], %convert_element_type3A_135 {strides = array<i32>} : memref<256x2048xbf16, #tpu.memory_space<vmem>>, vector<256x128xbf16>,
    %slice3A_139 = vector.extract_strided_slice %get3A_4 {offsets = [0, 22, 0], sizes = [256, 1, 256], strides = [1, 1, 1]} : vector<256x32x256xf32> to vector<256x1x256xf32>
    %squeeze3A_140 = vector.shape_cast %slice3A_139 : vector<256x1x256xf32> to vector<256x256xf32>
    %slice3A_141 = vector.extract_strided_slice %get3A_4 {offsets = [0, 23, 0], sizes = [256, 1, 256], strides = [1, 1, 1]} : vector<256x32x256xf32> to vector<256x1x256xf32>
    %squeeze3A_142 = vector.shape_cast %slice3A_141 : vector<256x1x256xf32> to vector<256x256xf32>
    %add3A_143 = arith.addf %squeeze3A_140, %squeeze3A_142 : vector<256x256xf32>
    %convert_element_type3A_144 = arith.truncf %add3A_143 : vector<256x256xf32> to vector<256x256xbf16>
    %dot_general3A_145 = arith.constant dense<0.000000e+00> : vector<256x128xf32>
    %dot_general3A_146 = tpu.matmul %convert_element_type3A_144, %convert_element_type3A_11, %dot_general3A_145 {dimension_numbers = #tpu.dot_dimension_numbers<[1], [0], [0], [1], [0, 0, 1, 1], [], []>, transpose_lhs_hint = false} : vector<256x256xbf16>, vector<256x128xbf16>, vector<256x128xf32> -> vector<256x128xf32>
    %convert_element_type3A_147 = arith.truncf %dot_general3A_146 : vector<256x128xf32> to vector<256x128xbf16>
    %swap3A_148 = arith.constant 0 : index
    %swap3A_149 = arith.constant 1408 : index
    %swap3A_150 = vector.load %arg13[%swap3A_148, %swap3A_149] : memref<256x2048xbf16, #tpu.memory_space<vmem>>, vector<256x128xbf16>
    tpu.vector_store %arg13[%swap3A_148, %swap3A_149], %convert_element_type3A_147 {strides = array<i32>} : memref<256x2048xbf16, #tpu.memory_space<vmem>>, vector<256x128xbf16>,
    %slice3A_151 = vector.extract_strided_slice %get3A_4 {offsets = [0, 24, 0], sizes = [256, 1, 256], strides = [1, 1, 1]} : vector<256x32x256xf32> to vector<256x1x256xf32>
    %squeeze3A_152 = vector.shape_cast %slice3A_151 : vector<256x1x256xf32> to vector<256x256xf32>
    %slice3A_153 = vector.extract_strided_slice %get3A_4 {offsets = [0, 25, 0], sizes = [256, 1, 256], strides = [1, 1, 1]} : vector<256x32x256xf32> to vector<256x1x256xf32>
    %squeeze3A_154 = vector.shape_cast %slice3A_153 : vector<256x1x256xf32> to vector<256x256xf32>
    %add3A_155 = arith.addf %squeeze3A_152, %squeeze3A_154 : vector<256x256xf32>
    %convert_element_type3A_156 = arith.truncf %add3A_155 : vector<256x256xf32> to vector<256x256xbf16>
    %dot_general3A_157 = arith.constant dense<0.000000e+00> : vector<256x128xf32>
    %dot_general3A_158 = tpu.matmul %convert_element_type3A_156, %convert_element_type3A_11, %dot_general3A_157 {dimension_numbers = #tpu.dot_dimension_numbers<[1], [0], [0], [1], [0, 0, 1, 1], [], []>, transpose_lhs_hint = false} : vector<256x256xbf16>, vector<256x128xbf16>, vector<256x128xf32> -> vector<256x128xf32>
    %convert_element_type3A_159 = arith.truncf %dot_general3A_158 : vector<256x128xf32> to vector<256x128xbf16>
    %swap3A_160 = arith.constant 0 : index
    %swap3A_161 = arith.constant 1536 : index
    %swap3A_162 = vector.load %arg13[%swap3A_160, %swap3A_161] : memref<256x2048xbf16, #tpu.memory_space<vmem>>, vector<256x128xbf16>
    tpu.vector_store %arg13[%swap3A_160, %swap3A_161], %convert_element_type3A_159 {strides = array<i32>} : memref<256x2048xbf16, #tpu.memory_space<vmem>>, vector<256x128xbf16>,
    %slice3A_163 = vector.extract_strided_slice %get3A_4 {offsets = [0, 26, 0], sizes = [256, 1, 256], strides = [1, 1, 1]} : vector<256x32x256xf32> to vector<256x1x256xf32>
    %squeeze3A_164 = vector.shape_cast %slice3A_163 : vector<256x1x256xf32> to vector<256x256xf32>
    %slice3A_165 = vector.extract_strided_slice %get3A_4 {offsets = [0, 27, 0], sizes = [256, 1, 256], strides = [1, 1, 1]} : vector<256x32x256xf32> to vector<256x1x256xf32>
    %squeeze3A_166 = vector.shape_cast %slice3A_165 : vector<256x1x256xf32> to vector<256x256xf32>
    %add3A_167 = arith.addf %squeeze3A_164, %squeeze3A_166 : vector<256x256xf32>
    %convert_element_type3A_168 = arith.truncf %add3A_167 : vector<256x256xf32> to vector<256x256xbf16>
    %dot_general3A_169 = arith.constant dense<0.000000e+00> : vector<256x128xf32>
    %dot_general3A_170 = tpu.matmul %convert_element_type3A_168, %convert_element_type3A_11, %dot_general3A_169 {dimension_numbers = #tpu.dot_dimension_numbers<[1], [0], [0], [1], [0, 0, 1, 1], [], []>, transpose_lhs_hint = false} : vector<256x256xbf16>, vector<256x128xbf16>, vector<256x128xf32> -> vector<256x128xf32>
    %convert_element_type3A_171 = arith.truncf %dot_general3A_170 : vector<256x128xf32> to vector<256x128xbf16>
    %swap3A_172 = arith.constant 0 : index
    %swap3A_173 = arith.constant 1664 : index
    %swap3A_174 = vector.load %arg13[%swap3A_172, %swap3A_173] : memref<256x2048xbf16, #tpu.memory_space<vmem>>, vector<256x128xbf16>
    tpu.vector_store %arg13[%swap3A_172, %swap3A_173], %convert_element_type3A_171 {strides = array<i32>} : memref<256x2048xbf16, #tpu.memory_space<vmem>>, vector<256x128xbf16>,
    %slice3A_175 = vector.extract_strided_slice %get3A_4 {offsets = [0, 28, 0], sizes = [256, 1, 256], strides = [1, 1, 1]} : vector<256x32x256xf32> to vector<256x1x256xf32>
    %squeeze3A_176 = vector.shape_cast %slice3A_175 : vector<256x1x256xf32> to vector<256x256xf32>
    %slice3A_177 = vector.extract_strided_slice %get3A_4 {offsets = [0, 29, 0], sizes = [256, 1, 256], strides = [1, 1, 1]} : vector<256x32x256xf32> to vector<256x1x256xf32>
    %squeeze3A_178 = vector.shape_cast %slice3A_177 : vector<256x1x256xf32> to vector<256x256xf32>
    %add3A_179 = arith.addf %squeeze3A_176, %squeeze3A_178 : vector<256x256xf32>
    %convert_element_type3A_180 = arith.truncf %add3A_179 : vector<256x256xf32> to vector<256x256xbf16>
    %dot_general3A_181 = arith.constant dense<0.000000e+00> : vector<256x128xf32>
    %dot_general3A_182 = tpu.matmul %convert_element_type3A_180, %convert_element_type3A_11, %dot_general3A_181 {dimension_numbers = #tpu.dot_dimension_numbers<[1], [0], [0], [1], [0, 0, 1, 1], [], []>, transpose_lhs_hint = false} : vector<256x256xbf16>, vector<256x128xbf16>, vector<256x128xf32> -> vector<256x128xf32>
    %convert_element_type3A_183 = arith.truncf %dot_general3A_182 : vector<256x128xf32> to vector<256x128xbf16>
    %swap3A_184 = arith.constant 0 : index
    %swap3A_185 = arith.constant 1792 : index
    %swap3A_186 = vector.load %arg13[%swap3A_184, %swap3A_185] : memref<256x2048xbf16, #tpu.memory_space<vmem>>, vector<256x128xbf16>
    tpu.vector_store %arg13[%swap3A_184, %swap3A_185], %convert_element_type3A_183 {strides = array<i32>} : memref<256x2048xbf16, #tpu.memory_space<vmem>>, vector<256x128xbf16>,
    %slice3A_187 = vector.extract_strided_slice %get3A_4 {offsets = [0, 30, 0], sizes = [256, 1, 256], strides = [1, 1, 1]} : vector<256x32x256xf32> to vector<256x1x256xf32>
    %squeeze3A_188 = vector.shape_cast %slice3A_187 : vector<256x1x256xf32> to vector<256x256xf32>
    %slice3A_189 = vector.extract_strided_slice %get3A_4 {offsets = [0, 31, 0], sizes = [256, 1, 256], strides = [1, 1, 1]} : vector<256x32x256xf32> to vector<256x1x256xf32>
    %squeeze3A_190 = vector.shape_cast %slice3A_189 : vector<256x1x256xf32> to vector<256x256xf32>
    %add3A_191 = arith.addf %squeeze3A_188, %squeeze3A_190 : vector<256x256xf32>
    %convert_element_type3A_192 = arith.truncf %add3A_191 : vector<256x256xf32> to vector<256x256xbf16>
    %dot_general3A_193 = arith.constant dense<0.000000e+00> : vector<256x128xf32>
    %dot_general3A_194 = tpu.matmul %convert_element_type3A_192, %convert_element_type3A_11, %dot_general3A_193 {dimension_numbers = #tpu.dot_dimension_numbers<[1], [0], [0], [1], [0, 0, 1, 1], [], []>, transpose_lhs_hint = false} : vector<256x256xbf16>, vector<256x128xbf16>, vector<256x128xf32> -> vector<256x128xf32>
    %convert_element_type3A_195 = arith.truncf %dot_general3A_194 : vector<256x128xf32> to vector<256x128xbf16>
    %swap3A_196 = arith.constant 0 : index
    %swap3A_197 = arith.constant 1920 : index
    %swap3A_198 = vector.load %arg13[%swap3A_196, %swap3A_197] : memref<256x2048xbf16, #tpu.memory_space<vmem>>, vector<256x128xbf16>
    tpu.vector_store %arg13[%swap3A_196, %swap3A_197], %convert_element_type3A_195 {strides = array<i32>} : memref<256x2048xbf16, #tpu.memory_space<vmem>>, vector<256x128xbf16>,
    %get3A_199 = arith.constant 0 : index
    %get3A_200 = arith.constant 0 : index
    %get3A_201 = vector.load %arg13[%get3A_199, %get3A_200] : memref<256x2048xbf16, #tpu.memory_space<vmem>>, vector<256x2048xbf16>
    %get3A_202 = arith.constant 0 : index
    %get3A_203 = arith.constant 0 : index
    %get3A_204 = arith.constant 0 : index
    %get3A_205 = vector.load %arg3[%get3A_202, %get3A_203, %get3A_204] : memref<1x19x2048xf32, #tpu.memory_space<vmem>>, vector<1x19x2048xf32>
    %get3A_206 = vector.shape_cast %get3A_205 : vector<1x19x2048xf32> to vector<19x2048xf32>
    %get3A_207 = arith.constant 0 : index
    %get3A_208 = arith.constant 0 : index
    %get3A_209 = vector.load %arg5[%get3A_207, %get3A_208] : memref<512x256xbf16, #tpu.memory_space<vmem>>, vector<512x256xbf16>
    %dot_general3A_210 = arith.constant dense<0.000000e+00> : vector<512x2048xf32>
    %dot_general3A_211 = tpu.matmul %get3A_209, %get3A_201, %dot_general3A_210 {dimension_numbers = #tpu.dot_dimension_numbers<[1], [0], [0], [1], [0, 0, 1, 1], [], []>, transpose_lhs_hint = false} : vector<512x256xbf16>, vector<256x2048xbf16>, vector<512x2048xf32> -> vector<512x2048xf32>
    %get3A_212 = arith.constant 0 : index
    %get3A_213 = arith.constant 0 : index
    %get3A_214 = vector.load %arg6[%get3A_212, %get3A_213] : memref<512x19xbf16, #tpu.memory_space<vmem>>, vector<512x19xbf16>
    %convert_element_type3A_215 = arith.truncf %get3A_206 : vector<19x2048xf32> to vector<19x2048xbf16>
    %dot_general3A_216 = arith.constant dense<0.000000e+00> : vector<512x2048xf32>
    %dot_general3A_217 = tpu.matmul %get3A_214, %convert_element_type3A_215, %dot_general3A_216 {dimension_numbers = #tpu.dot_dimension_numbers<[1], [0], [0], [1], [0, 0, 1, 1], [], []>, transpose_lhs_hint = false} : vector<512x19xbf16>, vector<19x2048xbf16>, vector<512x2048xf32> -> vector<512x2048xf32>
    %add3A_218 = arith.addf %dot_general3A_211, %dot_general3A_217 : vector<512x2048xf32>
    %get3A_219 = arith.constant 0 : index
    %get3A_220 = arith.constant 0 : index
    %get3A_221 = vector.load %arg7[%get3A_219, %get3A_220] : memref<512x1xf32, #tpu.memory_space<vmem>>, vector<512x1xf32>
    %add3A_222 = vector.broadcast %get3A_221 : vector<512x1xf32> to vector<512x2048xf32>
    %add3A_223 = arith.addf %add3A_218, %add3A_222 : vector<512x2048xf32>
    %max3A = arith.constant 0.000000e+00 : f32
    %max3A_224 = vector.broadcast %max3A : f32 to vector<512x2048xf32>
    %max3A_225 = arith.maximumf %add3A_223, %max3A_224 : vector<512x2048xf32>
    %convert_element_type3A_226 = arith.truncf %max3A_225 : vector<512x2048xf32> to vector<512x2048xbf16>
    %get3A_227 = arith.constant 0 : index
    %get3A_228 = arith.constant 0 : index
    %get3A_229 = vector.load %arg8[%get3A_227, %get3A_228] : memref<512x512xbf16, #tpu.memory_space<vmem>>, vector<512x512xbf16>
    %dot_general3A_230 = arith.constant dense<0.000000e+00> : vector<512x2048xf32>
    %dot_general3A_231 = tpu.matmul %get3A_229, %convert_element_type3A_226, %dot_general3A_230 {dimension_numbers = #tpu.dot_dimension_numbers<[1], [0], [0], [1], [0, 0, 1, 1], [], []>, transpose_lhs_hint = false} : vector<512x512xbf16>, vector<512x2048xbf16>, vector<512x2048xf32> -> vector<512x2048xf32>
    %get3A_232 = arith.constant 0 : index
    %get3A_233 = arith.constant 0 : index
    %get3A_234 = vector.load %arg9[%get3A_232, %get3A_233] : memref<512x1xf32, #tpu.memory_space<vmem>>, vector<512x1xf32>
    %add3A_235 = vector.broadcast %get3A_234 : vector<512x1xf32> to vector<512x2048xf32>
    %add3A_236 = arith.addf %dot_general3A_231, %add3A_235 : vector<512x2048xf32>
    %max3A_237 = arith.constant 0.000000e+00 : f32
    %max3A_238 = vector.broadcast %max3A_237 : f32 to vector<512x2048xf32>
    %max3A_239 = arith.maximumf %add3A_236, %max3A_238 : vector<512x2048xf32>
    %convert_element_type3A_240 = arith.truncf %max3A_239 : vector<512x2048xf32> to vector<512x2048xbf16>
    %get3A_241 = arith.constant 0 : index
    %get3A_242 = arith.constant 0 : index
    %get3A_243 = vector.load %arg10[%get3A_241, %get3A_242] : memref<19x512xbf16, #tpu.memory_space<vmem>>, vector<19x512xbf16>
    %dot_general3A_244 = arith.constant dense<0.000000e+00> : vector<19x2048xf32>
    %dot_general3A_245 = tpu.matmul %get3A_243, %convert_element_type3A_240, %dot_general3A_244 {dimension_numbers = #tpu.dot_dimension_numbers<[1], [0], [0], [1], [0, 0, 1, 1], [], []>, transpose_lhs_hint = false} : vector<19x512xbf16>, vector<512x2048xbf16>, vector<19x2048xf32> -> vector<19x2048xf32>
    %get3A_246 = arith.constant 0 : index
    %get3A_247 = arith.constant 0 : index
    %get3A_248 = vector.load %arg11[%get3A_246, %get3A_247] : memref<19x1xf32, #tpu.memory_space<vmem>>, vector<19x1xf32>
    %add3A_249 = vector.broadcast %get3A_248 : vector<19x1xf32> to vector<19x2048xf32>
    %add3A_250 = arith.addf %dot_general3A_245, %add3A_249 : vector<19x2048xf32>
    %get3A_251 = arith.constant 0 : index
    %get3A_252 = arith.constant 0 : index
    %get3A_253 = arith.constant 0 : index
    %get3A_254 = arith.constant 0 : index
    %get3A_255 = vector.load %arg4[%get3A_251, %get3A_252, %get3A_253, %get3A_254] : memref<1x1x1x2048xf32, #tpu.memory_space<vmem>>, vector<1x1x1x2048xf32>
    %get3A_256 = vector.shape_cast %get3A_255 : vector<1x1x1x2048xf32> to vector<2048xf32>
    %broadcast_in_dim3A = vector.shape_cast %get3A_256 : vector<2048xf32> to vector<1x2048xf32>
    %gt3A = arith.constant 5.000000e-01 : f32
    %gt3A_257 = vector.broadcast %gt3A : f32 to vector<1x2048xf32>
    %gt3A_258 = arith.cmpf ogt, %broadcast_in_dim3A, %gt3A_257 : vector<1x2048xf32>
    %broadcast_in_dim3A_259 = vector.shape_cast %gt3A_258 : vector<1x2048xi1> to vector<1x2048xi1>
    %broadcast_in_dim3A_260 = vector.broadcast %broadcast_in_dim3A_259 : vector<1x2048xi1> to vector<19x2048xi1>
    %select_n3A = arith.select %broadcast_in_dim3A_260, %add3A_250, %get3A_206 : vector<19x2048xi1>, vector<19x2048xf32>
    %swap3A_261 = arith.constant 0 : index
    %swap3A_262 = arith.constant 0 : index
    %swap3A_263 = arith.constant 0 : index
    %swap3A_264 = vector.load %arg12[%swap3A_261, %swap3A_262, %swap3A_263] : memref<1x19x2048xf32, #tpu.memory_space<vmem>>, vector<1x19x2048xf32>
    %swap3A_265 = vector.shape_cast %swap3A_264 : vector<1x19x2048xf32> to vector<19x2048xf32>
    %swap3A_266 = vector.shape_cast %select_n3A : vector<19x2048xf32> to vector<1x19x2048xf32>
    tpu.vector_store %arg12[%swap3A_261, %swap3A_262, %swap3A_263], %swap3A_266 {strides = array<i32>} : memref<1x19x2048xf32, #tpu.memory_space<vmem>>, vector<1x19x2048xf32>,
    return
  }
  func.func @transform_0(%arg0: i32, %arg1: i32) -> (i32, i32, i32, i32) {
    %c0_i32 = arith.constant 0 : i32
    %c0_i32_0 = arith.constant 0 : i32
    %c0_i32_1 = arith.constant 0 : i32
    return %arg0, %c0_i32, %arg1, %c0_i32_0 : i32, i32, i32, i32
  }
  func.func @transform_1(%arg0: i32, %arg1: i32) -> (i32, i32, i32) {
    %c0_i32 = arith.constant 0 : i32
    %c0_i32_0 = arith.constant 0 : i32
    return %arg0, %c0_i32, %arg1 : i32, i32, i32
  }
  func.func @transform_2(%arg0: i32, %arg1: i32) -> (i32, i32, i32, i32) {
    %c0_i32 = arith.constant 0 : i32
    %c0_i32_0 = arith.constant 0 : i32
    %c0_i32_1 = arith.constant 0 : i32
    return %arg0, %arg1, %c0_i32, %c0_i32_0 : i32, i32, i32, i32
  }
  func.func @transform_3(%arg0: i32, %arg1: i32) -> (i32, i32) {
    %c0_i32 = arith.constant 0 : i32
    %c0_i32_0 = arith.constant 0 : i32
    %c0_i32_1 = arith.constant 0 : i32
    return %c0_i32, %c0_i32_0 : i32, i32
  }
  func.func @transform_4(%arg0: i32, %arg1: i32) -> (i32, i32) {
    %c0_i32 = arith.constant 0 : i32
    %c0_i32_0 = arith.constant 0 : i32
    %c0_i32_1 = arith.constant 0 : i32
    return %c0_i32, %c0_i32_0 : i32, i32
  }
  func.func @transform_5(%arg0: i32, %arg1: i32) -> (i32, i32) {
    %c0_i32 = arith.constant 0 : i32
    %c0_i32_0 = arith.constant 0 : i32
    %c0_i32_1 = arith.constant 0 : i32
    return %c0_i32, %c0_i32_0 : i32, i32
  }
  func.func @transform_6(%arg0: i32, %arg1: i32) -> (i32, i32) {
    %c0_i32 = arith.constant 0 : i32
    %c0_i32_0 = arith.constant 0 : i32
    %c0_i32_1 = arith.constant 0 : i32
    return %c0_i32, %c0_i32_0 : i32, i32
  }
  func.func @transform_7(%arg0: i32, %arg1: i32) -> (i32, i32) {
    %c0_i32 = arith.constant 0 : i32
    %c0_i32_0 = arith.constant 0 : i32
    %c0_i32_1 = arith.constant 0 : i32
    return %c0_i32, %c0_i32_0 : i32, i32
  }
  func.func @transform_8(%arg0: i32, %arg1: i32) -> (i32, i32) {
    %c0_i32 = arith.constant 0 : i32
    %c0_i32_0 = arith.constant 0 : i32
    %c0_i32_1 = arith.constant 0 : i32
    return %c0_i32, %c0_i32_0 : i32, i32
  }
  func.func @transform_9(%arg0: i32, %arg1: i32) -> (i32, i32) {
    %c0_i32 = arith.constant 0 : i32
    %c0_i32_0 = arith.constant 0 : i32
    %c0_i32_1 = arith.constant 0 : i32
    return %c0_i32, %c0_i32_0 : i32, i32
  }
  func.func @transform_10(%arg0: i32, %arg1: i32) -> (i32, i32, i32) {
    %c0_i32 = arith.constant 0 : i32
    %c0_i32_0 = arith.constant 0 : i32
    return %arg0, %c0_i32, %arg1 : i32, i32, i32
  }
}

</mosaic_0001>

<sc_bundles>
// kernel: kernel.5.cloned.1.call-start
scs
__scs_entry_jumppad:
0x0: {  	(pc) =	sbr.rel $0x88, $3  }
0x1: {  	(tag) =	ssettag $0x0;
	lr =	simm.s32 $0x1  }
0x2: {  	[smem:$0x3F99] =	sst lr;
	_ =	strace $0xD0000000  }
0x3: {  	_ = 	snop  }
0x4: {  	_ = 	snop  }
0x5: {  	_ = 	snop  }
0x6: {  	_ = 	snop  }
0x7: {  	_ = 	snop  }
__scs_overlays_trampoline_lowered:
0x8: {  	[smem:$0x3FA8] =	sst s0  }
0x9: {  	[smem:$0x3FA9] =	sst s1  }
0xa: {  	[smem:$0x3FAA] =	sst s2  }
0xb: {  	[smem:$0x3FAB] =	sst s3  }
0xc: {  	[smem:$0x3FAC] =	sst s4  }
0xd: {  	[smem:$0x3FAD] =	sst s5  }
0xe: {  	[smem:$0x3FAE] =	sst s6  }
0xf: {  	[smem:$0x3FAF] =	sst s7  }
0x10: {  	[smem:$0x3FB0] =	sst s8  }
0x11: {  	[smem:$0x3FB1] =	sst s9;
	s0 =	simm.s32 @!p0 $0x0  }
0x12: {  	s1 =	sld [smem:$0x3F97];
	s0 =	simm.s32 @p0 $0x1  }
0x13: {  	[smem:$0x3FB2] =	sst s0;
	s0 =	simm.s32 @!p1 $0x0  }
0x14: {  	s2 =	sld [smem:$0x3F96];
	s0 =	simm.s32 @p1 $0x1  }
0x15: {  	[smem:$0x3FB3] =	sst s0;
	s0 =	simm.s32 @!p2 $0x0  }
0x16: {  	s3 =	sld [smem:$0x3FDB];
	s0 =	simm.s32 @p2 $0x1  }
0x17: {  	s4 =	simm.s32 $0x1BF5;
	[smem:$0x3FB5] =	sst s0  }
0x18: {  	s0 =	sld [smem:$0x3F98];
	_ =	swait.ge [sflag:s4], $0x0  }
0x19: {  	s7 =	sld [smem:$0x3F99]  }
0x1a: {  	s8 =	sadd.s32 $0xFFFFE003, lr  }
0x1b: {  	s9 =	sadd.s32 $0xFFFFFEF7, lr;
	s5 =	simm.s32 $0xFFFFFFFF;
	p2 =	slt.u32 s8, $0xFFFFF086  }
0x1c: {  	p1 =	slt.u32 s9, $0xF7A;
	s5 =	simm.s32 @!p2 $0x0  }
0x1d: {  	s5 =	simm.s32 @p1 $0x1;
	p0 =	seq.s32 s7, s2  }
0x1e: {  	s7 =	smul.u32 @!p0 $0xF7A, s2;
	p2 =	seq.s32 @!p0 s5, $0x0  }
0x1f: {  	s9 =	smul.u32 $0xF7A, s1;
	s8 =	simm.s32 @!p0 $0x1BF5;
	p2 =	por !p2, p0  }
0x20: {  	[sflag:s8] =	ssyncset.s32 @!p0 $0xFFFFF086;
	s6 =	sadd.s32 @!p0 s3, s7;
	s7 =	simm.s32 @!p0 $0x108  }
0x21: {  	s3 =	sadd.s32 s3, s9;
	s6 =	sadd.s32 @!p0 $0x88, s6;
	s7 =	simm.s32 @p2 $0x1082  }
0x22: {  	[simem:s7], [sflag:s8] =	dma.local @!p0 [hbm:s6], $0xF7A  }
0x23: {  	s9 =	sor.u32 $0xD0000000, s2;
	s6 =	simm.s32 $0x108;
	_ =	swait.ge @!p0 [sflag:s8], $0x0  }
0x24: {  	s3 =	sadd.s32 $0x88, s3;
	s6 =	simm.s32 @!p1 $0x1082;
	[sflag:s4] =	ssyncset.s32 $0xFFFFF086  }
0x25: {  	[simem:s6], [sflag:s4] =	dma.local [hbm:s3], $0xF7A  }
0x26: {  	[smem:$0x3F99] =	sst s1;
	(tag) =	ssettag s2;
	_ =	strace s9  }
0x27: {  	s1 =	sld [smem:$0x3FA9]  }
0x28: {  	s2 =	sld [smem:$0x3FAA]  }
0x29: {  	s4 =	sld [smem:$0x3FAC]  }
0x2a: {  	p0 =	seq.s32 s5, $0x0;
	s5 =	sld [smem:$0x3FAD]  }
0x2b: {  	s6 =	sld [smem:$0x3FAE]  }
0x2c: {  	s7 =	sld [smem:$0x3FAF]  }
0x2d: {  	s3 =	simm.s32 $0x108;
	s8 =	sld [smem:$0x3FB0]  }
0x2e: {  	s3 =	simm.s32 @!p0 $0x1082;
	s9 =	sld [smem:$0x3FB1]  }
0x2f: {  	lr =	sadd.s32 s0, s3;
	s0 =	sld [smem:$0x3FA8]  }
0x30: {  	s3 =	sld [smem:$0x3FAB]  }
0x31: {  	[smem:$0x3FB4] =	sst s10  }
0x32: {  	s10 =	sld [smem:$0x3FB2];
	_ =	sdelay $0x3  }
0x33: {  	p0 =	seq.s32 s10, $0x1;
	s10 =	sld [smem:$0x3FB4];
	_ =	sdelay $0x3  }
0x34: {  	[smem:$0x3FB4] =	sst s10  }
0x35: {  	s10 =	sld [smem:$0x3FB3];
	_ =	sdelay $0x3  }
0x36: {  	p1 =	seq.s32 s10, $0x1;
	s10 =	sld [smem:$0x3FB4];
	_ =	sdelay $0x3  }
0x37: {  	[smem:$0x3FB4] =	sst s10  }
0x38: {  	s10 =	sld [smem:$0x3FB5]  }
0x39: {  	_ = 	snop;
	(pc) =	sbr.ind lr, $3  }
0x3a: {  	_ = 	snop  }
0x3b: {  	_ = 	snop  }
0x3c: {  	p2 =	seq.s32 s10, $0x1;
	s10 =	sld [smem:$0x3FB4]  }
0x3d: {  	_ =	shalt  }
0x3e: {  	_ =	shalt  }
0x3f: {  	_ =	shalt  }
0x40: {  	_ =	shalt  }
0x41: {  	_ =	shalt  }
0x42: {  	_ =	shalt  }
0x43: {  	_ =	shalt  }
0x44: {  	_ =	shalt  }
0x45: {  	_ =	shalt  }
0x46: {  	_ =	shalt  }
0x47: {  	_ =	shalt  }
0x48: {  	_ =	shalt  }
0x49: {  	_ =	shalt  }
0x4a: {  	_ =	shalt  }
0x4b: {  	_ =	shalt  }
0x4c: {  	_ =	shalt  }
0x4d: {  	_ =	shalt  }
0x4e: {  	_ =	shalt  }
0x4f: {  	_ =	shalt  }
0x50: {  	_ =	shalt  }
0x51: {  	_ =	shalt  }
0x52: {  	_ =	shalt  }
0x53: {  	_ =	shalt  }
0x54: {  	_ =	shalt  }
0x55: {  	_ =	shalt  }
0x56: {  	_ =	shalt  }
0x57: {  	_ =	shalt  }
0x58: {  	_ =	shalt  }
0x59: {  	_ =	shalt  }
0x5a: {  	_ =	shalt  }
0x5b: {  	_ =	shalt  }
0x5c: {  	_ =	shalt  }
0x5d: {  	_ =	shalt  }
0x5e: {  	_ =	shalt  }
0x5f: {  	_ =	shalt  }
0x60: {  	_ =	shalt  }
0x61: {  	_ =	shalt  }
0x62: {  	_ =	shalt  }
0x63: {  	_ =	shalt  }
0x64: {  	_ =	shalt  }
0x65: {  	_ =	shalt  }
0x66: {  	_ =	shalt  }
0x67: {  	_ =	shalt  }
0x68: {  	_ =	shalt  }
0x69: {  	_ =	shalt  }
0x6a: {  	_ =	shalt  }
0x6b: {  	_ =	shalt  }
0x6c: {  	_ =	shalt  }
0x6d: {  	_ =	shalt  }
0x6e: {  	_ =	shalt  }
0x6f: {  	_ =	shalt  }
0x70: {  	_ =	shalt  }
0x71: {  	_ =	shalt  }
0x72: {  	_ =	shalt  }
0x73: {  	_ =	shalt  }
0x74: {  	_ =	shalt  }
0x75: {  	_ =	shalt  }
0x76: {  	_ =	shalt  }
0x77: {  	_ =	shalt  }
0x78: {  	_ =	shalt  }
0x79: {  	_ =	shalt  }
0x7a: {  	_ =	shalt  }
0x7b: {  	_ =	shalt  }
0x7c: {  	_ =	shalt  }
0x7d: {  	_ =	shalt  }
0x7e: {  	_ =	shalt  }
0x7f: {  	_ =	shalt  }
0x80: {  	_ =	shalt  }
0x81: {  	_ =	shalt  }
0x82: {  	_ =	shalt  }
0x83: {  	_ =	shalt  }
0x84: {  	_ =	shalt  }
0x85: {  	_ =	shalt  }
0x86: {  	_ =	shalt  }
0x87: {  	_ =	shalt  }
.Lfunc_end0:
.L_simem_size_0:
called_computation_lowered:
.L_overlay_start_0:
0x88: {  	s2 =	sld [smem:$0x3FD9]  }
0x89: {  	s3 =	sld [smem:$0x3FFE];
	_ =	sdelay $0x1  }
0x8a: {  	s1 =	srdreg.scid  }
0x8b: {  	s0 =	sand.u32 $0x1, s1  }
0x8c: {  	s17 =	sshll.u32 s0, $0xA;
	s2 =	sadd.s32 s3, s2  }
0x8d: {  	s2 =	sadd.s32 s2, s17  }
0x8e: {  	[smem:$0x3FC0] =	sst s2  }
0x8f: {  	_ = 	snop  }
0x90: {  	s2 =	sld [smem:$0x3FD0];
	(tm) =	ssettm $0x1  }
0x91: {  	s18 =	sld [smem:$0x3FFB];
	_ =	sdelay $0x3  }
0x92: {  	_ =	strace s18  }
0x93: {  	s3 =	sld [smem:$0x3FFC];
	_ =	sdelay $0x3  }
0x94: {  	_ =	strace s3  }
0x95: {  	s3 =	sld [smem:$0x3FFD];
	_ =	sdelay $0x3  }
0x96: {  	_ =	strace s3  }
0x97: {  	_ =	strace $0x8FFFFFFF  }
0x98: {  	s19 =	sld [smem:$0x3FDB];
	_ =	sdelay $0x1  }
0x99: {  	s4 =	simm.s32 $_scs_section_size  }
0x9a: {  	s5 =	simm.s32 $_size__tile_overlayer_lowered;
	s6 =	simm.s32 $_tile_overlayer_lowered  }
0x9b: {  	s22 =	simm.s32 $0x1BFF;
	s21 =	sshll.u32 s6, $0x1;
	s3 =	sadd.s32 s4, s19  }
0x9c: {  	s7 =	simm.s32 $0x0;
	s20 =	sshll.u32 s5, $0x1;
	s5 =	sadd.s32 s21, s3  }
0x9d: {  	[timem:s7], [sflag:s22] =	dma.local [hbm:s5], s20  }
0x9e: {  	_ =	swait.ge [sflag:s22], s20  }
0x9f: {  	s4 =	ssub.s32 $0x0, s20;
	[sflag:s22] =	ssyncset.done $0x0  }
0xa0: {  	[sflag:s22] =	ssyncadd.s32 s4;
	_ =	sdelay $0x1  }
0xa1: {  	s23 =	simm.s32 $0x1B8B  }
0xa2: {  	_ =	swait.ge [sflag:s23], $0x1  }
0xa3: {  	[sflag:s23] =	ssyncset.done $0x0  }
0xa4: {  	s25 =	simm.s32 $0x1B8E;
	s24 =	sld [smem:$0x3FFE];
	[sflag:s23] =	ssyncadd.s32 $0xFFFFFFFF  }
0xa5: {  	s26 =	simm.s32 $execute0_lowered;
	[smem:$0x3FD2] =	sst s25  }
0xa6: {  	s5 =	sshll.u32 s26, $0x1;
	_ =	strace $0x80000046;
	[dreg:$0x1] =	wrdreg $0xFFFFFFFF  }
0xa7: {  	s28 =	simm.s32 $_size_execute0_lowered;
	s3 =	sadd.s32 s3, s5;
	[dreg:$0x0] =	wrdreg $0x0  }
0xa8: {  	s5 =	sshll.u32 s28, $0x1;
	[dreg:$0x2] =	wrdreg s3  }
0xa9: {  	[dreg:$0x3] =	wrdreg s5  }
0xaa: {  	[dreg:$0x4] =	wrdreg $0xC0  }
0xab: {  	_ =	task [dreg:s7], $0x5FFFF  }
0xac: {  	[dreg:$0x1] =	wrdreg $0xFFFFFFFF  }
0xad: {  	[dreg:$0x0] =	wrdreg $0x60  }
0xae: {  	[dreg:$0x2] =	wrdreg s2  }
0xaf: {  	[dreg:$0x3] =	wrdreg s24  }
0xb0: {  	[dreg:$0x4] =	wrdreg $0x15800  }
0xb1: {  	[dreg:$0x5] =	wrdreg $0x9  }
0xb2: {  	_ =	task.clear_ibuf [dreg:s7], $0x6FFFF;
	_ =	strace $0x90000046  }
0xb3: {  	s29 =	simm.s32 $0x9;
	_ =	strace $0x80000048  }
0xb4: {  	_ =	swait.ge [sflag:s29], $0x1  }
0xb5: {  	[sflag:s29] =	ssyncadd.s32 $0xFFFFFFFF  }
0xb6: {  	_ =	strace $0x90000048  }
0xb7: {  	_ =	sfence  }
0xb8: {  	s30 =	sld [smem:$0x0];
	_ =	sdelay $0x2  }
0xb9: {  	s31 =	sshll.u32 s1, $0xD;
	s1 =	sshrl.u32 s1, $0x2  }
0xba: {  	s3 =	sand.u32 $0x4000, s31;
	s1 =	sadd.s32 s1, s30  }
0xbb: {  	s0 =	sor.u32 s3, s0;
	s1 =	sshll.u32 s1, $0x11  }
0xbc: {  	s0 =	sor.u32 s1, s0  }
0xbd: {  	s0 =	sadd.s32 $0x8F2B, s0  }
0xbe: {  	[sflag:s0] =	ssyncadd.remote.s32 $0x1  }
0xbf: {  	_ =	sfence.sel $0xFFFF  }
0xc0: {  	[dreg:$0x0] =	wrdreg $0xFFFFFFFF;
	(pc) =	sbr.abs _section_cstart, $3  }
0xc1: {  	[dreg:$0x1] =	wrdreg $0xFFFFFFFF  }
0xc2: {  	_ =	task.clear_ibuf [dreg:s7], $0x2FFFF;
	_ =	strace $0x9FFFFFFF  }
0xc3: {  	(tm) =	ssettm $0x7FFFFFFF  }
tec
execute0_lowered:
.L_overlay_start_1:
0x0: {  	(tag) =	ssettag $0x1  }
0x1: {  	s0 =	stileid.u32;
	s1 =	simm.f32 $0.0e+00  }
0x2: {  	s2 =	simm.f32 $1.000000000e+00;
	s3 =	simm.f32 $1.000000000e+00;
	s21 =	rddreg [dreg:$0x0]  }
0x3: {  	s4 =	simm.f32 $1.000000000e+00;
	s6 =	simm.f32 $1.000000000e+00;
	v5 =	vlaneseq.u32;
	v9 =	vimm.f32 $0.0e+00;
	v11 =	vimm.f32 $1.000000000e+00;
	s22 =	rddreg [dreg:$0x1]  }
0x4: {  	s7 =	simm.f32 $1.000000000e+00;
	v14 =	vimm.f32 $1.500000000e+01;
	vm0 =	vcmask $0x300;
	s23 =	rddreg [dreg:$0x2];
	vm14 =	vcmask $0x704;
	s24 =	srdreg.scid  }
0x5: {  	vm15 =	vcmask $0xB08;
	vm4 =	vcmask $0xF0C;
	vm5 =	vcmask $0x1310;
	s13 =	simm.s32 $0x1000;
	s14 =	simm.s32 $0x1100;
	s15 =	simm.s32 $0x1180  }
0x6: {  	vm6 =	vcmask $0x1714;
	vm7 =	vcmask $0x1B18;
	vm8 =	vcmask $0x1F1C;
	s16 =	simm.s32 $0x800;
	s17 =	simm.s32 $0x0;
	s5 =	sand.u32 $0x7, s0  }
0x7: {  	vm9 =	vcmask $0x2320;
	vm10 =	vcmask $0x2724;
	vm11 =	vcmask $0x2B28;
	s10 =	sshll.u32 s0, $0x1;
	p0 =	seq.s32 s5, $0x0;
	p1 =	sgt.u32 s5, $0x2  }
0x8: {  	vm12 =	vcmask $0x2F2C;
	vm13 =	vcmask $0x3330;
	v15 =	vsel vm0, $0x0, v14;
	s8 =	sshll.u32 s5, $0xA;
	s10 =	sand.u32 $0x10, s10;
	s1 =	simm.s32 @!p0 $0x3F800000  }
0x9: {  	v8 =	vmul.u32 $0x10, v5;
	v10 =	vor.u32 $0x80, v5;
	v16 =	vsel vm14, $0x3F800000, v15;
	p0 =	sgt.u32 s5, $0x1;
	s3 =	simm.s32 @!p1 $0x0;
	p1 =	sgt.u32 s5, $0x4  }
0xa: {  	v27 =	vmul.u32 $0xFFFFFFFF, v5;
	vm14 =	vcmask $0x3734;
	v17 =	vsel vm15, $0x40000000, v16;
	s11 =	sor.u32 $0x20, s10;
	s28 =	sor.u32 $0x28, s10;
	s2 =	simm.s32 @!p0 $0x0  }
0xb: {  	v12 =	vor.u32 $0x1, v8;
	p0 =	sgt.u32 s5, $0x3;
	s6 =	simm.s32 @!p1 $0x0;
	v0 =	vmov s1;
	s1 =	simm.f32 $1.000000000e+00;
	v18 =	vsel vm4, $0x40400000, v17  }
0xc: {  	v13 =	vor.u32 $0x2, v8;
	v14 =	vor.u32 $0x3, v8;
	p1 =	seq.s32 s5, $0x7;
	s26 =	sor.u32 s5, s11;
	s29 =	sshll.u32 s11, $0x7;
	v19 =	vsel vm5, $0x40800000, v18  }
0xd: {  	v15 =	vor.u32 $0x4, v8;
	v16 =	vor.u32 $0x5, v8;
	s31 =	sshll.u32 s28, $0x7;
	s11 =	simm.s32 $0x200;
	s4 =	simm.s32 @!p0 $0x0;
	v20 =	vsel vm6, $0x40A00000, v19  }
0xe: {  	vm15 =	vcmask $0x3B38;
	v1 =	vmov s2;
	p0 =	sgt.u32 s5, $0x5;
	s7 =	simm.s32 @!p1 $0x0;
	s2 =	simm.s32 $0x0;
	v21 =	vsel vm7, $0x40C00000, v20  }
0xf: {  	v27 =	vadd.s32 $0xF, v27;
	v4 =	vmov s6;
	s6 =	sand.u32 $0x1, s24;
	s1 =	simm.s32 @!p0 $0x0;
	[smem:$0x7FF] =	sst s2;
	v22 =	vsel vm8, $0x40E00000, v21  }
0x10: {  	v2 =	vmov s3;
	v3 =	vmov s4;
	s9 =	sshll.u32 s6, $0x5;
	s6 =	ssub.s32 $0x2, s6;
	s4 =	sshll.u32 s26, $0x7;
	v23 =	vsel vm9, $0x41000000, v22  }
0x11: {  	v7 =	vmov s7;
	s7 =	sadd.s32 s31, s23;
	v6 =	vmov s1;
	s1 =	rddreg [dreg:$0x3];
	_ =	strace $0x80000047;
	v24 =	vsel vm10, $0x41100000, v23  }
0x12: {  	v17 =	vor.u32 $0x6, v8;
	v18 =	vor.u32 $0x7, v8;
	s8 =	sor.u32 s8, s9;
	s25 =	sshrl.u32 s6, $0x1;
	s4 =	sadd.s32 s4, s23;
	v25 =	vsel vm11, $0x41200000, v24  }
0x13: {  	v19 =	vor.u32 $0x8, v8;
	v20 =	vor.u32 $0x9, v8;
	s8 =	sor.u32 s10, s8;
	s9 =	ssub.s32 s6, s25;
	s10 =	sor.u32 s5, s28;
	v25 =	vsel vm12, $0x41300000, v25  }
0x14: {  	v21 =	vor.u32 $0xA, v8;
	s5 =	sadd.s32 s29, s23;
	s12 =	sadd.s32 s8, s22;
	s3 =	sadd.s32 s21, s8;
	v22 =	vor.u32 $0xB, v8;
	v26 =	vsel vm13, $0x41400000, v25  }
0x15: {  	s30 =	sshll.u32 s10, $0x7;
	s9 =	smax.u32 s9, $0x1;
	s10 =	simm.s32 $0x80;
	v23 =	vor.u32 $0xC, v8;
	v24 =	vor.u32 $0xD, v8;
	v28 =	vsel vm14, $0x41500000, v26  }
0x16: {  	s6 =	sadd.s32 s30, s23;
	s8 =	sadd.s32 $0x1400, s12;
	s12 =	simm.s32 $0x1;
	v25 =	vor.u32 $0xE, v8;
	v26 =	vor.u32 $0xF, v8;
	v28 =	vsel vm15, $0x41600000, v28  }
.LBB2_1:
0x17: {  	[tilespmem:s2], [sflag:$0x1] =	stream.strided.gather [hbm4b:s3+s10], $0x800, s11, s10, $0x38;
	[tilespmem:$0x15C0] =	vst v63  }
0x18: {  	_ =	swait.ge [sflag:s12], $0x800  }
0x19: {  	[sflag:s12] =	ssyncset.done $0x0  }
0x1a: {  	[sflag:s12] =	ssyncadd.s32 $0xFFFFF800  }
0x1b: {  	[tilespmem:$0x1000] =	vst v9  }
0x1c: {  	[tilespmem:$0x1010] =	vst v9  }
0x1d: {  	[tilespmem:$0x1020] =	vst v9  }
0x1e: {  	[tilespmem:$0x1030] =	vst v9  }
0x1f: {  	[tilespmem:$0x1040] =	vst v9  }
0x20: {  	[tilespmem:$0x1050] =	vst v9  }
0x21: {  	[tilespmem:$0x1060] =	vst v9  }
0x22: {  	[tilespmem:$0x1070] =	vst v9  }
0x23: {  	[tilespmem:$0x1080] =	vst v9  }
0x24: {  	[tilespmem:$0x1090] =	vst v9  }
0x25: {  	[tilespmem:$0x10A0] =	vst v9  }
0x26: {  	[tilespmem:$0x10B0] =	vst v9  }
0x27: {  	[tilespmem:$0x10C0] =	vst v9  }
0x28: {  	[tilespmem:$0x10D0] =	vst v9  }
0x29: {  	[tilespmem:$0x10E0] =	vst v9  }
0x2a: {  	s19 =	simm.s32 $0x0;
	s18 =	simm.s32 $0x40;
	[tilespmem:$0x10F0] =	vst v9  }
.LBB2_2:
0x2b: {  	p0 =	sne.s32 s18, $0x1FC0;
	v29 =	vld [tilespmem:s19+$0x0];
	_ =	sdelay $0x4  }
0x2c: {  	v29 =	vshrl.u32 v29, $0x18  }
0x2d: {  	v29 =	vand.u32 $0xF0, v29  }
0x2e: {  	v29 =	vxor.u32 v10, v29  }
.Ltmp0:
0x2f: {  	(pc) =	sbr.rel @p0 .LBB2_2-.Ltmp0, $2  }
0x30: {  	_ =	sdelay $0x2  }
0x31: {  	s19 =	sshra.s32 s18, $0x2;
	s18 =	sadd.s32 $0x40, s18;
	[tilespmem:v29+s13+$0x0] =	vst.idx.add.f32.msk $0xffff, v11  }
0x32: {  	v29 =	vld [tilespmem:s19+$0x0];
	_ =	sdelay $0x4  }
0x33: {  	v29 =	vshrl.u32 v29, $0x18  }
0x34: {  	v29 =	vand.u32 $0xF0, v29  }
0x35: {  	v29 =	vxor.u32 v10, v29;
	_ =	sdelay $0x4  }
0x36: {  	[tilespmem:v29+s13+$0x0] =	vst.idx.add.f32.msk $0xffff, v11  }
0x37: {  	v29 =	vld.idx.msk [tilespmem:v8+s13+$0x0], $0xffff;
	_ =	sdelay $0x1  }
0x38: {  	v30 =	vld.idx.msk [tilespmem:v12+s13+$0x0], $0xffff;
	_ =	sdelay $0x1  }
0x39: {  	v31 =	vld.idx.msk [tilespmem:v13+s13+$0x0], $0xffff  }
0x3a: {  	v29 =	vadd.f32 $0.0e+00, v29  }
0x3b: {  	v32 =	vld.idx.msk [tilespmem:v14+s13+$0x0], $0xffff  }
0x3c: {  	v29 =	vadd.f32 v30, v29  }
0x3d: {  	v30 =	vld.idx.msk [tilespmem:v15+s13+$0x0], $0xffff  }
0x3e: {  	v29 =	vadd.f32 v31, v29  }
0x3f: {  	v31 =	vld.idx.msk [tilespmem:v16+s13+$0x0], $0xffff  }
0x40: {  	v29 =	vadd.f32 v32, v29  }
0x41: {  	v58 =	vld.idx.msk [tilespmem:v17+s13+$0x0], $0xffff  }
0x42: {  	v29 =	vadd.f32 v30, v29  }
0x43: {  	v30 =	vld.idx.msk [tilespmem:v18+s13+$0x0], $0xffff  }
0x44: {  	v29 =	vadd.f32 v31, v29  }
0x45: {  	v31 =	vld.idx.msk [tilespmem:v19+s13+$0x0], $0xffff  }
0x46: {  	v29 =	vadd.f32 v58, v29  }
0x47: {  	v59 =	vld.idx.msk [tilespmem:v20+s13+$0x0], $0xffff  }
0x48: {  	v29 =	vadd.f32 v30, v29  }
0x49: {  	v30 =	vld.idx.msk [tilespmem:v21+s13+$0x0], $0xffff  }
0x4a: {  	v29 =	vadd.f32 v31, v29  }
0x4b: {  	v31 =	vld.idx.msk [tilespmem:v22+s13+$0x0], $0xffff  }
0x4c: {  	v29 =	vadd.f32 v59, v29  }
0x4d: {  	v60 =	vld.idx.msk [tilespmem:v23+s13+$0x0], $0xffff  }
0x4e: {  	v29 =	vadd.f32 v30, v29  }
0x4f: {  	v30 =	vld.idx.msk [tilespmem:v24+s13+$0x0], $0xffff  }
0x50: {  	v29 =	vadd.f32 v31, v29  }
0x51: {  	v31 =	vld.idx.msk [tilespmem:v25+s13+$0x0], $0xffff  }
0x52: {  	v29 =	vadd.f32 v60, v29  }
0x53: {  	v61 =	vld.idx.msk [tilespmem:v26+s13+$0x0], $0xffff  }
0x54: {  	v29 =	vadd.f32 v30, v29;
	_ =	sdelay $0x1  }
0x55: {  	v29 =	vadd.f32 v31, v29;
	_ =	sdelay $0x1  }
0x56: {  	v29 =	vadd.f32 v61, v29;
	_ =	sdelay $0x1  }
0x57: {  	[tilespmem:$0x1100] =	vst v29  }
0x58: {  	[spmem:s4] =	stream.linear.scatter [tilespmem:s14], [sflag:$0x1], $0x80, $0x38;
	[tilespmem:$0x15C0] =	vst v63  }
0x59: {  	_ =	swait.ge [sflag:s12], $0x80  }
0x5a: {  	[sflag:s12] =	ssyncset.done $0x0  }
0x5b: {  	[sflag:s12] =	ssyncadd.s32 $0xFFFFFF80  }
0x5c: {  	[bflag:$0x0] =	sbarrier.arrive $0xFFFF  }
0x5d: {  	[tilespmem:s15], [sflag:$0x1] =	stream.linear.gather [spmem:s5], $0x400, $0x38;
	[tilespmem:$0x15C0] =	vst v63  }
0x5e: {  	_ =	swait.ge [sflag:s12], $0x400  }
0x5f: {  	[sflag:s12] =	ssyncset.done $0x0  }
0x60: {  	[sflag:s12] =	ssyncadd.s32 $0xFFFFFC00  }
0x61: {  	v29 =	vld [tilespmem:$0x1180];
	_ =	sdelay $0x1  }
0x62: {  	v30 =	vld [tilespmem:$0x1200];
	_ =	sdelay $0x1  }
0x63: {  	v31 =	vld [tilespmem:$0x1280]  }
0x64: {  	v29 =	vadd.f32 $0.0e+00, v29  }
0x65: {  	v62 =	vld [tilespmem:$0x1300]  }
0x66: {  	v29 =	vadd.f32 v30, v29  }
0x67: {  	v30 =	vld [tilespmem:$0x1380]  }
0x68: {  	v29 =	vadd.f32 v31, v29  }
0x69: {  	v31 =	vld [tilespmem:$0x1400]  }
0x6a: {  	v29 =	vadd.f32 v62, v29  }
0x6b: {  	v63 =	vld [tilespmem:$0x1480]  }
0x6c: {  	v29 =	vadd.f32 v30, v29  }
0x6d: {  	v30 =	vld [tilespmem:$0x1500]  }
0x6e: {  	v29 =	vadd.f32 v31, v29;
	_ =	sdelay $0x1  }
0x6f: {  	v29 =	vadd.f32 v63, v29;
	_ =	sdelay $0x1  }
0x70: {  	v30 =	vadd.f32 v30, v29;
	_ =	sdelay $0x1  }
0x71: {  	v29 =	vperm.xlane v30, v27;
	_ =	sdelay $0x1  }
0x72: {  	(xrf2) =	vadd.scan.msk.f32 $0xffff, v29;
	_ =	sdelay $0x9  }
0x73: {  	v29, _, _ =	vpop (xrf2)  }
0x74: {  	v29 =	vperm.xlane v29, v27;
	_ =	sdelay $0x1  }
0x75: {  	v29 =	vsub.f32 v29, v30;
	_ =	sdelay $0x1  }
0x76: {  	v31 =	vadd.f32 $0.0e+00, v29;
	_ =	sdelay $0x1  }
0x77: {  	v30 =	vadd.f32 v31, v30;
	_ =	sdelay $0x1  }
0x78: {  	vm0 =	vlt.f32 v29, $8.192000000e+03;
	vm1 =	vge.f32 v30, $8.192000000e+03  }
0x79: {  	vm0 =	vmand vm0, vm1  }
0x7a: {  	v30 =	vsel vm0, $0x3F800000, v9  }
0x7b: {  	v31 =	vmul.f32 v28, v30;
	_ =	sdelay $0x1  }
0x7c: {  	(xrf2) =	vadd.scan.msk.f32 $0xffff, v31;
	_ =	sdelay $0x9  }
0x7d: {  	v31, _, _ =	vpop (xrf2)  }
0x7e: {  	(v2sf) =	vpush v31, $0xF;
	_ =	sdelay $0x2  }
0x7f: {  	[tilespmem:$0x1000] =	vst v9  }
0x80: {  	[tilespmem:$0x1010] =	vst v9  }
0x81: {  	[tilespmem:$0x1020] =	vst v9  }
0x82: {  	[tilespmem:$0x1030] =	vst v9  }
0x83: {  	[tilespmem:$0x1040] =	vst v9  }
0x84: {  	[tilespmem:$0x1050] =	vst v9  }
0x85: {  	[tilespmem:$0x1060] =	vst v9  }
0x86: {  	[tilespmem:$0x1070] =	vst v9  }
0x87: {  	[tilespmem:$0x1080] =	vst v9  }
0x88: {  	[tilespmem:$0x1090] =	vst v9  }
0x89: {  	[tilespmem:$0x10A0] =	vst v9  }
0x8a: {  	[tilespmem:$0x10B0] =	vst v9  }
0x8b: {  	[tilespmem:$0x10C0] =	vst v9;
	s18 =	spop (v2sf)  }
0x8c: {  	[tilespmem:$0x10D0] =	vst v9;
	s19 =	scvt.f32.s32 s18  }
0x8d: {  	[tilespmem:$0x10E0] =	vst v9  }
0x8e: {  	s20 =	simm.s32 $0x0;
	[tilespmem:$0x10F0] =	vst v9;
	s18 =	simm.s32 $0x40;
	v31 =	vmov s19  }
.LBB2_4:
0x8f: {  	p0 =	sne.s32 s18, $0x1FC0;
	v32 =	vld [tilespmem:s20+$0x0];
	_ =	sdelay $0x4  }
0x90: {  	v33 =	vshrl.u32 v32, $0x1C  }
0x91: {  	v32 =	vshrl.u32 v32, $0x14;
	v33 =	vxor.u32 v31, v33  }
0x92: {  	v32 =	vand.u32 $0xF0, v32;
	vm0 =	veq.s32 v33, $0x8  }
0x93: {  	v32 =	vor.u32 v5, v32  }
.Ltmp1:
0x94: {  	(pc) =	sbr.rel @p0 .LBB2_4-.Ltmp1, $2  }
0x95: {  	_ =	sdelay $0x2  }
0x96: {  	s20 =	sshra.s32 s18, $0x2;
	s18 =	sadd.s32 $0x40, s18;
	[tilespmem:v32+s13+$0x0] =	vst.idx.add.f32.msk vm0, v11  }
0x97: {  	v32 =	vld [tilespmem:s20+$0x0];
	_ =	sdelay $0x4  }
0x98: {  	v33 =	vshrl.u32 v32, $0x1C  }
0x99: {  	v32 =	vshrl.u32 v32, $0x14;
	v31 =	vxor.u32 v31, v33  }
0x9a: {  	vm0 =	veq.s32 v31, $0x8;
	v31 =	vand.u32 $0xF0, v32  }
0x9b: {  	v31 =	vor.u32 v5, v31;
	_ =	sdelay $0x4  }
0x9c: {  	[tilespmem:v31+s13+$0x0] =	vst.idx.add.f32.msk vm0, v11  }
0x9d: {  	v31 =	vld.idx.msk [tilespmem:v8+s13+$0x0], $0xffff;
	_ =	sdelay $0x1  }
0x9e: {  	v55 =	vld.idx.msk [tilespmem:v12+s13+$0x0], $0xffff;
	_ =	sdelay $0x1  }
0x9f: {  	v56 =	vld.idx.msk [tilespmem:v13+s13+$0x0], $0xffff  }
0xa0: {  	v31 =	vadd.f32 $0.0e+00, v31  }
0xa1: {  	v34 =	vld.idx.msk [tilespmem:v14+s13+$0x0], $0xffff  }
0xa2: {  	v31 =	vadd.f32 v55, v31  }
0xa3: {  	v57 =	vld.idx.msk [tilespmem:v15+s13+$0x0], $0xffff  }
0xa4: {  	v29 =	vmul.f32 v30, v29;
	v30 =	vadd.f32 v56, v31  }
0xa5: {  	v31 =	vld.idx.msk [tilespmem:v16+s13+$0x0], $0xffff  }
0xa6: {  	(xrf2) =	vadd.scan.msk.f32 $0xffff, v29;
	v29 =	vadd.f32 v34, v30  }
0xa7: {  	v30 =	vld.idx.msk [tilespmem:v17+s13+$0x0], $0xffff  }
0xa8: {  	v29 =	vadd.f32 v57, v29  }
0xa9: {  	v58 =	vld.idx.msk [tilespmem:v18+s13+$0x0], $0xffff  }
0xaa: {  	v29 =	vadd.f32 v31, v29  }
0xab: {  	v31 =	vld.idx.msk [tilespmem:v19+s13+$0x0], $0xffff  }
0xac: {  	v29 =	vadd.f32 v30, v29  }
0xad: {  	v30 =	vld.idx.msk [tilespmem:v20+s13+$0x0], $0xffff  }
0xae: {  	v29 =	vadd.f32 v58, v29  }
0xaf: {  	v59 =	vld.idx.msk [tilespmem:v21+s13+$0x0], $0xffff  }
0xb0: {  	v60, _, _ =	vpop (xrf2);
	v29 =	vadd.f32 v31, v29  }
0xb1: {  	(v2sf) =	vpush v60, $0xF;
	v31 =	vld.idx.msk [tilespmem:v22+s13+$0x0], $0xffff  }
0xb2: {  	v29 =	vadd.f32 v30, v29  }
0xb3: {  	v30 =	vld.idx.msk [tilespmem:v23+s13+$0x0], $0xffff  }
0xb4: {  	v29 =	vadd.f32 v59, v29  }
0xb5: {  	v61 =	vld.idx.msk [tilespmem:v24+s13+$0x0], $0xffff  }
0xb6: {  	v29 =	vadd.f32 v31, v29  }
0xb7: {  	v31 =	vld.idx.msk [tilespmem:v25+s13+$0x0], $0xffff  }
0xb8: {  	v29 =	vadd.f32 v30, v29  }
0xb9: {  	v30 =	vld.idx.msk [tilespmem:v26+s13+$0x0], $0xffff  }
0xba: {  	v29 =	vadd.f32 v61, v29;
	_ =	sdelay $0x1  }
0xbb: {  	v29 =	vadd.f32 v31, v29;
	_ =	sdelay $0x1  }
0xbc: {  	v29 =	vadd.f32 v30, v29;
	_ =	sdelay $0x1  }
0xbd: {  	s18 =	spop (v2sf);
	[tilespmem:$0x1100] =	vst v29  }
0xbe: {  	[spmem:s6] =	stream.linear.scatter [tilespmem:s14], [sflag:$0x1], $0x80, $0x38;
	[tilespmem:$0x15C0] =	vst v63  }
0xbf: {  	_ =	swait.ge [sflag:s12], $0x80  }
0xc0: {  	[sflag:s12] =	ssyncset.done $0x0  }
0xc1: {  	[sflag:s12] =	ssyncadd.s32 $0xFFFFFF80  }
0xc2: {  	[bflag:$0x0] =	sbarrier.arrive $0xFFFF  }
0xc3: {  	[tilespmem:s15], [sflag:$0x1] =	stream.linear.gather [spmem:s7], $0x400, $0x38;
	[tilespmem:$0x15C0] =	vst v63  }
0xc4: {  	_ =	swait.ge [sflag:s12], $0x400  }
0xc5: {  	[sflag:s12] =	ssyncset.done $0x0  }
0xc6: {  	[sflag:s12] =	ssyncadd.s32 $0xFFFFFC00  }
0xc7: {  	v29 =	vld [tilespmem:$0x1180];
	_ =	sdelay $0x1  }
0xc8: {  	v30 =	vld [tilespmem:$0x1200];
	_ =	sdelay $0x1  }
0xc9: {  	v31 =	vld [tilespmem:$0x1280]  }
0xca: {  	v29 =	vadd.f32 $0.0e+00, v29  }
0xcb: {  	v62 =	vld [tilespmem:$0x1300]  }
0xcc: {  	v29 =	vadd.f32 v30, v29  }
0xcd: {  	v30 =	vld [tilespmem:$0x1380]  }
0xce: {  	v29 =	vadd.f32 v31, v29  }
0xcf: {  	v31 =	vld [tilespmem:$0x1400]  }
0xd0: {  	v29 =	vadd.f32 v62, v29  }
0xd1: {  	v63 =	vld [tilespmem:$0x1480]  }
0xd2: {  	v29 =	vadd.f32 v30, v29  }
0xd3: {  	v30 =	vld [tilespmem:$0x1500]  }
0xd4: {  	v29 =	vadd.f32 v31, v29;
	_ =	sdelay $0x1  }
0xd5: {  	v29 =	vadd.f32 v63, v29;
	_ =	sdelay $0x1  }
0xd6: {  	v30 =	vadd.f32 v30, v29;
	_ =	sdelay $0x1  }
0xd7: {  	v29 =	vperm.xlane v30, v27;
	_ =	sdelay $0x1  }
0xd8: {  	(xrf2) =	vadd.scan.msk.f32 $0xffff, v29;
	_ =	sdelay $0x9  }
0xd9: {  	v29, _, _ =	vpop (xrf2)  }
0xda: {  	v29 =	vperm.xlane v29, v27;
	_ =	sdelay $0x1  }
0xdb: {  	s18 =	sadd.f32 $0.0e+00, s18;
	v29 =	vsub.f32 v29, v30;
	_ =	sdelay $0x1  }
0xdc: {  	v31 =	vadd.f32 s18, v29;
	_ =	sdelay $0x1  }
0xdd: {  	v30 =	vadd.f32 v31, v30;
	_ =	sdelay $0x1  }
0xde: {  	vm15 =	vlt.f32 v31, $8.192000000e+03;
	vm1 =	vge.f32 v30, $8.192000000e+03  }
0xdf: {  	vm0 =	vmand vm15, vm1  }
0xe0: {  	v30 =	vsel vm0, $0x3F800000, v9  }
0xe1: {  	v31 =	vmul.f32 v28, v30;
	_ =	sdelay $0x1  }
0xe2: {  	(xrf2) =	vadd.scan.msk.f32 $0xffff, v31;
	_ =	sdelay $0x9  }
0xe3: {  	v31, _, _ =	vpop (xrf2)  }
0xe4: {  	(v2sf) =	vpush v31, $0xF;
	_ =	sdelay $0x3  }
0xe5: {  	[tilespmem:$0x1000] =	vst v9  }
0xe6: {  	[tilespmem:$0x1010] =	vst v9  }
0xe7: {  	[tilespmem:$0x1020] =	vst v9  }
0xe8: {  	[tilespmem:$0x1030] =	vst v9  }
0xe9: {  	[tilespmem:$0x1040] =	vst v9  }
0xea: {  	[tilespmem:$0x1050] =	vst v9  }
0xeb: {  	[tilespmem:$0x1060] =	vst v9  }
0xec: {  	[tilespmem:$0x1070] =	vst v9  }
0xed: {  	[tilespmem:$0x1080] =	vst v9  }
0xee: {  	[tilespmem:$0x1090] =	vst v9  }
0xef: {  	[tilespmem:$0x10A0] =	vst v9  }
0xf0: {  	[tilespmem:$0x10B0] =	vst v9;
	s31 =	spop (v2sf)  }
0xf1: {  	[tilespmem:$0x10C0] =	vst v9;
	s20 =	scvt.f32.s32 s31  }
0xf2: {  	s19 =	sshll.u32 s19, $0x4;
	[tilespmem:$0x10D0] =	vst v9  }
0xf3: {  	[tilespmem:$0x10E0] =	vst v9;
	s19 =	sadd.s32 s20, s19  }
0xf4: {  	s21 =	simm.s32 $0x0;
	[tilespmem:$0x10F0] =	vst v9;
	s20 =	simm.s32 $0x40;
	v31 =	vmov s19  }
.LBB2_6:
0xf5: {  	p0 =	sne.s32 s20, $0x1FC0;
	v32 =	vld [tilespmem:s21+$0x0];
	_ =	sdelay $0x4  }
0xf6: {  	v33 =	vshrl.u32 v32, $0x18  }
0xf7: {  	v32 =	vshrl.u32 v32, $0x10;
	v33 =	vxor.u32 v31, v33  }
0xf8: {  	v32 =	vand.u32 $0xF0, v32;
	vm0 =	veq.s32 v33, $0x80  }
0xf9: {  	v32 =	vor.u32 v5, v32  }
.Ltmp2:
0xfa: {  	(pc) =	sbr.rel @p0 .LBB2_6-.Ltmp2, $2  }
0xfb: {  	_ =	sdelay $0x2  }
0xfc: {  	s21 =	sshra.s32 s20, $0x2;
	s20 =	sadd.s32 $0x40, s20;
	[tilespmem:v32+s13+$0x0] =	vst.idx.add.f32.msk vm0, v11  }
0xfd: {  	v32 =	vld [tilespmem:s21+$0x0];
	_ =	sdelay $0x4  }
0xfe: {  	v33 =	vshrl.u32 v32, $0x18  }
0xff: {  	v32 =	vshrl.u32 v32, $0x10;
	v31 =	vxor.u32 v31, v33  }
0x100: {  	vm0 =	veq.s32 v31, $0x80;
	v31 =	vand.u32 $0xF0, v32  }
0x101: {  	v31 =	vor.u32 v5, v31;
	_ =	sdelay $0x4  }
0x102: {  	[tilespmem:v31+s13+$0x0] =	vst.idx.add.f32.msk vm0, v11  }
0x103: {  	v31 =	vld.idx.msk [tilespmem:v8+s13+$0x0], $0xffff;
	_ =	sdelay $0x1  }
0x104: {  	v55 =	vld.idx.msk [tilespmem:v12+s13+$0x0], $0xffff;
	_ =	sdelay $0x1  }
0x105: {  	v56 =	vld.idx.msk [tilespmem:v13+s13+$0x0], $0xffff  }
0x106: {  	v31 =	vadd.f32 $0.0e+00, v31  }
0x107: {  	v34 =	vld.idx.msk [tilespmem:v14+s13+$0x0], $0xffff  }
0x108: {  	v31 =	vadd.f32 v55, v31  }
0x109: {  	v57 =	vld.idx.msk [tilespmem:v15+s13+$0x0], $0xffff  }
0x10a: {  	v29 =	vmul.f32 v30, v29;
	v30 =	vadd.f32 v56, v31  }
0x10b: {  	v31 =	vld.idx.msk [tilespmem:v16+s13+$0x0], $0xffff  }
0x10c: {  	(xrf2) =	vadd.scan.msk.f32 $0xffff, v29;
	v29 =	vadd.f32 v34, v30  }
0x10d: {  	v30 =	vld.idx.msk [tilespmem:v17+s13+$0x0], $0xffff  }
0x10e: {  	v29 =	vadd.f32 v57, v29  }
0x10f: {  	v58 =	vld.idx.msk [tilespmem:v18+s13+$0x0], $0xffff  }
0x110: {  	v29 =	vadd.f32 v31, v29  }
0x111: {  	v31 =	vld.idx.msk [tilespmem:v19+s13+$0x0], $0xffff  }
0x112: {  	v29 =	vadd.f32 v30, v29  }
0x113: {  	v30 =	vld.idx.msk [tilespmem:v20+s13+$0x0], $0xffff  }
0x114: {  	v29 =	vadd.f32 v58, v29  }
0x115: {  	v59 =	vld.idx.msk [tilespmem:v21+s13+$0x0], $0xffff  }
0x116: {  	v60, _, _ =	vpop (xrf2);
	v29 =	vadd.f32 v31, v29  }
0x117: {  	(v2sf) =	vpush v60, $0xF;
	v31 =	vld.idx.msk [tilespmem:v22+s13+$0x0], $0xffff  }
0x118: {  	v29 =	vadd.f32 v30, v29  }
0x119: {  	v30 =	vld.idx.msk [tilespmem:v23+s13+$0x0], $0xffff  }
0x11a: {  	v29 =	vadd.f32 v59, v29  }
0x11b: {  	v61 =	vld.idx.msk [tilespmem:v24+s13+$0x0], $0xffff  }
0x11c: {  	v29 =	vadd.f32 v31, v29  }
0x11d: {  	v31 =	vld.idx.msk [tilespmem:v25+s13+$0x0], $0xffff  }
0x11e: {  	v29 =	vadd.f32 v30, v29  }
0x11f: {  	v30 =	vld.idx.msk [tilespmem:v26+s13+$0x0], $0xffff  }
0x120: {  	v29 =	vadd.f32 v61, v29;
	_ =	sdelay $0x1  }
0x121: {  	v29 =	vadd.f32 v31, v29;
	_ =	sdelay $0x1  }
0x122: {  	v29 =	vadd.f32 v30, v29;
	_ =	sdelay $0x1  }
0x123: {  	s20 =	spop (v2sf);
	[tilespmem:$0x1100] =	vst v29  }
0x124: {  	[spmem:s4] =	stream.linear.scatter [tilespmem:s14], [sflag:$0x1], $0x80, $0x38;
	[tilespmem:$0x15C0] =	vst v63  }
0x125: {  	_ =	swait.ge [sflag:s12], $0x80  }
0x126: {  	[sflag:s12] =	ssyncset.done $0x0  }
0x127: {  	[sflag:s12] =	ssyncadd.s32 $0xFFFFFF80  }
0x128: {  	[bflag:$0x0] =	sbarrier.arrive $0xFFFF  }
0x129: {  	[tilespmem:s15], [sflag:$0x1] =	stream.linear.gather [spmem:s5], $0x400, $0x38;
	[tilespmem:$0x15C0] =	vst v63  }
0x12a: {  	_ =	swait.ge [sflag:s12], $0x400  }
0x12b: {  	[sflag:s12] =	ssyncset.done $0x0  }
0x12c: {  	[sflag:s12] =	ssyncadd.s32 $0xFFFFFC00  }
0x12d: {  	v29 =	vld [tilespmem:$0x1180];
	_ =	sdelay $0x1  }
0x12e: {  	v30 =	vld [tilespmem:$0x1200];
	_ =	sdelay $0x1  }
0x12f: {  	v31 =	vld [tilespmem:$0x1280]  }
0x130: {  	v29 =	vadd.f32 $0.0e+00, v29  }
0x131: {  	v62 =	vld [tilespmem:$0x1300]  }
0x132: {  	v29 =	vadd.f32 v30, v29  }
0x133: {  	v30 =	vld [tilespmem:$0x1380]  }
0x134: {  	v29 =	vadd.f32 v31, v29  }
0x135: {  	v31 =	vld [tilespmem:$0x1400]  }
0x136: {  	v29 =	vadd.f32 v62, v29  }
0x137: {  	v63 =	vld [tilespmem:$0x1480]  }
0x138: {  	v29 =	vadd.f32 v30, v29  }
0x139: {  	v30 =	vld [tilespmem:$0x1500]  }
0x13a: {  	v29 =	vadd.f32 v31, v29;
	_ =	sdelay $0x1  }
0x13b: {  	v29 =	vadd.f32 v63, v29;
	_ =	sdelay $0x1  }
0x13c: {  	v30 =	vadd.f32 v30, v29;
	_ =	sdelay $0x1  }
0x13d: {  	v29 =	vperm.xlane v30, v27;
	_ =	sdelay $0x1  }
0x13e: {  	(xrf2) =	vadd.scan.msk.f32 $0xffff, v29;
	_ =	sdelay $0x9  }
0x13f: {  	v29, _, _ =	vpop (xrf2)  }
0x140: {  	v29 =	vperm.xlane v29, v27;
	_ =	sdelay $0x1  }
0x141: {  	s18 =	sadd.f32 s20, s18;
	v29 =	vsub.f32 v29, v30;
	_ =	sdelay $0x1  }
0x142: {  	v31 =	vadd.f32 s18, v29;
	_ =	sdelay $0x1  }
0x143: {  	v30 =	vadd.f32 v31, v30;
	_ =	sdelay $0x1  }
0x144: {  	vm15 =	vlt.f32 v31, $8.192000000e+03;
	vm1 =	vge.f32 v30, $8.192000000e+03  }
0x145: {  	vm0 =	vmand vm15, vm1  }
0x146: {  	v30 =	vsel vm0, $0x3F800000, v9  }
0x147: {  	v31 =	vmul.f32 v28, v30;
	_ =	sdelay $0x1  }
0x148: {  	(xrf2) =	vadd.scan.msk.f32 $0xffff, v31;
	_ =	sdelay $0x9  }
0x149: {  	v31, _, _ =	vpop (xrf2)  }
0x14a: {  	(v2sf) =	vpush v31, $0xF;
	_ =	sdelay $0x3  }
0x14b: {  	[tilespmem:$0x1000] =	vst v9  }
0x14c: {  	[tilespmem:$0x1010] =	vst v9  }
0x14d: {  	[tilespmem:$0x1020] =	vst v9  }
0x14e: {  	[tilespmem:$0x1030] =	vst v9  }
0x14f: {  	[tilespmem:$0x1040] =	vst v9  }
0x150: {  	[tilespmem:$0x1050] =	vst v9  }
0x151: {  	[tilespmem:$0x1060] =	vst v9  }
0x152: {  	[tilespmem:$0x1070] =	vst v9  }
0x153: {  	[tilespmem:$0x1080] =	vst v9  }
0x154: {  	[tilespmem:$0x1090] =	vst v9  }
0x155: {  	[tilespmem:$0x10A0] =	vst v9  }
0x156: {  	[tilespmem:$0x10B0] =	vst v9;
	s31 =	spop (v2sf)  }
0x157: {  	[tilespmem:$0x10C0] =	vst v9;
	s20 =	scvt.f32.s32 s31  }
0x158: {  	s19 =	sshll.u32 s19, $0x4;
	[tilespmem:$0x10D0] =	vst v9  }
0x159: {  	[tilespmem:$0x10E0] =	vst v9;
	s19 =	sadd.s32 s20, s19  }
0x15a: {  	s21 =	simm.s32 $0x0;
	[tilespmem:$0x10F0] =	vst v9;
	s20 =	simm.s32 $0x40;
	v31 =	vmov s19  }
.LBB2_8:
0x15b: {  	p0 =	sne.s32 s20, $0x1FC0;
	v32 =	vld [tilespmem:s21+$0x0];
	_ =	sdelay $0x4  }
0x15c: {  	v33 =	vshrl.u32 v32, $0x14  }
0x15d: {  	v32 =	vshrl.u32 v32, $0xC;
	v33 =	vxor.u32 v31, v33  }
0x15e: {  	v32 =	vand.u32 $0xF0, v32;
	vm0 =	veq.s32 v33, $0x800  }
0x15f: {  	v32 =	vor.u32 v5, v32  }
.Ltmp3:
0x160: {  	(pc) =	sbr.rel @p0 .LBB2_8-.Ltmp3, $2  }
0x161: {  	_ =	sdelay $0x2  }
0x162: {  	s21 =	sshra.s32 s20, $0x2;
	s20 =	sadd.s32 $0x40, s20;
	[tilespmem:v32+s13+$0x0] =	vst.idx.add.f32.msk vm0, v11  }
0x163: {  	v32 =	vld [tilespmem:s21+$0x0];
	_ =	sdelay $0x4  }
0x164: {  	v33 =	vshrl.u32 v32, $0x14  }
0x165: {  	v32 =	vshrl.u32 v32, $0xC;
	v31 =	vxor.u32 v31, v33  }
0x166: {  	vm0 =	veq.s32 v31, $0x800;
	v31 =	vand.u32 $0xF0, v32  }
0x167: {  	v31 =	vor.u32 v5, v31;
	_ =	sdelay $0x4  }
0x168: {  	[tilespmem:v31+s13+$0x0] =	vst.idx.add.f32.msk vm0, v11  }
0x169: {  	v31 =	vld.idx.msk [tilespmem:v8+s13+$0x0], $0xffff;
	_ =	sdelay $0x1  }
0x16a: {  	v55 =	vld.idx.msk [tilespmem:v12+s13+$0x0], $0xffff;
	_ =	sdelay $0x1  }
0x16b: {  	v56 =	vld.idx.msk [tilespmem:v13+s13+$0x0], $0xffff  }
0x16c: {  	v31 =	vadd.f32 $0.0e+00, v31  }
0x16d: {  	v34 =	vld.idx.msk [tilespmem:v14+s13+$0x0], $0xffff  }
0x16e: {  	v31 =	vadd.f32 v55, v31  }
0x16f: {  	v57 =	vld.idx.msk [tilespmem:v15+s13+$0x0], $0xffff  }
0x170: {  	v29 =	vmul.f32 v30, v29;
	v30 =	vadd.f32 v56, v31  }
0x171: {  	v31 =	vld.idx.msk [tilespmem:v16+s13+$0x0], $0xffff  }
0x172: {  	(xrf2) =	vadd.scan.msk.f32 $0xffff, v29;
	v29 =	vadd.f32 v34, v30  }
0x173: {  	v30 =	vld.idx.msk [tilespmem:v17+s13+$0x0], $0xffff  }
0x174: {  	v29 =	vadd.f32 v57, v29  }
0x175: {  	v58 =	vld.idx.msk [tilespmem:v18+s13+$0x0], $0xffff  }
0x176: {  	v29 =	vadd.f32 v31, v29  }
0x177: {  	v31 =	vld.idx.msk [tilespmem:v19+s13+$0x0], $0xffff  }
0x178: {  	v29 =	vadd.f32 v30, v29  }
0x179: {  	v30 =	vld.idx.msk [tilespmem:v20+s13+$0x0], $0xffff  }
0x17a: {  	v29 =	vadd.f32 v58, v29  }
0x17b: {  	v59 =	vld.idx.msk [tilespmem:v21+s13+$0x0], $0xffff  }
0x17c: {  	v60, _, _ =	vpop (xrf2);
	v29 =	vadd.f32 v31, v29  }
0x17d: {  	(v2sf) =	vpush v60, $0xF;
	v31 =	vld.idx.msk [tilespmem:v22+s13+$0x0], $0xffff  }
0x17e: {  	v29 =	vadd.f32 v30, v29  }
0x17f: {  	v30 =	vld.idx.msk [tilespmem:v23+s13+$0x0], $0xffff  }
0x180: {  	v29 =	vadd.f32 v59, v29  }
0x181: {  	v61 =	vld.idx.msk [tilespmem:v24+s13+$0x0], $0xffff  }
0x182: {  	v29 =	vadd.f32 v31, v29  }
0x183: {  	v31 =	vld.idx.msk [tilespmem:v25+s13+$0x0], $0xffff  }
0x184: {  	v29 =	vadd.f32 v30, v29  }
0x185: {  	v30 =	vld.idx.msk [tilespmem:v26+s13+$0x0], $0xffff  }
0x186: {  	v29 =	vadd.f32 v61, v29;
	_ =	sdelay $0x1  }
0x187: {  	v29 =	vadd.f32 v31, v29;
	_ =	sdelay $0x1  }
0x188: {  	v29 =	vadd.f32 v30, v29;
	_ =	sdelay $0x1  }
0x189: {  	s20 =	spop (v2sf);
	[tilespmem:$0x1100] =	vst v29  }
0x18a: {  	[spmem:s6] =	stream.linear.scatter [tilespmem:s14], [sflag:$0x1], $0x80, $0x38;
	[tilespmem:$0x15C0] =	vst v63  }
0x18b: {  	_ =	swait.ge [sflag:s12], $0x80  }
0x18c: {  	[sflag:s12] =	ssyncset.done $0x0  }
0x18d: {  	[sflag:s12] =	ssyncadd.s32 $0xFFFFFF80  }
0x18e: {  	[bflag:$0x0] =	sbarrier.arrive $0xFFFF  }
0x18f: {  	[tilespmem:s15], [sflag:$0x1] =	stream.linear.gather [spmem:s7], $0x400, $0x38;
	[tilespmem:$0x15C0] =	vst v63  }
0x190: {  	_ =	swait.ge [sflag:s12], $0x400  }
0x191: {  	[sflag:s12] =	ssyncset.done $0x0  }
0x192: {  	[sflag:s12] =	ssyncadd.s32 $0xFFFFFC00  }
0x193: {  	v29 =	vld [tilespmem:$0x1180];
	_ =	sdelay $0x1  }
0x194: {  	v30 =	vld [tilespmem:$0x1200];
	_ =	sdelay $0x1  }
0x195: {  	v31 =	vld [tilespmem:$0x1280]  }
0x196: {  	v29 =	vadd.f32 $0.0e+00, v29  }
0x197: {  	v62 =	vld [tilespmem:$0x1300]  }
0x198: {  	v29 =	vadd.f32 v30, v29  }
0x199: {  	v30 =	vld [tilespmem:$0x1380]  }
0x19a: {  	v29 =	vadd.f32 v31, v29  }
0x19b: {  	v31 =	vld [tilespmem:$0x1400]  }
0x19c: {  	v29 =	vadd.f32 v62, v29  }
0x19d: {  	v63 =	vld [tilespmem:$0x1480]  }
0x19e: {  	v29 =	vadd.f32 v30, v29  }
0x19f: {  	v30 =	vld [tilespmem:$0x1500]  }
0x1a0: {  	v29 =	vadd.f32 v31, v29;
	_ =	sdelay $0x1  }
0x1a1: {  	v29 =	vadd.f32 v63, v29;
	_ =	sdelay $0x1  }
0x1a2: {  	v30 =	vadd.f32 v30, v29;
	_ =	sdelay $0x1  }
0x1a3: {  	v29 =	vperm.xlane v30, v27;
	_ =	sdelay $0x1  }
0x1a4: {  	(xrf2) =	vadd.scan.msk.f32 $0xffff, v29;
	_ =	sdelay $0x9  }
0x1a5: {  	v29, _, _ =	vpop (xrf2)  }
0x1a6: {  	v29 =	vperm.xlane v29, v27;
	_ =	sdelay $0x1  }
0x1a7: {  	s18 =	sadd.f32 s20, s18;
	v29 =	vsub.f32 v29, v30;
	_ =	sdelay $0x1  }
0x1a8: {  	v31 =	vadd.f32 s18, v29;
	_ =	sdelay $0x1  }
0x1a9: {  	v30 =	vadd.f32 v31, v30;
	_ =	sdelay $0x1  }
0x1aa: {  	vm15 =	vlt.f32 v31, $8.192000000e+03;
	vm1 =	vge.f32 v30, $8.192000000e+03  }
0x1ab: {  	vm0 =	vmand vm15, vm1  }
0x1ac: {  	v30 =	vsel vm0, $0x3F800000, v9  }
0x1ad: {  	v31 =	vmul.f32 v28, v30;
	_ =	sdelay $0x1  }
0x1ae: {  	(xrf2) =	vadd.scan.msk.f32 $0xffff, v31;
	_ =	sdelay $0x9  }
0x1af: {  	v31, _, _ =	vpop (xrf2)  }
0x1b0: {  	(v2sf) =	vpush v31, $0xF;
	_ =	sdelay $0x3  }
0x1b1: {  	[tilespmem:$0x1000] =	vst v9  }
0x1b2: {  	[tilespmem:$0x1010] =	vst v9  }
0x1b3: {  	[tilespmem:$0x1020] =	vst v9  }
0x1b4: {  	[tilespmem:$0x1030] =	vst v9  }
0x1b5: {  	[tilespmem:$0x1040] =	vst v9  }
0x1b6: {  	[tilespmem:$0x1050] =	vst v9  }
0x1b7: {  	[tilespmem:$0x1060] =	vst v9  }
0x1b8: {  	[tilespmem:$0x1070] =	vst v9  }
0x1b9: {  	[tilespmem:$0x1080] =	vst v9  }
0x1ba: {  	[tilespmem:$0x1090] =	vst v9  }
0x1bb: {  	[tilespmem:$0x10A0] =	vst v9  }
0x1bc: {  	[tilespmem:$0x10B0] =	vst v9;
	s31 =	spop (v2sf)  }
0x1bd: {  	[tilespmem:$0x10C0] =	vst v9;
	s20 =	scvt.f32.s32 s31  }
0x1be: {  	s19 =	sshll.u32 s19, $0x4;
	[tilespmem:$0x10D0] =	vst v9  }
0x1bf: {  	[tilespmem:$0x10E0] =	vst v9;
	s19 =	sadd.s32 s20, s19  }
0x1c0: {  	s21 =	simm.s32 $0x0;
	[tilespmem:$0x10F0] =	vst v9;
	s20 =	simm.s32 $0x40;
	v31 =	vmov s19  }
.LBB2_10:
0x1c1: {  	p0 =	sne.s32 s20, $0x1FC0;
	v32 =	vld [tilespmem:s21+$0x0];
	_ =	sdelay $0x4  }
0x1c2: {  	v33 =	vshrl.u32 v32, $0x10  }
0x1c3: {  	v32 =	vshrl.u32 v32, $0x8;
	v33 =	vxor.u32 v31, v33  }
0x1c4: {  	v32 =	vand.u32 $0xF0, v32;
	vm0 =	veq.s32 v33, $0x8000  }
0x1c5: {  	v32 =	vor.u32 v5, v32  }
.Ltmp4:
0x1c6: {  	(pc) =	sbr.rel @p0 .LBB2_10-.Ltmp4, $2  }
0x1c7: {  	_ =	sdelay $0x2  }
0x1c8: {  	s21 =	sshra.s32 s20, $0x2;
	s20 =	sadd.s32 $0x40, s20;
	[tilespmem:v32+s13+$0x0] =	vst.idx.add.f32.msk vm0, v11  }
0x1c9: {  	v32 =	vld [tilespmem:s21+$0x0];
	_ =	sdelay $0x4  }
0x1ca: {  	v33 =	vshrl.u32 v32, $0x10  }
0x1cb: {  	v32 =	vshrl.u32 v32, $0x8;
	v31 =	vxor.u32 v31, v33  }
0x1cc: {  	vm0 =	veq.s32 v31, $0x8000;
	v31 =	vand.u32 $0xF0, v32  }
0x1cd: {  	v31 =	vor.u32 v5, v31;
	_ =	sdelay $0x4  }
0x1ce: {  	[tilespmem:v31+s13+$0x0] =	vst.idx.add.f32.msk vm0, v11  }
0x1cf: {  	v31 =	vld.idx.msk [tilespmem:v8+s13+$0x0], $0xffff;
	_ =	sdelay $0x1  }
0x1d0: {  	v55 =	vld.idx.msk [tilespmem:v12+s13+$0x0], $0xffff;
	_ =	sdelay $0x1  }
0x1d1: {  	v56 =	vld.idx.msk [tilespmem:v13+s13+$0x0], $0xffff  }
0x1d2: {  	v31 =	vadd.f32 $0.0e+00, v31  }
0x1d3: {  	v34 =	vld.idx.msk [tilespmem:v14+s13+$0x0], $0xffff  }
0x1d4: {  	v31 =	vadd.f32 v55, v31  }
0x1d5: {  	v57 =	vld.idx.msk [tilespmem:v15+s13+$0x0], $0xffff  }
0x1d6: {  	v29 =	vmul.f32 v30, v29;
	v30 =	vadd.f32 v56, v31  }
0x1d7: {  	v31 =	vld.idx.msk [tilespmem:v16+s13+$0x0], $0xffff  }
0x1d8: {  	(xrf2) =	vadd.scan.msk.f32 $0xffff, v29;
	v29 =	vadd.f32 v34, v30  }
0x1d9: {  	v30 =	vld.idx.msk [tilespmem:v17+s13+$0x0], $0xffff  }
0x1da: {  	v29 =	vadd.f32 v57, v29  }
0x1db: {  	v58 =	vld.idx.msk [tilespmem:v18+s13+$0x0], $0xffff  }
0x1dc: {  	v29 =	vadd.f32 v31, v29  }
0x1dd: {  	v31 =	vld.idx.msk [tilespmem:v19+s13+$0x0], $0xffff  }
0x1de: {  	v29 =	vadd.f32 v30, v29  }
0x1df: {  	v30 =	vld.idx.msk [tilespmem:v20+s13+$0x0], $0xffff  }
0x1e0: {  	v29 =	vadd.f32 v58, v29  }
0x1e1: {  	v59 =	vld.idx.msk [tilespmem:v21+s13+$0x0], $0xffff  }
0x1e2: {  	v60, _, _ =	vpop (xrf2);
	v29 =	vadd.f32 v31, v29  }
0x1e3: {  	(v2sf) =	vpush v60, $0xF;
	v31 =	vld.idx.msk [tilespmem:v22+s13+$0x0], $0xffff  }
0x1e4: {  	v29 =	vadd.f32 v30, v29  }
0x1e5: {  	v30 =	vld.idx.msk [tilespmem:v23+s13+$0x0], $0xffff  }
0x1e6: {  	v29 =	vadd.f32 v59, v29  }
0x1e7: {  	v61 =	vld.idx.msk [tilespmem:v24+s13+$0x0], $0xffff  }
0x1e8: {  	v29 =	vadd.f32 v31, v29  }
0x1e9: {  	v31 =	vld.idx.msk [tilespmem:v25+s13+$0x0], $0xffff  }
0x1ea: {  	v29 =	vadd.f32 v30, v29  }
0x1eb: {  	v30 =	vld.idx.msk [tilespmem:v26+s13+$0x0], $0xffff  }
0x1ec: {  	v29 =	vadd.f32 v61, v29;
	_ =	sdelay $0x1  }
0x1ed: {  	v29 =	vadd.f32 v31, v29;
	_ =	sdelay $0x1  }
0x1ee: {  	v29 =	vadd.f32 v30, v29;
	_ =	sdelay $0x1  }
0x1ef: {  	s20 =	spop (v2sf);
	[tilespmem:$0x1100] =	vst v29  }
0x1f0: {  	[spmem:s4] =	stream.linear.scatter [tilespmem:s14], [sflag:$0x1], $0x80, $0x38;
	[tilespmem:$0x15C0] =	vst v63  }
0x1f1: {  	_ =	swait.ge [sflag:s12], $0x80  }
0x1f2: {  	[sflag:s12] =	ssyncset.done $0x0  }
0x1f3: {  	[sflag:s12] =	ssyncadd.s32 $0xFFFFFF80  }
0x1f4: {  	[bflag:$0x0] =	sbarrier.arrive $0xFFFF  }
0x1f5: {  	[tilespmem:s15], [sflag:$0x1] =	stream.linear.gather [spmem:s5], $0x400, $0x38;
	[tilespmem:$0x15C0] =	vst v63  }
0x1f6: {  	_ =	swait.ge [sflag:s12], $0x400  }
0x1f7: {  	[sflag:s12] =	ssyncset.done $0x0  }
0x1f8: {  	[sflag:s12] =	ssyncadd.s32 $0xFFFFFC00  }
0x1f9: {  	v29 =	vld [tilespmem:$0x1180];
	_ =	sdelay $0x1  }
0x1fa: {  	v30 =	vld [tilespmem:$0x1200];
	_ =	sdelay $0x1  }
0x1fb: {  	v31 =	vld [tilespmem:$0x1280]  }
0x1fc: {  	v29 =	vadd.f32 $0.0e+00, v29  }
0x1fd: {  	v62 =	vld [tilespmem:$0x1300]  }
0x1fe: {  	v29 =	vadd.f32 v30, v29  }
0x1ff: {  	v30 =	vld [tilespmem:$0x1380]  }
0x200: {  	v29 =	vadd.f32 v31, v29  }
0x201: {  	v31 =	vld [tilespmem:$0x1400]  }
0x202: {  	v29 =	vadd.f32 v62, v29  }
0x203: {  	v63 =	vld [tilespmem:$0x1480]  }
0x204: {  	v29 =	vadd.f32 v30, v29  }
0x205: {  	v30 =	vld [tilespmem:$0x1500]  }
0x206: {  	v29 =	vadd.f32 v31, v29;
	_ =	sdelay $0x1  }
0x207: {  	v29 =	vadd.f32 v63, v29;
	_ =	sdelay $0x1  }
0x208: {  	v30 =	vadd.f32 v30, v29;
	_ =	sdelay $0x1  }
0x209: {  	v29 =	vperm.xlane v30, v27;
	_ =	sdelay $0x1  }
0x20a: {  	(xrf2) =	vadd.scan.msk.f32 $0xffff, v29;
	_ =	sdelay $0x9  }
0x20b: {  	v29, _, _ =	vpop (xrf2)  }
0x20c: {  	v29 =	vperm.xlane v29, v27;
	_ =	sdelay $0x1  }
0x20d: {  	s18 =	sadd.f32 s20, s18;
	v29 =	vsub.f32 v29, v30;
	_ =	sdelay $0x1  }
0x20e: {  	v31 =	vadd.f32 s18, v29;
	_ =	sdelay $0x1  }
0x20f: {  	v30 =	vadd.f32 v31, v30;
	_ =	sdelay $0x1  }
0x210: {  	vm15 =	vlt.f32 v31, $8.192000000e+03;
	vm1 =	vge.f32 v30, $8.192000000e+03  }
0x211: {  	vm0 =	vmand vm15, vm1  }
0x212: {  	v30 =	vsel vm0, $0x3F800000, v9  }
0x213: {  	v31 =	vmul.f32 v28, v30;
	_ =	sdelay $0x1  }
0x214: {  	(xrf2) =	vadd.scan.msk.f32 $0xffff, v31;
	_ =	sdelay $0x9  }
0x215: {  	v31, _, _ =	vpop (xrf2)  }
0x216: {  	(v2sf) =	vpush v31, $0xF;
	_ =	sdelay $0x3  }
0x217: {  	[tilespmem:$0x1000] =	vst v9  }
0x218: {  	[tilespmem:$0x1010] =	vst v9  }
0x219: {  	[tilespmem:$0x1020] =	vst v9  }
0x21a: {  	[tilespmem:$0x1030] =	vst v9  }
0x21b: {  	[tilespmem:$0x1040] =	vst v9  }
0x21c: {  	[tilespmem:$0x1050] =	vst v9  }
0x21d: {  	[tilespmem:$0x1060] =	vst v9  }
0x21e: {  	[tilespmem:$0x1070] =	vst v9  }
0x21f: {  	[tilespmem:$0x1080] =	vst v9  }
0x220: {  	[tilespmem:$0x1090] =	vst v9  }
0x221: {  	[tilespmem:$0x10A0] =	vst v9  }
0x222: {  	[tilespmem:$0x10B0] =	vst v9;
	s31 =	spop (v2sf)  }
0x223: {  	[tilespmem:$0x10C0] =	vst v9;
	s20 =	scvt.f32.s32 s31  }
0x224: {  	s19 =	sshll.u32 s19, $0x4;
	[tilespmem:$0x10D0] =	vst v9  }
0x225: {  	[tilespmem:$0x10E0] =	vst v9;
	s19 =	sadd.s32 s20, s19  }
0x226: {  	s21 =	simm.s32 $0x0;
	[tilespmem:$0x10F0] =	vst v9;
	s20 =	simm.s32 $0x40;
	v31 =	vmov s19  }
.LBB2_12:
0x227: {  	p0 =	sne.s32 s20, $0x1FC0;
	v32 =	vld [tilespmem:s21+$0x0];
	_ =	sdelay $0x4  }
0x228: {  	v33 =	vshrl.u32 v32, $0xC  }
0x229: {  	v32 =	vshrl.u32 v32, $0x4;
	v33 =	vxor.u32 v31, v33  }
0x22a: {  	v32 =	vand.u32 $0xF0, v32;
	vm0 =	veq.s32 v33, $0x80000  }
0x22b: {  	v32 =	vor.u32 v5, v32  }
.Ltmp5:
0x22c: {  	(pc) =	sbr.rel @p0 .LBB2_12-.Ltmp5, $2  }
0x22d: {  	_ =	sdelay $0x2  }
0x22e: {  	s21 =	sshra.s32 s20, $0x2;
	s20 =	sadd.s32 $0x40, s20;
	[tilespmem:v32+s13+$0x0] =	vst.idx.add.f32.msk vm0, v11  }
0x22f: {  	v32 =	vld [tilespmem:s21+$0x0];
	_ =	sdelay $0x4  }
0x230: {  	v33 =	vshrl.u32 v32, $0xC  }
0x231: {  	v32 =	vshrl.u32 v32, $0x4;
	v31 =	vxor.u32 v31, v33  }
0x232: {  	vm0 =	veq.s32 v31, $0x80000;
	v31 =	vand.u32 $0xF0, v32  }
0x233: {  	v31 =	vor.u32 v5, v31;
	_ =	sdelay $0x4  }
0x234: {  	[tilespmem:v31+s13+$0x0] =	vst.idx.add.f32.msk vm0, v11  }
0x235: {  	v31 =	vld.idx.msk [tilespmem:v8+s13+$0x0], $0xffff;
	_ =	sdelay $0x1  }
0x236: {  	v55 =	vld.idx.msk [tilespmem:v12+s13+$0x0], $0xffff;
	_ =	sdelay $0x1  }
0x237: {  	v56 =	vld.idx.msk [tilespmem:v13+s13+$0x0], $0xffff  }
0x238: {  	v31 =	vadd.f32 $0.0e+00, v31  }
0x239: {  	v34 =	vld.idx.msk [tilespmem:v14+s13+$0x0], $0xffff  }
0x23a: {  	v31 =	vadd.f32 v55, v31  }
0x23b: {  	v57 =	vld.idx.msk [tilespmem:v15+s13+$0x0], $0xffff  }
0x23c: {  	v29 =	vmul.f32 v30, v29;
	v30 =	vadd.f32 v56, v31  }
0x23d: {  	v31 =	vld.idx.msk [tilespmem:v16+s13+$0x0], $0xffff  }
0x23e: {  	(xrf2) =	vadd.scan.msk.f32 $0xffff, v29;
	v29 =	vadd.f32 v34, v30  }
0x23f: {  	v30 =	vld.idx.msk [tilespmem:v17+s13+$0x0], $0xffff  }
0x240: {  	v29 =	vadd.f32 v57, v29  }
0x241: {  	v58 =	vld.idx.msk [tilespmem:v18+s13+$0x0], $0xffff  }
0x242: {  	v29 =	vadd.f32 v31, v29  }
0x243: {  	v31 =	vld.idx.msk [tilespmem:v19+s13+$0x0], $0xffff  }
0x244: {  	v29 =	vadd.f32 v30, v29  }
0x245: {  	v30 =	vld.idx.msk [tilespmem:v20+s13+$0x0], $0xffff  }
0x246: {  	v29 =	vadd.f32 v58, v29  }
0x247: {  	v59 =	vld.idx.msk [tilespmem:v21+s13+$0x0], $0xffff  }
0x248: {  	v60, _, _ =	vpop (xrf2);
	v29 =	vadd.f32 v31, v29  }
0x249: {  	(v2sf) =	vpush v60, $0xF;
	v31 =	vld.idx.msk [tilespmem:v22+s13+$0x0], $0xffff  }
0x24a: {  	v29 =	vadd.f32 v30, v29  }
0x24b: {  	v30 =	vld.idx.msk [tilespmem:v23+s13+$0x0], $0xffff  }
0x24c: {  	v29 =	vadd.f32 v59, v29  }
0x24d: {  	v61 =	vld.idx.msk [tilespmem:v24+s13+$0x0], $0xffff  }
0x24e: {  	v29 =	vadd.f32 v31, v29  }
0x24f: {  	v31 =	vld.idx.msk [tilespmem:v25+s13+$0x0], $0xffff  }
0x250: {  	v29 =	vadd.f32 v30, v29  }
0x251: {  	v30 =	vld.idx.msk [tilespmem:v26+s13+$0x0], $0xffff  }
0x252: {  	v29 =	vadd.f32 v61, v29;
	_ =	sdelay $0x1  }
0x253: {  	v29 =	vadd.f32 v31, v29;
	_ =	sdelay $0x1  }
0x254: {  	v29 =	vadd.f32 v30, v29;
	_ =	sdelay $0x1  }
0x255: {  	s20 =	spop (v2sf);
	[tilespmem:$0x1100] =	vst v29  }
0x256: {  	[spmem:s6] =	stream.linear.scatter [tilespmem:s14], [sflag:$0x1], $0x80, $0x38;
	[tilespmem:$0x15C0] =	vst v63  }
0x257: {  	_ =	swait.ge [sflag:s12], $0x80  }
0x258: {  	[sflag:s12] =	ssyncset.done $0x0  }
0x259: {  	[sflag:s12] =	ssyncadd.s32 $0xFFFFFF80  }
0x25a: {  	[bflag:$0x0] =	sbarrier.arrive $0xFFFF  }
0x25b: {  	[tilespmem:s15], [sflag:$0x1] =	stream.linear.gather [spmem:s7], $0x400, $0x38;
	[tilespmem:$0x15C0] =	vst v63  }
0x25c: {  	_ =	swait.ge [sflag:s12], $0x400  }
0x25d: {  	[sflag:s12] =	ssyncset.done $0x0  }
0x25e: {  	[sflag:s12] =	ssyncadd.s32 $0xFFFFFC00  }
0x25f: {  	v29 =	vld [tilespmem:$0x1180];
	_ =	sdelay $0x1  }
0x260: {  	v30 =	vld [tilespmem:$0x1200];
	_ =	sdelay $0x1  }
0x261: {  	v31 =	vld [tilespmem:$0x1280]  }
0x262: {  	v29 =	vadd.f32 $0.0e+00, v29  }
0x263: {  	v62 =	vld [tilespmem:$0x1300]  }
0x264: {  	v29 =	vadd.f32 v30, v29  }
0x265: {  	v30 =	vld [tilespmem:$0x1380]  }
0x266: {  	v29 =	vadd.f32 v31, v29  }
0x267: {  	v31 =	vld [tilespmem:$0x1400]  }
0x268: {  	v29 =	vadd.f32 v62, v29  }
0x269: {  	v63 =	vld [tilespmem:$0x1480]  }
0x26a: {  	v29 =	vadd.f32 v30, v29  }
0x26b: {  	v30 =	vld [tilespmem:$0x1500]  }
0x26c: {  	v29 =	vadd.f32 v31, v29;
	_ =	sdelay $0x1  }
0x26d: {  	v29 =	vadd.f32 v63, v29;
	_ =	sdelay $0x1  }
0x26e: {  	v30 =	vadd.f32 v30, v29;
	_ =	sdelay $0x1  }
0x26f: {  	v29 =	vperm.xlane v30, v27;
	_ =	sdelay $0x1  }
0x270: {  	(xrf2) =	vadd.scan.msk.f32 $0xffff, v29;
	_ =	sdelay $0x9  }
0x271: {  	v29, _, _ =	vpop (xrf2)  }
0x272: {  	v29 =	vperm.xlane v29, v27;
	_ =	sdelay $0x1  }
0x273: {  	s18 =	sadd.f32 s20, s18;
	v29 =	vsub.f32 v29, v30;
	_ =	sdelay $0x1  }
0x274: {  	v31 =	vadd.f32 s18, v29;
	_ =	sdelay $0x1  }
0x275: {  	v30 =	vadd.f32 v31, v30;
	_ =	sdelay $0x1  }
0x276: {  	vm15 =	vlt.f32 v31, $8.192000000e+03;
	vm1 =	vge.f32 v30, $8.192000000e+03  }
0x277: {  	vm0 =	vmand vm15, vm1  }
0x278: {  	v30 =	vsel vm0, $0x3F800000, v9  }
0x279: {  	v31 =	vmul.f32 v28, v30;
	_ =	sdelay $0x1  }
0x27a: {  	(xrf2) =	vadd.scan.msk.f32 $0xffff, v31;
	_ =	sdelay $0x9  }
0x27b: {  	v31, _, _ =	vpop (xrf2)  }
0x27c: {  	(v2sf) =	vpush v31, $0xF;
	_ =	sdelay $0x3  }
0x27d: {  	[tilespmem:$0x1000] =	vst v9  }
0x27e: {  	[tilespmem:$0x1010] =	vst v9  }
0x27f: {  	[tilespmem:$0x1020] =	vst v9  }
0x280: {  	[tilespmem:$0x1030] =	vst v9  }
0x281: {  	[tilespmem:$0x1040] =	vst v9  }
0x282: {  	[tilespmem:$0x1050] =	vst v9  }
0x283: {  	[tilespmem:$0x1060] =	vst v9  }
0x284: {  	[tilespmem:$0x1070] =	vst v9  }
0x285: {  	[tilespmem:$0x1080] =	vst v9  }
0x286: {  	[tilespmem:$0x1090] =	vst v9  }
0x287: {  	[tilespmem:$0x10A0] =	vst v9  }
0x288: {  	[tilespmem:$0x10B0] =	vst v9;
	s31 =	spop (v2sf)  }
0x289: {  	[tilespmem:$0x10C0] =	vst v9;
	s20 =	scvt.f32.s32 s31  }
0x28a: {  	s19 =	sshll.u32 s19, $0x4;
	[tilespmem:$0x10D0] =	vst v9  }
0x28b: {  	[tilespmem:$0x10E0] =	vst v9;
	s19 =	sadd.s32 s20, s19  }
0x28c: {  	s21 =	simm.s32 $0x0;
	[tilespmem:$0x10F0] =	vst v9;
	s20 =	simm.s32 $0x40;
	v31 =	vmov s19  }
.LBB2_14:
0x28d: {  	p0 =	sne.s32 s20, $0x1FC0;
	v32 =	vld [tilespmem:s21+$0x0];
	_ =	sdelay $0x4  }
0x28e: {  	v33 =	vshrl.u32 v32, $0x8  }
0x28f: {  	v33 =	vxor.u32 v31, v33  }
0x290: {  	v32 =	vand.u32 $0xF0, v32;
	vm0 =	veq.s32 v33, $0x800000  }
0x291: {  	v32 =	vor.u32 v5, v32  }
.Ltmp6:
0x292: {  	(pc) =	sbr.rel @p0 .LBB2_14-.Ltmp6, $2  }
0x293: {  	_ =	sdelay $0x2  }
0x294: {  	s21 =	sshra.s32 s20, $0x2;
	s20 =	sadd.s32 $0x40, s20;
	[tilespmem:v32+s13+$0x0] =	vst.idx.add.f32.msk vm0, v11  }
0x295: {  	v32 =	vld [tilespmem:s21+$0x0];
	_ =	sdelay $0x4  }
0x296: {  	v33 =	vshrl.u32 v32, $0x8  }
0x297: {  	v31 =	vxor.u32 v31, v33  }
0x298: {  	vm0 =	veq.s32 v31, $0x800000;
	v31 =	vand.u32 $0xF0, v32  }
0x299: {  	v31 =	vor.u32 v5, v31;
	_ =	sdelay $0x4  }
0x29a: {  	[tilespmem:v31+s13+$0x0] =	vst.idx.add.f32.msk vm0, v11  }
0x29b: {  	v31 =	vld.idx.msk [tilespmem:v8+s13+$0x0], $0xffff;
	_ =	sdelay $0x1  }
0x29c: {  	v55 =	vld.idx.msk [tilespmem:v12+s13+$0x0], $0xffff;
	_ =	sdelay $0x1  }
0x29d: {  	v56 =	vld.idx.msk [tilespmem:v13+s13+$0x0], $0xffff  }
0x29e: {  	v31 =	vadd.f32 $0.0e+00, v31  }
0x29f: {  	v34 =	vld.idx.msk [tilespmem:v14+s13+$0x0], $0xffff  }
0x2a0: {  	v31 =	vadd.f32 v55, v31  }
0x2a1: {  	v57 =	vld.idx.msk [tilespmem:v15+s13+$0x0], $0xffff  }
0x2a2: {  	v29 =	vmul.f32 v30, v29;
	v30 =	vadd.f32 v56, v31  }
0x2a3: {  	v31 =	vld.idx.msk [tilespmem:v16+s13+$0x0], $0xffff  }
0x2a4: {  	(xrf2) =	vadd.scan.msk.f32 $0xffff, v29;
	v29 =	vadd.f32 v34, v30  }
0x2a5: {  	v30 =	vld.idx.msk [tilespmem:v17+s13+$0x0], $0xffff  }
0x2a6: {  	v29 =	vadd.f32 v57, v29  }
0x2a7: {  	v58 =	vld.idx.msk [tilespmem:v18+s13+$0x0], $0xffff  }
0x2a8: {  	v29 =	vadd.f32 v31, v29  }
0x2a9: {  	v31 =	vld.idx.msk [tilespmem:v19+s13+$0x0], $0xffff  }
0x2aa: {  	v29 =	vadd.f32 v30, v29  }
0x2ab: {  	v30 =	vld.idx.msk [tilespmem:v20+s13+$0x0], $0xffff  }
0x2ac: {  	v29 =	vadd.f32 v58, v29  }
0x2ad: {  	v59 =	vld.idx.msk [tilespmem:v21+s13+$0x0], $0xffff  }
0x2ae: {  	v60, _, _ =	vpop (xrf2);
	v29 =	vadd.f32 v31, v29  }
0x2af: {  	(v2sf) =	vpush v60, $0xF;
	v31 =	vld.idx.msk [tilespmem:v22+s13+$0x0], $0xffff  }
0x2b0: {  	v29 =	vadd.f32 v30, v29  }
0x2b1: {  	v30 =	vld.idx.msk [tilespmem:v23+s13+$0x0], $0xffff  }
0x2b2: {  	v29 =	vadd.f32 v59, v29  }
0x2b3: {  	v61 =	vld.idx.msk [tilespmem:v24+s13+$0x0], $0xffff  }
0x2b4: {  	v29 =	vadd.f32 v31, v29  }
0x2b5: {  	v31 =	vld.idx.msk [tilespmem:v25+s13+$0x0], $0xffff  }
0x2b6: {  	v29 =	vadd.f32 v30, v29  }
0x2b7: {  	v30 =	vld.idx.msk [tilespmem:v26+s13+$0x0], $0xffff  }
0x2b8: {  	v29 =	vadd.f32 v61, v29;
	_ =	sdelay $0x1  }
0x2b9: {  	v29 =	vadd.f32 v31, v29;
	_ =	sdelay $0x1  }
0x2ba: {  	v29 =	vadd.f32 v30, v29;
	_ =	sdelay $0x1  }
0x2bb: {  	s20 =	spop (v2sf);
	[tilespmem:$0x1100] =	vst v29  }
0x2bc: {  	[spmem:s4] =	stream.linear.scatter [tilespmem:s14], [sflag:$0x1], $0x80, $0x38;
	[tilespmem:$0x15C0] =	vst v63  }
0x2bd: {  	_ =	swait.ge [sflag:s12], $0x80  }
0x2be: {  	[sflag:s12] =	ssyncset.done $0x0  }
0x2bf: {  	[sflag:s12] =	ssyncadd.s32 $0xFFFFFF80  }
0x2c0: {  	[bflag:$0x0] =	sbarrier.arrive $0xFFFF  }
0x2c1: {  	[tilespmem:s15], [sflag:$0x1] =	stream.linear.gather [spmem:s5], $0x400, $0x38;
	[tilespmem:$0x15C0] =	vst v63  }
0x2c2: {  	_ =	swait.ge [sflag:s12], $0x400  }
0x2c3: {  	[sflag:s12] =	ssyncset.done $0x0  }
0x2c4: {  	[sflag:s12] =	ssyncadd.s32 $0xFFFFFC00  }
0x2c5: {  	v29 =	vld [tilespmem:$0x1180];
	_ =	sdelay $0x1  }
0x2c6: {  	v30 =	vld [tilespmem:$0x1200];
	_ =	sdelay $0x1  }
0x2c7: {  	v31 =	vld [tilespmem:$0x1280]  }
0x2c8: {  	v29 =	vadd.f32 $0.0e+00, v29  }
0x2c9: {  	v62 =	vld [tilespmem:$0x1300]  }
0x2ca: {  	v29 =	vadd.f32 v30, v29  }
0x2cb: {  	v30 =	vld [tilespmem:$0x1380]  }
0x2cc: {  	v29 =	vadd.f32 v31, v29  }
0x2cd: {  	v31 =	vld [tilespmem:$0x1400]  }
0x2ce: {  	v29 =	vadd.f32 v62, v29  }
0x2cf: {  	v63 =	vld [tilespmem:$0x1480]  }
0x2d0: {  	v29 =	vadd.f32 v30, v29  }
0x2d1: {  	v30 =	vld [tilespmem:$0x1500]  }
0x2d2: {  	v29 =	vadd.f32 v31, v29;
	_ =	sdelay $0x1  }
0x2d3: {  	v29 =	vadd.f32 v63, v29;
	_ =	sdelay $0x1  }
0x2d4: {  	v30 =	vadd.f32 v30, v29;
	_ =	sdelay $0x1  }
0x2d5: {  	v29 =	vperm.xlane v30, v27;
	_ =	sdelay $0x1  }
0x2d6: {  	(xrf2) =	vadd.scan.msk.f32 $0xffff, v29;
	_ =	sdelay $0x9  }
0x2d7: {  	v29, _, _ =	vpop (xrf2)  }
0x2d8: {  	v29 =	vperm.xlane v29, v27;
	_ =	sdelay $0x1  }
0x2d9: {  	s18 =	sadd.f32 s20, s18;
	v29 =	vsub.f32 v29, v30;
	_ =	sdelay $0x1  }
0x2da: {  	v31 =	vadd.f32 s18, v29;
	_ =	sdelay $0x1  }
0x2db: {  	v30 =	vadd.f32 v31, v30;
	_ =	sdelay $0x1  }
0x2dc: {  	vm15 =	vlt.f32 v31, $8.192000000e+03;
	vm1 =	vge.f32 v30, $8.192000000e+03  }
0x2dd: {  	vm0 =	vmand vm15, vm1  }
0x2de: {  	v30 =	vsel vm0, $0x3F800000, v9  }
0x2df: {  	v31 =	vmul.f32 v28, v30;
	_ =	sdelay $0x1  }
0x2e0: {  	(xrf2) =	vadd.scan.msk.f32 $0xffff, v31;
	_ =	sdelay $0x9  }
0x2e1: {  	v31, _, _ =	vpop (xrf2)  }
0x2e2: {  	(v2sf) =	vpush v31, $0xF;
	_ =	sdelay $0x3  }
0x2e3: {  	[tilespmem:$0x1000] =	vst v9  }
0x2e4: {  	[tilespmem:$0x1010] =	vst v9  }
0x2e5: {  	[tilespmem:$0x1020] =	vst v9  }
0x2e6: {  	[tilespmem:$0x1030] =	vst v9  }
0x2e7: {  	[tilespmem:$0x1040] =	vst v9  }
0x2e8: {  	[tilespmem:$0x1050] =	vst v9  }
0x2e9: {  	[tilespmem:$0x1060] =	vst v9  }
0x2ea: {  	[tilespmem:$0x1070] =	vst v9  }
0x2eb: {  	[tilespmem:$0x1080] =	vst v9  }
0x2ec: {  	[tilespmem:$0x1090] =	vst v9  }
0x2ed: {  	[tilespmem:$0x10A0] =	vst v9  }
0x2ee: {  	[tilespmem:$0x10B0] =	vst v9;
	s31 =	spop (v2sf)  }
0x2ef: {  	[tilespmem:$0x10C0] =	vst v9;
	s20 =	scvt.f32.s32 s31  }
0x2f0: {  	s19 =	sshll.u32 s19, $0x4;
	[tilespmem:$0x10D0] =	vst v9  }
0x2f1: {  	[tilespmem:$0x10E0] =	vst v9;
	s19 =	sadd.s32 s20, s19  }
0x2f2: {  	s21 =	simm.s32 $0x0;
	[tilespmem:$0x10F0] =	vst v9;
	s20 =	simm.s32 $0x40;
	v31 =	vmov s19  }
.LBB2_16:
0x2f3: {  	p0 =	sne.s32 s20, $0x1FC0;
	v32 =	vld [tilespmem:s21+$0x0];
	_ =	sdelay $0x4  }
0x2f4: {  	v33 =	vshrl.u32 v32, $0x4  }
0x2f5: {  	v32 =	vshll.u32 v32, $0x4;
	v33 =	vxor.u32 v31, v33  }
0x2f6: {  	v32 =	vor.u32 v5, v32;
	vm0 =	veq.s32 v33, $0x8000000  }
0x2f7: {  	v32 =	vand.u32 $0xFF, v32  }
.Ltmp7:
0x2f8: {  	(pc) =	sbr.rel @p0 .LBB2_16-.Ltmp7, $2  }
0x2f9: {  	_ =	sdelay $0x2  }
0x2fa: {  	s21 =	sshra.s32 s20, $0x2;
	s20 =	sadd.s32 $0x40, s20;
	[tilespmem:v32+s13+$0x0] =	vst.idx.add.f32.msk vm0, v11  }
0x2fb: {  	v32 =	vld [tilespmem:s21+$0x0];
	_ =	sdelay $0x4  }
0x2fc: {  	v33 =	vshrl.u32 v32, $0x4  }
0x2fd: {  	v32 =	vshll.u32 v32, $0x4;
	v31 =	vxor.u32 v31, v33  }
0x2fe: {  	vm0 =	veq.s32 v31, $0x8000000;
	v31 =	vor.u32 v5, v32  }
0x2ff: {  	v31 =	vand.u32 $0xFF, v31;
	_ =	sdelay $0x4  }
0x300: {  	[tilespmem:v31+s13+$0x0] =	vst.idx.add.f32.msk vm0, v11  }
0x301: {  	v31 =	vld.idx.msk [tilespmem:v8+s13+$0x0], $0xffff;
	_ =	sdelay $0x1  }
0x302: {  	v46 =	vld.idx.msk [tilespmem:v12+s13+$0x0], $0xffff;
	_ =	sdelay $0x1  }
0x303: {  	v47 =	vld.idx.msk [tilespmem:v13+s13+$0x0], $0xffff  }
0x304: {  	v31 =	vadd.f32 $0.0e+00, v31  }
0x305: {  	v34 =	vld.idx.msk [tilespmem:v14+s13+$0x0], $0xffff  }
0x306: {  	v31 =	vadd.f32 v46, v31  }
0x307: {  	v48 =	vld.idx.msk [tilespmem:v15+s13+$0x0], $0xffff  }
0x308: {  	v29 =	vmul.f32 v30, v29;
	v30 =	vadd.f32 v47, v31  }
0x309: {  	v31 =	vld.idx.msk [tilespmem:v16+s13+$0x0], $0xffff  }
0x30a: {  	(xrf2) =	vadd.scan.msk.f32 $0xffff, v29;
	v29 =	vadd.f32 v34, v30  }
0x30b: {  	v30 =	vld.idx.msk [tilespmem:v17+s13+$0x0], $0xffff  }
0x30c: {  	v29 =	vadd.f32 v48, v29  }
0x30d: {  	v49 =	vld.idx.msk [tilespmem:v18+s13+$0x0], $0xffff  }
0x30e: {  	v29 =	vadd.f32 v31, v29  }
0x30f: {  	v31 =	vld.idx.msk [tilespmem:v19+s13+$0x0], $0xffff  }
0x310: {  	v29 =	vadd.f32 v30, v29  }
0x311: {  	v30 =	vld.idx.msk [tilespmem:v20+s13+$0x0], $0xffff  }
0x312: {  	v29 =	vadd.f32 v49, v29  }
0x313: {  	v50 =	vld.idx.msk [tilespmem:v21+s13+$0x0], $0xffff  }
0x314: {  	v51, _, _ =	vpop (xrf2);
	v29 =	vadd.f32 v31, v29  }
0x315: {  	(v2sf) =	vpush v51, $0xF;
	v31 =	vld.idx.msk [tilespmem:v22+s13+$0x0], $0xffff  }
0x316: {  	v29 =	vadd.f32 v30, v29  }
0x317: {  	v30 =	vld.idx.msk [tilespmem:v23+s13+$0x0], $0xffff  }
0x318: {  	v29 =	vadd.f32 v50, v29  }
0x319: {  	v52 =	vld.idx.msk [tilespmem:v24+s13+$0x0], $0xffff  }
0x31a: {  	v29 =	vadd.f32 v31, v29  }
0x31b: {  	v31 =	vld.idx.msk [tilespmem:v25+s13+$0x0], $0xffff  }
0x31c: {  	v29 =	vadd.f32 v30, v29  }
0x31d: {  	v30 =	vld.idx.msk [tilespmem:v26+s13+$0x0], $0xffff  }
0x31e: {  	v29 =	vadd.f32 v52, v29;
	_ =	sdelay $0x1  }
0x31f: {  	v29 =	vadd.f32 v31, v29;
	_ =	sdelay $0x1  }
0x320: {  	v29 =	vadd.f32 v30, v29;
	_ =	sdelay $0x1  }
0x321: {  	s20 =	spop (v2sf);
	[tilespmem:$0x1100] =	vst v29  }
0x322: {  	[spmem:s6] =	stream.linear.scatter [tilespmem:s14], [sflag:$0x1], $0x80, $0x38;
	[tilespmem:$0x15C0] =	vst v63  }
0x323: {  	_ =	swait.ge [sflag:s12], $0x80  }
0x324: {  	[sflag:s12] =	ssyncset.done $0x0  }
0x325: {  	[sflag:s12] =	ssyncadd.s32 $0xFFFFFF80  }
0x326: {  	[bflag:$0x0] =	sbarrier.arrive $0xFFFF  }
0x327: {  	[tilespmem:s15], [sflag:$0x1] =	stream.linear.gather [spmem:s7], $0x400, $0x38;
	[tilespmem:$0x15C0] =	vst v63  }
0x328: {  	_ =	swait.ge [sflag:s12], $0x400  }
0x329: {  	[sflag:s12] =	ssyncset.done $0x0  }
0x32a: {  	[sflag:s12] =	ssyncadd.s32 $0xFFFFFC00  }
0x32b: {  	v29 =	vld [tilespmem:$0x1180];
	_ =	sdelay $0x1  }
0x32c: {  	v30 =	vld [tilespmem:$0x1200];
	_ =	sdelay $0x1  }
0x32d: {  	v31 =	vld [tilespmem:$0x1280]  }
0x32e: {  	v29 =	vadd.f32 $0.0e+00, v29  }
0x32f: {  	v53 =	vld [tilespmem:$0x1300]  }
0x330: {  	v29 =	vadd.f32 v30, v29  }
0x331: {  	v30 =	vld [tilespmem:$0x1380]  }
0x332: {  	v29 =	vadd.f32 v31, v29  }
0x333: {  	v31 =	vld [tilespmem:$0x1400]  }
0x334: {  	v29 =	vadd.f32 v53, v29  }
0x335: {  	v54 =	vld [tilespmem:$0x1480]  }
0x336: {  	v29 =	vadd.f32 v30, v29  }
0x337: {  	v30 =	vld [tilespmem:$0x1500]  }
0x338: {  	v29 =	vadd.f32 v31, v29;
	_ =	sdelay $0x1  }
0x339: {  	v29 =	vadd.f32 v54, v29;
	_ =	sdelay $0x1  }
0x33a: {  	v29 =	vadd.f32 v30, v29;
	_ =	sdelay $0x1  }
0x33b: {  	v30 =	vperm.xlane v29, v27;
	_ =	sdelay $0x1  }
0x33c: {  	(xrf2) =	vadd.scan.msk.f32 $0xffff, v30;
	_ =	sdelay $0x9  }
0x33d: {  	v30, _, _ =	vpop (xrf2)  }
0x33e: {  	v30 =	vperm.xlane v30, v27;
	_ =	sdelay $0x1  }
0x33f: {  	s21 =	sadd.f32 s20, s18;
	v30 =	vsub.f32 v30, v29;
	_ =	sdelay $0x1  }
0x340: {  	v31 =	vadd.f32 s21, v30;
	_ =	sdelay $0x1  }
0x341: {  	v29 =	vadd.f32 v31, v29;
	_ =	sdelay $0x1  }
0x342: {  	vm11 =	vlt.f32 v31, $8.192000000e+03;
	vm1 =	vge.f32 v29, $8.192000000e+03  }
0x343: {  	vm0 =	vmand vm11, vm1  }
0x344: {  	v31 =	vsel vm0, $0x3F800000, v9  }
0x345: {  	v29 =	vmul.f32 v28, v31;
	_ =	sdelay $0x1  }
0x346: {  	(xrf2) =	vadd.scan.msk.f32 $0xffff, v29;
	_ =	sdelay $0x9  }
0x347: {  	v29, _, _ =	vpop (xrf2)  }
0x348: {  	(v2sf) =	vpush v29, $0xF;
	_ =	sdelay $0xe  }
0x349: {  	s26 =	simm.s32 $0x0;
	s25 =	spop (v2sf)  }
0x34a: {  	s28 =	simm.s32 $0x10;
	v55 =	vld [tilespmem:s26+$0x0];
	s18 =	scvt.f32.s32 s25  }
0x34b: {  	s19 =	sshll.u32 s19, $0x4;
	v56 =	vld [tilespmem:s28+$0x0]  }
0x34c: {  	s18 =	sadd.s32 s18, s19  }
0x34d: {  	s18 =	sxor.u32 $0x80000000, s18  }
0x34e: {  	v29 =	vmov s18  }
0x34f: {  	vm12 =	veq.s32 v55, v29  }
0x350: {  	vm13 =	veq.s32 v56, v29;
	v32 =	vsel vm12, $0x3F800000, v9  }
0x351: {  	v57 =	vsel vm13, $0x3F800000, v9;
	(xrf2) =	vadd.scan.msk.f32 $0xffff, v32  }
0x352: {  	(xrf2) =	vadd.scan.msk.f32 $0xffff, v57;
	_ =	sdelay $0x2  }
0x353: {  	s29 =	simm.s32 $0x20  }
0x354: {  	v58 =	vld [tilespmem:s29+$0x0];
	_ =	sdelay $0x3  }
0x355: {  	s30 =	simm.s32 $0x30  }
0x356: {  	v59 =	vld [tilespmem:s30+$0x0];
	vm14 =	veq.s32 v58, v29;
	v60, _, _ =	vpop (xrf2)  }
0x357: {  	v61 =	vsel vm14, $0x3F800000, v9;
	(v2sf) =	vpush v60, $0xF;
	v62, _, _ =	vpop (xrf2)  }
0x358: {  	(xrf2) =	vadd.scan.msk.f32 $0xffff, v61;
	(v2sf) =	vpush v62, $0xF;
	_ =	sdelay $0x2  }
0x359: {  	vm15 =	veq.s32 v59, v29  }
0x35a: {  	s31 =	simm.s32 $0x40;
	v63 =	vsel vm15, $0x3F800000, v9  }
0x35b: {  	v32 =	vld [tilespmem:s31+$0x0];
	(xrf2) =	vadd.scan.msk.f32 $0xffff, v63;
	_ =	sdelay $0x3  }
0x35c: {  	s19 =	simm.s32 $0x140;
	s18 =	simm.f32 $0.0e+00  }
.LBB2_18:
0x35d: {  	s20 =	sshra.s32 s19, $0x2;
	p0 =	sne.s32 s19, $0x1FC0;
	s19 =	sadd.s32 $0x40, s19;
	vm0 =	veq.s32 v32, v29;
	v33, _, _ =	vpop (xrf2)  }
.Ltmp8:
0x35e: {  	v32 =	vld [tilespmem:s20+$0x0];
	v34 =	vsel vm0, $0x3F800000, v9;
	(v2sf) =	vpush v33, $0xF;
	(pc) =	sbr.rel @p0 .LBB2_18-.Ltmp8, $3  }
0x35f: {  	(xrf2) =	vadd.scan.msk.f32 $0xffff, v34;
	_ =	sdelay $0x1  }
0x360: {  	s20 =	spop (v2sf)  }
0x361: {  	s18 =	sadd.f32 s20, s18  }
0x362: {  	vm0 =	veq.s32 v32, v29  }
0x363: {  	v32 =	vsel vm0, $0x3F800000, v9  }
0x364: {  	(xrf2) =	vadd.scan.msk.f32 $0xffff, v32;
	_ =	sdelay $0x5  }
0x365: {  	v53, _, _ =	vpop (xrf2);
	v30 =	vmul.f32 v31, v30  }
0x366: {  	(v2sf) =	vpush v53, $0xF  }
0x367: {  	v31, _, _ =	vpop (xrf2);
	(xrf2) =	vadd.scan.msk.f32 $0xffff, v30  }
0x368: {  	(v2sf) =	vpush v31, $0xF  }
0x369: {  	v30, _, _ =	vpop (xrf2)  }
0x36a: {  	(v2sf) =	vpush v30, $0xF;
	_ =	sdelay $0x6  }
0x36b: {  	s19 =	spop (v2sf);
	v30, _, _ =	vpop (xrf2)  }
0x36c: {  	s18 =	sadd.f32 s19, s18;
	(v2sf) =	vpush v30, $0xF  }
0x36d: {  	s28 =	spop (v2sf)  }
0x36e: {  	s18 =	sadd.f32 s28, s18  }
0x36f: {  	s29 =	spop (v2sf)  }
0x370: {  	s18 =	sadd.f32 s29, s18  }
0x371: {  	s30 =	spop (v2sf)  }
0x372: {  	s18 =	sadd.f32 s30, s18  }
0x373: {  	s31 =	spop (v2sf)  }
0x374: {  	s18 =	sadd.f32 s31, s18;
	_ =	sdelay $0x1  }
0x375: {  	v30 =	vmov s18  }
0x376: {  	v30 =	vadd.f32 $0.0e+00, v30;
	_ =	sdelay $0x1  }
0x377: {  	v30 =	vbroadcast v30, $0x0;
	_ =	sdelay $0x1  }
0x378: {  	s22 =	spop (v2sf);
	[tilespmem:$0x1100] =	vst v30  }
0x379: {  	[spmem:s4] =	stream.linear.scatter [tilespmem:s14], [sflag:$0x1], $0x80, $0x38;
	[tilespmem:$0x15C0] =	vst v63  }
0x37a: {  	_ =	swait.ge [sflag:s12], $0x80  }
0x37b: {  	[sflag:s12] =	ssyncset.done $0x0  }
0x37c: {  	[sflag:s12] =	ssyncadd.s32 $0xFFFFFF80  }
0x37d: {  	[bflag:$0x0] =	sbarrier.arrive $0xFFFF  }
0x37e: {  	[tilespmem:s15], [sflag:$0x1] =	stream.linear.gather [spmem:s5], $0x400, $0x38;
	[tilespmem:$0x15C0] =	vst v63  }
0x37f: {  	_ =	swait.ge [sflag:s12], $0x400  }
0x380: {  	[sflag:s12] =	ssyncset.done $0x0  }
0x381: {  	[sflag:s12] =	ssyncadd.s32 $0xFFFFFC00  }
0x382: {  	v30 =	vld [tilespmem:$0x1180];
	_ =	sdelay $0x1  }
0x383: {  	v31 =	vld [tilespmem:$0x1200];
	_ =	sdelay $0x1  }
0x384: {  	v54 =	vld [tilespmem:$0x1280]  }
0x385: {  	v30 =	vmul.f32 v30, v0  }
0x386: {  	v33 =	vld [tilespmem:$0x1300]  }
0x387: {  	v31 =	vmul.f32 v31, v1;
	v30 =	vadd.f32 $0.0e+00, v30  }
0x388: {  	v34 =	vld [tilespmem:$0x1380]  }
0x389: {  	v30 =	vadd.f32 v31, v30;
	v31 =	vmul.f32 v54, v2  }
0x38a: {  	v55 =	vld [tilespmem:$0x1400]  }
0x38b: {  	v30 =	vadd.f32 v31, v30;
	v31 =	vmul.f32 v33, v3  }
0x38c: {  	v56 =	vld [tilespmem:$0x1480]  }
0x38d: {  	v30 =	vadd.f32 v31, v30;
	v31 =	vmul.f32 v34, v4  }
0x38e: {  	v57 =	vld [tilespmem:$0x1500]  }
0x38f: {  	v30 =	vadd.f32 v31, v30;
	v31 =	vmul.f32 v55, v6  }
0x390: {  	s18 =	simm.s32 $0x0  }
0x391: {  	v58 =	vld [tilespmem:s18+$0x0];
	v30 =	vadd.f32 v31, v30;
	v31 =	vmul.f32 v56, v7;
	_ =	sdelay $0x1  }
0x392: {  	v30 =	vadd.f32 v31, v30;
	v31 =	vmul.f32 $0.0e+00, v57;
	_ =	sdelay $0x1  }
0x393: {  	v30 =	vadd.f32 v31, v30  }
0x394: {  	vm0 =	veq.s32 v58, v29  }
0x395: {  	v31 =	vsel vm0, $0x3F800000, v9;
	(xrf0) =	vmax.scan.msk.f32 $0xffff, v30  }
0x396: {  	(xrf2) =	vadd.scan.msk.f32 $0xffff, v31  }
0x397: {  	s19 =	simm.s32 $0x10  }
0x398: {  	s20 =	simm.s32 $0x20;
	v59 =	vld [tilespmem:s19+$0x0]  }
0x399: {  	v60 =	vld [tilespmem:s20+$0x0];
	_ =	sdelay $0x1  }
0x39a: {  	v30, _, _ =	vpop (xrf0)  }
0x39b: {  	(v2sf) =	vpush v30, $0xF  }
0x39c: {  	vm1 =	veq.s32 v59, v29  }
0x39d: {  	s21 =	sadd.f32 s22, s21;
	vm2 =	veq.s32 v60, v29;
	v35 =	vsel vm1, $0x3F800000, v9  }
0x39e: {  	v37 =	vsel vm2, $0x3F800000, v9;
	(xrf2) =	vadd.scan.msk.f32 $0xffff, v35  }
0x39f: {  	s22 =	ssub.f32 $8.192000000e+03, s21;
	s21 =	simm.s32 $0x30;
	v36, _, _ =	vpop (xrf2);
	(xrf2) =	vadd.scan.msk.f32 $0xffff, v37  }
0x3a0: {  	v61 =	vld [tilespmem:s21+$0x0];
	_ =	sdelay $0x1  }
0x3a1: {  	(v2sf) =	vpush v36, $0xF;
	_ =	sdelay $0x1  }
0x3a2: {  	vm3 =	vgt.s32 v58, v29;
	vm4 =	vgt.s32 v59, v29;
	vm5 =	vgt.s32 v60, v29  }
0x3a3: {  	vm6 =	veq.s32 v61, v29;
	vm7 =	vgt.s32 v61, v29;
	vm3 =	vmmov vm3  }
0x3a4: {  	vm4 =	vmmov vm4;
	vm1 =	vmmov vm1;
	vm5 =	vmmov vm5  }
0x3a5: {  	vm2 =	vmmov vm2;
	v32 =	vsel vm6, $0x3F800000, v9;
	v30 =	vmov s22;
	s22 =	simm.s32 $0x40  }
0x3a6: {  	vm7 =	vmmov vm7;
	vm3 =	vmmov vm3;
	v36 =	vsub.f32 v36, v31;
	v31 =	vld [tilespmem:s22+$0x0];
	v62, _, _ =	vpop (xrf2)  }
0x3a7: {  	vm4 =	vmmov vm4;
	vm1 =	vmmov vm1;
	(v2sf) =	vpush v62, $0xF;
	v63, _, _ =	vpop (xrf2)  }
0x3a8: {  	vm5 =	vmmov vm5;
	vm0 =	vmmov vm0;
	(xrf2) =	vadd.scan.msk.f32 $0xffff, v32;
	s24 =	spop (v2sf);
	(v2sf) =	vpush v63, $0xF  }
0x3a9: {  	vm12 =	vmmov vm2;
	vm3 =	vmmov vm3;
	vm0 =	vmmov vm0  }
0x3aa: {  	vm8 =	vmmov vm4;
	vm11 =	vmmov vm1;
	vm0 =	vmmov vm0  }
0x3ab: {  	s23 =	simm.s32 $0x50;
	vm1 =	vmmov vm6;
	vm9 =	vmmov vm0;
	vm0 =	veq.s32 v31, v29  }
0x3ac: {  	v34 =	vsub.f32 v62, v35;
	v35 =	vld [tilespmem:s23+$0x0];
	vm10 =	vgt.s32 v31, v29;
	v31 =	vsel vm0, $0x3F800000, v9  }
0x3ad: {  	vm5 =	vmmov vm5;
	vm3 =	vmmov vm3;
	(xrf2) =	vadd.scan.msk.f32 $0xffff, v31;
	v36 =	vadd.f32 s24, v36  }
0x3ae: {  	vm8 =	vmmov vm8;
	vm4 =	vmmov vm3;
	vm3 =	vmmov vm7  }
0x3af: {  	vm7 =	vmmov vm11;
	vm2 =	vmmov vm10;
	vm6 =	vlt.f32 v36, v30;
	s26 =	spop (v2sf)  }
0x3b0: {  	s25 =	simm.s32 $0x180;
	v33 =	vsub.f32 v63, v37;
	vm10 =	vmand vm9, vm6;
	s24 =	sadd.f32 s26, s24;
	vm6 =	vmmov vm12  }
.LBB2_20:
0x3b1: {  	vm11 =	vgt.s32 v35, v29;
	vm10 =	vmor vm4, vm10;
	vm9 =	vmmov vm1  }
0x3b2: {  	s26 =	sshra.s32 s25, $0x2;
	p0 =	sne.s32 s25, $0x1FC0;
	s25 =	sadd.s32 $0x40, s25;
	v36, _, _ =	vpop (xrf2);
	vm1 =	vmmov vm0;
	vm0 =	veq.s32 v35, v29;
	vm4 =	vmmov vm8  }
.Ltmp9:
0x3b3: {  	v35 =	vld [tilespmem:s26+$0x0];
	v37 =	vsub.f32 v36, v32;
	(v2sf) =	vpush v36, $0xF;
	v32 =	vmovc v31;
	v31 =	vsel vm0, $0x3F800000, v9;
	(pc) =	sbr.rel @p0 .LBB2_20-.Ltmp9, $4  }
0x3b4: {  	vm8 =	vmmov vm5;
	v36 =	vadd.f32 s24, v34;
	v38 =	vsel vm10, $0x3F800000, v9;
	v34 =	vmovc v33;
	(xrf2) =	vadd.scan.msk.f32 $0xffff, v31  }
0x3b5: {  	vm5 =	vmmov vm3;
	vm3 =	vmmov vm2;
	vm2 =	vmmov vm11;
	[tilespmem:s18+$0x800] =	vst v38;
	v33 =	vmovc v37;
	s18 =	smov.u32 s19;
	s19 =	smov.u32 s20;
	s20 =	smov.u32 s21  }
0x3b6: {  	vm10 =	vlt.f32 v36, v30;
	s21 =	smov.u32 s22;
	s22 =	smov.u32 s23;
	s28 =	spop (v2sf)  }
0x3b7: {  	s23 =	smov.u32 s26;
	vm10 =	vmand vm7, vm10;
	vm7 =	vmmov vm6;
	vm6 =	vmmov vm9;
	s24 =	sadd.f32 s28, s24  }
0x3b8: {  	_ =	sdelay $0x2  }
0x3b9: {  	vm9 =	veq.s32 v35, v29  }
0x3ba: {  	v36, _, _ =	vpop (xrf2);
	v37 =	vsel vm9, $0x3F800000, v9  }
0x3bb: {  	(v2sf) =	vpush v36, $0xF;
	(xrf2) =	vadd.scan.msk.f32 $0xffff, v37  }
0x3bc: {  	v38, _, _ =	vpop (xrf2)  }
0x3bd: {  	(v2sf) =	vpush v38, $0xF;
	_ =	sdelay $0x2  }
0x3be: {  	vm11 =	vgt.s32 v35, v29;
	vm4 =	vmor vm4, vm10  }
0x3bf: {  	vm1 =	vmmov vm1;
	vm0 =	vmmov vm0;
	vm8 =	vmmov vm8  }
0x3c0: {  	vm14 =	vmmov vm5;
	vm3 =	vmmov vm3;
	vm2 =	vmmov vm2  }
0x3c1: {  	vm6 =	vmmov vm6;
	v29 =	vadd.f32 s24, v34;
	v32 =	vsub.f32 v36, v32  }
0x3c2: {  	vm15 =	vmmov vm11;
	vm1 =	vmmov vm1;
	vm0 =	vmmov vm0  }
0x3c3: {  	s25 =	spop (v2sf);
	vm12 =	vmmov vm9;
	vm3 =	vmmov vm3;
	vm2 =	vmmov vm2;
	v60, _, _ =	vpop (xrf2)  }
0x3c4: {  	s26 =	sadd.f32 s25, s24;
	vm5 =	vmmov vm15;
	vm1 =	vmmov vm1;
	(v2sf) =	vpush v60, $0xF  }
0x3c5: {  	vm0 =	vmmov vm0;
	vm3 =	vmmov vm3;
	vm2 =	vmmov vm2  }
0x3c6: {  	vm13 =	vlt.f32 v29, v30;
	v29 =	vsel vm4, $0x3F800000, v9;
	v33 =	vadd.f32 s26, v33;
	s28 =	spop (v2sf)  }
0x3c7: {  	vm4 =	vmmov vm14;
	vm14 =	vmmov vm12;
	vm15 =	vmmov vm5;
	s24 =	sadd.f32 s28, s26  }
0x3c8: {  	vm0 =	vmmov vm0;
	vm2 =	vmmov vm2;
	vm7 =	vmand vm7, vm13;
	s29 =	spop (v2sf)  }
0x3c9: {  	vm9 =	vmmov vm14;
	vm10 =	vmmov vm15;
	vm7 =	vmor vm8, vm7;
	s25 =	sadd.f32 s29, s24  }
0x3ca: {  	vm13 =	vlt.f32 v33, v30;
	v31 =	vsub.f32 v38, v31;
	v32 =	vadd.f32 s24, v32;
	s30 =	spop (v2sf)  }
0x3cb: {  	vm12 =	vmmov vm9;
	v61 =	vsel vm7, $0x3F800000, v9;
	v34 =	vsub.f32 v60, v37;
	s24 =	sadd.f32 s30, s25  }
0x3cc: {  	vm6 =	vmand vm6, vm13;
	vm8 =	vlt.f32 v32, v30;
	v31 =	vadd.f32 s25, v31  }
0x3cd: {  	vm4 =	vmor vm4, vm6;
	vm1 =	vmand vm1, vm8;
	v63 =	vadd.f32 s24, v34  }
0x3ce: {  	[tilespmem:s18+$0x800] =	vst v29;
	v62 =	vsel vm4, $0x3F800000, v9;
	vm1 =	vmor vm3, vm1;
	vm11 =	vlt.f32 v31, v30  }
0x3cf: {  	[tilespmem:s19+$0x800] =	vst v61;
	v29 =	vsel vm1, $0x3F800000, v9;
	vm0 =	vmand vm0, vm11;
	vm13 =	vlt.f32 v63, v30  }
0x3d0: {  	[tilespmem:s20+$0x800] =	vst v62;
	vm1 =	vmmov vm10;
	vm0 =	vmor vm2, vm0;
	vm14 =	vmand vm12, vm13  }
0x3d1: {  	s17 =	sadd.s32 $0x1, s17;
	[tilespmem:s21+$0x800] =	vst v29;
	v29 =	vsel vm0, $0x3F800000, v9;
	vm15 =	vmor vm1, vm14  }
0x3d2: {  	p0 =	sne.s32 s17, s9;
	[tilespmem:s22+$0x800] =	vst v29;
	v29 =	vsel vm15, $0x3F800000, v9  }
.Ltmp10:
0x3d3: {  	s31 =	spop (v2sf);
	[tilespmem:s23+$0x800] =	vst v29;
	(pc) =	sbr.rel @p0 .LBB2_1-.Ltmp10, $4  }
0x3d4: {  	[hbm4b:s8+s10] =	stream.strided.scatter [tilespmem:s16], [sflag:$0x1], $0x800, s11, s10, $0x38;
	[tilespmem:$0x15C0] =	vst v63  }
0x3d5: {  	_ =	swait.ge [sflag:s12], $0x800  }
0x3d6: {  	[sflag:s12] =	ssyncset.done $0x0  }
0x3d7: {  	[sflag:s12] =	ssyncadd.s32 $0xFFFFF800  }
0x3d8: {  	_ =	sfence.sel $0x180000  }
0x3d9: {  	[bflag:$0x0] =	sbarrier.arrive $0xFFFF  }
0x3da: {  	p0 =	sne.s32 s0, $0x0;
	_ =	strace $0x90000047  }
0x3db: {  	s0 =	sadd.s32 @!p0 $0x100000, s1;
	[bflag:$0x2] =	sbarrier.arrive $0xFFFF  }
0x3dc: {  	[sflag:s0] =	ssyncadd.tile.s32 @!p0 $0x1;
	_ =	shalt  }
.Lfunc_end2:
_tile_overlayer_lowered:
.L_overlay_start_2:
0x3dd: {  	(tag) =	ssettag $0x2  }
0x3de: {  	s0 =	rddreg [dreg:$0x0];
	s2 =	stileid.u32  }
0x3df: {  	s1 =	rddreg [dreg:$0x1];
	p0 =	sne.s32 s2, $0x0  }
0x3e0: {  	s3 =	rddreg [dreg:$0x2];
	[bflag:$0x3] =	sbarrier.arrive $0xFFFF;
	s2 =	simm.s32 @!p0 $0x1C01  }
0x3e1: {  	[timem:s3], [sflag:s2] =	dma.local @!p0 [hbm:s0], s1  }
0x3e2: {  	s0 =	simm.s32 @!p0 $0x1  }
0x3e3: {  	_ =	swait.ge @!p0 [sflag:s0], s1  }
0x3e4: {  	s1 =	ssub.s32 @!p0 $0x0, s1;
	[sflag:s0] =	ssyncset.done @!p0 $0x0  }
0x3e5: {  	[sflag:s0] =	ssyncadd.s32 @!p0 s1  }
0x3e6: {  	[bflag:$0x3] =	sbarrier.arrive $0xFFFF  }
0x3e7: {  	_ =	shalt  }

</sc_bundles>
